<compile_context>
chip_gen: v7x
topology: tpu7x:2x2x1
jax: 0.10.2.dev20260603
libtpu: 0.0.44.dev20260713+nightly
codegen_flags: <defaults>
</compile_context>

<pallas_src>
import functools

import jax
import jax.numpy as jnp
from jax import lax
from jax.experimental import pallas as pl
from jax.experimental.pallas import tpu as pltpu
from jax.experimental.pallas import tpu_sc as plsc

B = 4096
S = 200
D = 64
V = 1000000
NC = 2
NS = 16
NW = NC * NS
RPW = B // NW
C0, C1 = 128, S - 128
NBLK = V // 128
VTAIL = NBLK * 128
DC = D // 2
UNROLL = 8
INV_S = 1.0 / S

_mesh = plsc.VectorSubcoreMesh(core_axis_name="c", subcore_axis_name="s")


@functools.partial(
    pl.kernel,
    out_type=jax.ShapeDtypeStruct((V // 4, 128), jnp.float32),
    mesh=_mesh,
    scratch_types=[
        pltpu.VMEM((2, D, 129), jnp.float32),
        pltpu.VMEM((2, 32, 128), jnp.float32),
        pltpu.VMEM((D, 64), jnp.float32),
        pltpu.VMEM((16, 128), jnp.float32),
        pltpu.SemaphoreType.DMA,
        pltpu.SemaphoreType.DMA,
        pltpu.SemaphoreType.DMA,
        pltpu.SemaphoreType.DMA,
    ],
    compiler_params=pltpu.CompilerParams(
        needs_layout_passes=False, disable_bounds_checks=True),
)
def _repack(tT_hbm, w_hbm, in_v, out_v, tin_v, tout_v, si0, si1, so0, so1):
    wid = lax.axis_index("s") * NC + lax.axis_index("c")
    sis = (si0, si1)
    sos = (so0, so1)

    def in_copy(tb, buf):
        off = pl.multiple_of(tb, 128)
        return pltpu.make_async_copy(
            tT_hbm.at[:, pl.ds(off, 128)],
            in_v.at[buf].at[:, pl.ds(0, 128)], sis[buf])

    def out_copy(tb, buf):
        off = pl.multiple_of(tb // 4, 32)
        return pltpu.make_async_copy(
            out_v.at[buf], w_hbm.at[pl.ds(off, 32)], sos[buf])

    row16 = lax.iota(jnp.int32, 16)
    rnd = jnp.full((16,), 0x8000, jnp.int32)
    himask = jnp.full((16,), -65536, jnp.int32)

    def bf16_pair(lo_f32, hi_f32):
        li = plsc.bitcast(lo_f32, jnp.int32)
        hi = plsc.bitcast(hi_f32, jnp.int32)
        lo = lax.shift_right_logical(li + rnd, jnp.full((16,), 16, jnp.int32))
        return plsc.bitcast(((hi + rnd) & himask) | lo, jnp.float32)

    def transpose_pack(src, dst, n_tracks):
        @plsc.parallel_loop(0, DC, step=1, unroll=8)
        def _(j):
            lo = j + (j & 16)
            for g in range(n_tracks // 16):
                pk = bf16_pair(
                    src[lo, pl.ds(16 * g, 16)], src[lo + 16, pl.ds(16 * g, 16)])
                pos = (row16 + 16 * g) * 32 + j
                plsc.store_scatter(
                    dst,
                    [lax.shift_right_logical(pos, jnp.full((16,), 7, jnp.int32)),
                     pos & jnp.full((16,), 127, jnp.int32)],
                    pk)

    @pl.when(wid == NW - 1)
    def _():
        pltpu.sync_copy(tT_hbm.at[:, pl.ds(VTAIL, V - VTAIL)], tin_v)
        transpose_pack(tin_v, tout_v, V - VTAIL)
        pltpu.sync_copy(tout_v, w_hbm.at[pl.ds(VTAIL // 4, (V - VTAIL) // 4)])

    NM = (NBLK + NW - 1) // NW

    def blk(i):
        return jnp.minimum(wid + i * NW, NBLK - 1) * 128

    in_copy(blk(0), 0).start()

    @pl.loop(0, NM, step=2)
    def _(g):
        for off in (0, 1):
            i = g + off
            buf = off

            @pl.when(i < NM)
            def _():
                @pl.when(i + 1 < NM)
                def _():
                    in_copy(blk(i + 1), 1 - buf).start()

                in_copy(blk(i), buf).wait()

                @pl.when(i >= 2)
                def _():
                    out_copy(blk(i - 2), buf).wait()

                transpose_pack(in_v.at[buf], out_v.at[buf], 128)
                out_copy(blk(i), buf).start()

    out_copy(blk(NM - 2), (NM - 2) % 2).wait()
    out_copy(blk(NM - 1), (NM - 1) % 2).wait()


@functools.partial(
    pl.kernel,
    out_type=jax.ShapeDtypeStruct((B, D), jnp.float32),
    mesh=_mesh,
    scratch_types=[
        pltpu.VMEM((RPW, S), jnp.int32),
        pltpu.VMEM((2, S, DC), jnp.float32),
        pltpu.VMEM((RPW, D), jnp.float32),
        pltpu.SemaphoreType.DMA,
        pltpu.SemaphoreType.DMA,
    ],
    compiler_params=pltpu.CompilerParams(
        use_tc_tiling_on_sc=False, needs_layout_passes=False),
)
def _gather_mean(z_hbm, x_hbm, out_hbm, idx_v, rows_v, out_v, sem0, sem1):
    wid = lax.axis_index("s") * NC + lax.axis_index("c")
    base = wid * RPW

    pltpu.sync_copy(x_hbm.at[pl.ds(base, RPW)], idx_v)

    def _copies(r, buf, sem):
        row_idx = idx_v.at[r]
        c0 = pltpu.make_async_copy(
            z_hbm.at[row_idx.at[pl.ds(0, C0)]],
            rows_v.at[buf].at[pl.ds(0, C0)], sem)
        c1 = pltpu.make_async_copy(
            z_hbm.at[row_idx.at[pl.ds(C0, C1)]],
            rows_v.at[buf].at[pl.ds(C0, C1)], sem)
        return c0, c1

    def fire(r, buf, sem):
        for c in _copies(r, buf, sem):
            c.start()

    def drain(r, buf, sem):
        for c in _copies(r, buf, sem):
            c.wait()

    shift16 = jnp.full((16,), 16, jnp.int32)
    himask = jnp.full((16,), -65536, jnp.int32)

    def unpack_pair(container_f32):
        ci = plsc.bitcast(container_f32, jnp.int32)
        lo = plsc.bitcast(lax.shift_left(ci, shift16), jnp.float32)
        hi = plsc.bitcast(ci & himask, jnp.float32)
        return lo, hi

    def accum_store(r, buf):
        rows = rows_v.at[buf]
        zero = jnp.zeros((16,), jnp.float32)

        def body(i, acc):
            a = list(acc)
            s0 = i * UNROLL
            for u in range(UNROLL):
                v0, v1 = unpack_pair(rows[s0 + u, pl.ds(0, 16)])
                v2, v3 = unpack_pair(rows[s0 + u, pl.ds(16, 16)])
                k = (u % 2) * 4
                a[k] = a[k] + v0
                a[k + 1] = a[k + 1] + v1
                a[k + 2] = a[k + 2] + v2
                a[k + 3] = a[k + 3] + v3
            return tuple(a)

        acc = lax.fori_loop(0, S // UNROLL, body, (zero,) * 8)
        for c in range(4):
            out_v[r, pl.ds(c * 16, 16)] = (acc[c] + acc[4 + c]) * INV_S

    fire(0, 0, sem0)

    @pl.loop(0, RPW, step=2)
    def _(g):
        fire(g + 1, 1, sem1)
        drain(g, 0, sem0)
        accum_store(g, 0)

        @pl.when(g + 2 < RPW)
        def _():
            fire(g + 2, 0, sem0)

        drain(g + 1, 1, sem1)
        accum_store(g + 1, 1)

    pltpu.sync_copy(out_v, out_hbm.at[pl.ds(base, RPW)])


def kernel(x, table):
    w = _repack(table.T)
    return _gather_mean(w.reshape(V, DC), x)

# --- scband reference (transcript-rebuilt; emitter-appended) ---
"""Pipeline reference for scband-rtamodel-43447889167056 (READ-ONLY COPY).

The authoritative reference and input builder live on the scoring server;
editing this copy changes nothing except your own understanding.
"""

import jax, jax.numpy as jnp
import numpy as np

N_TRACKS = 1000000
EMBED_DIM = 64
BATCH = 4096
SEQ = 200


def setup_inputs(seed: int = 0) -> dict:
    key = jax.random.key(seed)
    k1, k2 = jax.random.split(key)
    x = jax.random.randint(k1, (BATCH, SEQ), 0, N_TRACKS, dtype=jnp.int32)
    # Representer parameters: track embedding table (the representer is an
    # embedding-style module mapping track ids -> d-dim vectors).
    table = jax.random.normal(k2, (N_TRACKS, EMBED_DIM), dtype=jnp.float32) * 0.02
    return {"x": x, "table": table}


def reference(x, table):
    # RTAModel.forward with mode='full':
    #   x_rep = self.representer(x)                         -> embedding gather
    #   lens = torch.zeros((x.shape[0], x.shape[1]))        -> all-zero 'lens'
    #   return self.aggregator.aggregate_single(x_rep, lens)
    # aggregate_single performs a length-masked mean over the sequence axis;
    # with lens == 0 everywhere the mask keeps every position.
    x_rep = jnp.take(table, x, axis=0)  # [B, S, D] gather from large table (memory-bound)
    lens = jnp.zeros((x.shape[0], x.shape[1]), dtype=jnp.float32)
    keep = (lens == 0).astype(jnp.float32)  # [B, S]
    weighted = x_rep * keep[..., None]
    denom = jnp.clip(jnp.sum(keep, axis=1, keepdims=True), 1.0, None)  # [B, 1]
    agg = jnp.sum(weighted, axis=1) / denom  # [B, D]
    return agg

if __name__ == "__main__":
    import jax
    _d = setup_inputs()
    print(jax.jit(kernel)(*tuple(_d.values())))

</pallas_src>

<mosaic_0001>
#map = affine_map<(d0, d1) -> (0, 0)>
module attributes {stable_mosaic.version = 14 : i64} {
  func.func @_repack(%arg0: i32, %arg1: i32, %arg2: memref<64x1000000xf32, #tpu.memory_space<hbm>>, %arg3: memref<250000x128xf32, #tpu.memory_space<hbm>>, %arg4: memref<2x64x129xf32, #tpu.memory_space<vmem>>, %arg5: memref<2x32x128xf32, #tpu.memory_space<vmem>>, %arg6: memref<64x64xf32, #tpu.memory_space<vmem>>, %arg7: memref<16x128xf32, #tpu.memory_space<vmem>>, %arg8: memref<!tpu.dma_semaphore, #tpu.memory_space<semaphore_mem>>, %arg9: memref<!tpu.dma_semaphore, #tpu.memory_space<semaphore_mem>>, %arg10: memref<!tpu.dma_semaphore, #tpu.memory_space<semaphore_mem>>, %arg11: memref<!tpu.dma_semaphore, #tpu.memory_space<semaphore_mem>>) attributes {dimension_semantics = [#tpu.dimension_semantics<core_parallel>, #tpu.dimension_semantics<subcore_parallel>], iteration_bounds = array<i64: 2, 16>, scalar_prefetch = 0 : i64, scratch_operands = 8 : i64, tpu.core_type = #tpu.core_type<sc_vector_subcore>, window_params = [{transform_indices = #map}, {transform_indices = #map}]} {
    %mul3A = arith.constant 2 : i32
    %mul3A_0 = arith.muli %arg1, %mul3A : i32
    %add3A = arith.addi %mul3A_0, %arg0 : i32
    %iota3A = tpu.iota {dimensions = array<i32: 0>} : vector<16xi32>
    %broadcast_in_dim3A = arith.constant 32768 : i32
    %broadcast_in_dim3A_1 = vector.broadcast %broadcast_in_dim3A : i32 to vector<16xi32>
    %broadcast_in_dim3A_2 = arith.constant -65536 : i32
    %broadcast_in_dim3A_3 = vector.broadcast %broadcast_in_dim3A_2 : i32 to vector<16xi32>
    %eq3A = arith.constant 31 : i32
    %eq3A_4 = arith.cmpi eq, %add3A, %eq3A : i32
    %convert_element_type3A = arith.extui %eq3A_4 : i1 to i32
    %cond3A = arith.constant 0 : i32
    %cond3A_5 = arith.cmpi ne, %convert_element_type3A, %cond3A : i32
    scf.if %cond3A_5 {
      "tpu.region"() ({
        %run_scoped3A = tpu.sem_alloc : memref<!tpu.dma_semaphore, #tpu.memory_space<semaphore_mem>>
        %dma_start3A_114 = arith.constant 0 : i32
        %dma_start3A_115 = arith.constant 999936 : i32
        %dma_start3A_116 = tpu.memref_slice %arg2[%dma_start3A_114, %dma_start3A_115] : memref<64x1000000xf32, #tpu.memory_space<hbm>> -> memref<64x64xf32, #tpu.memory_space<hbm>>
        %dma_start3A_117 = arith.constant 0 : i32
        %dma_start3A_118 = arith.constant 999936 : i32
        %dma_start3A_119 = tpu.memref_slice %arg2[%dma_start3A_117, %dma_start3A_118] : memref<64x1000000xf32, #tpu.memory_space<hbm>> -> memref<64x64xf32, #tpu.memory_space<hbm>>
        tpu.enqueue_dma source(%dma_start3A_119 : memref<64x64xf32, #tpu.memory_space<hbm>>) target(%arg6 : memref<64x64xf32, #tpu.memory_space<vmem>>) target_semaphore(%run_scoped3A : memref<!tpu.dma_semaphore, #tpu.memory_space<semaphore_mem>>)
        %dma_wait3A_120 = arith.constant 0 : i32
        %dma_wait3A_121 = arith.constant 999936 : i32
        %dma_wait3A_122 = tpu.memref_slice %arg2[%dma_wait3A_120, %dma_wait3A_121] : memref<64x1000000xf32, #tpu.memory_space<hbm>> -> memref<64x64xf32, #tpu.memory_space<hbm>>
        %dma_wait3A_123 = arith.constant 0 : i32
        %dma_wait3A_124 = arith.constant 999936 : i32
        %dma_wait3A_125 = tpu.memref_slice %arg2[%dma_wait3A_123, %dma_wait3A_124] : memref<64x1000000xf32, #tpu.memory_space<hbm>> -> memref<64x64xf32, #tpu.memory_space<hbm>>
        tpu.wait_dma2 semaphore(%run_scoped3A : memref<!tpu.dma_semaphore, #tpu.memory_space<semaphore_mem>>) src(%dma_wait3A_125 : memref<64x64xf32, #tpu.memory_space<hbm>>) dst(%arg6 : memref<64x64xf32, #tpu.memory_space<vmem>>)
        tpu.yield
      }) : () -> ()
      %parallel_loop3A = arith.constant 0 : i32
      %parallel_loop3A_112 = arith.constant 32 : i32
      %parallel_loop3A_113 = arith.constant 1 : i32
      scf.for %parallel_loop3A_114 = %parallel_loop3A to %parallel_loop3A_112 step %parallel_loop3A_113  : i32 {
        %parallel_loop3A_115 = arith.constant 16 : i32
        %parallel_loop3A_116 = arith.andi %parallel_loop3A_114, %parallel_loop3A_115 : i32
        %parallel_loop3A_117 = arith.addi %parallel_loop3A_114, %parallel_loop3A_116 : i32
        %parallel_loop3A_118 = arith.index_cast %parallel_loop3A_117 : i32 to index
        %parallel_loop3A_119 = arith.constant 0 : index
        %parallel_loop3A_120 = tpu.vector_load %arg6[%parallel_loop3A_118, %parallel_loop3A_119] {strides = array<i32>} : memref<64x64xf32, #tpu.memory_space<vmem>>, vector<16xf32>,
        %parallel_loop3A_121 = arith.constant 16 : i32
        %parallel_loop3A_122 = arith.addi %parallel_loop3A_117, %parallel_loop3A_121 : i32
        %parallel_loop3A_123 = arith.index_cast %parallel_loop3A_122 : i32 to index
        %parallel_loop3A_124 = arith.constant 0 : index
        %parallel_loop3A_125 = tpu.vector_load %arg6[%parallel_loop3A_123, %parallel_loop3A_124] {strides = array<i32>} : memref<64x64xf32, #tpu.memory_space<vmem>>, vector<16xf32>,
        %parallel_loop3A_126 = vector.bitcast %parallel_loop3A_120 : vector<16xf32> to vector<16xi32>
        %parallel_loop3A_127 = vector.bitcast %parallel_loop3A_125 : vector<16xf32> to vector<16xi32>
        %parallel_loop3A_128 = arith.addi %parallel_loop3A_126, %broadcast_in_dim3A_1 : vector<16xi32>
        %parallel_loop3A_129 = arith.constant 16 : i32
        %parallel_loop3A_130 = vector.broadcast %parallel_loop3A_129 : i32 to vector<16xi32>
        %parallel_loop3A_131 = arith.shrui %parallel_loop3A_128, %parallel_loop3A_130 : vector<16xi32>
        %parallel_loop3A_132 = arith.addi %parallel_loop3A_127, %broadcast_in_dim3A_1 : vector<16xi32>
        %parallel_loop3A_133 = arith.andi %parallel_loop3A_132, %broadcast_in_dim3A_3 : vector<16xi32>
        %parallel_loop3A_134 = arith.ori %parallel_loop3A_133, %parallel_loop3A_131 : vector<16xi32>
        %parallel_loop3A_135 = vector.bitcast %parallel_loop3A_134 : vector<16xi32> to vector<16xf32>
        %parallel_loop3A_136 = arith.constant 0 : i32
        %parallel_loop3A_137 = vector.broadcast %parallel_loop3A_136 : i32 to vector<16xi32>
        %parallel_loop3A_138 = arith.addi %iota3A, %parallel_loop3A_137 : vector<16xi32>
        %parallel_loop3A_139 = arith.constant 32 : i32
        %parallel_loop3A_140 = vector.broadcast %parallel_loop3A_139 : i32 to vector<16xi32>
        %parallel_loop3A_141 = arith.muli %parallel_loop3A_138, %parallel_loop3A_140 : vector<16xi32>
        %parallel_loop3A_142 = vector.broadcast %parallel_loop3A_114 : i32 to vector<16xi32>
        %parallel_loop3A_143 = arith.addi %parallel_loop3A_141, %parallel_loop3A_142 : vector<16xi32>
        %parallel_loop3A_144 = arith.constant 7 : i32
        %parallel_loop3A_145 = vector.broadcast %parallel_loop3A_144 : i32 to vector<16xi32>
        %parallel_loop3A_146 = arith.shrui %parallel_loop3A_143, %parallel_loop3A_145 : vector<16xi32>
        %parallel_loop3A_147 = arith.constant 127 : i32
        %parallel_loop3A_148 = vector.broadcast %parallel_loop3A_147 : i32 to vector<16xi32>
        %parallel_loop3A_149 = arith.andi %parallel_loop3A_143, %parallel_loop3A_148 : vector<16xi32>
        tpu.vector_store_idx %arg7[%parallel_loop3A_146, %parallel_loop3A_149], %parallel_loop3A_135 : memref<16x128xf32, #tpu.memory_space<vmem>>[vector<16xi32>, vector<16xi32>], vector<16xf32>,
        %parallel_loop3A_150 = arith.index_cast %parallel_loop3A_117 : i32 to index
        %parallel_loop3A_151 = arith.constant 16 : index
        %parallel_loop3A_152 = tpu.vector_load %arg6[%parallel_loop3A_150, %parallel_loop3A_151] {strides = array<i32>} : memref<64x64xf32, #tpu.memory_space<vmem>>, vector<16xf32>,
        %parallel_loop3A_153 = arith.constant 16 : i32
        %parallel_loop3A_154 = arith.addi %parallel_loop3A_117, %parallel_loop3A_153 : i32
        %parallel_loop3A_155 = arith.index_cast %parallel_loop3A_154 : i32 to index
        %parallel_loop3A_156 = arith.constant 16 : index
        %parallel_loop3A_157 = tpu.vector_load %arg6[%parallel_loop3A_155, %parallel_loop3A_156] {strides = array<i32>} : memref<64x64xf32, #tpu.memory_space<vmem>>, vector<16xf32>,
        %parallel_loop3A_158 = vector.bitcast %parallel_loop3A_152 : vector<16xf32> to vector<16xi32>
        %parallel_loop3A_159 = vector.bitcast %parallel_loop3A_157 : vector<16xf32> to vector<16xi32>
        %parallel_loop3A_160 = arith.addi %parallel_loop3A_158, %broadcast_in_dim3A_1 : vector<16xi32>
        %parallel_loop3A_161 = arith.constant 16 : i32
        %parallel_loop3A_162 = vector.broadcast %parallel_loop3A_161 : i32 to vector<16xi32>
        %parallel_loop3A_163 = arith.shrui %parallel_loop3A_160, %parallel_loop3A_162 : vector<16xi32>
        %parallel_loop3A_164 = arith.addi %parallel_loop3A_159, %broadcast_in_dim3A_1 : vector<16xi32>
        %parallel_loop3A_165 = arith.andi %parallel_loop3A_164, %broadcast_in_dim3A_3 : vector<16xi32>
        %parallel_loop3A_166 = arith.ori %parallel_loop3A_165, %parallel_loop3A_163 : vector<16xi32>
        %parallel_loop3A_167 = vector.bitcast %parallel_loop3A_166 : vector<16xi32> to vector<16xf32>
        %parallel_loop3A_168 = arith.constant 16 : i32
        %parallel_loop3A_169 = vector.broadcast %parallel_loop3A_168 : i32 to vector<16xi32>
        %parallel_loop3A_170 = arith.addi %iota3A, %parallel_loop3A_169 : vector<16xi32>
        %parallel_loop3A_171 = arith.constant 32 : i32
        %parallel_loop3A_172 = vector.broadcast %parallel_loop3A_171 : i32 to vector<16xi32>
        %parallel_loop3A_173 = arith.muli %parallel_loop3A_170, %parallel_loop3A_172 : vector<16xi32>
        %parallel_loop3A_174 = vector.broadcast %parallel_loop3A_114 : i32 to vector<16xi32>
        %parallel_loop3A_175 = arith.addi %parallel_loop3A_173, %parallel_loop3A_174 : vector<16xi32>
        %parallel_loop3A_176 = arith.constant 7 : i32
        %parallel_loop3A_177 = vector.broadcast %parallel_loop3A_176 : i32 to vector<16xi32>
        %parallel_loop3A_178 = arith.shrui %parallel_loop3A_175, %parallel_loop3A_177 : vector<16xi32>
        %parallel_loop3A_179 = arith.constant 127 : i32
        %parallel_loop3A_180 = vector.broadcast %parallel_loop3A_179 : i32 to vector<16xi32>
        %parallel_loop3A_181 = arith.andi %parallel_loop3A_175, %parallel_loop3A_180 : vector<16xi32>
        tpu.vector_store_idx %arg7[%parallel_loop3A_178, %parallel_loop3A_181], %parallel_loop3A_167 : memref<16x128xf32, #tpu.memory_space<vmem>>[vector<16xi32>, vector<16xi32>], vector<16xf32>,
        %parallel_loop3A_182 = arith.index_cast %parallel_loop3A_117 : i32 to index
        %parallel_loop3A_183 = arith.constant 32 : index
        %parallel_loop3A_184 = tpu.vector_load %arg6[%parallel_loop3A_182, %parallel_loop3A_183] {strides = array<i32>} : memref<64x64xf32, #tpu.memory_space<vmem>>, vector<16xf32>,
        %parallel_loop3A_185 = arith.constant 16 : i32
        %parallel_loop3A_186 = arith.addi %parallel_loop3A_117, %parallel_loop3A_185 : i32
        %parallel_loop3A_187 = arith.index_cast %parallel_loop3A_186 : i32 to index
        %parallel_loop3A_188 = arith.constant 32 : index
        %parallel_loop3A_189 = tpu.vector_load %arg6[%parallel_loop3A_187, %parallel_loop3A_188] {strides = array<i32>} : memref<64x64xf32, #tpu.memory_space<vmem>>, vector<16xf32>,
        %parallel_loop3A_190 = vector.bitcast %parallel_loop3A_184 : vector<16xf32> to vector<16xi32>
        %parallel_loop3A_191 = vector.bitcast %parallel_loop3A_189 : vector<16xf32> to vector<16xi32>
        %parallel_loop3A_192 = arith.addi %parallel_loop3A_190, %broadcast_in_dim3A_1 : vector<16xi32>
        %parallel_loop3A_193 = arith.constant 16 : i32
        %parallel_loop3A_194 = vector.broadcast %parallel_loop3A_193 : i32 to vector<16xi32>
        %parallel_loop3A_195 = arith.shrui %parallel_loop3A_192, %parallel_loop3A_194 : vector<16xi32>
        %parallel_loop3A_196 = arith.addi %parallel_loop3A_191, %broadcast_in_dim3A_1 : vector<16xi32>
        %parallel_loop3A_197 = arith.andi %parallel_loop3A_196, %broadcast_in_dim3A_3 : vector<16xi32>
        %parallel_loop3A_198 = arith.ori %parallel_loop3A_197, %parallel_loop3A_195 : vector<16xi32>
        %parallel_loop3A_199 = vector.bitcast %parallel_loop3A_198 : vector<16xi32> to vector<16xf32>
        %parallel_loop3A_200 = arith.constant 32 : i32
        %parallel_loop3A_201 = vector.broadcast %parallel_loop3A_200 : i32 to vector<16xi32>
        %parallel_loop3A_202 = arith.addi %iota3A, %parallel_loop3A_201 : vector<16xi32>
        %parallel_loop3A_203 = arith.constant 32 : i32
        %parallel_loop3A_204 = vector.broadcast %parallel_loop3A_203 : i32 to vector<16xi32>
        %parallel_loop3A_205 = arith.muli %parallel_loop3A_202, %parallel_loop3A_204 : vector<16xi32>
        %parallel_loop3A_206 = vector.broadcast %parallel_loop3A_114 : i32 to vector<16xi32>
        %parallel_loop3A_207 = arith.addi %parallel_loop3A_205, %parallel_loop3A_206 : vector<16xi32>
        %parallel_loop3A_208 = arith.constant 7 : i32
        %parallel_loop3A_209 = vector.broadcast %parallel_loop3A_208 : i32 to vector<16xi32>
        %parallel_loop3A_210 = arith.shrui %parallel_loop3A_207, %parallel_loop3A_209 : vector<16xi32>
        %parallel_loop3A_211 = arith.constant 127 : i32
        %parallel_loop3A_212 = vector.broadcast %parallel_loop3A_211 : i32 to vector<16xi32>
        %parallel_loop3A_213 = arith.andi %parallel_loop3A_207, %parallel_loop3A_212 : vector<16xi32>
        tpu.vector_store_idx %arg7[%parallel_loop3A_210, %parallel_loop3A_213], %parallel_loop3A_199 : memref<16x128xf32, #tpu.memory_space<vmem>>[vector<16xi32>, vector<16xi32>], vector<16xf32>,
        %parallel_loop3A_214 = arith.index_cast %parallel_loop3A_117 : i32 to index
        %parallel_loop3A_215 = arith.constant 48 : index
        %parallel_loop3A_216 = tpu.vector_load %arg6[%parallel_loop3A_214, %parallel_loop3A_215] {strides = array<i32>} : memref<64x64xf32, #tpu.memory_space<vmem>>, vector<16xf32>,
        %parallel_loop3A_217 = arith.constant 16 : i32
        %parallel_loop3A_218 = arith.addi %parallel_loop3A_117, %parallel_loop3A_217 : i32
        %parallel_loop3A_219 = arith.index_cast %parallel_loop3A_218 : i32 to index
        %parallel_loop3A_220 = arith.constant 48 : index
        %parallel_loop3A_221 = tpu.vector_load %arg6[%parallel_loop3A_219, %parallel_loop3A_220] {strides = array<i32>} : memref<64x64xf32, #tpu.memory_space<vmem>>, vector<16xf32>,
        %parallel_loop3A_222 = vector.bitcast %parallel_loop3A_216 : vector<16xf32> to vector<16xi32>
        %parallel_loop3A_223 = vector.bitcast %parallel_loop3A_221 : vector<16xf32> to vector<16xi32>
        %parallel_loop3A_224 = arith.addi %parallel_loop3A_222, %broadcast_in_dim3A_1 : vector<16xi32>
        %parallel_loop3A_225 = arith.constant 16 : i32
        %parallel_loop3A_226 = vector.broadcast %parallel_loop3A_225 : i32 to vector<16xi32>
        %parallel_loop3A_227 = arith.shrui %parallel_loop3A_224, %parallel_loop3A_226 : vector<16xi32>
        %parallel_loop3A_228 = arith.addi %parallel_loop3A_223, %broadcast_in_dim3A_1 : vector<16xi32>
        %parallel_loop3A_229 = arith.andi %parallel_loop3A_228, %broadcast_in_dim3A_3 : vector<16xi32>
        %parallel_loop3A_230 = arith.ori %parallel_loop3A_229, %parallel_loop3A_227 : vector<16xi32>
        %parallel_loop3A_231 = vector.bitcast %parallel_loop3A_230 : vector<16xi32> to vector<16xf32>
        %parallel_loop3A_232 = arith.constant 48 : i32
        %parallel_loop3A_233 = vector.broadcast %parallel_loop3A_232 : i32 to vector<16xi32>
        %parallel_loop3A_234 = arith.addi %iota3A, %parallel_loop3A_233 : vector<16xi32>
        %parallel_loop3A_235 = arith.constant 32 : i32
        %parallel_loop3A_236 = vector.broadcast %parallel_loop3A_235 : i32 to vector<16xi32>
        %parallel_loop3A_237 = arith.muli %parallel_loop3A_234, %parallel_loop3A_236 : vector<16xi32>
        %parallel_loop3A_238 = vector.broadcast %parallel_loop3A_114 : i32 to vector<16xi32>
        %parallel_loop3A_239 = arith.addi %parallel_loop3A_237, %parallel_loop3A_238 : vector<16xi32>
        %parallel_loop3A_240 = arith.constant 7 : i32
        %parallel_loop3A_241 = vector.broadcast %parallel_loop3A_240 : i32 to vector<16xi32>
        %parallel_loop3A_242 = arith.shrui %parallel_loop3A_239, %parallel_loop3A_241 : vector<16xi32>
        %parallel_loop3A_243 = arith.constant 127 : i32
        %parallel_loop3A_244 = vector.broadcast %parallel_loop3A_243 : i32 to vector<16xi32>
        %parallel_loop3A_245 = arith.andi %parallel_loop3A_239, %parallel_loop3A_244 : vector<16xi32>
        tpu.vector_store_idx %arg7[%parallel_loop3A_242, %parallel_loop3A_245], %parallel_loop3A_231 : memref<16x128xf32, #tpu.memory_space<vmem>>[vector<16xi32>, vector<16xi32>], vector<16xf32>,
      } {sc.loop_unroll_factor = 8 : i64, sc.parallel_access}
      "tpu.region"() ({
        %run_scoped3A = tpu.sem_alloc : memref<!tpu.dma_semaphore, #tpu.memory_space<semaphore_mem>>
        %dma_start3A_114 = arith.constant 249984 : i32
        %dma_start3A_115 = arith.constant 0 : i32
        %dma_start3A_116 = tpu.memref_slice %arg3[%dma_start3A_114, %dma_start3A_115] : memref<250000x128xf32, #tpu.memory_space<hbm>> -> memref<16x128xf32, #tpu.memory_space<hbm>>
        %dma_start3A_117 = arith.constant 249984 : i32
        %dma_start3A_118 = arith.constant 0 : i32
        %dma_start3A_119 = tpu.memref_slice %arg3[%dma_start3A_117, %dma_start3A_118] : memref<250000x128xf32, #tpu.memory_space<hbm>> -> memref<16x128xf32, #tpu.memory_space<hbm>>
        tpu.enqueue_dma source(%arg7 : memref<16x128xf32, #tpu.memory_space<vmem>>) target(%dma_start3A_119 : memref<16x128xf32, #tpu.memory_space<hbm>>) target_semaphore(%run_scoped3A : memref<!tpu.dma_semaphore, #tpu.memory_space<semaphore_mem>>)
        %dma_wait3A_120 = arith.constant 249984 : i32
        %dma_wait3A_121 = arith.constant 0 : i32
        %dma_wait3A_122 = tpu.memref_slice %arg3[%dma_wait3A_120, %dma_wait3A_121] : memref<250000x128xf32, #tpu.memory_space<hbm>> -> memref<16x128xf32, #tpu.memory_space<hbm>>
        %dma_wait3A_123 = arith.constant 249984 : i32
        %dma_wait3A_124 = arith.constant 0 : i32
        %dma_wait3A_125 = tpu.memref_slice %arg3[%dma_wait3A_123, %dma_wait3A_124] : memref<250000x128xf32, #tpu.memory_space<hbm>> -> memref<16x128xf32, #tpu.memory_space<hbm>>
        tpu.wait_dma2 semaphore(%run_scoped3A : memref<!tpu.dma_semaphore, #tpu.memory_space<semaphore_mem>>) src(%arg7 : memref<16x128xf32, #tpu.memory_space<vmem>>) dst(%dma_wait3A_125 : memref<16x128xf32, #tpu.memory_space<hbm>>)
        tpu.yield
      }) : () -> ()
    } else {
    }
    %add3A_6 = arith.constant 0 : i32
    %add3A_7 = arith.addi %add3A, %add3A_6 : i32
    %min3A = arith.constant 7811 : i32
    %min3A_8 = arith.minsi %add3A_7, %min3A : i32
    %mul3A_9 = arith.constant 128 : i32
    %mul3A_10 = arith.muli %min3A_8, %mul3A_9 : i32
    %multiple_of3A = tpu.assume_multiple %mul3A_10, 128 : i32
    %dma_start3A = arith.constant 0 : i32
    %dma_start3A_11 = arith.constant 0 : i32
    %dma_start3A_12 = arith.constant 0 : i32
    %dma_start3A_13 = tpu.memref_slice %arg4[%dma_start3A, %dma_start3A_11, %dma_start3A_12] : memref<2x64x129xf32, #tpu.memory_space<vmem>> -> memref<1x64x129xf32, #tpu.memory_space<vmem>>
    %dma_start3A_14 = tpu.memref_squeeze %dma_start3A_13 : memref<1x64x129xf32, #tpu.memory_space<vmem>> -> memref<64x129xf32, #tpu.memory_space<vmem>>
    %dma_start3A_15 = arith.constant 0 : i32
    %dma_start3A_16 = arith.constant 0 : i32
    %dma_start3A_17 = tpu.memref_slice %dma_start3A_14[%dma_start3A_15, %dma_start3A_16] : memref<64x129xf32, #tpu.memory_space<vmem>> -> memref<64x128xf32, #tpu.memory_space<vmem>>
    %dma_start3A_18 = arith.constant 0 : i32
    %dma_start3A_19 = tpu.memref_slice %arg2[%dma_start3A_18, %multiple_of3A] : memref<64x1000000xf32, #tpu.memory_space<hbm>> -> memref<64x128xf32, #tpu.memory_space<hbm>>
    %dma_start3A_20 = arith.constant 0 : i32
    %dma_start3A_21 = arith.constant 0 : i32
    %dma_start3A_22 = tpu.memref_slice %arg4[%dma_start3A, %dma_start3A_20, %dma_start3A_21] : memref<2x64x129xf32, #tpu.memory_space<vmem>> -> memref<1x64x129xf32, #tpu.memory_space<vmem>>
    %dma_start3A_23 = tpu.memref_squeeze %dma_start3A_22 : memref<1x64x129xf32, #tpu.memory_space<vmem>> -> memref<64x129xf32, #tpu.memory_space<vmem>>
    %dma_start3A_24 = arith.constant 0 : i32
    %dma_start3A_25 = arith.constant 0 : i32
    %dma_start3A_26 = tpu.memref_slice %dma_start3A_23[%dma_start3A_24, %dma_start3A_25] : memref<64x129xf32, #tpu.memory_space<vmem>> -> memref<64x128xf32, #tpu.memory_space<vmem>>
    %dma_start3A_27 = arith.constant 0 : i32
    %dma_start3A_28 = tpu.memref_slice %arg2[%dma_start3A_27, %multiple_of3A] : memref<64x1000000xf32, #tpu.memory_space<hbm>> -> memref<64x128xf32, #tpu.memory_space<hbm>>
    tpu.enqueue_dma source(%dma_start3A_28 : memref<64x128xf32, #tpu.memory_space<hbm>>) target(%dma_start3A_26 : memref<64x128xf32, #tpu.memory_space<vmem>>) target_semaphore(%arg8 : memref<!tpu.dma_semaphore, #tpu.memory_space<semaphore_mem>>)
    %scan3A = arith.constant 0 : i32
    %scan3A_29 = arith.constant 123 : i32
    %scan3A_30 = arith.addi %scan3A, %scan3A_29 : i32
    %scan3A_31 = arith.constant 1 : i32
    scf.for %scan3A_112 = %scan3A to %scan3A_30 step %scan3A_31  : i32 {
      %mul3A_113 = arith.constant 2 : i32
      %mul3A_114 = arith.muli %scan3A_112, %mul3A_113 : i32
      %add3A_115 = arith.constant 0 : i32
      %add3A_116 = arith.addi %add3A_115, %mul3A_114 : i32
      %add3A_117 = arith.constant 0 : i32
      %add3A_118 = arith.addi %add3A_116, %add3A_117 : i32
      %lt3A = arith.constant 245 : i32
      %lt3A_119 = arith.cmpi slt, %add3A_118, %lt3A : i32
      %convert_element_type3A_120 = arith.extui %lt3A_119 : i1 to i32
      %cond3A_121 = arith.constant 0 : i32
      %cond3A_122 = arith.cmpi ne, %convert_element_type3A_120, %cond3A_121 : i32
      scf.if %cond3A_122 {
        %add3A_130 = arith.constant 1 : i32
        %add3A_131 = arith.addi %add3A_118, %add3A_130 : i32
        %lt3A_132 = arith.constant 245 : i32
        %lt3A_133 = arith.cmpi slt, %add3A_131, %lt3A_132 : i32
        %convert_element_type3A_134 = arith.extui %lt3A_133 : i1 to i32
        %cond3A_135 = arith.constant 0 : i32
        %cond3A_136 = arith.cmpi ne, %convert_element_type3A_134, %cond3A_135 : i32
        scf.if %cond3A_136 {
          %add3A_217 = arith.constant 1 : i32
          %add3A_218 = arith.addi %add3A_118, %add3A_217 : i32
          %mul3A_219 = arith.constant 32 : i32
          %mul3A_220 = arith.muli %add3A_218, %mul3A_219 : i32
          %add3A_221 = arith.addi %add3A, %mul3A_220 : i32
          %min3A_222 = arith.constant 7811 : i32
          %min3A_223 = arith.minsi %add3A_221, %min3A_222 : i32
          %mul3A_224 = arith.constant 128 : i32
          %mul3A_225 = arith.muli %min3A_223, %mul3A_224 : i32
          %multiple_of3A_226 = tpu.assume_multiple %mul3A_225, 128 : i32
          %dma_start3A_227 = arith.constant 1 : i32
          %dma_start3A_228 = arith.constant 0 : i32
          %dma_start3A_229 = arith.constant 0 : i32
          %dma_start3A_230 = tpu.memref_slice %arg4[%dma_start3A_227, %dma_start3A_228, %dma_start3A_229] : memref<2x64x129xf32, #tpu.memory_space<vmem>> -> memref<1x64x129xf32, #tpu.memory_space<vmem>>
          %dma_start3A_231 = tpu.memref_squeeze %dma_start3A_230 : memref<1x64x129xf32, #tpu.memory_space<vmem>> -> memref<64x129xf32, #tpu.memory_space<vmem>>
          %dma_start3A_232 = arith.constant 0 : i32
          %dma_start3A_233 = arith.constant 0 : i32
          %dma_start3A_234 = tpu.memref_slice %dma_start3A_231[%dma_start3A_232, %dma_start3A_233] : memref<64x129xf32, #tpu.memory_space<vmem>> -> memref<64x128xf32, #tpu.memory_space<vmem>>
          %dma_start3A_235 = arith.constant 0 : i32
          %dma_start3A_236 = tpu.memref_slice %arg2[%dma_start3A_235, %multiple_of3A_226] : memref<64x1000000xf32, #tpu.memory_space<hbm>> -> memref<64x128xf32, #tpu.memory_space<hbm>>
          %dma_start3A_237 = arith.constant 0 : i32
          %dma_start3A_238 = arith.constant 0 : i32
          %dma_start3A_239 = tpu.memref_slice %arg4[%dma_start3A_227, %dma_start3A_237, %dma_start3A_238] : memref<2x64x129xf32, #tpu.memory_space<vmem>> -> memref<1x64x129xf32, #tpu.memory_space<vmem>>
          %dma_start3A_240 = tpu.memref_squeeze %dma_start3A_239 : memref<1x64x129xf32, #tpu.memory_space<vmem>> -> memref<64x129xf32, #tpu.memory_space<vmem>>
          %dma_start3A_241 = arith.constant 0 : i32
          %dma_start3A_242 = arith.constant 0 : i32
          %dma_start3A_243 = tpu.memref_slice %dma_start3A_240[%dma_start3A_241, %dma_start3A_242] : memref<64x129xf32, #tpu.memory_space<vmem>> -> memref<64x128xf32, #tpu.memory_space<vmem>>
          %dma_start3A_244 = arith.constant 0 : i32
          %dma_start3A_245 = tpu.memref_slice %arg2[%dma_start3A_244, %multiple_of3A_226] : memref<64x1000000xf32, #tpu.memory_space<hbm>> -> memref<64x128xf32, #tpu.memory_space<hbm>>
          tpu.enqueue_dma source(%dma_start3A_245 : memref<64x128xf32, #tpu.memory_space<hbm>>) target(%dma_start3A_243 : memref<64x128xf32, #tpu.memory_space<vmem>>) target_semaphore(%arg9 : memref<!tpu.dma_semaphore, #tpu.memory_space<semaphore_mem>>)
        } else {
        }
        %mul3A_137 = arith.constant 32 : i32
        %mul3A_138 = arith.muli %add3A_118, %mul3A_137 : i32
        %add3A_139 = arith.addi %add3A, %mul3A_138 : i32
        %min3A_140 = arith.constant 7811 : i32
        %min3A_141 = arith.minsi %add3A_139, %min3A_140 : i32
        %mul3A_142 = arith.constant 128 : i32
        %mul3A_143 = arith.muli %min3A_141, %mul3A_142 : i32
        %multiple_of3A_144 = tpu.assume_multiple %mul3A_143, 128 : i32
        %dma_wait3A_145 = arith.constant 0 : i32
        %dma_wait3A_146 = arith.constant 0 : i32
        %dma_wait3A_147 = arith.constant 0 : i32
        %dma_wait3A_148 = tpu.memref_slice %arg4[%dma_wait3A_145, %dma_wait3A_146, %dma_wait3A_147] : memref<2x64x129xf32, #tpu.memory_space<vmem>> -> memref<1x64x129xf32, #tpu.memory_space<vmem>>
        %dma_wait3A_149 = tpu.memref_squeeze %dma_wait3A_148 : memref<1x64x129xf32, #tpu.memory_space<vmem>> -> memref<64x129xf32, #tpu.memory_space<vmem>>
        %dma_wait3A_150 = arith.constant 0 : i32
        %dma_wait3A_151 = arith.constant 0 : i32
        %dma_wait3A_152 = tpu.memref_slice %dma_wait3A_149[%dma_wait3A_150, %dma_wait3A_151] : memref<64x129xf32, #tpu.memory_space<vmem>> -> memref<64x128xf32, #tpu.memory_space<vmem>>
        %dma_wait3A_153 = arith.constant 0 : i32
        %dma_wait3A_154 = tpu.memref_slice %arg2[%dma_wait3A_153, %multiple_of3A_144] : memref<64x1000000xf32, #tpu.memory_space<hbm>> -> memref<64x128xf32, #tpu.memory_space<hbm>>
        %dma_wait3A_155 = arith.constant 0 : i32
        %dma_wait3A_156 = arith.constant 0 : i32
        %dma_wait3A_157 = tpu.memref_slice %arg4[%dma_wait3A_145, %dma_wait3A_155, %dma_wait3A_156] : memref<2x64x129xf32, #tpu.memory_space<vmem>> -> memref<1x64x129xf32, #tpu.memory_space<vmem>>
        %dma_wait3A_158 = tpu.memref_squeeze %dma_wait3A_157 : memref<1x64x129xf32, #tpu.memory_space<vmem>> -> memref<64x129xf32, #tpu.memory_space<vmem>>
        %dma_wait3A_159 = arith.constant 0 : i32
        %dma_wait3A_160 = arith.constant 0 : i32
        %dma_wait3A_161 = tpu.memref_slice %dma_wait3A_158[%dma_wait3A_159, %dma_wait3A_160] : memref<64x129xf32, #tpu.memory_space<vmem>> -> memref<64x128xf32, #tpu.memory_space<vmem>>
        %dma_wait3A_162 = arith.constant 0 : i32
        %dma_wait3A_163 = tpu.memref_slice %arg2[%dma_wait3A_162, %multiple_of3A_144] : memref<64x1000000xf32, #tpu.memory_space<hbm>> -> memref<64x128xf32, #tpu.memory_space<hbm>>
        tpu.wait_dma2 semaphore(%arg8 : memref<!tpu.dma_semaphore, #tpu.memory_space<semaphore_mem>>) src(%dma_wait3A_163 : memref<64x128xf32, #tpu.memory_space<hbm>>) dst(%dma_wait3A_161 : memref<64x128xf32, #tpu.memory_space<vmem>>)
        %ge3A = arith.constant 2 : i32
        %ge3A_164 = arith.cmpi sge, %add3A_118, %ge3A : i32
        %convert_element_type3A_165 = arith.extui %ge3A_164 : i1 to i32
        %cond3A_166 = arith.constant 0 : i32
        %cond3A_167 = arith.cmpi ne, %convert_element_type3A_165, %cond3A_166 : i32
        scf.if %cond3A_167 {
          %sub3A_217 = arith.constant 2 : i32
          %sub3A_218 = arith.subi %add3A_118, %sub3A_217 : i32
          %mul3A_219 = arith.constant 32 : i32
          %mul3A_220 = arith.muli %sub3A_218, %mul3A_219 : i32
          %add3A_221 = arith.addi %add3A, %mul3A_220 : i32
          %min3A_222 = arith.constant 7811 : i32
          %min3A_223 = arith.minsi %add3A_221, %min3A_222 : i32
          %mul3A_224 = arith.constant 128 : i32
          %mul3A_225 = arith.muli %min3A_223, %mul3A_224 : i32
          %jit3A_226 = arith.constant 4 : i32
          %div3A_227 = arith.divsi %mul3A_225, %jit3A_226 : i32
          %sign3A_228 = arith.constant 0 : i32
          %sign3A_229 = arith.cmpi sgt, %mul3A_225, %sign3A_228 : i32
          %sign3A_230 = arith.extui %sign3A_229 : i1 to i32
          %sign3A_231 = arith.constant 0 : i32
          %sign3A_232 = arith.cmpi slt, %mul3A_225, %sign3A_231 : i32
          %sign3A_233 = arith.extui %sign3A_232 : i1 to i32
          %sign3A_234 = arith.subi %sign3A_230, %sign3A_233 : i32
          %sign3A_235 = arith.constant 0 : i32
          %sign3A_236 = arith.cmpi sgt, %jit3A_226, %sign3A_235 : i32
          %sign3A_237 = arith.extui %sign3A_236 : i1 to i32
          %sign3A_238 = arith.constant 0 : i32
          %sign3A_239 = arith.cmpi slt, %jit3A_226, %sign3A_238 : i32
          %sign3A_240 = arith.extui %sign3A_239 : i1 to i32
          %sign3A_241 = arith.subi %sign3A_237, %sign3A_240 : i32
          %ne3A_242 = arith.cmpi ne, %sign3A_234, %sign3A_241 : i32
          %rem3A_243 = arith.remsi %mul3A_225, %jit3A_226 : i32
          %ne3A_244 = arith.constant 0 : i32
          %ne3A_245 = arith.cmpi ne, %rem3A_243, %ne3A_244 : i32
          %and3A_246 = arith.andi %ne3A_242, %ne3A_245 : i1
          %sub3A_247 = arith.constant 1 : i32
          %sub3A_248 = arith.subi %div3A_227, %sub3A_247 : i32
          %select_n3A_249 = arith.select %and3A_246, %sub3A_248, %div3A_227 : i32
          %multiple_of3A_250 = tpu.assume_multiple %select_n3A_249, 32 : i32
          %dma_wait3A_251 = arith.constant 0 : i32
          %dma_wait3A_252 = arith.constant 0 : i32
          %dma_wait3A_253 = arith.constant 0 : i32
          %dma_wait3A_254 = tpu.memref_slice %arg5[%dma_wait3A_251, %dma_wait3A_252, %dma_wait3A_253] : memref<2x32x128xf32, #tpu.memory_space<vmem>> -> memref<1x32x128xf32, #tpu.memory_space<vmem>>
          %dma_wait3A_255 = tpu.memref_squeeze %dma_wait3A_254 : memref<1x32x128xf32, #tpu.memory_space<vmem>> -> memref<32x128xf32, #tpu.memory_space<vmem>>
          %dma_wait3A_256 = arith.constant 0 : i32
          %dma_wait3A_257 = tpu.memref_slice %arg3[%multiple_of3A_250, %dma_wait3A_256] : memref<250000x128xf32, #tpu.memory_space<hbm>> -> memref<32x128xf32, #tpu.memory_space<hbm>>
          %dma_wait3A_258 = arith.constant 0 : i32
          %dma_wait3A_259 = tpu.memref_slice %arg3[%multiple_of3A_250, %dma_wait3A_258] : memref<250000x128xf32, #tpu.memory_space<hbm>> -> memref<32x128xf32, #tpu.memory_space<hbm>>
          %dma_wait3A_260 = arith.constant 0 : i32
          %dma_wait3A_261 = arith.constant 0 : i32
          %dma_wait3A_262 = tpu.memref_slice %arg5[%dma_wait3A_251, %dma_wait3A_260, %dma_wait3A_261] : memref<2x32x128xf32, #tpu.memory_space<vmem>> -> memref<1x32x128xf32, #tpu.memory_space<vmem>>
          %dma_wait3A_263 = tpu.memref_squeeze %dma_wait3A_262 : memref<1x32x128xf32, #tpu.memory_space<vmem>> -> memref<32x128xf32, #tpu.memory_space<vmem>>
          tpu.wait_dma2 semaphore(%arg10 : memref<!tpu.dma_semaphore, #tpu.memory_space<semaphore_mem>>) src(%dma_wait3A_263 : memref<32x128xf32, #tpu.memory_space<vmem>>) dst(%dma_wait3A_259 : memref<32x128xf32, #tpu.memory_space<hbm>>)
        } else {
        }
        %parallel_loop3A = arith.constant 0 : i32
        %parallel_loop3A_168 = arith.constant 32 : i32
        %parallel_loop3A_169 = arith.constant 1 : i32
        %parallel_loop3A_170 = arith.constant 0 : i32
        %parallel_loop3A_171 = arith.constant 0 : i32
        scf.for %parallel_loop3A_217 = %parallel_loop3A to %parallel_loop3A_168 step %parallel_loop3A_169  : i32 {
          %parallel_loop3A_218 = arith.constant 16 : i32
          %parallel_loop3A_219 = arith.andi %parallel_loop3A_217, %parallel_loop3A_218 : i32
          %parallel_loop3A_220 = arith.addi %parallel_loop3A_217, %parallel_loop3A_219 : i32
          %parallel_loop3A_221 = arith.constant 0 : i32
          %parallel_loop3A_222 = arith.constant 0 : i32
          %parallel_loop3A_223 = tpu.memref_slice %arg4[%parallel_loop3A_170, %parallel_loop3A_221, %parallel_loop3A_222] : memref<2x64x129xf32, #tpu.memory_space<vmem>> -> memref<1x64x129xf32, #tpu.memory_space<vmem>>
          %parallel_loop3A_224 = tpu.memref_squeeze %parallel_loop3A_223 : memref<1x64x129xf32, #tpu.memory_space<vmem>> -> memref<64x129xf32, #tpu.memory_space<vmem>>
          %parallel_loop3A_225 = arith.index_cast %parallel_loop3A_220 : i32 to index
          %parallel_loop3A_226 = arith.constant 0 : index
          %parallel_loop3A_227 = tpu.vector_load %parallel_loop3A_224[%parallel_loop3A_225, %parallel_loop3A_226] {strides = array<i32>} : memref<64x129xf32, #tpu.memory_space<vmem>>, vector<16xf32>,
          %parallel_loop3A_228 = arith.constant 16 : i32
          %parallel_loop3A_229 = arith.addi %parallel_loop3A_220, %parallel_loop3A_228 : i32
          %parallel_loop3A_230 = arith.constant 0 : i32
          %parallel_loop3A_231 = arith.constant 0 : i32
          %parallel_loop3A_232 = tpu.memref_slice %arg4[%parallel_loop3A_170, %parallel_loop3A_230, %parallel_loop3A_231] : memref<2x64x129xf32, #tpu.memory_space<vmem>> -> memref<1x64x129xf32, #tpu.memory_space<vmem>>
          %parallel_loop3A_233 = tpu.memref_squeeze %parallel_loop3A_232 : memref<1x64x129xf32, #tpu.memory_space<vmem>> -> memref<64x129xf32, #tpu.memory_space<vmem>>
          %parallel_loop3A_234 = arith.index_cast %parallel_loop3A_229 : i32 to index
          %parallel_loop3A_235 = arith.constant 0 : index
          %parallel_loop3A_236 = tpu.vector_load %parallel_loop3A_233[%parallel_loop3A_234, %parallel_loop3A_235] {strides = array<i32>} : memref<64x129xf32, #tpu.memory_space<vmem>>, vector<16xf32>,
          %parallel_loop3A_237 = vector.bitcast %parallel_loop3A_227 : vector<16xf32> to vector<16xi32>
          %parallel_loop3A_238 = vector.bitcast %parallel_loop3A_236 : vector<16xf32> to vector<16xi32>
          %parallel_loop3A_239 = arith.addi %parallel_loop3A_237, %broadcast_in_dim3A_1 : vector<16xi32>
          %parallel_loop3A_240 = arith.constant 16 : i32
          %parallel_loop3A_241 = vector.broadcast %parallel_loop3A_240 : i32 to vector<16xi32>
          %parallel_loop3A_242 = arith.shrui %parallel_loop3A_239, %parallel_loop3A_241 : vector<16xi32>
          %parallel_loop3A_243 = arith.addi %parallel_loop3A_238, %broadcast_in_dim3A_1 : vector<16xi32>
          %parallel_loop3A_244 = arith.andi %parallel_loop3A_243, %broadcast_in_dim3A_3 : vector<16xi32>
          %parallel_loop3A_245 = arith.ori %parallel_loop3A_244, %parallel_loop3A_242 : vector<16xi32>
          %parallel_loop3A_246 = vector.bitcast %parallel_loop3A_245 : vector<16xi32> to vector<16xf32>
          %parallel_loop3A_247 = arith.constant 0 : i32
          %parallel_loop3A_248 = vector.broadcast %parallel_loop3A_247 : i32 to vector<16xi32>
          %parallel_loop3A_249 = arith.addi %iota3A, %parallel_loop3A_248 : vector<16xi32>
          %parallel_loop3A_250 = arith.constant 32 : i32
          %parallel_loop3A_251 = vector.broadcast %parallel_loop3A_250 : i32 to vector<16xi32>
          %parallel_loop3A_252 = arith.muli %parallel_loop3A_249, %parallel_loop3A_251 : vector<16xi32>
          %parallel_loop3A_253 = vector.broadcast %parallel_loop3A_217 : i32 to vector<16xi32>
          %parallel_loop3A_254 = arith.addi %parallel_loop3A_252, %parallel_loop3A_253 : vector<16xi32>
          %parallel_loop3A_255 = arith.constant 7 : i32
          %parallel_loop3A_256 = vector.broadcast %parallel_loop3A_255 : i32 to vector<16xi32>
          %parallel_loop3A_257 = arith.shrui %parallel_loop3A_254, %parallel_loop3A_256 : vector<16xi32>
          %parallel_loop3A_258 = arith.constant 127 : i32
          %parallel_loop3A_259 = vector.broadcast %parallel_loop3A_258 : i32 to vector<16xi32>
          %parallel_loop3A_260 = arith.andi %parallel_loop3A_254, %parallel_loop3A_259 : vector<16xi32>
          %parallel_loop3A_261 = arith.constant 0 : i32
          %parallel_loop3A_262 = arith.constant 0 : i32
          %parallel_loop3A_263 = tpu.memref_slice %arg5[%parallel_loop3A_171, %parallel_loop3A_261, %parallel_loop3A_262] : memref<2x32x128xf32, #tpu.memory_space<vmem>> -> memref<1x32x128xf32, #tpu.memory_space<vmem>>
          %parallel_loop3A_264 = tpu.memref_squeeze %parallel_loop3A_263 : memref<1x32x128xf32, #tpu.memory_space<vmem>> -> memref<32x128xf32, #tpu.memory_space<vmem>>
          tpu.vector_store_idx %parallel_loop3A_264[%parallel_loop3A_257, %parallel_loop3A_260], %parallel_loop3A_246 : memref<32x128xf32, #tpu.memory_space<vmem>>[vector<16xi32>, vector<16xi32>], vector<16xf32>,
          %parallel_loop3A_265 = arith.constant 0 : i32
          %parallel_loop3A_266 = arith.constant 0 : i32
          %parallel_loop3A_267 = tpu.memref_slice %arg4[%parallel_loop3A_170, %parallel_loop3A_265, %parallel_loop3A_266] : memref<2x64x129xf32, #tpu.memory_space<vmem>> -> memref<1x64x129xf32, #tpu.memory_space<vmem>>
          %parallel_loop3A_268 = tpu.memref_squeeze %parallel_loop3A_267 : memref<1x64x129xf32, #tpu.memory_space<vmem>> -> memref<64x129xf32, #tpu.memory_space<vmem>>
          %parallel_loop3A_269 = arith.index_cast %parallel_loop3A_220 : i32 to index
          %parallel_loop3A_270 = arith.constant 16 : index
          %parallel_loop3A_271 = tpu.vector_load %parallel_loop3A_268[%parallel_loop3A_269, %parallel_loop3A_270] {strides = array<i32>} : memref<64x129xf32, #tpu.memory_space<vmem>>, vector<16xf32>,
          %parallel_loop3A_272 = arith.constant 16 : i32
          %parallel_loop3A_273 = arith.addi %parallel_loop3A_220, %parallel_loop3A_272 : i32
          %parallel_loop3A_274 = arith.constant 0 : i32
          %parallel_loop3A_275 = arith.constant 0 : i32
          %parallel_loop3A_276 = tpu.memref_slice %arg4[%parallel_loop3A_170, %parallel_loop3A_274, %parallel_loop3A_275] : memref<2x64x129xf32, #tpu.memory_space<vmem>> -> memref<1x64x129xf32, #tpu.memory_space<vmem>>
          %parallel_loop3A_277 = tpu.memref_squeeze %parallel_loop3A_276 : memref<1x64x129xf32, #tpu.memory_space<vmem>> -> memref<64x129xf32, #tpu.memory_space<vmem>>
          %parallel_loop3A_278 = arith.index_cast %parallel_loop3A_273 : i32 to index
          %parallel_loop3A_279 = arith.constant 16 : index
          %parallel_loop3A_280 = tpu.vector_load %parallel_loop3A_277[%parallel_loop3A_278, %parallel_loop3A_279] {strides = array<i32>} : memref<64x129xf32, #tpu.memory_space<vmem>>, vector<16xf32>,
          %parallel_loop3A_281 = vector.bitcast %parallel_loop3A_271 : vector<16xf32> to vector<16xi32>
          %parallel_loop3A_282 = vector.bitcast %parallel_loop3A_280 : vector<16xf32> to vector<16xi32>
          %parallel_loop3A_283 = arith.addi %parallel_loop3A_281, %broadcast_in_dim3A_1 : vector<16xi32>
          %parallel_loop3A_284 = arith.constant 16 : i32
          %parallel_loop3A_285 = vector.broadcast %parallel_loop3A_284 : i32 to vector<16xi32>
          %parallel_loop3A_286 = arith.shrui %parallel_loop3A_283, %parallel_loop3A_285 : vector<16xi32>
          %parallel_loop3A_287 = arith.addi %parallel_loop3A_282, %broadcast_in_dim3A_1 : vector<16xi32>
          %parallel_loop3A_288 = arith.andi %parallel_loop3A_287, %broadcast_in_dim3A_3 : vector<16xi32>
          %parallel_loop3A_289 = arith.ori %parallel_loop3A_288, %parallel_loop3A_286 : vector<16xi32>
          %parallel_loop3A_290 = vector.bitcast %parallel_loop3A_289 : vector<16xi32> to vector<16xf32>
          %parallel_loop3A_291 = arith.constant 16 : i32
          %parallel_loop3A_292 = vector.broadcast %parallel_loop3A_291 : i32 to vector<16xi32>
          %parallel_loop3A_293 = arith.addi %iota3A, %parallel_loop3A_292 : vector<16xi32>
          %parallel_loop3A_294 = arith.constant 32 : i32
          %parallel_loop3A_295 = vector.broadcast %parallel_loop3A_294 : i32 to vector<16xi32>
          %parallel_loop3A_296 = arith.muli %parallel_loop3A_293, %parallel_loop3A_295 : vector<16xi32>
          %parallel_loop3A_297 = vector.broadcast %parallel_loop3A_217 : i32 to vector<16xi32>
          %parallel_loop3A_298 = arith.addi %parallel_loop3A_296, %parallel_loop3A_297 : vector<16xi32>
          %parallel_loop3A_299 = arith.constant 7 : i32
          %parallel_loop3A_300 = vector.broadcast %parallel_loop3A_299 : i32 to vector<16xi32>
          %parallel_loop3A_301 = arith.shrui %parallel_loop3A_298, %parallel_loop3A_300 : vector<16xi32>
          %parallel_loop3A_302 = arith.constant 127 : i32
          %parallel_loop3A_303 = vector.broadcast %parallel_loop3A_302 : i32 to vector<16xi32>
          %parallel_loop3A_304 = arith.andi %parallel_loop3A_298, %parallel_loop3A_303 : vector<16xi32>
          %parallel_loop3A_305 = arith.constant 0 : i32
          %parallel_loop3A_306 = arith.constant 0 : i32
          %parallel_loop3A_307 = tpu.memref_slice %arg5[%parallel_loop3A_171, %parallel_loop3A_305, %parallel_loop3A_306] : memref<2x32x128xf32, #tpu.memory_space<vmem>> -> memref<1x32x128xf32, #tpu.memory_space<vmem>>
          %parallel_loop3A_308 = tpu.memref_squeeze %parallel_loop3A_307 : memref<1x32x128xf32, #tpu.memory_space<vmem>> -> memref<32x128xf32, #tpu.memory_space<vmem>>
          tpu.vector_store_idx %parallel_loop3A_308[%parallel_loop3A_301, %parallel_loop3A_304], %parallel_loop3A_290 : memref<32x128xf32, #tpu.memory_space<vmem>>[vector<16xi32>, vector<16xi32>], vector<16xf32>,
          %parallel_loop3A_309 = arith.constant 0 : i32
          %parallel_loop3A_310 = arith.constant 0 : i32
          %parallel_loop3A_311 = tpu.memref_slice %arg4[%parallel_loop3A_170, %parallel_loop3A_309, %parallel_loop3A_310] : memref<2x64x129xf32, #tpu.memory_space<vmem>> -> memref<1x64x129xf32, #tpu.memory_space<vmem>>
          %parallel_loop3A_312 = tpu.memref_squeeze %parallel_loop3A_311 : memref<1x64x129xf32, #tpu.memory_space<vmem>> -> memref<64x129xf32, #tpu.memory_space<vmem>>
          %parallel_loop3A_313 = arith.index_cast %parallel_loop3A_220 : i32 to index
          %parallel_loop3A_314 = arith.constant 32 : index
          %parallel_loop3A_315 = tpu.vector_load %parallel_loop3A_312[%parallel_loop3A_313, %parallel_loop3A_314] {strides = array<i32>} : memref<64x129xf32, #tpu.memory_space<vmem>>, vector<16xf32>,
          %parallel_loop3A_316 = arith.constant 16 : i32
          %parallel_loop3A_317 = arith.addi %parallel_loop3A_220, %parallel_loop3A_316 : i32
          %parallel_loop3A_318 = arith.constant 0 : i32
          %parallel_loop3A_319 = arith.constant 0 : i32
          %parallel_loop3A_320 = tpu.memref_slice %arg4[%parallel_loop3A_170, %parallel_loop3A_318, %parallel_loop3A_319] : memref<2x64x129xf32, #tpu.memory_space<vmem>> -> memref<1x64x129xf32, #tpu.memory_space<vmem>>
          %parallel_loop3A_321 = tpu.memref_squeeze %parallel_loop3A_320 : memref<1x64x129xf32, #tpu.memory_space<vmem>> -> memref<64x129xf32, #tpu.memory_space<vmem>>
          %parallel_loop3A_322 = arith.index_cast %parallel_loop3A_317 : i32 to index
          %parallel_loop3A_323 = arith.constant 32 : index
          %parallel_loop3A_324 = tpu.vector_load %parallel_loop3A_321[%parallel_loop3A_322, %parallel_loop3A_323] {strides = array<i32>} : memref<64x129xf32, #tpu.memory_space<vmem>>, vector<16xf32>,
          %parallel_loop3A_325 = vector.bitcast %parallel_loop3A_315 : vector<16xf32> to vector<16xi32>
          %parallel_loop3A_326 = vector.bitcast %parallel_loop3A_324 : vector<16xf32> to vector<16xi32>
          %parallel_loop3A_327 = arith.addi %parallel_loop3A_325, %broadcast_in_dim3A_1 : vector<16xi32>
          %parallel_loop3A_328 = arith.constant 16 : i32
          %parallel_loop3A_329 = vector.broadcast %parallel_loop3A_328 : i32 to vector<16xi32>
          %parallel_loop3A_330 = arith.shrui %parallel_loop3A_327, %parallel_loop3A_329 : vector<16xi32>
          %parallel_loop3A_331 = arith.addi %parallel_loop3A_326, %broadcast_in_dim3A_1 : vector<16xi32>
          %parallel_loop3A_332 = arith.andi %parallel_loop3A_331, %broadcast_in_dim3A_3 : vector<16xi32>
          %parallel_loop3A_333 = arith.ori %parallel_loop3A_332, %parallel_loop3A_330 : vector<16xi32>
          %parallel_loop3A_334 = vector.bitcast %parallel_loop3A_333 : vector<16xi32> to vector<16xf32>
          %parallel_loop3A_335 = arith.constant 32 : i32
          %parallel_loop3A_336 = vector.broadcast %parallel_loop3A_335 : i32 to vector<16xi32>
          %parallel_loop3A_337 = arith.addi %iota3A, %parallel_loop3A_336 : vector<16xi32>
          %parallel_loop3A_338 = arith.constant 32 : i32
          %parallel_loop3A_339 = vector.broadcast %parallel_loop3A_338 : i32 to vector<16xi32>
          %parallel_loop3A_340 = arith.muli %parallel_loop3A_337, %parallel_loop3A_339 : vector<16xi32>
          %parallel_loop3A_341 = vector.broadcast %parallel_loop3A_217 : i32 to vector<16xi32>
          %parallel_loop3A_342 = arith.addi %parallel_loop3A_340, %parallel_loop3A_341 : vector<16xi32>
          %parallel_loop3A_343 = arith.constant 7 : i32
          %parallel_loop3A_344 = vector.broadcast %parallel_loop3A_343 : i32 to vector<16xi32>
          %parallel_loop3A_345 = arith.shrui %parallel_loop3A_342, %parallel_loop3A_344 : vector<16xi32>
          %parallel_loop3A_346 = arith.constant 127 : i32
          %parallel_loop3A_347 = vector.broadcast %parallel_loop3A_346 : i32 to vector<16xi32>
          %parallel_loop3A_348 = arith.andi %parallel_loop3A_342, %parallel_loop3A_347 : vector<16xi32>
          %parallel_loop3A_349 = arith.constant 0 : i32
          %parallel_loop3A_350 = arith.constant 0 : i32
          %parallel_loop3A_351 = tpu.memref_slice %arg5[%parallel_loop3A_171, %parallel_loop3A_349, %parallel_loop3A_350] : memref<2x32x128xf32, #tpu.memory_space<vmem>> -> memref<1x32x128xf32, #tpu.memory_space<vmem>>
          %parallel_loop3A_352 = tpu.memref_squeeze %parallel_loop3A_351 : memref<1x32x128xf32, #tpu.memory_space<vmem>> -> memref<32x128xf32, #tpu.memory_space<vmem>>
          tpu.vector_store_idx %parallel_loop3A_352[%parallel_loop3A_345, %parallel_loop3A_348], %parallel_loop3A_334 : memref<32x128xf32, #tpu.memory_space<vmem>>[vector<16xi32>, vector<16xi32>], vector<16xf32>,
          %parallel_loop3A_353 = arith.constant 0 : i32
          %parallel_loop3A_354 = arith.constant 0 : i32
          %parallel_loop3A_355 = tpu.memref_slice %arg4[%parallel_loop3A_170, %parallel_loop3A_353, %parallel_loop3A_354] : memref<2x64x129xf32, #tpu.memory_space<vmem>> -> memref<1x64x129xf32, #tpu.memory_space<vmem>>
          %parallel_loop3A_356 = tpu.memref_squeeze %parallel_loop3A_355 : memref<1x64x129xf32, #tpu.memory_space<vmem>> -> memref<64x129xf32, #tpu.memory_space<vmem>>
          %parallel_loop3A_357 = arith.index_cast %parallel_loop3A_220 : i32 to index
          %parallel_loop3A_358 = arith.constant 48 : index
          %parallel_loop3A_359 = tpu.vector_load %parallel_loop3A_356[%parallel_loop3A_357, %parallel_loop3A_358] {strides = array<i32>} : memref<64x129xf32, #tpu.memory_space<vmem>>, vector<16xf32>,
          %parallel_loop3A_360 = arith.constant 16 : i32
          %parallel_loop3A_361 = arith.addi %parallel_loop3A_220, %parallel_loop3A_360 : i32
          %parallel_loop3A_362 = arith.constant 0 : i32
          %parallel_loop3A_363 = arith.constant 0 : i32
          %parallel_loop3A_364 = tpu.memref_slice %arg4[%parallel_loop3A_170, %parallel_loop3A_362, %parallel_loop3A_363] : memref<2x64x129xf32, #tpu.memory_space<vmem>> -> memref<1x64x129xf32, #tpu.memory_space<vmem>>
          %parallel_loop3A_365 = tpu.memref_squeeze %parallel_loop3A_364 : memref<1x64x129xf32, #tpu.memory_space<vmem>> -> memref<64x129xf32, #tpu.memory_space<vmem>>
          %parallel_loop3A_366 = arith.index_cast %parallel_loop3A_361 : i32 to index
          %parallel_loop3A_367 = arith.constant 48 : index
          %parallel_loop3A_368 = tpu.vector_load %parallel_loop3A_365[%parallel_loop3A_366, %parallel_loop3A_367] {strides = array<i32>} : memref<64x129xf32, #tpu.memory_space<vmem>>, vector<16xf32>,
          %parallel_loop3A_369 = vector.bitcast %parallel_loop3A_359 : vector<16xf32> to vector<16xi32>
          %parallel_loop3A_370 = vector.bitcast %parallel_loop3A_368 : vector<16xf32> to vector<16xi32>
          %parallel_loop3A_371 = arith.addi %parallel_loop3A_369, %broadcast_in_dim3A_1 : vector<16xi32>
          %parallel_loop3A_372 = arith.constant 16 : i32
          %parallel_loop3A_373 = vector.broadcast %parallel_loop3A_372 : i32 to vector<16xi32>
          %parallel_loop3A_374 = arith.shrui %parallel_loop3A_371, %parallel_loop3A_373 : vector<16xi32>
          %parallel_loop3A_375 = arith.addi %parallel_loop3A_370, %broadcast_in_dim3A_1 : vector<16xi32>
          %parallel_loop3A_376 = arith.andi %parallel_loop3A_375, %broadcast_in_dim3A_3 : vector<16xi32>
          %parallel_loop3A_377 = arith.ori %parallel_loop3A_376, %parallel_loop3A_374 : vector<16xi32>
          %parallel_loop3A_378 = vector.bitcast %parallel_loop3A_377 : vector<16xi32> to vector<16xf32>
          %parallel_loop3A_379 = arith.constant 48 : i32
          %parallel_loop3A_380 = vector.broadcast %parallel_loop3A_379 : i32 to vector<16xi32>
          %parallel_loop3A_381 = arith.addi %iota3A, %parallel_loop3A_380 : vector<16xi32>
          %parallel_loop3A_382 = arith.constant 32 : i32
          %parallel_loop3A_383 = vector.broadcast %parallel_loop3A_382 : i32 to vector<16xi32>
          %parallel_loop3A_384 = arith.muli %parallel_loop3A_381, %parallel_loop3A_383 : vector<16xi32>
          %parallel_loop3A_385 = vector.broadcast %parallel_loop3A_217 : i32 to vector<16xi32>
          %parallel_loop3A_386 = arith.addi %parallel_loop3A_384, %parallel_loop3A_385 : vector<16xi32>
          %parallel_loop3A_387 = arith.constant 7 : i32
          %parallel_loop3A_388 = vector.broadcast %parallel_loop3A_387 : i32 to vector<16xi32>
          %parallel_loop3A_389 = arith.shrui %parallel_loop3A_386, %parallel_loop3A_388 : vector<16xi32>
          %parallel_loop3A_390 = arith.constant 127 : i32
          %parallel_loop3A_391 = vector.broadcast %parallel_loop3A_390 : i32 to vector<16xi32>
          %parallel_loop3A_392 = arith.andi %parallel_loop3A_386, %parallel_loop3A_391 : vector<16xi32>
          %parallel_loop3A_393 = arith.constant 0 : i32
          %parallel_loop3A_394 = arith.constant 0 : i32
          %parallel_loop3A_395 = tpu.memref_slice %arg5[%parallel_loop3A_171, %parallel_loop3A_393, %parallel_loop3A_394] : memref<2x32x128xf32, #tpu.memory_space<vmem>> -> memref<1x32x128xf32, #tpu.memory_space<vmem>>
          %parallel_loop3A_396 = tpu.memref_squeeze %parallel_loop3A_395 : memref<1x32x128xf32, #tpu.memory_space<vmem>> -> memref<32x128xf32, #tpu.memory_space<vmem>>
          tpu.vector_store_idx %parallel_loop3A_396[%parallel_loop3A_389, %parallel_loop3A_392], %parallel_loop3A_378 : memref<32x128xf32, #tpu.memory_space<vmem>>[vector<16xi32>, vector<16xi32>], vector<16xf32>,
          %parallel_loop3A_397 = arith.constant 0 : i32
          %parallel_loop3A_398 = arith.constant 0 : i32
          %parallel_loop3A_399 = tpu.memref_slice %arg4[%parallel_loop3A_170, %parallel_loop3A_397, %parallel_loop3A_398] : memref<2x64x129xf32, #tpu.memory_space<vmem>> -> memref<1x64x129xf32, #tpu.memory_space<vmem>>
          %parallel_loop3A_400 = tpu.memref_squeeze %parallel_loop3A_399 : memref<1x64x129xf32, #tpu.memory_space<vmem>> -> memref<64x129xf32, #tpu.memory_space<vmem>>
          %parallel_loop3A_401 = arith.index_cast %parallel_loop3A_220 : i32 to index
          %parallel_loop3A_402 = arith.constant 64 : index
          %parallel_loop3A_403 = tpu.vector_load %parallel_loop3A_400[%parallel_loop3A_401, %parallel_loop3A_402] {strides = array<i32>} : memref<64x129xf32, #tpu.memory_space<vmem>>, vector<16xf32>,
          %parallel_loop3A_404 = arith.constant 16 : i32
          %parallel_loop3A_405 = arith.addi %parallel_loop3A_220, %parallel_loop3A_404 : i32
          %parallel_loop3A_406 = arith.constant 0 : i32
          %parallel_loop3A_407 = arith.constant 0 : i32
          %parallel_loop3A_408 = tpu.memref_slice %arg4[%parallel_loop3A_170, %parallel_loop3A_406, %parallel_loop3A_407] : memref<2x64x129xf32, #tpu.memory_space<vmem>> -> memref<1x64x129xf32, #tpu.memory_space<vmem>>
          %parallel_loop3A_409 = tpu.memref_squeeze %parallel_loop3A_408 : memref<1x64x129xf32, #tpu.memory_space<vmem>> -> memref<64x129xf32, #tpu.memory_space<vmem>>
          %parallel_loop3A_410 = arith.index_cast %parallel_loop3A_405 : i32 to index
          %parallel_loop3A_411 = arith.constant 64 : index
          %parallel_loop3A_412 = tpu.vector_load %parallel_loop3A_409[%parallel_loop3A_410, %parallel_loop3A_411] {strides = array<i32>} : memref<64x129xf32, #tpu.memory_space<vmem>>, vector<16xf32>,
          %parallel_loop3A_413 = vector.bitcast %parallel_loop3A_403 : vector<16xf32> to vector<16xi32>
          %parallel_loop3A_414 = vector.bitcast %parallel_loop3A_412 : vector<16xf32> to vector<16xi32>
          %parallel_loop3A_415 = arith.addi %parallel_loop3A_413, %broadcast_in_dim3A_1 : vector<16xi32>
          %parallel_loop3A_416 = arith.constant 16 : i32
          %parallel_loop3A_417 = vector.broadcast %parallel_loop3A_416 : i32 to vector<16xi32>
          %parallel_loop3A_418 = arith.shrui %parallel_loop3A_415, %parallel_loop3A_417 : vector<16xi32>
          %parallel_loop3A_419 = arith.addi %parallel_loop3A_414, %broadcast_in_dim3A_1 : vector<16xi32>
          %parallel_loop3A_420 = arith.andi %parallel_loop3A_419, %broadcast_in_dim3A_3 : vector<16xi32>
          %parallel_loop3A_421 = arith.ori %parallel_loop3A_420, %parallel_loop3A_418 : vector<16xi32>
          %parallel_loop3A_422 = vector.bitcast %parallel_loop3A_421 : vector<16xi32> to vector<16xf32>
          %parallel_loop3A_423 = arith.constant 64 : i32
          %parallel_loop3A_424 = vector.broadcast %parallel_loop3A_423 : i32 to vector<16xi32>
          %parallel_loop3A_425 = arith.addi %iota3A, %parallel_loop3A_424 : vector<16xi32>
          %parallel_loop3A_426 = arith.constant 32 : i32
          %parallel_loop3A_427 = vector.broadcast %parallel_loop3A_426 : i32 to vector<16xi32>
          %parallel_loop3A_428 = arith.muli %parallel_loop3A_425, %parallel_loop3A_427 : vector<16xi32>
          %parallel_loop3A_429 = vector.broadcast %parallel_loop3A_217 : i32 to vector<16xi32>
          %parallel_loop3A_430 = arith.addi %parallel_loop3A_428, %parallel_loop3A_429 : vector<16xi32>
          %parallel_loop3A_431 = arith.constant 7 : i32
          %parallel_loop3A_432 = vector.broadcast %parallel_loop3A_431 : i32 to vector<16xi32>
          %parallel_loop3A_433 = arith.shrui %parallel_loop3A_430, %parallel_loop3A_432 : vector<16xi32>
          %parallel_loop3A_434 = arith.constant 127 : i32
          %parallel_loop3A_435 = vector.broadcast %parallel_loop3A_434 : i32 to vector<16xi32>
          %parallel_loop3A_436 = arith.andi %parallel_loop3A_430, %parallel_loop3A_435 : vector<16xi32>
          %parallel_loop3A_437 = arith.constant 0 : i32
          %parallel_loop3A_438 = arith.constant 0 : i32
          %parallel_loop3A_439 = tpu.memref_slice %arg5[%parallel_loop3A_171, %parallel_loop3A_437, %parallel_loop3A_438] : memref<2x32x128xf32, #tpu.memory_space<vmem>> -> memref<1x32x128xf32, #tpu.memory_space<vmem>>
          %parallel_loop3A_440 = tpu.memref_squeeze %parallel_loop3A_439 : memref<1x32x128xf32, #tpu.memory_space<vmem>> -> memref<32x128xf32, #tpu.memory_space<vmem>>
          tpu.vector_store_idx %parallel_loop3A_440[%parallel_loop3A_433, %parallel_loop3A_436], %parallel_loop3A_422 : memref<32x128xf32, #tpu.memory_space<vmem>>[vector<16xi32>, vector<16xi32>], vector<16xf32>,
          %parallel_loop3A_441 = arith.constant 0 : i32
          %parallel_loop3A_442 = arith.constant 0 : i32
          %parallel_loop3A_443 = tpu.memref_slice %arg4[%parallel_loop3A_170, %parallel_loop3A_441, %parallel_loop3A_442] : memref<2x64x129xf32, #tpu.memory_space<vmem>> -> memref<1x64x129xf32, #tpu.memory_space<vmem>>
          %parallel_loop3A_444 = tpu.memref_squeeze %parallel_loop3A_443 : memref<1x64x129xf32, #tpu.memory_space<vmem>> -> memref<64x129xf32, #tpu.memory_space<vmem>>
          %parallel_loop3A_445 = arith.index_cast %parallel_loop3A_220 : i32 to index
          %parallel_loop3A_446 = arith.constant 80 : index
          %parallel_loop3A_447 = tpu.vector_load %parallel_loop3A_444[%parallel_loop3A_445, %parallel_loop3A_446] {strides = array<i32>} : memref<64x129xf32, #tpu.memory_space<vmem>>, vector<16xf32>,
          %parallel_loop3A_448 = arith.constant 16 : i32
          %parallel_loop3A_449 = arith.addi %parallel_loop3A_220, %parallel_loop3A_448 : i32
          %parallel_loop3A_450 = arith.constant 0 : i32
          %parallel_loop3A_451 = arith.constant 0 : i32
          %parallel_loop3A_452 = tpu.memref_slice %arg4[%parallel_loop3A_170, %parallel_loop3A_450, %parallel_loop3A_451] : memref<2x64x129xf32, #tpu.memory_space<vmem>> -> memref<1x64x129xf32, #tpu.memory_space<vmem>>
          %parallel_loop3A_453 = tpu.memref_squeeze %parallel_loop3A_452 : memref<1x64x129xf32, #tpu.memory_space<vmem>> -> memref<64x129xf32, #tpu.memory_space<vmem>>
          %parallel_loop3A_454 = arith.index_cast %parallel_loop3A_449 : i32 to index
          %parallel_loop3A_455 = arith.constant 80 : index
          %parallel_loop3A_456 = tpu.vector_load %parallel_loop3A_453[%parallel_loop3A_454, %parallel_loop3A_455] {strides = array<i32>} : memref<64x129xf32, #tpu.memory_space<vmem>>, vector<16xf32>,
          %parallel_loop3A_457 = vector.bitcast %parallel_loop3A_447 : vector<16xf32> to vector<16xi32>
          %parallel_loop3A_458 = vector.bitcast %parallel_loop3A_456 : vector<16xf32> to vector<16xi32>
          %parallel_loop3A_459 = arith.addi %parallel_loop3A_457, %broadcast_in_dim3A_1 : vector<16xi32>
          %parallel_loop3A_460 = arith.constant 16 : i32
          %parallel_loop3A_461 = vector.broadcast %parallel_loop3A_460 : i32 to vector<16xi32>
          %parallel_loop3A_462 = arith.shrui %parallel_loop3A_459, %parallel_loop3A_461 : vector<16xi32>
          %parallel_loop3A_463 = arith.addi %parallel_loop3A_458, %broadcast_in_dim3A_1 : vector<16xi32>
          %parallel_loop3A_464 = arith.andi %parallel_loop3A_463, %broadcast_in_dim3A_3 : vector<16xi32>
          %parallel_loop3A_465 = arith.ori %parallel_loop3A_464, %parallel_loop3A_462 : vector<16xi32>
          %parallel_loop3A_466 = vector.bitcast %parallel_loop3A_465 : vector<16xi32> to vector<16xf32>
          %parallel_loop3A_467 = arith.constant 80 : i32
          %parallel_loop3A_468 = vector.broadcast %parallel_loop3A_467 : i32 to vector<16xi32>
          %parallel_loop3A_469 = arith.addi %iota3A, %parallel_loop3A_468 : vector<16xi32>
          %parallel_loop3A_470 = arith.constant 32 : i32
          %parallel_loop3A_471 = vector.broadcast %parallel_loop3A_470 : i32 to vector<16xi32>
          %parallel_loop3A_472 = arith.muli %parallel_loop3A_469, %parallel_loop3A_471 : vector<16xi32>
          %parallel_loop3A_473 = vector.broadcast %parallel_loop3A_217 : i32 to vector<16xi32>
          %parallel_loop3A_474 = arith.addi %parallel_loop3A_472, %parallel_loop3A_473 : vector<16xi32>
          %parallel_loop3A_475 = arith.constant 7 : i32
          %parallel_loop3A_476 = vector.broadcast %parallel_loop3A_475 : i32 to vector<16xi32>
          %parallel_loop3A_477 = arith.shrui %parallel_loop3A_474, %parallel_loop3A_476 : vector<16xi32>
          %parallel_loop3A_478 = arith.constant 127 : i32
          %parallel_loop3A_479 = vector.broadcast %parallel_loop3A_478 : i32 to vector<16xi32>
          %parallel_loop3A_480 = arith.andi %parallel_loop3A_474, %parallel_loop3A_479 : vector<16xi32>
          %parallel_loop3A_481 = arith.constant 0 : i32
          %parallel_loop3A_482 = arith.constant 0 : i32
          %parallel_loop3A_483 = tpu.memref_slice %arg5[%parallel_loop3A_171, %parallel_loop3A_481, %parallel_loop3A_482] : memref<2x32x128xf32, #tpu.memory_space<vmem>> -> memref<1x32x128xf32, #tpu.memory_space<vmem>>
          %parallel_loop3A_484 = tpu.memref_squeeze %parallel_loop3A_483 : memref<1x32x128xf32, #tpu.memory_space<vmem>> -> memref<32x128xf32, #tpu.memory_space<vmem>>
          tpu.vector_store_idx %parallel_loop3A_484[%parallel_loop3A_477, %parallel_loop3A_480], %parallel_loop3A_466 : memref<32x128xf32, #tpu.memory_space<vmem>>[vector<16xi32>, vector<16xi32>], vector<16xf32>,
          %parallel_loop3A_485 = arith.constant 0 : i32
          %parallel_loop3A_486 = arith.constant 0 : i32
          %parallel_loop3A_487 = tpu.memref_slice %arg4[%parallel_loop3A_170, %parallel_loop3A_485, %parallel_loop3A_486] : memref<2x64x129xf32, #tpu.memory_space<vmem>> -> memref<1x64x129xf32, #tpu.memory_space<vmem>>
          %parallel_loop3A_488 = tpu.memref_squeeze %parallel_loop3A_487 : memref<1x64x129xf32, #tpu.memory_space<vmem>> -> memref<64x129xf32, #tpu.memory_space<vmem>>
          %parallel_loop3A_489 = arith.index_cast %parallel_loop3A_220 : i32 to index
          %parallel_loop3A_490 = arith.constant 96 : index
          %parallel_loop3A_491 = tpu.vector_load %parallel_loop3A_488[%parallel_loop3A_489, %parallel_loop3A_490] {strides = array<i32>} : memref<64x129xf32, #tpu.memory_space<vmem>>, vector<16xf32>,
          %parallel_loop3A_492 = arith.constant 16 : i32
          %parallel_loop3A_493 = arith.addi %parallel_loop3A_220, %parallel_loop3A_492 : i32
          %parallel_loop3A_494 = arith.constant 0 : i32
          %parallel_loop3A_495 = arith.constant 0 : i32
          %parallel_loop3A_496 = tpu.memref_slice %arg4[%parallel_loop3A_170, %parallel_loop3A_494, %parallel_loop3A_495] : memref<2x64x129xf32, #tpu.memory_space<vmem>> -> memref<1x64x129xf32, #tpu.memory_space<vmem>>
          %parallel_loop3A_497 = tpu.memref_squeeze %parallel_loop3A_496 : memref<1x64x129xf32, #tpu.memory_space<vmem>> -> memref<64x129xf32, #tpu.memory_space<vmem>>
          %parallel_loop3A_498 = arith.index_cast %parallel_loop3A_493 : i32 to index
          %parallel_loop3A_499 = arith.constant 96 : index
          %parallel_loop3A_500 = tpu.vector_load %parallel_loop3A_497[%parallel_loop3A_498, %parallel_loop3A_499] {strides = array<i32>} : memref<64x129xf32, #tpu.memory_space<vmem>>, vector<16xf32>,
          %parallel_loop3A_501 = vector.bitcast %parallel_loop3A_491 : vector<16xf32> to vector<16xi32>
          %parallel_loop3A_502 = vector.bitcast %parallel_loop3A_500 : vector<16xf32> to vector<16xi32>
          %parallel_loop3A_503 = arith.addi %parallel_loop3A_501, %broadcast_in_dim3A_1 : vector<16xi32>
          %parallel_loop3A_504 = arith.constant 16 : i32
          %parallel_loop3A_505 = vector.broadcast %parallel_loop3A_504 : i32 to vector<16xi32>
          %parallel_loop3A_506 = arith.shrui %parallel_loop3A_503, %parallel_loop3A_505 : vector<16xi32>
          %parallel_loop3A_507 = arith.addi %parallel_loop3A_502, %broadcast_in_dim3A_1 : vector<16xi32>
          %parallel_loop3A_508 = arith.andi %parallel_loop3A_507, %broadcast_in_dim3A_3 : vector<16xi32>
          %parallel_loop3A_509 = arith.ori %parallel_loop3A_508, %parallel_loop3A_506 : vector<16xi32>
          %parallel_loop3A_510 = vector.bitcast %parallel_loop3A_509 : vector<16xi32> to vector<16xf32>
          %parallel_loop3A_511 = arith.constant 96 : i32
          %parallel_loop3A_512 = vector.broadcast %parallel_loop3A_511 : i32 to vector<16xi32>
          %parallel_loop3A_513 = arith.addi %iota3A, %parallel_loop3A_512 : vector<16xi32>
          %parallel_loop3A_514 = arith.constant 32 : i32
          %parallel_loop3A_515 = vector.broadcast %parallel_loop3A_514 : i32 to vector<16xi32>
          %parallel_loop3A_516 = arith.muli %parallel_loop3A_513, %parallel_loop3A_515 : vector<16xi32>
          %parallel_loop3A_517 = vector.broadcast %parallel_loop3A_217 : i32 to vector<16xi32>
          %parallel_loop3A_518 = arith.addi %parallel_loop3A_516, %parallel_loop3A_517 : vector<16xi32>
          %parallel_loop3A_519 = arith.constant 7 : i32
          %parallel_loop3A_520 = vector.broadcast %parallel_loop3A_519 : i32 to vector<16xi32>
          %parallel_loop3A_521 = arith.shrui %parallel_loop3A_518, %parallel_loop3A_520 : vector<16xi32>
          %parallel_loop3A_522 = arith.constant 127 : i32
          %parallel_loop3A_523 = vector.broadcast %parallel_loop3A_522 : i32 to vector<16xi32>
          %parallel_loop3A_524 = arith.andi %parallel_loop3A_518, %parallel_loop3A_523 : vector<16xi32>
          %parallel_loop3A_525 = arith.constant 0 : i32
          %parallel_loop3A_526 = arith.constant 0 : i32
          %parallel_loop3A_527 = tpu.memref_slice %arg5[%parallel_loop3A_171, %parallel_loop3A_525, %parallel_loop3A_526] : memref<2x32x128xf32, #tpu.memory_space<vmem>> -> memref<1x32x128xf32, #tpu.memory_space<vmem>>
          %parallel_loop3A_528 = tpu.memref_squeeze %parallel_loop3A_527 : memref<1x32x128xf32, #tpu.memory_space<vmem>> -> memref<32x128xf32, #tpu.memory_space<vmem>>
          tpu.vector_store_idx %parallel_loop3A_528[%parallel_loop3A_521, %parallel_loop3A_524], %parallel_loop3A_510 : memref<32x128xf32, #tpu.memory_space<vmem>>[vector<16xi32>, vector<16xi32>], vector<16xf32>,
          %parallel_loop3A_529 = arith.constant 0 : i32
          %parallel_loop3A_530 = arith.constant 0 : i32
          %parallel_loop3A_531 = tpu.memref_slice %arg4[%parallel_loop3A_170, %parallel_loop3A_529, %parallel_loop3A_530] : memref<2x64x129xf32, #tpu.memory_space<vmem>> -> memref<1x64x129xf32, #tpu.memory_space<vmem>>
          %parallel_loop3A_532 = tpu.memref_squeeze %parallel_loop3A_531 : memref<1x64x129xf32, #tpu.memory_space<vmem>> -> memref<64x129xf32, #tpu.memory_space<vmem>>
          %parallel_loop3A_533 = arith.index_cast %parallel_loop3A_220 : i32 to index
          %parallel_loop3A_534 = arith.constant 112 : index
          %parallel_loop3A_535 = tpu.vector_load %parallel_loop3A_532[%parallel_loop3A_533, %parallel_loop3A_534] {strides = array<i32>} : memref<64x129xf32, #tpu.memory_space<vmem>>, vector<16xf32>,
          %parallel_loop3A_536 = arith.constant 16 : i32
          %parallel_loop3A_537 = arith.addi %parallel_loop3A_220, %parallel_loop3A_536 : i32
          %parallel_loop3A_538 = arith.constant 0 : i32
          %parallel_loop3A_539 = arith.constant 0 : i32
          %parallel_loop3A_540 = tpu.memref_slice %arg4[%parallel_loop3A_170, %parallel_loop3A_538, %parallel_loop3A_539] : memref<2x64x129xf32, #tpu.memory_space<vmem>> -> memref<1x64x129xf32, #tpu.memory_space<vmem>>
          %parallel_loop3A_541 = tpu.memref_squeeze %parallel_loop3A_540 : memref<1x64x129xf32, #tpu.memory_space<vmem>> -> memref<64x129xf32, #tpu.memory_space<vmem>>
          %parallel_loop3A_542 = arith.index_cast %parallel_loop3A_537 : i32 to index
          %parallel_loop3A_543 = arith.constant 112 : index
          %parallel_loop3A_544 = tpu.vector_load %parallel_loop3A_541[%parallel_loop3A_542, %parallel_loop3A_543] {strides = array<i32>} : memref<64x129xf32, #tpu.memory_space<vmem>>, vector<16xf32>,
          %parallel_loop3A_545 = vector.bitcast %parallel_loop3A_535 : vector<16xf32> to vector<16xi32>
          %parallel_loop3A_546 = vector.bitcast %parallel_loop3A_544 : vector<16xf32> to vector<16xi32>
          %parallel_loop3A_547 = arith.addi %parallel_loop3A_545, %broadcast_in_dim3A_1 : vector<16xi32>
          %parallel_loop3A_548 = arith.constant 16 : i32
          %parallel_loop3A_549 = vector.broadcast %parallel_loop3A_548 : i32 to vector<16xi32>
          %parallel_loop3A_550 = arith.shrui %parallel_loop3A_547, %parallel_loop3A_549 : vector<16xi32>
          %parallel_loop3A_551 = arith.addi %parallel_loop3A_546, %broadcast_in_dim3A_1 : vector<16xi32>
          %parallel_loop3A_552 = arith.andi %parallel_loop3A_551, %broadcast_in_dim3A_3 : vector<16xi32>
          %parallel_loop3A_553 = arith.ori %parallel_loop3A_552, %parallel_loop3A_550 : vector<16xi32>
          %parallel_loop3A_554 = vector.bitcast %parallel_loop3A_553 : vector<16xi32> to vector<16xf32>
          %parallel_loop3A_555 = arith.constant 112 : i32
          %parallel_loop3A_556 = vector.broadcast %parallel_loop3A_555 : i32 to vector<16xi32>
          %parallel_loop3A_557 = arith.addi %iota3A, %parallel_loop3A_556 : vector<16xi32>
          %parallel_loop3A_558 = arith.constant 32 : i32
          %parallel_loop3A_559 = vector.broadcast %parallel_loop3A_558 : i32 to vector<16xi32>
          %parallel_loop3A_560 = arith.muli %parallel_loop3A_557, %parallel_loop3A_559 : vector<16xi32>
          %parallel_loop3A_561 = vector.broadcast %parallel_loop3A_217 : i32 to vector<16xi32>
          %parallel_loop3A_562 = arith.addi %parallel_loop3A_560, %parallel_loop3A_561 : vector<16xi32>
          %parallel_loop3A_563 = arith.constant 7 : i32
          %parallel_loop3A_564 = vector.broadcast %parallel_loop3A_563 : i32 to vector<16xi32>
          %parallel_loop3A_565 = arith.shrui %parallel_loop3A_562, %parallel_loop3A_564 : vector<16xi32>
          %parallel_loop3A_566 = arith.constant 127 : i32
          %parallel_loop3A_567 = vector.broadcast %parallel_loop3A_566 : i32 to vector<16xi32>
          %parallel_loop3A_568 = arith.andi %parallel_loop3A_562, %parallel_loop3A_567 : vector<16xi32>
          %parallel_loop3A_569 = arith.constant 0 : i32
          %parallel_loop3A_570 = arith.constant 0 : i32
          %parallel_loop3A_571 = tpu.memref_slice %arg5[%parallel_loop3A_171, %parallel_loop3A_569, %parallel_loop3A_570] : memref<2x32x128xf32, #tpu.memory_space<vmem>> -> memref<1x32x128xf32, #tpu.memory_space<vmem>>
          %parallel_loop3A_572 = tpu.memref_squeeze %parallel_loop3A_571 : memref<1x32x128xf32, #tpu.memory_space<vmem>> -> memref<32x128xf32, #tpu.memory_space<vmem>>
          tpu.vector_store_idx %parallel_loop3A_572[%parallel_loop3A_565, %parallel_loop3A_568], %parallel_loop3A_554 : memref<32x128xf32, #tpu.memory_space<vmem>>[vector<16xi32>, vector<16xi32>], vector<16xf32>,
        } {sc.loop_unroll_factor = 8 : i64, sc.parallel_access}
        %mul3A_172 = arith.constant 32 : i32
        %mul3A_173 = arith.muli %add3A_118, %mul3A_172 : i32
        %add3A_174 = arith.addi %add3A, %mul3A_173 : i32
        %min3A_175 = arith.constant 7811 : i32
        %min3A_176 = arith.minsi %add3A_174, %min3A_175 : i32
        %mul3A_177 = arith.constant 128 : i32
        %mul3A_178 = arith.muli %min3A_176, %mul3A_177 : i32
        %jit3A_179 = arith.constant 4 : i32
        %div3A_180 = arith.divsi %mul3A_178, %jit3A_179 : i32
        %sign3A_181 = arith.constant 0 : i32
        %sign3A_182 = arith.cmpi sgt, %mul3A_178, %sign3A_181 : i32
        %sign3A_183 = arith.extui %sign3A_182 : i1 to i32
        %sign3A_184 = arith.constant 0 : i32
        %sign3A_185 = arith.cmpi slt, %mul3A_178, %sign3A_184 : i32
        %sign3A_186 = arith.extui %sign3A_185 : i1 to i32
        %sign3A_187 = arith.subi %sign3A_183, %sign3A_186 : i32
        %sign3A_188 = arith.constant 0 : i32
        %sign3A_189 = arith.cmpi sgt, %jit3A_179, %sign3A_188 : i32
        %sign3A_190 = arith.extui %sign3A_189 : i1 to i32
        %sign3A_191 = arith.constant 0 : i32
        %sign3A_192 = arith.cmpi slt, %jit3A_179, %sign3A_191 : i32
        %sign3A_193 = arith.extui %sign3A_192 : i1 to i32
        %sign3A_194 = arith.subi %sign3A_190, %sign3A_193 : i32
        %ne3A_195 = arith.cmpi ne, %sign3A_187, %sign3A_194 : i32
        %rem3A_196 = arith.remsi %mul3A_178, %jit3A_179 : i32
        %ne3A_197 = arith.constant 0 : i32
        %ne3A_198 = arith.cmpi ne, %rem3A_196, %ne3A_197 : i32
        %and3A_199 = arith.andi %ne3A_195, %ne3A_198 : i1
        %sub3A_200 = arith.constant 1 : i32
        %sub3A_201 = arith.subi %div3A_180, %sub3A_200 : i32
        %select_n3A_202 = arith.select %and3A_199, %sub3A_201, %div3A_180 : i32
        %multiple_of3A_203 = tpu.assume_multiple %select_n3A_202, 32 : i32
        %dma_start3A_204 = arith.constant 0 : i32
        %dma_start3A_205 = arith.constant 0 : i32
        %dma_start3A_206 = arith.constant 0 : i32
        %dma_start3A_207 = tpu.memref_slice %arg5[%dma_start3A_204, %dma_start3A_205, %dma_start3A_206] : memref<2x32x128xf32, #tpu.memory_space<vmem>> -> memref<1x32x128xf32, #tpu.memory_space<vmem>>
        %dma_start3A_208 = tpu.memref_squeeze %dma_start3A_207 : memref<1x32x128xf32, #tpu.memory_space<vmem>> -> memref<32x128xf32, #tpu.memory_space<vmem>>
        %dma_start3A_209 = arith.constant 0 : i32
        %dma_start3A_210 = tpu.memref_slice %arg3[%multiple_of3A_203, %dma_start3A_209] : memref<250000x128xf32, #tpu.memory_space<hbm>> -> memref<32x128xf32, #tpu.memory_space<hbm>>
        %dma_start3A_211 = arith.constant 0 : i32
        %dma_start3A_212 = tpu.memref_slice %arg3[%multiple_of3A_203, %dma_start3A_211] : memref<250000x128xf32, #tpu.memory_space<hbm>> -> memref<32x128xf32, #tpu.memory_space<hbm>>
        %dma_start3A_213 = arith.constant 0 : i32
        %dma_start3A_214 = arith.constant 0 : i32
        %dma_start3A_215 = tpu.memref_slice %arg5[%dma_start3A_204, %dma_start3A_213, %dma_start3A_214] : memref<2x32x128xf32, #tpu.memory_space<vmem>> -> memref<1x32x128xf32, #tpu.memory_space<vmem>>
        %dma_start3A_216 = tpu.memref_squeeze %dma_start3A_215 : memref<1x32x128xf32, #tpu.memory_space<vmem>> -> memref<32x128xf32, #tpu.memory_space<vmem>>
        tpu.enqueue_dma source(%dma_start3A_216 : memref<32x128xf32, #tpu.memory_space<vmem>>) target(%dma_start3A_212 : memref<32x128xf32, #tpu.memory_space<hbm>>) target_semaphore(%arg10 : memref<!tpu.dma_semaphore, #tpu.memory_space<semaphore_mem>>)
      } else {
      }
      %add3A_123 = arith.constant 1 : i32
      %add3A_124 = arith.addi %add3A_116, %add3A_123 : i32
      %lt3A_125 = arith.constant 245 : i32
      %lt3A_126 = arith.cmpi slt, %add3A_124, %lt3A_125 : i32
      %convert_element_type3A_127 = arith.extui %lt3A_126 : i1 to i32
      %cond3A_128 = arith.constant 0 : i32
      %cond3A_129 = arith.cmpi ne, %convert_element_type3A_127, %cond3A_128 : i32
      scf.if %cond3A_129 {
        %add3A_130 = arith.constant 1 : i32
        %add3A_131 = arith.addi %add3A_124, %add3A_130 : i32
        %lt3A_132 = arith.constant 245 : i32
        %lt3A_133 = arith.cmpi slt, %add3A_131, %lt3A_132 : i32
        %convert_element_type3A_134 = arith.extui %lt3A_133 : i1 to i32
        %cond3A_135 = arith.constant 0 : i32
        %cond3A_136 = arith.cmpi ne, %convert_element_type3A_134, %cond3A_135 : i32
        scf.if %cond3A_136 {
          %add3A_217 = arith.constant 1 : i32
          %add3A_218 = arith.addi %add3A_124, %add3A_217 : i32
          %mul3A_219 = arith.constant 32 : i32
          %mul3A_220 = arith.muli %add3A_218, %mul3A_219 : i32
          %add3A_221 = arith.addi %add3A, %mul3A_220 : i32
          %min3A_222 = arith.constant 7811 : i32
          %min3A_223 = arith.minsi %add3A_221, %min3A_222 : i32
          %mul3A_224 = arith.constant 128 : i32
          %mul3A_225 = arith.muli %min3A_223, %mul3A_224 : i32
          %multiple_of3A_226 = tpu.assume_multiple %mul3A_225, 128 : i32
          %dma_start3A_227 = arith.constant 0 : i32
          %dma_start3A_228 = arith.constant 0 : i32
          %dma_start3A_229 = arith.constant 0 : i32
          %dma_start3A_230 = tpu.memref_slice %arg4[%dma_start3A_227, %dma_start3A_228, %dma_start3A_229] : memref<2x64x129xf32, #tpu.memory_space<vmem>> -> memref<1x64x129xf32, #tpu.memory_space<vmem>>
          %dma_start3A_231 = tpu.memref_squeeze %dma_start3A_230 : memref<1x64x129xf32, #tpu.memory_space<vmem>> -> memref<64x129xf32, #tpu.memory_space<vmem>>
          %dma_start3A_232 = arith.constant 0 : i32
          %dma_start3A_233 = arith.constant 0 : i32
          %dma_start3A_234 = tpu.memref_slice %dma_start3A_231[%dma_start3A_232, %dma_start3A_233] : memref<64x129xf32, #tpu.memory_space<vmem>> -> memref<64x128xf32, #tpu.memory_space<vmem>>
          %dma_start3A_235 = arith.constant 0 : i32
          %dma_start3A_236 = tpu.memref_slice %arg2[%dma_start3A_235, %multiple_of3A_226] : memref<64x1000000xf32, #tpu.memory_space<hbm>> -> memref<64x128xf32, #tpu.memory_space<hbm>>
          %dma_start3A_237 = arith.constant 0 : i32
          %dma_start3A_238 = arith.constant 0 : i32
          %dma_start3A_239 = tpu.memref_slice %arg4[%dma_start3A_227, %dma_start3A_237, %dma_start3A_238] : memref<2x64x129xf32, #tpu.memory_space<vmem>> -> memref<1x64x129xf32, #tpu.memory_space<vmem>>
          %dma_start3A_240 = tpu.memref_squeeze %dma_start3A_239 : memref<1x64x129xf32, #tpu.memory_space<vmem>> -> memref<64x129xf32, #tpu.memory_space<vmem>>
          %dma_start3A_241 = arith.constant 0 : i32
          %dma_start3A_242 = arith.constant 0 : i32
          %dma_start3A_243 = tpu.memref_slice %dma_start3A_240[%dma_start3A_241, %dma_start3A_242] : memref<64x129xf32, #tpu.memory_space<vmem>> -> memref<64x128xf32, #tpu.memory_space<vmem>>
          %dma_start3A_244 = arith.constant 0 : i32
          %dma_start3A_245 = tpu.memref_slice %arg2[%dma_start3A_244, %multiple_of3A_226] : memref<64x1000000xf32, #tpu.memory_space<hbm>> -> memref<64x128xf32, #tpu.memory_space<hbm>>
          tpu.enqueue_dma source(%dma_start3A_245 : memref<64x128xf32, #tpu.memory_space<hbm>>) target(%dma_start3A_243 : memref<64x128xf32, #tpu.memory_space<vmem>>) target_semaphore(%arg8 : memref<!tpu.dma_semaphore, #tpu.memory_space<semaphore_mem>>)
        } else {
        }
        %mul3A_137 = arith.constant 32 : i32
        %mul3A_138 = arith.muli %add3A_124, %mul3A_137 : i32
        %add3A_139 = arith.addi %add3A, %mul3A_138 : i32
        %min3A_140 = arith.constant 7811 : i32
        %min3A_141 = arith.minsi %add3A_139, %min3A_140 : i32
        %mul3A_142 = arith.constant 128 : i32
        %mul3A_143 = arith.muli %min3A_141, %mul3A_142 : i32
        %multiple_of3A_144 = tpu.assume_multiple %mul3A_143, 128 : i32
        %dma_wait3A_145 = arith.constant 1 : i32
        %dma_wait3A_146 = arith.constant 0 : i32
        %dma_wait3A_147 = arith.constant 0 : i32
        %dma_wait3A_148 = tpu.memref_slice %arg4[%dma_wait3A_145, %dma_wait3A_146, %dma_wait3A_147] : memref<2x64x129xf32, #tpu.memory_space<vmem>> -> memref<1x64x129xf32, #tpu.memory_space<vmem>>
        %dma_wait3A_149 = tpu.memref_squeeze %dma_wait3A_148 : memref<1x64x129xf32, #tpu.memory_space<vmem>> -> memref<64x129xf32, #tpu.memory_space<vmem>>
        %dma_wait3A_150 = arith.constant 0 : i32
        %dma_wait3A_151 = arith.constant 0 : i32
        %dma_wait3A_152 = tpu.memref_slice %dma_wait3A_149[%dma_wait3A_150, %dma_wait3A_151] : memref<64x129xf32, #tpu.memory_space<vmem>> -> memref<64x128xf32, #tpu.memory_space<vmem>>
        %dma_wait3A_153 = arith.constant 0 : i32
        %dma_wait3A_154 = tpu.memref_slice %arg2[%dma_wait3A_153, %multiple_of3A_144] : memref<64x1000000xf32, #tpu.memory_space<hbm>> -> memref<64x128xf32, #tpu.memory_space<hbm>>
        %dma_wait3A_155 = arith.constant 0 : i32
        %dma_wait3A_156 = arith.constant 0 : i32
        %dma_wait3A_157 = tpu.memref_slice %arg4[%dma_wait3A_145, %dma_wait3A_155, %dma_wait3A_156] : memref<2x64x129xf32, #tpu.memory_space<vmem>> -> memref<1x64x129xf32, #tpu.memory_space<vmem>>
        %dma_wait3A_158 = tpu.memref_squeeze %dma_wait3A_157 : memref<1x64x129xf32, #tpu.memory_space<vmem>> -> memref<64x129xf32, #tpu.memory_space<vmem>>
        %dma_wait3A_159 = arith.constant 0 : i32
        %dma_wait3A_160 = arith.constant 0 : i32
        %dma_wait3A_161 = tpu.memref_slice %dma_wait3A_158[%dma_wait3A_159, %dma_wait3A_160] : memref<64x129xf32, #tpu.memory_space<vmem>> -> memref<64x128xf32, #tpu.memory_space<vmem>>
        %dma_wait3A_162 = arith.constant 0 : i32
        %dma_wait3A_163 = tpu.memref_slice %arg2[%dma_wait3A_162, %multiple_of3A_144] : memref<64x1000000xf32, #tpu.memory_space<hbm>> -> memref<64x128xf32, #tpu.memory_space<hbm>>
        tpu.wait_dma2 semaphore(%arg9 : memref<!tpu.dma_semaphore, #tpu.memory_space<semaphore_mem>>) src(%dma_wait3A_163 : memref<64x128xf32, #tpu.memory_space<hbm>>) dst(%dma_wait3A_161 : memref<64x128xf32, #tpu.memory_space<vmem>>)
        %ge3A = arith.constant 2 : i32
        %ge3A_164 = arith.cmpi sge, %add3A_124, %ge3A : i32
        %convert_element_type3A_165 = arith.extui %ge3A_164 : i1 to i32
        %cond3A_166 = arith.constant 0 : i32
        %cond3A_167 = arith.cmpi ne, %convert_element_type3A_165, %cond3A_166 : i32
        scf.if %cond3A_167 {
          %sub3A_217 = arith.constant 2 : i32
          %sub3A_218 = arith.subi %add3A_124, %sub3A_217 : i32
          %mul3A_219 = arith.constant 32 : i32
          %mul3A_220 = arith.muli %sub3A_218, %mul3A_219 : i32
          %add3A_221 = arith.addi %add3A, %mul3A_220 : i32
          %min3A_222 = arith.constant 7811 : i32
          %min3A_223 = arith.minsi %add3A_221, %min3A_222 : i32
          %mul3A_224 = arith.constant 128 : i32
          %mul3A_225 = arith.muli %min3A_223, %mul3A_224 : i32
          %jit3A_226 = arith.constant 4 : i32
          %div3A_227 = arith.divsi %mul3A_225, %jit3A_226 : i32
          %sign3A_228 = arith.constant 0 : i32
          %sign3A_229 = arith.cmpi sgt, %mul3A_225, %sign3A_228 : i32
          %sign3A_230 = arith.extui %sign3A_229 : i1 to i32
          %sign3A_231 = arith.constant 0 : i32
          %sign3A_232 = arith.cmpi slt, %mul3A_225, %sign3A_231 : i32
          %sign3A_233 = arith.extui %sign3A_232 : i1 to i32
          %sign3A_234 = arith.subi %sign3A_230, %sign3A_233 : i32
          %sign3A_235 = arith.constant 0 : i32
          %sign3A_236 = arith.cmpi sgt, %jit3A_226, %sign3A_235 : i32
          %sign3A_237 = arith.extui %sign3A_236 : i1 to i32
          %sign3A_238 = arith.constant 0 : i32
          %sign3A_239 = arith.cmpi slt, %jit3A_226, %sign3A_238 : i32
          %sign3A_240 = arith.extui %sign3A_239 : i1 to i32
          %sign3A_241 = arith.subi %sign3A_237, %sign3A_240 : i32
          %ne3A_242 = arith.cmpi ne, %sign3A_234, %sign3A_241 : i32
          %rem3A_243 = arith.remsi %mul3A_225, %jit3A_226 : i32
          %ne3A_244 = arith.constant 0 : i32
          %ne3A_245 = arith.cmpi ne, %rem3A_243, %ne3A_244 : i32
          %and3A_246 = arith.andi %ne3A_242, %ne3A_245 : i1
          %sub3A_247 = arith.constant 1 : i32
          %sub3A_248 = arith.subi %div3A_227, %sub3A_247 : i32
          %select_n3A_249 = arith.select %and3A_246, %sub3A_248, %div3A_227 : i32
          %multiple_of3A_250 = tpu.assume_multiple %select_n3A_249, 32 : i32
          %dma_wait3A_251 = arith.constant 1 : i32
          %dma_wait3A_252 = arith.constant 0 : i32
          %dma_wait3A_253 = arith.constant 0 : i32
          %dma_wait3A_254 = tpu.memref_slice %arg5[%dma_wait3A_251, %dma_wait3A_252, %dma_wait3A_253] : memref<2x32x128xf32, #tpu.memory_space<vmem>> -> memref<1x32x128xf32, #tpu.memory_space<vmem>>
          %dma_wait3A_255 = tpu.memref_squeeze %dma_wait3A_254 : memref<1x32x128xf32, #tpu.memory_space<vmem>> -> memref<32x128xf32, #tpu.memory_space<vmem>>
          %dma_wait3A_256 = arith.constant 0 : i32
          %dma_wait3A_257 = tpu.memref_slice %arg3[%multiple_of3A_250, %dma_wait3A_256] : memref<250000x128xf32, #tpu.memory_space<hbm>> -> memref<32x128xf32, #tpu.memory_space<hbm>>
          %dma_wait3A_258 = arith.constant 0 : i32
          %dma_wait3A_259 = tpu.memref_slice %arg3[%multiple_of3A_250, %dma_wait3A_258] : memref<250000x128xf32, #tpu.memory_space<hbm>> -> memref<32x128xf32, #tpu.memory_space<hbm>>
          %dma_wait3A_260 = arith.constant 0 : i32
          %dma_wait3A_261 = arith.constant 0 : i32
          %dma_wait3A_262 = tpu.memref_slice %arg5[%dma_wait3A_251, %dma_wait3A_260, %dma_wait3A_261] : memref<2x32x128xf32, #tpu.memory_space<vmem>> -> memref<1x32x128xf32, #tpu.memory_space<vmem>>
          %dma_wait3A_263 = tpu.memref_squeeze %dma_wait3A_262 : memref<1x32x128xf32, #tpu.memory_space<vmem>> -> memref<32x128xf32, #tpu.memory_space<vmem>>
          tpu.wait_dma2 semaphore(%arg11 : memref<!tpu.dma_semaphore, #tpu.memory_space<semaphore_mem>>) src(%dma_wait3A_263 : memref<32x128xf32, #tpu.memory_space<vmem>>) dst(%dma_wait3A_259 : memref<32x128xf32, #tpu.memory_space<hbm>>)
        } else {
        }
        %parallel_loop3A = arith.constant 0 : i32
        %parallel_loop3A_168 = arith.constant 32 : i32
        %parallel_loop3A_169 = arith.constant 1 : i32
        %parallel_loop3A_170 = arith.constant 1 : i32
        %parallel_loop3A_171 = arith.constant 1 : i32
        scf.for %parallel_loop3A_217 = %parallel_loop3A to %parallel_loop3A_168 step %parallel_loop3A_169  : i32 {
          %parallel_loop3A_218 = arith.constant 16 : i32
          %parallel_loop3A_219 = arith.andi %parallel_loop3A_217, %parallel_loop3A_218 : i32
          %parallel_loop3A_220 = arith.addi %parallel_loop3A_217, %parallel_loop3A_219 : i32
          %parallel_loop3A_221 = arith.constant 0 : i32
          %parallel_loop3A_222 = arith.constant 0 : i32
          %parallel_loop3A_223 = tpu.memref_slice %arg4[%parallel_loop3A_170, %parallel_loop3A_221, %parallel_loop3A_222] : memref<2x64x129xf32, #tpu.memory_space<vmem>> -> memref<1x64x129xf32, #tpu.memory_space<vmem>>
          %parallel_loop3A_224 = tpu.memref_squeeze %parallel_loop3A_223 : memref<1x64x129xf32, #tpu.memory_space<vmem>> -> memref<64x129xf32, #tpu.memory_space<vmem>>
          %parallel_loop3A_225 = arith.index_cast %parallel_loop3A_220 : i32 to index
          %parallel_loop3A_226 = arith.constant 0 : index
          %parallel_loop3A_227 = tpu.vector_load %parallel_loop3A_224[%parallel_loop3A_225, %parallel_loop3A_226] {strides = array<i32>} : memref<64x129xf32, #tpu.memory_space<vmem>>, vector<16xf32>,
          %parallel_loop3A_228 = arith.constant 16 : i32
          %parallel_loop3A_229 = arith.addi %parallel_loop3A_220, %parallel_loop3A_228 : i32
          %parallel_loop3A_230 = arith.constant 0 : i32
          %parallel_loop3A_231 = arith.constant 0 : i32
          %parallel_loop3A_232 = tpu.memref_slice %arg4[%parallel_loop3A_170, %parallel_loop3A_230, %parallel_loop3A_231] : memref<2x64x129xf32, #tpu.memory_space<vmem>> -> memref<1x64x129xf32, #tpu.memory_space<vmem>>
          %parallel_loop3A_233 = tpu.memref_squeeze %parallel_loop3A_232 : memref<1x64x129xf32, #tpu.memory_space<vmem>> -> memref<64x129xf32, #tpu.memory_space<vmem>>
          %parallel_loop3A_234 = arith.index_cast %parallel_loop3A_229 : i32 to index
          %parallel_loop3A_235 = arith.constant 0 : index
          %parallel_loop3A_236 = tpu.vector_load %parallel_loop3A_233[%parallel_loop3A_234, %parallel_loop3A_235] {strides = array<i32>} : memref<64x129xf32, #tpu.memory_space<vmem>>, vector<16xf32>,
          %parallel_loop3A_237 = vector.bitcast %parallel_loop3A_227 : vector<16xf32> to vector<16xi32>
          %parallel_loop3A_238 = vector.bitcast %parallel_loop3A_236 : vector<16xf32> to vector<16xi32>
          %parallel_loop3A_239 = arith.addi %parallel_loop3A_237, %broadcast_in_dim3A_1 : vector<16xi32>
          %parallel_loop3A_240 = arith.constant 16 : i32
          %parallel_loop3A_241 = vector.broadcast %parallel_loop3A_240 : i32 to vector<16xi32>
          %parallel_loop3A_242 = arith.shrui %parallel_loop3A_239, %parallel_loop3A_241 : vector<16xi32>
          %parallel_loop3A_243 = arith.addi %parallel_loop3A_238, %broadcast_in_dim3A_1 : vector<16xi32>
          %parallel_loop3A_244 = arith.andi %parallel_loop3A_243, %broadcast_in_dim3A_3 : vector<16xi32>
          %parallel_loop3A_245 = arith.ori %parallel_loop3A_244, %parallel_loop3A_242 : vector<16xi32>
          %parallel_loop3A_246 = vector.bitcast %parallel_loop3A_245 : vector<16xi32> to vector<16xf32>
          %parallel_loop3A_247 = arith.constant 0 : i32
          %parallel_loop3A_248 = vector.broadcast %parallel_loop3A_247 : i32 to vector<16xi32>
          %parallel_loop3A_249 = arith.addi %iota3A, %parallel_loop3A_248 : vector<16xi32>
          %parallel_loop3A_250 = arith.constant 32 : i32
          %parallel_loop3A_251 = vector.broadcast %parallel_loop3A_250 : i32 to vector<16xi32>
          %parallel_loop3A_252 = arith.muli %parallel_loop3A_249, %parallel_loop3A_251 : vector<16xi32>
          %parallel_loop3A_253 = vector.broadcast %parallel_loop3A_217 : i32 to vector<16xi32>
          %parallel_loop3A_254 = arith.addi %parallel_loop3A_252, %parallel_loop3A_253 : vector<16xi32>
          %parallel_loop3A_255 = arith.constant 7 : i32
          %parallel_loop3A_256 = vector.broadcast %parallel_loop3A_255 : i32 to vector<16xi32>
          %parallel_loop3A_257 = arith.shrui %parallel_loop3A_254, %parallel_loop3A_256 : vector<16xi32>
          %parallel_loop3A_258 = arith.constant 127 : i32
          %parallel_loop3A_259 = vector.broadcast %parallel_loop3A_258 : i32 to vector<16xi32>
          %parallel_loop3A_260 = arith.andi %parallel_loop3A_254, %parallel_loop3A_259 : vector<16xi32>
          %parallel_loop3A_261 = arith.constant 0 : i32
          %parallel_loop3A_262 = arith.constant 0 : i32
          %parallel_loop3A_263 = tpu.memref_slice %arg5[%parallel_loop3A_171, %parallel_loop3A_261, %parallel_loop3A_262] : memref<2x32x128xf32, #tpu.memory_space<vmem>> -> memref<1x32x128xf32, #tpu.memory_space<vmem>>
          %parallel_loop3A_264 = tpu.memref_squeeze %parallel_loop3A_263 : memref<1x32x128xf32, #tpu.memory_space<vmem>> -> memref<32x128xf32, #tpu.memory_space<vmem>>
          tpu.vector_store_idx %parallel_loop3A_264[%parallel_loop3A_257, %parallel_loop3A_260], %parallel_loop3A_246 : memref<32x128xf32, #tpu.memory_space<vmem>>[vector<16xi32>, vector<16xi32>], vector<16xf32>,
          %parallel_loop3A_265 = arith.constant 0 : i32
          %parallel_loop3A_266 = arith.constant 0 : i32
          %parallel_loop3A_267 = tpu.memref_slice %arg4[%parallel_loop3A_170, %parallel_loop3A_265, %parallel_loop3A_266] : memref<2x64x129xf32, #tpu.memory_space<vmem>> -> memref<1x64x129xf32, #tpu.memory_space<vmem>>
          %parallel_loop3A_268 = tpu.memref_squeeze %parallel_loop3A_267 : memref<1x64x129xf32, #tpu.memory_space<vmem>> -> memref<64x129xf32, #tpu.memory_space<vmem>>
          %parallel_loop3A_269 = arith.index_cast %parallel_loop3A_220 : i32 to index
          %parallel_loop3A_270 = arith.constant 16 : index
          %parallel_loop3A_271 = tpu.vector_load %parallel_loop3A_268[%parallel_loop3A_269, %parallel_loop3A_270] {strides = array<i32>} : memref<64x129xf32, #tpu.memory_space<vmem>>, vector<16xf32>,
          %parallel_loop3A_272 = arith.constant 16 : i32
          %parallel_loop3A_273 = arith.addi %parallel_loop3A_220, %parallel_loop3A_272 : i32
          %parallel_loop3A_274 = arith.constant 0 : i32
          %parallel_loop3A_275 = arith.constant 0 : i32
          %parallel_loop3A_276 = tpu.memref_slice %arg4[%parallel_loop3A_170, %parallel_loop3A_274, %parallel_loop3A_275] : memref<2x64x129xf32, #tpu.memory_space<vmem>> -> memref<1x64x129xf32, #tpu.memory_space<vmem>>
          %parallel_loop3A_277 = tpu.memref_squeeze %parallel_loop3A_276 : memref<1x64x129xf32, #tpu.memory_space<vmem>> -> memref<64x129xf32, #tpu.memory_space<vmem>>
          %parallel_loop3A_278 = arith.index_cast %parallel_loop3A_273 : i32 to index
          %parallel_loop3A_279 = arith.constant 16 : index
          %parallel_loop3A_280 = tpu.vector_load %parallel_loop3A_277[%parallel_loop3A_278, %parallel_loop3A_279] {strides = array<i32>} : memref<64x129xf32, #tpu.memory_space<vmem>>, vector<16xf32>,
          %parallel_loop3A_281 = vector.bitcast %parallel_loop3A_271 : vector<16xf32> to vector<16xi32>
          %parallel_loop3A_282 = vector.bitcast %parallel_loop3A_280 : vector<16xf32> to vector<16xi32>
          %parallel_loop3A_283 = arith.addi %parallel_loop3A_281, %broadcast_in_dim3A_1 : vector<16xi32>
          %parallel_loop3A_284 = arith.constant 16 : i32
          %parallel_loop3A_285 = vector.broadcast %parallel_loop3A_284 : i32 to vector<16xi32>
          %parallel_loop3A_286 = arith.shrui %parallel_loop3A_283, %parallel_loop3A_285 : vector<16xi32>
          %parallel_loop3A_287 = arith.addi %parallel_loop3A_282, %broadcast_in_dim3A_1 : vector<16xi32>
          %parallel_loop3A_288 = arith.andi %parallel_loop3A_287, %broadcast_in_dim3A_3 : vector<16xi32>
          %parallel_loop3A_289 = arith.ori %parallel_loop3A_288, %parallel_loop3A_286 : vector<16xi32>
          %parallel_loop3A_290 = vector.bitcast %parallel_loop3A_289 : vector<16xi32> to vector<16xf32>
          %parallel_loop3A_291 = arith.constant 16 : i32
          %parallel_loop3A_292 = vector.broadcast %parallel_loop3A_291 : i32 to vector<16xi32>
          %parallel_loop3A_293 = arith.addi %iota3A, %parallel_loop3A_292 : vector<16xi32>
          %parallel_loop3A_294 = arith.constant 32 : i32
          %parallel_loop3A_295 = vector.broadcast %parallel_loop3A_294 : i32 to vector<16xi32>
          %parallel_loop3A_296 = arith.muli %parallel_loop3A_293, %parallel_loop3A_295 : vector<16xi32>
          %parallel_loop3A_297 = vector.broadcast %parallel_loop3A_217 : i32 to vector<16xi32>
          %parallel_loop3A_298 = arith.addi %parallel_loop3A_296, %parallel_loop3A_297 : vector<16xi32>
          %parallel_loop3A_299 = arith.constant 7 : i32
          %parallel_loop3A_300 = vector.broadcast %parallel_loop3A_299 : i32 to vector<16xi32>
          %parallel_loop3A_301 = arith.shrui %parallel_loop3A_298, %parallel_loop3A_300 : vector<16xi32>
          %parallel_loop3A_302 = arith.constant 127 : i32
          %parallel_loop3A_303 = vector.broadcast %parallel_loop3A_302 : i32 to vector<16xi32>
          %parallel_loop3A_304 = arith.andi %parallel_loop3A_298, %parallel_loop3A_303 : vector<16xi32>
          %parallel_loop3A_305 = arith.constant 0 : i32
          %parallel_loop3A_306 = arith.constant 0 : i32
          %parallel_loop3A_307 = tpu.memref_slice %arg5[%parallel_loop3A_171, %parallel_loop3A_305, %parallel_loop3A_306] : memref<2x32x128xf32, #tpu.memory_space<vmem>> -> memref<1x32x128xf32, #tpu.memory_space<vmem>>
          %parallel_loop3A_308 = tpu.memref_squeeze %parallel_loop3A_307 : memref<1x32x128xf32, #tpu.memory_space<vmem>> -> memref<32x128xf32, #tpu.memory_space<vmem>>
          tpu.vector_store_idx %parallel_loop3A_308[%parallel_loop3A_301, %parallel_loop3A_304], %parallel_loop3A_290 : memref<32x128xf32, #tpu.memory_space<vmem>>[vector<16xi32>, vector<16xi32>], vector<16xf32>,
          %parallel_loop3A_309 = arith.constant 0 : i32
          %parallel_loop3A_310 = arith.constant 0 : i32
          %parallel_loop3A_311 = tpu.memref_slice %arg4[%parallel_loop3A_170, %parallel_loop3A_309, %parallel_loop3A_310] : memref<2x64x129xf32, #tpu.memory_space<vmem>> -> memref<1x64x129xf32, #tpu.memory_space<vmem>>
          %parallel_loop3A_312 = tpu.memref_squeeze %parallel_loop3A_311 : memref<1x64x129xf32, #tpu.memory_space<vmem>> -> memref<64x129xf32, #tpu.memory_space<vmem>>
          %parallel_loop3A_313 = arith.index_cast %parallel_loop3A_220 : i32 to index
          %parallel_loop3A_314 = arith.constant 32 : index
          %parallel_loop3A_315 = tpu.vector_load %parallel_loop3A_312[%parallel_loop3A_313, %parallel_loop3A_314] {strides = array<i32>} : memref<64x129xf32, #tpu.memory_space<vmem>>, vector<16xf32>,
          %parallel_loop3A_316 = arith.constant 16 : i32
          %parallel_loop3A_317 = arith.addi %parallel_loop3A_220, %parallel_loop3A_316 : i32
          %parallel_loop3A_318 = arith.constant 0 : i32
          %parallel_loop3A_319 = arith.constant 0 : i32
          %parallel_loop3A_320 = tpu.memref_slice %arg4[%parallel_loop3A_170, %parallel_loop3A_318, %parallel_loop3A_319] : memref<2x64x129xf32, #tpu.memory_space<vmem>> -> memref<1x64x129xf32, #tpu.memory_space<vmem>>
          %parallel_loop3A_321 = tpu.memref_squeeze %parallel_loop3A_320 : memref<1x64x129xf32, #tpu.memory_space<vmem>> -> memref<64x129xf32, #tpu.memory_space<vmem>>
          %parallel_loop3A_322 = arith.index_cast %parallel_loop3A_317 : i32 to index
          %parallel_loop3A_323 = arith.constant 32 : index
          %parallel_loop3A_324 = tpu.vector_load %parallel_loop3A_321[%parallel_loop3A_322, %parallel_loop3A_323] {strides = array<i32>} : memref<64x129xf32, #tpu.memory_space<vmem>>, vector<16xf32>,
          %parallel_loop3A_325 = vector.bitcast %parallel_loop3A_315 : vector<16xf32> to vector<16xi32>
          %parallel_loop3A_326 = vector.bitcast %parallel_loop3A_324 : vector<16xf32> to vector<16xi32>
          %parallel_loop3A_327 = arith.addi %parallel_loop3A_325, %broadcast_in_dim3A_1 : vector<16xi32>
          %parallel_loop3A_328 = arith.constant 16 : i32
          %parallel_loop3A_329 = vector.broadcast %parallel_loop3A_328 : i32 to vector<16xi32>
          %parallel_loop3A_330 = arith.shrui %parallel_loop3A_327, %parallel_loop3A_329 : vector<16xi32>
          %parallel_loop3A_331 = arith.addi %parallel_loop3A_326, %broadcast_in_dim3A_1 : vector<16xi32>
          %parallel_loop3A_332 = arith.andi %parallel_loop3A_331, %broadcast_in_dim3A_3 : vector<16xi32>
          %parallel_loop3A_333 = arith.ori %parallel_loop3A_332, %parallel_loop3A_330 : vector<16xi32>
          %parallel_loop3A_334 = vector.bitcast %parallel_loop3A_333 : vector<16xi32> to vector<16xf32>
          %parallel_loop3A_335 = arith.constant 32 : i32
          %parallel_loop3A_336 = vector.broadcast %parallel_loop3A_335 : i32 to vector<16xi32>
          %parallel_loop3A_337 = arith.addi %iota3A, %parallel_loop3A_336 : vector<16xi32>
          %parallel_loop3A_338 = arith.constant 32 : i32
          %parallel_loop3A_339 = vector.broadcast %parallel_loop3A_338 : i32 to vector<16xi32>
          %parallel_loop3A_340 = arith.muli %parallel_loop3A_337, %parallel_loop3A_339 : vector<16xi32>
          %parallel_loop3A_341 = vector.broadcast %parallel_loop3A_217 : i32 to vector<16xi32>
          %parallel_loop3A_342 = arith.addi %parallel_loop3A_340, %parallel_loop3A_341 : vector<16xi32>
          %parallel_loop3A_343 = arith.constant 7 : i32
          %parallel_loop3A_344 = vector.broadcast %parallel_loop3A_343 : i32 to vector<16xi32>
          %parallel_loop3A_345 = arith.shrui %parallel_loop3A_342, %parallel_loop3A_344 : vector<16xi32>
          %parallel_loop3A_346 = arith.constant 127 : i32
          %parallel_loop3A_347 = vector.broadcast %parallel_loop3A_346 : i32 to vector<16xi32>
          %parallel_loop3A_348 = arith.andi %parallel_loop3A_342, %parallel_loop3A_347 : vector<16xi32>
          %parallel_loop3A_349 = arith.constant 0 : i32
          %parallel_loop3A_350 = arith.constant 0 : i32
          %parallel_loop3A_351 = tpu.memref_slice %arg5[%parallel_loop3A_171, %parallel_loop3A_349, %parallel_loop3A_350] : memref<2x32x128xf32, #tpu.memory_space<vmem>> -> memref<1x32x128xf32, #tpu.memory_space<vmem>>
          %parallel_loop3A_352 = tpu.memref_squeeze %parallel_loop3A_351 : memref<1x32x128xf32, #tpu.memory_space<vmem>> -> memref<32x128xf32, #tpu.memory_space<vmem>>
          tpu.vector_store_idx %parallel_loop3A_352[%parallel_loop3A_345, %parallel_loop3A_348], %parallel_loop3A_334 : memref<32x128xf32, #tpu.memory_space<vmem>>[vector<16xi32>, vector<16xi32>], vector<16xf32>,
          %parallel_loop3A_353 = arith.constant 0 : i32
          %parallel_loop3A_354 = arith.constant 0 : i32
          %parallel_loop3A_355 = tpu.memref_slice %arg4[%parallel_loop3A_170, %parallel_loop3A_353, %parallel_loop3A_354] : memref<2x64x129xf32, #tpu.memory_space<vmem>> -> memref<1x64x129xf32, #tpu.memory_space<vmem>>
          %parallel_loop3A_356 = tpu.memref_squeeze %parallel_loop3A_355 : memref<1x64x129xf32, #tpu.memory_space<vmem>> -> memref<64x129xf32, #tpu.memory_space<vmem>>
          %parallel_loop3A_357 = arith.index_cast %parallel_loop3A_220 : i32 to index
          %parallel_loop3A_358 = arith.constant 48 : index
          %parallel_loop3A_359 = tpu.vector_load %parallel_loop3A_356[%parallel_loop3A_357, %parallel_loop3A_358] {strides = array<i32>} : memref<64x129xf32, #tpu.memory_space<vmem>>, vector<16xf32>,
          %parallel_loop3A_360 = arith.constant 16 : i32
          %parallel_loop3A_361 = arith.addi %parallel_loop3A_220, %parallel_loop3A_360 : i32
          %parallel_loop3A_362 = arith.constant 0 : i32
          %parallel_loop3A_363 = arith.constant 0 : i32
          %parallel_loop3A_364 = tpu.memref_slice %arg4[%parallel_loop3A_170, %parallel_loop3A_362, %parallel_loop3A_363] : memref<2x64x129xf32, #tpu.memory_space<vmem>> -> memref<1x64x129xf32, #tpu.memory_space<vmem>>
          %parallel_loop3A_365 = tpu.memref_squeeze %parallel_loop3A_364 : memref<1x64x129xf32, #tpu.memory_space<vmem>> -> memref<64x129xf32, #tpu.memory_space<vmem>>
          %parallel_loop3A_366 = arith.index_cast %parallel_loop3A_361 : i32 to index
          %parallel_loop3A_367 = arith.constant 48 : index
          %parallel_loop3A_368 = tpu.vector_load %parallel_loop3A_365[%parallel_loop3A_366, %parallel_loop3A_367] {strides = array<i32>} : memref<64x129xf32, #tpu.memory_space<vmem>>, vector<16xf32>,
          %parallel_loop3A_369 = vector.bitcast %parallel_loop3A_359 : vector<16xf32> to vector<16xi32>
          %parallel_loop3A_370 = vector.bitcast %parallel_loop3A_368 : vector<16xf32> to vector<16xi32>
          %parallel_loop3A_371 = arith.addi %parallel_loop3A_369, %broadcast_in_dim3A_1 : vector<16xi32>
          %parallel_loop3A_372 = arith.constant 16 : i32
          %parallel_loop3A_373 = vector.broadcast %parallel_loop3A_372 : i32 to vector<16xi32>
          %parallel_loop3A_374 = arith.shrui %parallel_loop3A_371, %parallel_loop3A_373 : vector<16xi32>
          %parallel_loop3A_375 = arith.addi %parallel_loop3A_370, %broadcast_in_dim3A_1 : vector<16xi32>
          %parallel_loop3A_376 = arith.andi %parallel_loop3A_375, %broadcast_in_dim3A_3 : vector<16xi32>
          %parallel_loop3A_377 = arith.ori %parallel_loop3A_376, %parallel_loop3A_374 : vector<16xi32>
          %parallel_loop3A_378 = vector.bitcast %parallel_loop3A_377 : vector<16xi32> to vector<16xf32>
          %parallel_loop3A_379 = arith.constant 48 : i32
          %parallel_loop3A_380 = vector.broadcast %parallel_loop3A_379 : i32 to vector<16xi32>
          %parallel_loop3A_381 = arith.addi %iota3A, %parallel_loop3A_380 : vector<16xi32>
          %parallel_loop3A_382 = arith.constant 32 : i32
          %parallel_loop3A_383 = vector.broadcast %parallel_loop3A_382 : i32 to vector<16xi32>
          %parallel_loop3A_384 = arith.muli %parallel_loop3A_381, %parallel_loop3A_383 : vector<16xi32>
          %parallel_loop3A_385 = vector.broadcast %parallel_loop3A_217 : i32 to vector<16xi32>
          %parallel_loop3A_386 = arith.addi %parallel_loop3A_384, %parallel_loop3A_385 : vector<16xi32>
          %parallel_loop3A_387 = arith.constant 7 : i32
          %parallel_loop3A_388 = vector.broadcast %parallel_loop3A_387 : i32 to vector<16xi32>
          %parallel_loop3A_389 = arith.shrui %parallel_loop3A_386, %parallel_loop3A_388 : vector<16xi32>
          %parallel_loop3A_390 = arith.constant 127 : i32
          %parallel_loop3A_391 = vector.broadcast %parallel_loop3A_390 : i32 to vector<16xi32>
          %parallel_loop3A_392 = arith.andi %parallel_loop3A_386, %parallel_loop3A_391 : vector<16xi32>
          %parallel_loop3A_393 = arith.constant 0 : i32
          %parallel_loop3A_394 = arith.constant 0 : i32
          %parallel_loop3A_395 = tpu.memref_slice %arg5[%parallel_loop3A_171, %parallel_loop3A_393, %parallel_loop3A_394] : memref<2x32x128xf32, #tpu.memory_space<vmem>> -> memref<1x32x128xf32, #tpu.memory_space<vmem>>
          %parallel_loop3A_396 = tpu.memref_squeeze %parallel_loop3A_395 : memref<1x32x128xf32, #tpu.memory_space<vmem>> -> memref<32x128xf32, #tpu.memory_space<vmem>>
          tpu.vector_store_idx %parallel_loop3A_396[%parallel_loop3A_389, %parallel_loop3A_392], %parallel_loop3A_378 : memref<32x128xf32, #tpu.memory_space<vmem>>[vector<16xi32>, vector<16xi32>], vector<16xf32>,
          %parallel_loop3A_397 = arith.constant 0 : i32
          %parallel_loop3A_398 = arith.constant 0 : i32
          %parallel_loop3A_399 = tpu.memref_slice %arg4[%parallel_loop3A_170, %parallel_loop3A_397, %parallel_loop3A_398] : memref<2x64x129xf32, #tpu.memory_space<vmem>> -> memref<1x64x129xf32, #tpu.memory_space<vmem>>
          %parallel_loop3A_400 = tpu.memref_squeeze %parallel_loop3A_399 : memref<1x64x129xf32, #tpu.memory_space<vmem>> -> memref<64x129xf32, #tpu.memory_space<vmem>>
          %parallel_loop3A_401 = arith.index_cast %parallel_loop3A_220 : i32 to index
          %parallel_loop3A_402 = arith.constant 64 : index
          %parallel_loop3A_403 = tpu.vector_load %parallel_loop3A_400[%parallel_loop3A_401, %parallel_loop3A_402] {strides = array<i32>} : memref<64x129xf32, #tpu.memory_space<vmem>>, vector<16xf32>,
          %parallel_loop3A_404 = arith.constant 16 : i32
          %parallel_loop3A_405 = arith.addi %parallel_loop3A_220, %parallel_loop3A_404 : i32
          %parallel_loop3A_406 = arith.constant 0 : i32
          %parallel_loop3A_407 = arith.constant 0 : i32
          %parallel_loop3A_408 = tpu.memref_slice %arg4[%parallel_loop3A_170, %parallel_loop3A_406, %parallel_loop3A_407] : memref<2x64x129xf32, #tpu.memory_space<vmem>> -> memref<1x64x129xf32, #tpu.memory_space<vmem>>
          %parallel_loop3A_409 = tpu.memref_squeeze %parallel_loop3A_408 : memref<1x64x129xf32, #tpu.memory_space<vmem>> -> memref<64x129xf32, #tpu.memory_space<vmem>>
          %parallel_loop3A_410 = arith.index_cast %parallel_loop3A_405 : i32 to index
          %parallel_loop3A_411 = arith.constant 64 : index
          %parallel_loop3A_412 = tpu.vector_load %parallel_loop3A_409[%parallel_loop3A_410, %parallel_loop3A_411] {strides = array<i32>} : memref<64x129xf32, #tpu.memory_space<vmem>>, vector<16xf32>,
          %parallel_loop3A_413 = vector.bitcast %parallel_loop3A_403 : vector<16xf32> to vector<16xi32>
          %parallel_loop3A_414 = vector.bitcast %parallel_loop3A_412 : vector<16xf32> to vector<16xi32>
          %parallel_loop3A_415 = arith.addi %parallel_loop3A_413, %broadcast_in_dim3A_1 : vector<16xi32>
          %parallel_loop3A_416 = arith.constant 16 : i32
          %parallel_loop3A_417 = vector.broadcast %parallel_loop3A_416 : i32 to vector<16xi32>
          %parallel_loop3A_418 = arith.shrui %parallel_loop3A_415, %parallel_loop3A_417 : vector<16xi32>
          %parallel_loop3A_419 = arith.addi %parallel_loop3A_414, %broadcast_in_dim3A_1 : vector<16xi32>
          %parallel_loop3A_420 = arith.andi %parallel_loop3A_419, %broadcast_in_dim3A_3 : vector<16xi32>
          %parallel_loop3A_421 = arith.ori %parallel_loop3A_420, %parallel_loop3A_418 : vector<16xi32>
          %parallel_loop3A_422 = vector.bitcast %parallel_loop3A_421 : vector<16xi32> to vector<16xf32>
          %parallel_loop3A_423 = arith.constant 64 : i32
          %parallel_loop3A_424 = vector.broadcast %parallel_loop3A_423 : i32 to vector<16xi32>
          %parallel_loop3A_425 = arith.addi %iota3A, %parallel_loop3A_424 : vector<16xi32>
          %parallel_loop3A_426 = arith.constant 32 : i32
          %parallel_loop3A_427 = vector.broadcast %parallel_loop3A_426 : i32 to vector<16xi32>
          %parallel_loop3A_428 = arith.muli %parallel_loop3A_425, %parallel_loop3A_427 : vector<16xi32>
          %parallel_loop3A_429 = vector.broadcast %parallel_loop3A_217 : i32 to vector<16xi32>
          %parallel_loop3A_430 = arith.addi %parallel_loop3A_428, %parallel_loop3A_429 : vector<16xi32>
          %parallel_loop3A_431 = arith.constant 7 : i32
          %parallel_loop3A_432 = vector.broadcast %parallel_loop3A_431 : i32 to vector<16xi32>
          %parallel_loop3A_433 = arith.shrui %parallel_loop3A_430, %parallel_loop3A_432 : vector<16xi32>
          %parallel_loop3A_434 = arith.constant 127 : i32
          %parallel_loop3A_435 = vector.broadcast %parallel_loop3A_434 : i32 to vector<16xi32>
          %parallel_loop3A_436 = arith.andi %parallel_loop3A_430, %parallel_loop3A_435 : vector<16xi32>
          %parallel_loop3A_437 = arith.constant 0 : i32
          %parallel_loop3A_438 = arith.constant 0 : i32
          %parallel_loop3A_439 = tpu.memref_slice %arg5[%parallel_loop3A_171, %parallel_loop3A_437, %parallel_loop3A_438] : memref<2x32x128xf32, #tpu.memory_space<vmem>> -> memref<1x32x128xf32, #tpu.memory_space<vmem>>
          %parallel_loop3A_440 = tpu.memref_squeeze %parallel_loop3A_439 : memref<1x32x128xf32, #tpu.memory_space<vmem>> -> memref<32x128xf32, #tpu.memory_space<vmem>>
          tpu.vector_store_idx %parallel_loop3A_440[%parallel_loop3A_433, %parallel_loop3A_436], %parallel_loop3A_422 : memref<32x128xf32, #tpu.memory_space<vmem>>[vector<16xi32>, vector<16xi32>], vector<16xf32>,
          %parallel_loop3A_441 = arith.constant 0 : i32
          %parallel_loop3A_442 = arith.constant 0 : i32
          %parallel_loop3A_443 = tpu.memref_slice %arg4[%parallel_loop3A_170, %parallel_loop3A_441, %parallel_loop3A_442] : memref<2x64x129xf32, #tpu.memory_space<vmem>> -> memref<1x64x129xf32, #tpu.memory_space<vmem>>
          %parallel_loop3A_444 = tpu.memref_squeeze %parallel_loop3A_443 : memref<1x64x129xf32, #tpu.memory_space<vmem>> -> memref<64x129xf32, #tpu.memory_space<vmem>>
          %parallel_loop3A_445 = arith.index_cast %parallel_loop3A_220 : i32 to index
          %parallel_loop3A_446 = arith.constant 80 : index
          %parallel_loop3A_447 = tpu.vector_load %parallel_loop3A_444[%parallel_loop3A_445, %parallel_loop3A_446] {strides = array<i32>} : memref<64x129xf32, #tpu.memory_space<vmem>>, vector<16xf32>,
          %parallel_loop3A_448 = arith.constant 16 : i32
          %parallel_loop3A_449 = arith.addi %parallel_loop3A_220, %parallel_loop3A_448 : i32
          %parallel_loop3A_450 = arith.constant 0 : i32
          %parallel_loop3A_451 = arith.constant 0 : i32
          %parallel_loop3A_452 = tpu.memref_slice %arg4[%parallel_loop3A_170, %parallel_loop3A_450, %parallel_loop3A_451] : memref<2x64x129xf32, #tpu.memory_space<vmem>> -> memref<1x64x129xf32, #tpu.memory_space<vmem>>
          %parallel_loop3A_453 = tpu.memref_squeeze %parallel_loop3A_452 : memref<1x64x129xf32, #tpu.memory_space<vmem>> -> memref<64x129xf32, #tpu.memory_space<vmem>>
          %parallel_loop3A_454 = arith.index_cast %parallel_loop3A_449 : i32 to index
          %parallel_loop3A_455 = arith.constant 80 : index
          %parallel_loop3A_456 = tpu.vector_load %parallel_loop3A_453[%parallel_loop3A_454, %parallel_loop3A_455] {strides = array<i32>} : memref<64x129xf32, #tpu.memory_space<vmem>>, vector<16xf32>,
          %parallel_loop3A_457 = vector.bitcast %parallel_loop3A_447 : vector<16xf32> to vector<16xi32>
          %parallel_loop3A_458 = vector.bitcast %parallel_loop3A_456 : vector<16xf32> to vector<16xi32>
          %parallel_loop3A_459 = arith.addi %parallel_loop3A_457, %broadcast_in_dim3A_1 : vector<16xi32>
          %parallel_loop3A_460 = arith.constant 16 : i32
          %parallel_loop3A_461 = vector.broadcast %parallel_loop3A_460 : i32 to vector<16xi32>
          %parallel_loop3A_462 = arith.shrui %parallel_loop3A_459, %parallel_loop3A_461 : vector<16xi32>
          %parallel_loop3A_463 = arith.addi %parallel_loop3A_458, %broadcast_in_dim3A_1 : vector<16xi32>
          %parallel_loop3A_464 = arith.andi %parallel_loop3A_463, %broadcast_in_dim3A_3 : vector<16xi32>
          %parallel_loop3A_465 = arith.ori %parallel_loop3A_464, %parallel_loop3A_462 : vector<16xi32>
          %parallel_loop3A_466 = vector.bitcast %parallel_loop3A_465 : vector<16xi32> to vector<16xf32>
          %parallel_loop3A_467 = arith.constant 80 : i32
          %parallel_loop3A_468 = vector.broadcast %parallel_loop3A_467 : i32 to vector<16xi32>
          %parallel_loop3A_469 = arith.addi %iota3A, %parallel_loop3A_468 : vector<16xi32>
          %parallel_loop3A_470 = arith.constant 32 : i32
          %parallel_loop3A_471 = vector.broadcast %parallel_loop3A_470 : i32 to vector<16xi32>
          %parallel_loop3A_472 = arith.muli %parallel_loop3A_469, %parallel_loop3A_471 : vector<16xi32>
          %parallel_loop3A_473 = vector.broadcast %parallel_loop3A_217 : i32 to vector<16xi32>
          %parallel_loop3A_474 = arith.addi %parallel_loop3A_472, %parallel_loop3A_473 : vector<16xi32>
          %parallel_loop3A_475 = arith.constant 7 : i32
          %parallel_loop3A_476 = vector.broadcast %parallel_loop3A_475 : i32 to vector<16xi32>
          %parallel_loop3A_477 = arith.shrui %parallel_loop3A_474, %parallel_loop3A_476 : vector<16xi32>
          %parallel_loop3A_478 = arith.constant 127 : i32
          %parallel_loop3A_479 = vector.broadcast %parallel_loop3A_478 : i32 to vector<16xi32>
          %parallel_loop3A_480 = arith.andi %parallel_loop3A_474, %parallel_loop3A_479 : vector<16xi32>
          %parallel_loop3A_481 = arith.constant 0 : i32
          %parallel_loop3A_482 = arith.constant 0 : i32
          %parallel_loop3A_483 = tpu.memref_slice %arg5[%parallel_loop3A_171, %parallel_loop3A_481, %parallel_loop3A_482] : memref<2x32x128xf32, #tpu.memory_space<vmem>> -> memref<1x32x128xf32, #tpu.memory_space<vmem>>
          %parallel_loop3A_484 = tpu.memref_squeeze %parallel_loop3A_483 : memref<1x32x128xf32, #tpu.memory_space<vmem>> -> memref<32x128xf32, #tpu.memory_space<vmem>>
          tpu.vector_store_idx %parallel_loop3A_484[%parallel_loop3A_477, %parallel_loop3A_480], %parallel_loop3A_466 : memref<32x128xf32, #tpu.memory_space<vmem>>[vector<16xi32>, vector<16xi32>], vector<16xf32>,
          %parallel_loop3A_485 = arith.constant 0 : i32
          %parallel_loop3A_486 = arith.constant 0 : i32
          %parallel_loop3A_487 = tpu.memref_slice %arg4[%parallel_loop3A_170, %parallel_loop3A_485, %parallel_loop3A_486] : memref<2x64x129xf32, #tpu.memory_space<vmem>> -> memref<1x64x129xf32, #tpu.memory_space<vmem>>
          %parallel_loop3A_488 = tpu.memref_squeeze %parallel_loop3A_487 : memref<1x64x129xf32, #tpu.memory_space<vmem>> -> memref<64x129xf32, #tpu.memory_space<vmem>>
          %parallel_loop3A_489 = arith.index_cast %parallel_loop3A_220 : i32 to index
          %parallel_loop3A_490 = arith.constant 96 : index
          %parallel_loop3A_491 = tpu.vector_load %parallel_loop3A_488[%parallel_loop3A_489, %parallel_loop3A_490] {strides = array<i32>} : memref<64x129xf32, #tpu.memory_space<vmem>>, vector<16xf32>,
          %parallel_loop3A_492 = arith.constant 16 : i32
          %parallel_loop3A_493 = arith.addi %parallel_loop3A_220, %parallel_loop3A_492 : i32
          %parallel_loop3A_494 = arith.constant 0 : i32
          %parallel_loop3A_495 = arith.constant 0 : i32
          %parallel_loop3A_496 = tpu.memref_slice %arg4[%parallel_loop3A_170, %parallel_loop3A_494, %parallel_loop3A_495] : memref<2x64x129xf32, #tpu.memory_space<vmem>> -> memref<1x64x129xf32, #tpu.memory_space<vmem>>
          %parallel_loop3A_497 = tpu.memref_squeeze %parallel_loop3A_496 : memref<1x64x129xf32, #tpu.memory_space<vmem>> -> memref<64x129xf32, #tpu.memory_space<vmem>>
          %parallel_loop3A_498 = arith.index_cast %parallel_loop3A_493 : i32 to index
          %parallel_loop3A_499 = arith.constant 96 : index
          %parallel_loop3A_500 = tpu.vector_load %parallel_loop3A_497[%parallel_loop3A_498, %parallel_loop3A_499] {strides = array<i32>} : memref<64x129xf32, #tpu.memory_space<vmem>>, vector<16xf32>,
          %parallel_loop3A_501 = vector.bitcast %parallel_loop3A_491 : vector<16xf32> to vector<16xi32>
          %parallel_loop3A_502 = vector.bitcast %parallel_loop3A_500 : vector<16xf32> to vector<16xi32>
          %parallel_loop3A_503 = arith.addi %parallel_loop3A_501, %broadcast_in_dim3A_1 : vector<16xi32>
          %parallel_loop3A_504 = arith.constant 16 : i32
          %parallel_loop3A_505 = vector.broadcast %parallel_loop3A_504 : i32 to vector<16xi32>
          %parallel_loop3A_506 = arith.shrui %parallel_loop3A_503, %parallel_loop3A_505 : vector<16xi32>
          %parallel_loop3A_507 = arith.addi %parallel_loop3A_502, %broadcast_in_dim3A_1 : vector<16xi32>
          %parallel_loop3A_508 = arith.andi %parallel_loop3A_507, %broadcast_in_dim3A_3 : vector<16xi32>
          %parallel_loop3A_509 = arith.ori %parallel_loop3A_508, %parallel_loop3A_506 : vector<16xi32>
          %parallel_loop3A_510 = vector.bitcast %parallel_loop3A_509 : vector<16xi32> to vector<16xf32>
          %parallel_loop3A_511 = arith.constant 96 : i32
          %parallel_loop3A_512 = vector.broadcast %parallel_loop3A_511 : i32 to vector<16xi32>
          %parallel_loop3A_513 = arith.addi %iota3A, %parallel_loop3A_512 : vector<16xi32>
          %parallel_loop3A_514 = arith.constant 32 : i32
          %parallel_loop3A_515 = vector.broadcast %parallel_loop3A_514 : i32 to vector<16xi32>
          %parallel_loop3A_516 = arith.muli %parallel_loop3A_513, %parallel_loop3A_515 : vector<16xi32>
          %parallel_loop3A_517 = vector.broadcast %parallel_loop3A_217 : i32 to vector<16xi32>
          %parallel_loop3A_518 = arith.addi %parallel_loop3A_516, %parallel_loop3A_517 : vector<16xi32>
          %parallel_loop3A_519 = arith.constant 7 : i32
          %parallel_loop3A_520 = vector.broadcast %parallel_loop3A_519 : i32 to vector<16xi32>
          %parallel_loop3A_521 = arith.shrui %parallel_loop3A_518, %parallel_loop3A_520 : vector<16xi32>
          %parallel_loop3A_522 = arith.constant 127 : i32
          %parallel_loop3A_523 = vector.broadcast %parallel_loop3A_522 : i32 to vector<16xi32>
          %parallel_loop3A_524 = arith.andi %parallel_loop3A_518, %parallel_loop3A_523 : vector<16xi32>
          %parallel_loop3A_525 = arith.constant 0 : i32
          %parallel_loop3A_526 = arith.constant 0 : i32
          %parallel_loop3A_527 = tpu.memref_slice %arg5[%parallel_loop3A_171, %parallel_loop3A_525, %parallel_loop3A_526] : memref<2x32x128xf32, #tpu.memory_space<vmem>> -> memref<1x32x128xf32, #tpu.memory_space<vmem>>
          %parallel_loop3A_528 = tpu.memref_squeeze %parallel_loop3A_527 : memref<1x32x128xf32, #tpu.memory_space<vmem>> -> memref<32x128xf32, #tpu.memory_space<vmem>>
          tpu.vector_store_idx %parallel_loop3A_528[%parallel_loop3A_521, %parallel_loop3A_524], %parallel_loop3A_510 : memref<32x128xf32, #tpu.memory_space<vmem>>[vector<16xi32>, vector<16xi32>], vector<16xf32>,
          %parallel_loop3A_529 = arith.constant 0 : i32
          %parallel_loop3A_530 = arith.constant 0 : i32
          %parallel_loop3A_531 = tpu.memref_slice %arg4[%parallel_loop3A_170, %parallel_loop3A_529, %parallel_loop3A_530] : memref<2x64x129xf32, #tpu.memory_space<vmem>> -> memref<1x64x129xf32, #tpu.memory_space<vmem>>
          %parallel_loop3A_532 = tpu.memref_squeeze %parallel_loop3A_531 : memref<1x64x129xf32, #tpu.memory_space<vmem>> -> memref<64x129xf32, #tpu.memory_space<vmem>>
          %parallel_loop3A_533 = arith.index_cast %parallel_loop3A_220 : i32 to index
          %parallel_loop3A_534 = arith.constant 112 : index
          %parallel_loop3A_535 = tpu.vector_load %parallel_loop3A_532[%parallel_loop3A_533, %parallel_loop3A_534] {strides = array<i32>} : memref<64x129xf32, #tpu.memory_space<vmem>>, vector<16xf32>,
          %parallel_loop3A_536 = arith.constant 16 : i32
          %parallel_loop3A_537 = arith.addi %parallel_loop3A_220, %parallel_loop3A_536 : i32
          %parallel_loop3A_538 = arith.constant 0 : i32
          %parallel_loop3A_539 = arith.constant 0 : i32
          %parallel_loop3A_540 = tpu.memref_slice %arg4[%parallel_loop3A_170, %parallel_loop3A_538, %parallel_loop3A_539] : memref<2x64x129xf32, #tpu.memory_space<vmem>> -> memref<1x64x129xf32, #tpu.memory_space<vmem>>
          %parallel_loop3A_541 = tpu.memref_squeeze %parallel_loop3A_540 : memref<1x64x129xf32, #tpu.memory_space<vmem>> -> memref<64x129xf32, #tpu.memory_space<vmem>>
          %parallel_loop3A_542 = arith.index_cast %parallel_loop3A_537 : i32 to index
          %parallel_loop3A_543 = arith.constant 112 : index
          %parallel_loop3A_544 = tpu.vector_load %parallel_loop3A_541[%parallel_loop3A_542, %parallel_loop3A_543] {strides = array<i32>} : memref<64x129xf32, #tpu.memory_space<vmem>>, vector<16xf32>,
          %parallel_loop3A_545 = vector.bitcast %parallel_loop3A_535 : vector<16xf32> to vector<16xi32>
          %parallel_loop3A_546 = vector.bitcast %parallel_loop3A_544 : vector<16xf32> to vector<16xi32>
          %parallel_loop3A_547 = arith.addi %parallel_loop3A_545, %broadcast_in_dim3A_1 : vector<16xi32>
          %parallel_loop3A_548 = arith.constant 16 : i32
          %parallel_loop3A_549 = vector.broadcast %parallel_loop3A_548 : i32 to vector<16xi32>
          %parallel_loop3A_550 = arith.shrui %parallel_loop3A_547, %parallel_loop3A_549 : vector<16xi32>
          %parallel_loop3A_551 = arith.addi %parallel_loop3A_546, %broadcast_in_dim3A_1 : vector<16xi32>
          %parallel_loop3A_552 = arith.andi %parallel_loop3A_551, %broadcast_in_dim3A_3 : vector<16xi32>
          %parallel_loop3A_553 = arith.ori %parallel_loop3A_552, %parallel_loop3A_550 : vector<16xi32>
          %parallel_loop3A_554 = vector.bitcast %parallel_loop3A_553 : vector<16xi32> to vector<16xf32>
          %parallel_loop3A_555 = arith.constant 112 : i32
          %parallel_loop3A_556 = vector.broadcast %parallel_loop3A_555 : i32 to vector<16xi32>
          %parallel_loop3A_557 = arith.addi %iota3A, %parallel_loop3A_556 : vector<16xi32>
          %parallel_loop3A_558 = arith.constant 32 : i32
          %parallel_loop3A_559 = vector.broadcast %parallel_loop3A_558 : i32 to vector<16xi32>
          %parallel_loop3A_560 = arith.muli %parallel_loop3A_557, %parallel_loop3A_559 : vector<16xi32>
          %parallel_loop3A_561 = vector.broadcast %parallel_loop3A_217 : i32 to vector<16xi32>
          %parallel_loop3A_562 = arith.addi %parallel_loop3A_560, %parallel_loop3A_561 : vector<16xi32>
          %parallel_loop3A_563 = arith.constant 7 : i32
          %parallel_loop3A_564 = vector.broadcast %parallel_loop3A_563 : i32 to vector<16xi32>
          %parallel_loop3A_565 = arith.shrui %parallel_loop3A_562, %parallel_loop3A_564 : vector<16xi32>
          %parallel_loop3A_566 = arith.constant 127 : i32
          %parallel_loop3A_567 = vector.broadcast %parallel_loop3A_566 : i32 to vector<16xi32>
          %parallel_loop3A_568 = arith.andi %parallel_loop3A_562, %parallel_loop3A_567 : vector<16xi32>
          %parallel_loop3A_569 = arith.constant 0 : i32
          %parallel_loop3A_570 = arith.constant 0 : i32
          %parallel_loop3A_571 = tpu.memref_slice %arg5[%parallel_loop3A_171, %parallel_loop3A_569, %parallel_loop3A_570] : memref<2x32x128xf32, #tpu.memory_space<vmem>> -> memref<1x32x128xf32, #tpu.memory_space<vmem>>
          %parallel_loop3A_572 = tpu.memref_squeeze %parallel_loop3A_571 : memref<1x32x128xf32, #tpu.memory_space<vmem>> -> memref<32x128xf32, #tpu.memory_space<vmem>>
          tpu.vector_store_idx %parallel_loop3A_572[%parallel_loop3A_565, %parallel_loop3A_568], %parallel_loop3A_554 : memref<32x128xf32, #tpu.memory_space<vmem>>[vector<16xi32>, vector<16xi32>], vector<16xf32>,
        } {sc.loop_unroll_factor = 8 : i64, sc.parallel_access}
        %mul3A_172 = arith.constant 32 : i32
        %mul3A_173 = arith.muli %add3A_124, %mul3A_172 : i32
        %add3A_174 = arith.addi %add3A, %mul3A_173 : i32
        %min3A_175 = arith.constant 7811 : i32
        %min3A_176 = arith.minsi %add3A_174, %min3A_175 : i32
        %mul3A_177 = arith.constant 128 : i32
        %mul3A_178 = arith.muli %min3A_176, %mul3A_177 : i32
        %jit3A_179 = arith.constant 4 : i32
        %div3A_180 = arith.divsi %mul3A_178, %jit3A_179 : i32
        %sign3A_181 = arith.constant 0 : i32
        %sign3A_182 = arith.cmpi sgt, %mul3A_178, %sign3A_181 : i32
        %sign3A_183 = arith.extui %sign3A_182 : i1 to i32
        %sign3A_184 = arith.constant 0 : i32
        %sign3A_185 = arith.cmpi slt, %mul3A_178, %sign3A_184 : i32
        %sign3A_186 = arith.extui %sign3A_185 : i1 to i32
        %sign3A_187 = arith.subi %sign3A_183, %sign3A_186 : i32
        %sign3A_188 = arith.constant 0 : i32
        %sign3A_189 = arith.cmpi sgt, %jit3A_179, %sign3A_188 : i32
        %sign3A_190 = arith.extui %sign3A_189 : i1 to i32
        %sign3A_191 = arith.constant 0 : i32
        %sign3A_192 = arith.cmpi slt, %jit3A_179, %sign3A_191 : i32
        %sign3A_193 = arith.extui %sign3A_192 : i1 to i32
        %sign3A_194 = arith.subi %sign3A_190, %sign3A_193 : i32
        %ne3A_195 = arith.cmpi ne, %sign3A_187, %sign3A_194 : i32
        %rem3A_196 = arith.remsi %mul3A_178, %jit3A_179 : i32
        %ne3A_197 = arith.constant 0 : i32
        %ne3A_198 = arith.cmpi ne, %rem3A_196, %ne3A_197 : i32
        %and3A_199 = arith.andi %ne3A_195, %ne3A_198 : i1
        %sub3A_200 = arith.constant 1 : i32
        %sub3A_201 = arith.subi %div3A_180, %sub3A_200 : i32
        %select_n3A_202 = arith.select %and3A_199, %sub3A_201, %div3A_180 : i32
        %multiple_of3A_203 = tpu.assume_multiple %select_n3A_202, 32 : i32
        %dma_start3A_204 = arith.constant 1 : i32
        %dma_start3A_205 = arith.constant 0 : i32
        %dma_start3A_206 = arith.constant 0 : i32
        %dma_start3A_207 = tpu.memref_slice %arg5[%dma_start3A_204, %dma_start3A_205, %dma_start3A_206] : memref<2x32x128xf32, #tpu.memory_space<vmem>> -> memref<1x32x128xf32, #tpu.memory_space<vmem>>
        %dma_start3A_208 = tpu.memref_squeeze %dma_start3A_207 : memref<1x32x128xf32, #tpu.memory_space<vmem>> -> memref<32x128xf32, #tpu.memory_space<vmem>>
        %dma_start3A_209 = arith.constant 0 : i32
        %dma_start3A_210 = tpu.memref_slice %arg3[%multiple_of3A_203, %dma_start3A_209] : memref<250000x128xf32, #tpu.memory_space<hbm>> -> memref<32x128xf32, #tpu.memory_space<hbm>>
        %dma_start3A_211 = arith.constant 0 : i32
        %dma_start3A_212 = tpu.memref_slice %arg3[%multiple_of3A_203, %dma_start3A_211] : memref<250000x128xf32, #tpu.memory_space<hbm>> -> memref<32x128xf32, #tpu.memory_space<hbm>>
        %dma_start3A_213 = arith.constant 0 : i32
        %dma_start3A_214 = arith.constant 0 : i32
        %dma_start3A_215 = tpu.memref_slice %arg5[%dma_start3A_204, %dma_start3A_213, %dma_start3A_214] : memref<2x32x128xf32, #tpu.memory_space<vmem>> -> memref<1x32x128xf32, #tpu.memory_space<vmem>>
        %dma_start3A_216 = tpu.memref_squeeze %dma_start3A_215 : memref<1x32x128xf32, #tpu.memory_space<vmem>> -> memref<32x128xf32, #tpu.memory_space<vmem>>
        tpu.enqueue_dma source(%dma_start3A_216 : memref<32x128xf32, #tpu.memory_space<vmem>>) target(%dma_start3A_212 : memref<32x128xf32, #tpu.memory_space<hbm>>) target_semaphore(%arg11 : memref<!tpu.dma_semaphore, #tpu.memory_space<semaphore_mem>>)
      } else {
      }
    }
    %scan3A_32 = arith.constant 123 : i32
    %add3A_33 = arith.constant 7776 : i32
    %add3A_34 = arith.addi %add3A, %add3A_33 : i32
    %min3A_35 = arith.constant 7811 : i32
    %min3A_36 = arith.minsi %add3A_34, %min3A_35 : i32
    %mul3A_37 = arith.constant 128 : i32
    %mul3A_38 = arith.muli %min3A_36, %mul3A_37 : i32
    %jit3A = arith.constant 4 : i32
    %div3A = arith.divsi %mul3A_38, %jit3A : i32
    %sign3A = arith.constant 0 : i32
    %sign3A_39 = arith.cmpi sgt, %mul3A_38, %sign3A : i32
    %sign3A_40 = arith.extui %sign3A_39 : i1 to i32
    %sign3A_41 = arith.constant 0 : i32
    %sign3A_42 = arith.cmpi slt, %mul3A_38, %sign3A_41 : i32
    %sign3A_43 = arith.extui %sign3A_42 : i1 to i32
    %sign3A_44 = arith.subi %sign3A_40, %sign3A_43 : i32
    %sign3A_45 = arith.constant 0 : i32
    %sign3A_46 = arith.cmpi sgt, %jit3A, %sign3A_45 : i32
    %sign3A_47 = arith.extui %sign3A_46 : i1 to i32
    %sign3A_48 = arith.constant 0 : i32
    %sign3A_49 = arith.cmpi slt, %jit3A, %sign3A_48 : i32
    %sign3A_50 = arith.extui %sign3A_49 : i1 to i32
    %sign3A_51 = arith.subi %sign3A_47, %sign3A_50 : i32
    %ne3A = arith.cmpi ne, %sign3A_44, %sign3A_51 : i32
    %rem3A = arith.remsi %mul3A_38, %jit3A : i32
    %ne3A_52 = arith.constant 0 : i32
    %ne3A_53 = arith.cmpi ne, %rem3A, %ne3A_52 : i32
    %and3A = arith.andi %ne3A, %ne3A_53 : i1
    %sub3A = arith.constant 1 : i32
    %sub3A_54 = arith.subi %div3A, %sub3A : i32
    %select_n3A = arith.select %and3A, %sub3A_54, %div3A : i32
    %multiple_of3A_55 = tpu.assume_multiple %select_n3A, 32 : i32
    %dma_wait3A = arith.constant 1 : i32
    %dma_wait3A_56 = arith.constant 0 : i32
    %dma_wait3A_57 = arith.constant 0 : i32
    %dma_wait3A_58 = tpu.memref_slice %arg5[%dma_wait3A, %dma_wait3A_56, %dma_wait3A_57] : memref<2x32x128xf32, #tpu.memory_space<vmem>> -> memref<1x32x128xf32, #tpu.memory_space<vmem>>
    %dma_wait3A_59 = tpu.memref_squeeze %dma_wait3A_58 : memref<1x32x128xf32, #tpu.memory_space<vmem>> -> memref<32x128xf32, #tpu.memory_space<vmem>>
    %dma_wait3A_60 = arith.constant 0 : i32
    %dma_wait3A_61 = tpu.memref_slice %arg3[%multiple_of3A_55, %dma_wait3A_60] : memref<250000x128xf32, #tpu.memory_space<hbm>> -> memref<32x128xf32, #tpu.memory_space<hbm>>
    %dma_wait3A_62 = arith.constant 0 : i32
    %dma_wait3A_63 = tpu.memref_slice %arg3[%multiple_of3A_55, %dma_wait3A_62] : memref<250000x128xf32, #tpu.memory_space<hbm>> -> memref<32x128xf32, #tpu.memory_space<hbm>>
    %dma_wait3A_64 = arith.constant 0 : i32
    %dma_wait3A_65 = arith.constant 0 : i32
    %dma_wait3A_66 = tpu.memref_slice %arg5[%dma_wait3A, %dma_wait3A_64, %dma_wait3A_65] : memref<2x32x128xf32, #tpu.memory_space<vmem>> -> memref<1x32x128xf32, #tpu.memory_space<vmem>>
    %dma_wait3A_67 = tpu.memref_squeeze %dma_wait3A_66 : memref<1x32x128xf32, #tpu.memory_space<vmem>> -> memref<32x128xf32, #tpu.memory_space<vmem>>
    tpu.wait_dma2 semaphore(%arg11 : memref<!tpu.dma_semaphore, #tpu.memory_space<semaphore_mem>>) src(%dma_wait3A_67 : memref<32x128xf32, #tpu.memory_space<vmem>>) dst(%dma_wait3A_63 : memref<32x128xf32, #tpu.memory_space<hbm>>)
    %add3A_68 = arith.constant 7808 : i32
    %add3A_69 = arith.addi %add3A, %add3A_68 : i32
    %min3A_70 = arith.constant 7811 : i32
    %min3A_71 = arith.minsi %add3A_69, %min3A_70 : i32
    %mul3A_72 = arith.constant 128 : i32
    %mul3A_73 = arith.muli %min3A_71, %mul3A_72 : i32
    %jit3A_74 = arith.constant 4 : i32
    %div3A_75 = arith.divsi %mul3A_73, %jit3A_74 : i32
    %sign3A_76 = arith.constant 0 : i32
    %sign3A_77 = arith.cmpi sgt, %mul3A_73, %sign3A_76 : i32
    %sign3A_78 = arith.extui %sign3A_77 : i1 to i32
    %sign3A_79 = arith.constant 0 : i32
    %sign3A_80 = arith.cmpi slt, %mul3A_73, %sign3A_79 : i32
    %sign3A_81 = arith.extui %sign3A_80 : i1 to i32
    %sign3A_82 = arith.subi %sign3A_78, %sign3A_81 : i32
    %sign3A_83 = arith.constant 0 : i32
    %sign3A_84 = arith.cmpi sgt, %jit3A_74, %sign3A_83 : i32
    %sign3A_85 = arith.extui %sign3A_84 : i1 to i32
    %sign3A_86 = arith.constant 0 : i32
    %sign3A_87 = arith.cmpi slt, %jit3A_74, %sign3A_86 : i32
    %sign3A_88 = arith.extui %sign3A_87 : i1 to i32
    %sign3A_89 = arith.subi %sign3A_85, %sign3A_88 : i32
    %ne3A_90 = arith.cmpi ne, %sign3A_82, %sign3A_89 : i32
    %rem3A_91 = arith.remsi %mul3A_73, %jit3A_74 : i32
    %ne3A_92 = arith.constant 0 : i32
    %ne3A_93 = arith.cmpi ne, %rem3A_91, %ne3A_92 : i32
    %and3A_94 = arith.andi %ne3A_90, %ne3A_93 : i1
    %sub3A_95 = arith.constant 1 : i32
    %sub3A_96 = arith.subi %div3A_75, %sub3A_95 : i32
    %select_n3A_97 = arith.select %and3A_94, %sub3A_96, %div3A_75 : i32
    %multiple_of3A_98 = tpu.assume_multiple %select_n3A_97, 32 : i32
    %dma_wait3A_99 = arith.constant 0 : i32
    %dma_wait3A_100 = arith.constant 0 : i32
    %dma_wait3A_101 = arith.constant 0 : i32
    %dma_wait3A_102 = tpu.memref_slice %arg5[%dma_wait3A_99, %dma_wait3A_100, %dma_wait3A_101] : memref<2x32x128xf32, #tpu.memory_space<vmem>> -> memref<1x32x128xf32, #tpu.memory_space<vmem>>
    %dma_wait3A_103 = tpu.memref_squeeze %dma_wait3A_102 : memref<1x32x128xf32, #tpu.memory_space<vmem>> -> memref<32x128xf32, #tpu.memory_space<vmem>>
    %dma_wait3A_104 = arith.constant 0 : i32
    %dma_wait3A_105 = tpu.memref_slice %arg3[%multiple_of3A_98, %dma_wait3A_104] : memref<250000x128xf32, #tpu.memory_space<hbm>> -> memref<32x128xf32, #tpu.memory_space<hbm>>
    %dma_wait3A_106 = arith.constant 0 : i32
    %dma_wait3A_107 = tpu.memref_slice %arg3[%multiple_of3A_98, %dma_wait3A_106] : memref<250000x128xf32, #tpu.memory_space<hbm>> -> memref<32x128xf32, #tpu.memory_space<hbm>>
    %dma_wait3A_108 = arith.constant 0 : i32
    %dma_wait3A_109 = arith.constant 0 : i32
    %dma_wait3A_110 = tpu.memref_slice %arg5[%dma_wait3A_99, %dma_wait3A_108, %dma_wait3A_109] : memref<2x32x128xf32, #tpu.memory_space<vmem>> -> memref<1x32x128xf32, #tpu.memory_space<vmem>>
    %dma_wait3A_111 = tpu.memref_squeeze %dma_wait3A_110 : memref<1x32x128xf32, #tpu.memory_space<vmem>> -> memref<32x128xf32, #tpu.memory_space<vmem>>
    tpu.wait_dma2 semaphore(%arg10 : memref<!tpu.dma_semaphore, #tpu.memory_space<semaphore_mem>>) src(%dma_wait3A_111 : memref<32x128xf32, #tpu.memory_space<vmem>>) dst(%dma_wait3A_107 : memref<32x128xf32, #tpu.memory_space<hbm>>)
    return
  }
}

#map = affine_map<(d0, d1) -> (0, 0)>
module attributes {stable_mosaic.version = 14 : i64} {
  func.func @_gather_mean(%arg0: i32, %arg1: i32, %arg2: memref<1000000x32xf32, #tpu.memory_space<hbm>>, %arg3: memref<4096x200xi32, #tpu.memory_space<hbm>>, %arg4: memref<4096x64xf32, #tpu.memory_space<hbm>>, %arg5: memref<128x200xi32, #tpu.memory_space<vmem>>, %arg6: memref<2x200x32xf32, #tpu.memory_space<vmem>>, %arg7: memref<128x64xf32, #tpu.memory_space<vmem>>, %arg8: memref<!tpu.dma_semaphore, #tpu.memory_space<semaphore_mem>>, %arg9: memref<!tpu.dma_semaphore, #tpu.memory_space<semaphore_mem>>) attributes {dimension_semantics = [#tpu.dimension_semantics<core_parallel>, #tpu.dimension_semantics<subcore_parallel>], iteration_bounds = array<i64: 2, 16>, scalar_prefetch = 0 : i64, scratch_operands = 5 : i64, tpu.core_type = #tpu.core_type<sc_vector_subcore>, window_params = [{transform_indices = #map}, {transform_indices = #map}, {transform_indices = #map}]} {
    %mul3A = arith.constant 2 : i32
    %mul3A_0 = arith.muli %arg1, %mul3A : i32
    %add3A = arith.addi %mul3A_0, %arg0 : i32
    %mul3A_1 = arith.constant 128 : i32
    %mul3A_2 = arith.muli %add3A, %mul3A_1 : i32
    "tpu.region"() ({
      %run_scoped3A = tpu.sem_alloc : memref<!tpu.dma_semaphore, #tpu.memory_space<semaphore_mem>>
      %dma_start3A_43 = arith.constant 0 : i32
      %dma_start3A_44 = tpu.memref_slice %arg3[%mul3A_2, %dma_start3A_43] : memref<4096x200xi32, #tpu.memory_space<hbm>> -> memref<128x200xi32, #tpu.memory_space<hbm>>
      %dma_start3A_45 = arith.constant 0 : i32
      %dma_start3A_46 = tpu.memref_slice %arg3[%mul3A_2, %dma_start3A_45] : memref<4096x200xi32, #tpu.memory_space<hbm>> -> memref<128x200xi32, #tpu.memory_space<hbm>>
      tpu.enqueue_dma source(%dma_start3A_46 : memref<128x200xi32, #tpu.memory_space<hbm>>) target(%arg5 : memref<128x200xi32, #tpu.memory_space<vmem>>) target_semaphore(%run_scoped3A : memref<!tpu.dma_semaphore, #tpu.memory_space<semaphore_mem>>)
      %dma_wait3A = arith.constant 0 : i32
      %dma_wait3A_47 = tpu.memref_slice %arg3[%mul3A_2, %dma_wait3A] : memref<4096x200xi32, #tpu.memory_space<hbm>> -> memref<128x200xi32, #tpu.memory_space<hbm>>
      %dma_wait3A_48 = arith.constant 0 : i32
      %dma_wait3A_49 = tpu.memref_slice %arg3[%mul3A_2, %dma_wait3A_48] : memref<4096x200xi32, #tpu.memory_space<hbm>> -> memref<128x200xi32, #tpu.memory_space<hbm>>
      tpu.wait_dma2 semaphore(%run_scoped3A : memref<!tpu.dma_semaphore, #tpu.memory_space<semaphore_mem>>) src(%dma_wait3A_49 : memref<128x200xi32, #tpu.memory_space<hbm>>) dst(%arg5 : memref<128x200xi32, #tpu.memory_space<vmem>>)
      tpu.yield
    }) : () -> ()
    %broadcast_in_dim3A = arith.constant 16 : i32
    %broadcast_in_dim3A_3 = vector.broadcast %broadcast_in_dim3A : i32 to vector<16xi32>
    %broadcast_in_dim3A_4 = arith.constant -65536 : i32
    %broadcast_in_dim3A_5 = vector.broadcast %broadcast_in_dim3A_4 : i32 to vector<16xi32>
    %dma_start3A = arith.constant 0 : i32
    %dma_start3A_6 = arith.constant 0 : i32
    %dma_start3A_7 = arith.constant 0 : i32
    %dma_start3A_8 = arith.constant 0 : i32
    %dma_start3A_9 = tpu.memref_slice %arg6[%dma_start3A_6, %dma_start3A_7, %dma_start3A_8] : memref<2x200x32xf32, #tpu.memory_space<vmem>> -> memref<1x200x32xf32, #tpu.memory_space<vmem>>
    %dma_start3A_10 = tpu.memref_squeeze %dma_start3A_9 : memref<1x200x32xf32, #tpu.memory_space<vmem>> -> memref<200x32xf32, #tpu.memory_space<vmem>>
    %dma_start3A_11 = arith.constant 0 : i32
    %dma_start3A_12 = arith.constant 0 : i32
    %dma_start3A_13 = tpu.memref_slice %dma_start3A_10[%dma_start3A_11, %dma_start3A_12] : memref<200x32xf32, #tpu.memory_space<vmem>> -> memref<128x32xf32, #tpu.memory_space<vmem>>
    %dma_start3A_14 = arith.constant 0 : i32
    %dma_start3A_15 = tpu.memref_slice %arg5[%dma_start3A, %dma_start3A_14] : memref<128x200xi32, #tpu.memory_space<vmem>> -> memref<1x200xi32, #tpu.memory_space<vmem>>
    %dma_start3A_16 = tpu.memref_squeeze %dma_start3A_15 : memref<1x200xi32, #tpu.memory_space<vmem>> -> memref<200xi32, #tpu.memory_space<vmem>>
    %dma_start3A_17 = arith.constant 0 : i32
    %dma_start3A_18 = tpu.memref_slice %dma_start3A_16[%dma_start3A_17] : memref<200xi32, #tpu.memory_space<vmem>> -> memref<128xi32, #tpu.memory_space<vmem>>
    %dma_start3A_19 = arith.constant 0 : i32
    %dma_start3A_20 = arith.constant 0 : i32
    %dma_start3A_21 = tpu.memref_slice %arg2[%dma_start3A_19, %dma_start3A_20] : memref<1000000x32xf32, #tpu.memory_space<hbm>> -> memref<1000000x32xf32, #tpu.memory_space<hbm>>
    tpu.enqueue_indirect_dma source(%dma_start3A_21 : memref<1000000x32xf32, #tpu.memory_space<hbm>>) target(%dma_start3A_13 : memref<128x32xf32, #tpu.memory_space<vmem>>) offsets(%dma_start3A_18 : memref<128xi32, #tpu.memory_space<vmem>>) semaphore(%arg8 : memref<!tpu.dma_semaphore, #tpu.memory_space<semaphore_mem>>)
    %dma_start3A_22 = arith.constant 0 : i32
    %dma_start3A_23 = arith.constant 0 : i32
    %dma_start3A_24 = arith.constant 0 : i32
    %dma_start3A_25 = arith.constant 0 : i32
    %dma_start3A_26 = tpu.memref_slice %arg6[%dma_start3A_23, %dma_start3A_24, %dma_start3A_25] : memref<2x200x32xf32, #tpu.memory_space<vmem>> -> memref<1x200x32xf32, #tpu.memory_space<vmem>>
    %dma_start3A_27 = tpu.memref_squeeze %dma_start3A_26 : memref<1x200x32xf32, #tpu.memory_space<vmem>> -> memref<200x32xf32, #tpu.memory_space<vmem>>
    %dma_start3A_28 = arith.constant 128 : i32
    %dma_start3A_29 = arith.constant 0 : i32
    %dma_start3A_30 = tpu.memref_slice %dma_start3A_27[%dma_start3A_28, %dma_start3A_29] : memref<200x32xf32, #tpu.memory_space<vmem>> -> memref<72x32xf32, #tpu.memory_space<vmem>>
    %dma_start3A_31 = arith.constant 0 : i32
    %dma_start3A_32 = tpu.memref_slice %arg5[%dma_start3A_22, %dma_start3A_31] : memref<128x200xi32, #tpu.memory_space<vmem>> -> memref<1x200xi32, #tpu.memory_space<vmem>>
    %dma_start3A_33 = tpu.memref_squeeze %dma_start3A_32 : memref<1x200xi32, #tpu.memory_space<vmem>> -> memref<200xi32, #tpu.memory_space<vmem>>
    %dma_start3A_34 = arith.constant 128 : i32
    %dma_start3A_35 = tpu.memref_slice %dma_start3A_33[%dma_start3A_34] : memref<200xi32, #tpu.memory_space<vmem>> -> memref<72xi32, #tpu.memory_space<vmem>>
    %dma_start3A_36 = arith.constant 0 : i32
    %dma_start3A_37 = arith.constant 0 : i32
    %dma_start3A_38 = tpu.memref_slice %arg2[%dma_start3A_36, %dma_start3A_37] : memref<1000000x32xf32, #tpu.memory_space<hbm>> -> memref<1000000x32xf32, #tpu.memory_space<hbm>>
    tpu.enqueue_indirect_dma source(%dma_start3A_38 : memref<1000000x32xf32, #tpu.memory_space<hbm>>) target(%dma_start3A_30 : memref<72x32xf32, #tpu.memory_space<vmem>>) offsets(%dma_start3A_35 : memref<72xi32, #tpu.memory_space<vmem>>) semaphore(%arg8 : memref<!tpu.dma_semaphore, #tpu.memory_space<semaphore_mem>>)
    %scan3A = arith.constant 0 : i32
    %scan3A_39 = arith.constant 64 : i32
    %scan3A_40 = arith.addi %scan3A, %scan3A_39 : i32
    %scan3A_41 = arith.constant 1 : i32
    scf.for %scan3A_43 = %scan3A to %scan3A_40 step %scan3A_41  : i32 {
      %mul3A_44 = arith.constant 2 : i32
      %mul3A_45 = arith.muli %scan3A_43, %mul3A_44 : i32
      %add3A_46 = arith.constant 0 : i32
      %add3A_47 = arith.addi %add3A_46, %mul3A_45 : i32
      %add3A_48 = arith.constant 1 : i32
      %add3A_49 = arith.addi %add3A_47, %add3A_48 : i32
      %dma_start3A_50 = arith.constant 1 : i32
      %dma_start3A_51 = arith.constant 0 : i32
      %dma_start3A_52 = arith.constant 0 : i32
      %dma_start3A_53 = tpu.memref_slice %arg6[%dma_start3A_50, %dma_start3A_51, %dma_start3A_52] : memref<2x200x32xf32, #tpu.memory_space<vmem>> -> memref<1x200x32xf32, #tpu.memory_space<vmem>>
      %dma_start3A_54 = tpu.memref_squeeze %dma_start3A_53 : memref<1x200x32xf32, #tpu.memory_space<vmem>> -> memref<200x32xf32, #tpu.memory_space<vmem>>
      %dma_start3A_55 = arith.constant 0 : i32
      %dma_start3A_56 = arith.constant 0 : i32
      %dma_start3A_57 = tpu.memref_slice %dma_start3A_54[%dma_start3A_55, %dma_start3A_56] : memref<200x32xf32, #tpu.memory_space<vmem>> -> memref<128x32xf32, #tpu.memory_space<vmem>>
      %dma_start3A_58 = arith.constant 0 : i32
      %dma_start3A_59 = tpu.memref_slice %arg5[%add3A_49, %dma_start3A_58] : memref<128x200xi32, #tpu.memory_space<vmem>> -> memref<1x200xi32, #tpu.memory_space<vmem>>
      %dma_start3A_60 = tpu.memref_squeeze %dma_start3A_59 : memref<1x200xi32, #tpu.memory_space<vmem>> -> memref<200xi32, #tpu.memory_space<vmem>>
      %dma_start3A_61 = arith.constant 0 : i32
      %dma_start3A_62 = tpu.memref_slice %dma_start3A_60[%dma_start3A_61] : memref<200xi32, #tpu.memory_space<vmem>> -> memref<128xi32, #tpu.memory_space<vmem>>
      %dma_start3A_63 = arith.constant 0 : i32
      %dma_start3A_64 = arith.constant 0 : i32
      %dma_start3A_65 = tpu.memref_slice %arg2[%dma_start3A_63, %dma_start3A_64] : memref<1000000x32xf32, #tpu.memory_space<hbm>> -> memref<1000000x32xf32, #tpu.memory_space<hbm>>
      tpu.enqueue_indirect_dma source(%dma_start3A_65 : memref<1000000x32xf32, #tpu.memory_space<hbm>>) target(%dma_start3A_57 : memref<128x32xf32, #tpu.memory_space<vmem>>) offsets(%dma_start3A_62 : memref<128xi32, #tpu.memory_space<vmem>>) semaphore(%arg9 : memref<!tpu.dma_semaphore, #tpu.memory_space<semaphore_mem>>)
      %dma_start3A_66 = arith.constant 1 : i32
      %dma_start3A_67 = arith.constant 0 : i32
      %dma_start3A_68 = arith.constant 0 : i32
      %dma_start3A_69 = tpu.memref_slice %arg6[%dma_start3A_66, %dma_start3A_67, %dma_start3A_68] : memref<2x200x32xf32, #tpu.memory_space<vmem>> -> memref<1x200x32xf32, #tpu.memory_space<vmem>>
      %dma_start3A_70 = tpu.memref_squeeze %dma_start3A_69 : memref<1x200x32xf32, #tpu.memory_space<vmem>> -> memref<200x32xf32, #tpu.memory_space<vmem>>
      %dma_start3A_71 = arith.constant 128 : i32
      %dma_start3A_72 = arith.constant 0 : i32
      %dma_start3A_73 = tpu.memref_slice %dma_start3A_70[%dma_start3A_71, %dma_start3A_72] : memref<200x32xf32, #tpu.memory_space<vmem>> -> memref<72x32xf32, #tpu.memory_space<vmem>>
      %dma_start3A_74 = arith.constant 0 : i32
      %dma_start3A_75 = tpu.memref_slice %arg5[%add3A_49, %dma_start3A_74] : memref<128x200xi32, #tpu.memory_space<vmem>> -> memref<1x200xi32, #tpu.memory_space<vmem>>
      %dma_start3A_76 = tpu.memref_squeeze %dma_start3A_75 : memref<1x200xi32, #tpu.memory_space<vmem>> -> memref<200xi32, #tpu.memory_space<vmem>>
      %dma_start3A_77 = arith.constant 128 : i32
      %dma_start3A_78 = tpu.memref_slice %dma_start3A_76[%dma_start3A_77] : memref<200xi32, #tpu.memory_space<vmem>> -> memref<72xi32, #tpu.memory_space<vmem>>
      %dma_start3A_79 = arith.constant 0 : i32
      %dma_start3A_80 = arith.constant 0 : i32
      %dma_start3A_81 = tpu.memref_slice %arg2[%dma_start3A_79, %dma_start3A_80] : memref<1000000x32xf32, #tpu.memory_space<hbm>> -> memref<1000000x32xf32, #tpu.memory_space<hbm>>
      tpu.enqueue_indirect_dma source(%dma_start3A_81 : memref<1000000x32xf32, #tpu.memory_space<hbm>>) target(%dma_start3A_73 : memref<72x32xf32, #tpu.memory_space<vmem>>) offsets(%dma_start3A_78 : memref<72xi32, #tpu.memory_space<vmem>>) semaphore(%arg9 : memref<!tpu.dma_semaphore, #tpu.memory_space<semaphore_mem>>)
      %dma_wait3A = arith.constant 0 : i32
      %dma_wait3A_82 = arith.constant 0 : i32
      %dma_wait3A_83 = arith.constant 0 : i32
      %dma_wait3A_84 = tpu.memref_slice %arg6[%dma_wait3A, %dma_wait3A_82, %dma_wait3A_83] : memref<2x200x32xf32, #tpu.memory_space<vmem>> -> memref<1x200x32xf32, #tpu.memory_space<vmem>>
      %dma_wait3A_85 = tpu.memref_squeeze %dma_wait3A_84 : memref<1x200x32xf32, #tpu.memory_space<vmem>> -> memref<200x32xf32, #tpu.memory_space<vmem>>
      %dma_wait3A_86 = arith.constant 0 : i32
      %dma_wait3A_87 = arith.constant 0 : i32
      %dma_wait3A_88 = tpu.memref_slice %dma_wait3A_85[%dma_wait3A_86, %dma_wait3A_87] : memref<200x32xf32, #tpu.memory_space<vmem>> -> memref<128x32xf32, #tpu.memory_space<vmem>>
      %dma_wait3A_89 = arith.constant 0 : i32
      %dma_wait3A_90 = tpu.memref_slice %arg5[%add3A_47, %dma_wait3A_89] : memref<128x200xi32, #tpu.memory_space<vmem>> -> memref<1x200xi32, #tpu.memory_space<vmem>>
      %dma_wait3A_91 = tpu.memref_squeeze %dma_wait3A_90 : memref<1x200xi32, #tpu.memory_space<vmem>> -> memref<200xi32, #tpu.memory_space<vmem>>
      %dma_wait3A_92 = arith.constant 0 : i32
      %dma_wait3A_93 = tpu.memref_slice %dma_wait3A_91[%dma_wait3A_92] : memref<200xi32, #tpu.memory_space<vmem>> -> memref<128xi32, #tpu.memory_space<vmem>>
      %dma_wait3A_94 = arith.constant 0 : i32
      %dma_wait3A_95 = arith.constant 0 : i32
      %dma_wait3A_96 = tpu.memref_slice %arg2[%dma_wait3A_94, %dma_wait3A_95] : memref<1000000x32xf32, #tpu.memory_space<hbm>> -> memref<1000000x32xf32, #tpu.memory_space<hbm>>
      tpu.wait_indirect_dma semaphore(%arg8 : memref<!tpu.dma_semaphore, #tpu.memory_space<semaphore_mem>>) src(%dma_wait3A_96 : memref<1000000x32xf32, #tpu.memory_space<hbm>>) dst(%dma_wait3A_88 : memref<128x32xf32, #tpu.memory_space<vmem>>)
      %dma_wait3A_97 = arith.constant 0 : i32
      %dma_wait3A_98 = arith.constant 0 : i32
      %dma_wait3A_99 = arith.constant 0 : i32
      %dma_wait3A_100 = tpu.memref_slice %arg6[%dma_wait3A_97, %dma_wait3A_98, %dma_wait3A_99] : memref<2x200x32xf32, #tpu.memory_space<vmem>> -> memref<1x200x32xf32, #tpu.memory_space<vmem>>
      %dma_wait3A_101 = tpu.memref_squeeze %dma_wait3A_100 : memref<1x200x32xf32, #tpu.memory_space<vmem>> -> memref<200x32xf32, #tpu.memory_space<vmem>>
      %dma_wait3A_102 = arith.constant 128 : i32
      %dma_wait3A_103 = arith.constant 0 : i32
      %dma_wait3A_104 = tpu.memref_slice %dma_wait3A_101[%dma_wait3A_102, %dma_wait3A_103] : memref<200x32xf32, #tpu.memory_space<vmem>> -> memref<72x32xf32, #tpu.memory_space<vmem>>
      %dma_wait3A_105 = arith.constant 0 : i32
      %dma_wait3A_106 = tpu.memref_slice %arg5[%add3A_47, %dma_wait3A_105] : memref<128x200xi32, #tpu.memory_space<vmem>> -> memref<1x200xi32, #tpu.memory_space<vmem>>
      %dma_wait3A_107 = tpu.memref_squeeze %dma_wait3A_106 : memref<1x200xi32, #tpu.memory_space<vmem>> -> memref<200xi32, #tpu.memory_space<vmem>>
      %dma_wait3A_108 = arith.constant 128 : i32
      %dma_wait3A_109 = tpu.memref_slice %dma_wait3A_107[%dma_wait3A_108] : memref<200xi32, #tpu.memory_space<vmem>> -> memref<72xi32, #tpu.memory_space<vmem>>
      %dma_wait3A_110 = arith.constant 0 : i32
      %dma_wait3A_111 = arith.constant 0 : i32
      %dma_wait3A_112 = tpu.memref_slice %arg2[%dma_wait3A_110, %dma_wait3A_111] : memref<1000000x32xf32, #tpu.memory_space<hbm>> -> memref<1000000x32xf32, #tpu.memory_space<hbm>>
      tpu.wait_indirect_dma semaphore(%arg8 : memref<!tpu.dma_semaphore, #tpu.memory_space<semaphore_mem>>) src(%dma_wait3A_112 : memref<1000000x32xf32, #tpu.memory_space<hbm>>) dst(%dma_wait3A_104 : memref<72x32xf32, #tpu.memory_space<vmem>>)
      %broadcast_in_dim3A_113 = arith.constant 0.000000e+00 : f32
      %broadcast_in_dim3A_114 = vector.broadcast %broadcast_in_dim3A_113 : f32 to vector<16xf32>
      %scan3A_115 = arith.constant 0 : i32
      %scan3A_116 = arith.constant 0 : i32
      %scan3A_117 = arith.constant 25 : i32
      %scan3A_118 = arith.addi %scan3A_116, %scan3A_117 : i32
      %scan3A_119 = arith.constant 1 : i32
      %scan3A_120:8 = scf.for %scan3A_226 = %scan3A_116 to %scan3A_118 step %scan3A_119 iter_args(%scan3A_227 = %broadcast_in_dim3A_114, %scan3A_228 = %broadcast_in_dim3A_114, %scan3A_229 = %broadcast_in_dim3A_114, %scan3A_230 = %broadcast_in_dim3A_114, %scan3A_231 = %broadcast_in_dim3A_114, %scan3A_232 = %broadcast_in_dim3A_114, %scan3A_233 = %broadcast_in_dim3A_114, %scan3A_234 = %broadcast_in_dim3A_114) -> (vector<16xf32>, vector<16xf32>, vector<16xf32>, vector<16xf32>, vector<16xf32>, vector<16xf32>, vector<16xf32>, vector<16xf32>)  : i32 {
        %mul3A_235 = arith.constant 8 : i32
        %mul3A_236 = arith.muli %scan3A_226, %mul3A_235 : i32
        %add3A_237 = arith.constant 0 : i32
        %add3A_238 = arith.addi %mul3A_236, %add3A_237 : i32
        %get3A = arith.constant 0 : i32
        %get3A_239 = arith.constant 0 : i32
        %get3A_240 = tpu.memref_slice %arg6[%scan3A_115, %get3A, %get3A_239] : memref<2x200x32xf32, #tpu.memory_space<vmem>> -> memref<1x200x32xf32, #tpu.memory_space<vmem>>
        %get3A_241 = tpu.memref_squeeze %get3A_240 : memref<1x200x32xf32, #tpu.memory_space<vmem>> -> memref<200x32xf32, #tpu.memory_space<vmem>>
        %get3A_242 = arith.index_cast %add3A_238 : i32 to index
        %get3A_243 = arith.constant 0 : index
        %get3A_244 = tpu.vector_load %get3A_241[%get3A_242, %get3A_243] {strides = array<i32>} : memref<200x32xf32, #tpu.memory_space<vmem>>, vector<16xf32>,
        %bitcast3A = vector.bitcast %get3A_244 : vector<16xf32> to vector<16xi32>
        %shift_left3A = arith.shli %bitcast3A, %broadcast_in_dim3A_3 : vector<16xi32>
        %bitcast3A_245 = vector.bitcast %shift_left3A : vector<16xi32> to vector<16xf32>
        %and3A = arith.andi %bitcast3A, %broadcast_in_dim3A_5 : vector<16xi32>
        %bitcast3A_246 = vector.bitcast %and3A : vector<16xi32> to vector<16xf32>
        %add3A_247 = arith.constant 0 : i32
        %add3A_248 = arith.addi %mul3A_236, %add3A_247 : i32
        %get3A_249 = arith.constant 0 : i32
        %get3A_250 = arith.constant 0 : i32
        %get3A_251 = tpu.memref_slice %arg6[%scan3A_115, %get3A_249, %get3A_250] : memref<2x200x32xf32, #tpu.memory_space<vmem>> -> memref<1x200x32xf32, #tpu.memory_space<vmem>>
        %get3A_252 = tpu.memref_squeeze %get3A_251 : memref<1x200x32xf32, #tpu.memory_space<vmem>> -> memref<200x32xf32, #tpu.memory_space<vmem>>
        %get3A_253 = arith.index_cast %add3A_248 : i32 to index
        %get3A_254 = arith.constant 16 : index
        %get3A_255 = tpu.vector_load %get3A_252[%get3A_253, %get3A_254] {strides = array<i32>} : memref<200x32xf32, #tpu.memory_space<vmem>>, vector<16xf32>,
        %bitcast3A_256 = vector.bitcast %get3A_255 : vector<16xf32> to vector<16xi32>
        %shift_left3A_257 = arith.shli %bitcast3A_256, %broadcast_in_dim3A_3 : vector<16xi32>
        %bitcast3A_258 = vector.bitcast %shift_left3A_257 : vector<16xi32> to vector<16xf32>
        %and3A_259 = arith.andi %bitcast3A_256, %broadcast_in_dim3A_5 : vector<16xi32>
        %bitcast3A_260 = vector.bitcast %and3A_259 : vector<16xi32> to vector<16xf32>
        %add3A_261 = arith.addf %scan3A_227, %bitcast3A_245 : vector<16xf32>
        %add3A_262 = arith.addf %scan3A_228, %bitcast3A_246 : vector<16xf32>
        %add3A_263 = arith.addf %scan3A_229, %bitcast3A_258 : vector<16xf32>
        %add3A_264 = arith.addf %scan3A_230, %bitcast3A_260 : vector<16xf32>
        %add3A_265 = arith.constant 1 : i32
        %add3A_266 = arith.addi %mul3A_236, %add3A_265 : i32
        %get3A_267 = arith.constant 0 : i32
        %get3A_268 = arith.constant 0 : i32
        %get3A_269 = tpu.memref_slice %arg6[%scan3A_115, %get3A_267, %get3A_268] : memref<2x200x32xf32, #tpu.memory_space<vmem>> -> memref<1x200x32xf32, #tpu.memory_space<vmem>>
        %get3A_270 = tpu.memref_squeeze %get3A_269 : memref<1x200x32xf32, #tpu.memory_space<vmem>> -> memref<200x32xf32, #tpu.memory_space<vmem>>
        %get3A_271 = arith.index_cast %add3A_266 : i32 to index
        %get3A_272 = arith.constant 0 : index
        %get3A_273 = tpu.vector_load %get3A_270[%get3A_271, %get3A_272] {strides = array<i32>} : memref<200x32xf32, #tpu.memory_space<vmem>>, vector<16xf32>,
        %bitcast3A_274 = vector.bitcast %get3A_273 : vector<16xf32> to vector<16xi32>
        %shift_left3A_275 = arith.shli %bitcast3A_274, %broadcast_in_dim3A_3 : vector<16xi32>
        %bitcast3A_276 = vector.bitcast %shift_left3A_275 : vector<16xi32> to vector<16xf32>
        %and3A_277 = arith.andi %bitcast3A_274, %broadcast_in_dim3A_5 : vector<16xi32>
        %bitcast3A_278 = vector.bitcast %and3A_277 : vector<16xi32> to vector<16xf32>
        %add3A_279 = arith.constant 1 : i32
        %add3A_280 = arith.addi %mul3A_236, %add3A_279 : i32
        %get3A_281 = arith.constant 0 : i32
        %get3A_282 = arith.constant 0 : i32
        %get3A_283 = tpu.memref_slice %arg6[%scan3A_115, %get3A_281, %get3A_282] : memref<2x200x32xf32, #tpu.memory_space<vmem>> -> memref<1x200x32xf32, #tpu.memory_space<vmem>>
        %get3A_284 = tpu.memref_squeeze %get3A_283 : memref<1x200x32xf32, #tpu.memory_space<vmem>> -> memref<200x32xf32, #tpu.memory_space<vmem>>
        %get3A_285 = arith.index_cast %add3A_280 : i32 to index
        %get3A_286 = arith.constant 16 : index
        %get3A_287 = tpu.vector_load %get3A_284[%get3A_285, %get3A_286] {strides = array<i32>} : memref<200x32xf32, #tpu.memory_space<vmem>>, vector<16xf32>,
        %bitcast3A_288 = vector.bitcast %get3A_287 : vector<16xf32> to vector<16xi32>
        %shift_left3A_289 = arith.shli %bitcast3A_288, %broadcast_in_dim3A_3 : vector<16xi32>
        %bitcast3A_290 = vector.bitcast %shift_left3A_289 : vector<16xi32> to vector<16xf32>
        %and3A_291 = arith.andi %bitcast3A_288, %broadcast_in_dim3A_5 : vector<16xi32>
        %bitcast3A_292 = vector.bitcast %and3A_291 : vector<16xi32> to vector<16xf32>
        %add3A_293 = arith.addf %scan3A_231, %bitcast3A_276 : vector<16xf32>
        %add3A_294 = arith.addf %scan3A_232, %bitcast3A_278 : vector<16xf32>
        %add3A_295 = arith.addf %scan3A_233, %bitcast3A_290 : vector<16xf32>
        %add3A_296 = arith.addf %scan3A_234, %bitcast3A_292 : vector<16xf32>
        %add3A_297 = arith.constant 2 : i32
        %add3A_298 = arith.addi %mul3A_236, %add3A_297 : i32
        %get3A_299 = arith.constant 0 : i32
        %get3A_300 = arith.constant 0 : i32
        %get3A_301 = tpu.memref_slice %arg6[%scan3A_115, %get3A_299, %get3A_300] : memref<2x200x32xf32, #tpu.memory_space<vmem>> -> memref<1x200x32xf32, #tpu.memory_space<vmem>>
        %get3A_302 = tpu.memref_squeeze %get3A_301 : memref<1x200x32xf32, #tpu.memory_space<vmem>> -> memref<200x32xf32, #tpu.memory_space<vmem>>
        %get3A_303 = arith.index_cast %add3A_298 : i32 to index
        %get3A_304 = arith.constant 0 : index
        %get3A_305 = tpu.vector_load %get3A_302[%get3A_303, %get3A_304] {strides = array<i32>} : memref<200x32xf32, #tpu.memory_space<vmem>>, vector<16xf32>,
        %bitcast3A_306 = vector.bitcast %get3A_305 : vector<16xf32> to vector<16xi32>
        %shift_left3A_307 = arith.shli %bitcast3A_306, %broadcast_in_dim3A_3 : vector<16xi32>
        %bitcast3A_308 = vector.bitcast %shift_left3A_307 : vector<16xi32> to vector<16xf32>
        %and3A_309 = arith.andi %bitcast3A_306, %broadcast_in_dim3A_5 : vector<16xi32>
        %bitcast3A_310 = vector.bitcast %and3A_309 : vector<16xi32> to vector<16xf32>
        %add3A_311 = arith.constant 2 : i32
        %add3A_312 = arith.addi %mul3A_236, %add3A_311 : i32
        %get3A_313 = arith.constant 0 : i32
        %get3A_314 = arith.constant 0 : i32
        %get3A_315 = tpu.memref_slice %arg6[%scan3A_115, %get3A_313, %get3A_314] : memref<2x200x32xf32, #tpu.memory_space<vmem>> -> memref<1x200x32xf32, #tpu.memory_space<vmem>>
        %get3A_316 = tpu.memref_squeeze %get3A_315 : memref<1x200x32xf32, #tpu.memory_space<vmem>> -> memref<200x32xf32, #tpu.memory_space<vmem>>
        %get3A_317 = arith.index_cast %add3A_312 : i32 to index
        %get3A_318 = arith.constant 16 : index
        %get3A_319 = tpu.vector_load %get3A_316[%get3A_317, %get3A_318] {strides = array<i32>} : memref<200x32xf32, #tpu.memory_space<vmem>>, vector<16xf32>,
        %bitcast3A_320 = vector.bitcast %get3A_319 : vector<16xf32> to vector<16xi32>
        %shift_left3A_321 = arith.shli %bitcast3A_320, %broadcast_in_dim3A_3 : vector<16xi32>
        %bitcast3A_322 = vector.bitcast %shift_left3A_321 : vector<16xi32> to vector<16xf32>
        %and3A_323 = arith.andi %bitcast3A_320, %broadcast_in_dim3A_5 : vector<16xi32>
        %bitcast3A_324 = vector.bitcast %and3A_323 : vector<16xi32> to vector<16xf32>
        %add3A_325 = arith.addf %add3A_261, %bitcast3A_308 : vector<16xf32>
        %add3A_326 = arith.addf %add3A_262, %bitcast3A_310 : vector<16xf32>
        %add3A_327 = arith.addf %add3A_263, %bitcast3A_322 : vector<16xf32>
        %add3A_328 = arith.addf %add3A_264, %bitcast3A_324 : vector<16xf32>
        %add3A_329 = arith.constant 3 : i32
        %add3A_330 = arith.addi %mul3A_236, %add3A_329 : i32
        %get3A_331 = arith.constant 0 : i32
        %get3A_332 = arith.constant 0 : i32
        %get3A_333 = tpu.memref_slice %arg6[%scan3A_115, %get3A_331, %get3A_332] : memref<2x200x32xf32, #tpu.memory_space<vmem>> -> memref<1x200x32xf32, #tpu.memory_space<vmem>>
        %get3A_334 = tpu.memref_squeeze %get3A_333 : memref<1x200x32xf32, #tpu.memory_space<vmem>> -> memref<200x32xf32, #tpu.memory_space<vmem>>
        %get3A_335 = arith.index_cast %add3A_330 : i32 to index
        %get3A_336 = arith.constant 0 : index
        %get3A_337 = tpu.vector_load %get3A_334[%get3A_335, %get3A_336] {strides = array<i32>} : memref<200x32xf32, #tpu.memory_space<vmem>>, vector<16xf32>,
        %bitcast3A_338 = vector.bitcast %get3A_337 : vector<16xf32> to vector<16xi32>
        %shift_left3A_339 = arith.shli %bitcast3A_338, %broadcast_in_dim3A_3 : vector<16xi32>
        %bitcast3A_340 = vector.bitcast %shift_left3A_339 : vector<16xi32> to vector<16xf32>
        %and3A_341 = arith.andi %bitcast3A_338, %broadcast_in_dim3A_5 : vector<16xi32>
        %bitcast3A_342 = vector.bitcast %and3A_341 : vector<16xi32> to vector<16xf32>
        %add3A_343 = arith.constant 3 : i32
        %add3A_344 = arith.addi %mul3A_236, %add3A_343 : i32
        %get3A_345 = arith.constant 0 : i32
        %get3A_346 = arith.constant 0 : i32
        %get3A_347 = tpu.memref_slice %arg6[%scan3A_115, %get3A_345, %get3A_346] : memref<2x200x32xf32, #tpu.memory_space<vmem>> -> memref<1x200x32xf32, #tpu.memory_space<vmem>>
        %get3A_348 = tpu.memref_squeeze %get3A_347 : memref<1x200x32xf32, #tpu.memory_space<vmem>> -> memref<200x32xf32, #tpu.memory_space<vmem>>
        %get3A_349 = arith.index_cast %add3A_344 : i32 to index
        %get3A_350 = arith.constant 16 : index
        %get3A_351 = tpu.vector_load %get3A_348[%get3A_349, %get3A_350] {strides = array<i32>} : memref<200x32xf32, #tpu.memory_space<vmem>>, vector<16xf32>,
        %bitcast3A_352 = vector.bitcast %get3A_351 : vector<16xf32> to vector<16xi32>
        %shift_left3A_353 = arith.shli %bitcast3A_352, %broadcast_in_dim3A_3 : vector<16xi32>
        %bitcast3A_354 = vector.bitcast %shift_left3A_353 : vector<16xi32> to vector<16xf32>
        %and3A_355 = arith.andi %bitcast3A_352, %broadcast_in_dim3A_5 : vector<16xi32>
        %bitcast3A_356 = vector.bitcast %and3A_355 : vector<16xi32> to vector<16xf32>
        %add3A_357 = arith.addf %add3A_293, %bitcast3A_340 : vector<16xf32>
        %add3A_358 = arith.addf %add3A_294, %bitcast3A_342 : vector<16xf32>
        %add3A_359 = arith.addf %add3A_295, %bitcast3A_354 : vector<16xf32>
        %add3A_360 = arith.addf %add3A_296, %bitcast3A_356 : vector<16xf32>
        %add3A_361 = arith.constant 4 : i32
        %add3A_362 = arith.addi %mul3A_236, %add3A_361 : i32
        %get3A_363 = arith.constant 0 : i32
        %get3A_364 = arith.constant 0 : i32
        %get3A_365 = tpu.memref_slice %arg6[%scan3A_115, %get3A_363, %get3A_364] : memref<2x200x32xf32, #tpu.memory_space<vmem>> -> memref<1x200x32xf32, #tpu.memory_space<vmem>>
        %get3A_366 = tpu.memref_squeeze %get3A_365 : memref<1x200x32xf32, #tpu.memory_space<vmem>> -> memref<200x32xf32, #tpu.memory_space<vmem>>
        %get3A_367 = arith.index_cast %add3A_362 : i32 to index
        %get3A_368 = arith.constant 0 : index
        %get3A_369 = tpu.vector_load %get3A_366[%get3A_367, %get3A_368] {strides = array<i32>} : memref<200x32xf32, #tpu.memory_space<vmem>>, vector<16xf32>,
        %bitcast3A_370 = vector.bitcast %get3A_369 : vector<16xf32> to vector<16xi32>
        %shift_left3A_371 = arith.shli %bitcast3A_370, %broadcast_in_dim3A_3 : vector<16xi32>
        %bitcast3A_372 = vector.bitcast %shift_left3A_371 : vector<16xi32> to vector<16xf32>
        %and3A_373 = arith.andi %bitcast3A_370, %broadcast_in_dim3A_5 : vector<16xi32>
        %bitcast3A_374 = vector.bitcast %and3A_373 : vector<16xi32> to vector<16xf32>
        %add3A_375 = arith.constant 4 : i32
        %add3A_376 = arith.addi %mul3A_236, %add3A_375 : i32
        %get3A_377 = arith.constant 0 : i32
        %get3A_378 = arith.constant 0 : i32
        %get3A_379 = tpu.memref_slice %arg6[%scan3A_115, %get3A_377, %get3A_378] : memref<2x200x32xf32, #tpu.memory_space<vmem>> -> memref<1x200x32xf32, #tpu.memory_space<vmem>>
        %get3A_380 = tpu.memref_squeeze %get3A_379 : memref<1x200x32xf32, #tpu.memory_space<vmem>> -> memref<200x32xf32, #tpu.memory_space<vmem>>
        %get3A_381 = arith.index_cast %add3A_376 : i32 to index
        %get3A_382 = arith.constant 16 : index
        %get3A_383 = tpu.vector_load %get3A_380[%get3A_381, %get3A_382] {strides = array<i32>} : memref<200x32xf32, #tpu.memory_space<vmem>>, vector<16xf32>,
        %bitcast3A_384 = vector.bitcast %get3A_383 : vector<16xf32> to vector<16xi32>
        %shift_left3A_385 = arith.shli %bitcast3A_384, %broadcast_in_dim3A_3 : vector<16xi32>
        %bitcast3A_386 = vector.bitcast %shift_left3A_385 : vector<16xi32> to vector<16xf32>
        %and3A_387 = arith.andi %bitcast3A_384, %broadcast_in_dim3A_5 : vector<16xi32>
        %bitcast3A_388 = vector.bitcast %and3A_387 : vector<16xi32> to vector<16xf32>
        %add3A_389 = arith.addf %add3A_325, %bitcast3A_372 : vector<16xf32>
        %add3A_390 = arith.addf %add3A_326, %bitcast3A_374 : vector<16xf32>
        %add3A_391 = arith.addf %add3A_327, %bitcast3A_386 : vector<16xf32>
        %add3A_392 = arith.addf %add3A_328, %bitcast3A_388 : vector<16xf32>
        %add3A_393 = arith.constant 5 : i32
        %add3A_394 = arith.addi %mul3A_236, %add3A_393 : i32
        %get3A_395 = arith.constant 0 : i32
        %get3A_396 = arith.constant 0 : i32
        %get3A_397 = tpu.memref_slice %arg6[%scan3A_115, %get3A_395, %get3A_396] : memref<2x200x32xf32, #tpu.memory_space<vmem>> -> memref<1x200x32xf32, #tpu.memory_space<vmem>>
        %get3A_398 = tpu.memref_squeeze %get3A_397 : memref<1x200x32xf32, #tpu.memory_space<vmem>> -> memref<200x32xf32, #tpu.memory_space<vmem>>
        %get3A_399 = arith.index_cast %add3A_394 : i32 to index
        %get3A_400 = arith.constant 0 : index
        %get3A_401 = tpu.vector_load %get3A_398[%get3A_399, %get3A_400] {strides = array<i32>} : memref<200x32xf32, #tpu.memory_space<vmem>>, vector<16xf32>,
        %bitcast3A_402 = vector.bitcast %get3A_401 : vector<16xf32> to vector<16xi32>
        %shift_left3A_403 = arith.shli %bitcast3A_402, %broadcast_in_dim3A_3 : vector<16xi32>
        %bitcast3A_404 = vector.bitcast %shift_left3A_403 : vector<16xi32> to vector<16xf32>
        %and3A_405 = arith.andi %bitcast3A_402, %broadcast_in_dim3A_5 : vector<16xi32>
        %bitcast3A_406 = vector.bitcast %and3A_405 : vector<16xi32> to vector<16xf32>
        %add3A_407 = arith.constant 5 : i32
        %add3A_408 = arith.addi %mul3A_236, %add3A_407 : i32
        %get3A_409 = arith.constant 0 : i32
        %get3A_410 = arith.constant 0 : i32
        %get3A_411 = tpu.memref_slice %arg6[%scan3A_115, %get3A_409, %get3A_410] : memref<2x200x32xf32, #tpu.memory_space<vmem>> -> memref<1x200x32xf32, #tpu.memory_space<vmem>>
        %get3A_412 = tpu.memref_squeeze %get3A_411 : memref<1x200x32xf32, #tpu.memory_space<vmem>> -> memref<200x32xf32, #tpu.memory_space<vmem>>
        %get3A_413 = arith.index_cast %add3A_408 : i32 to index
        %get3A_414 = arith.constant 16 : index
        %get3A_415 = tpu.vector_load %get3A_412[%get3A_413, %get3A_414] {strides = array<i32>} : memref<200x32xf32, #tpu.memory_space<vmem>>, vector<16xf32>,
        %bitcast3A_416 = vector.bitcast %get3A_415 : vector<16xf32> to vector<16xi32>
        %shift_left3A_417 = arith.shli %bitcast3A_416, %broadcast_in_dim3A_3 : vector<16xi32>
        %bitcast3A_418 = vector.bitcast %shift_left3A_417 : vector<16xi32> to vector<16xf32>
        %and3A_419 = arith.andi %bitcast3A_416, %broadcast_in_dim3A_5 : vector<16xi32>
        %bitcast3A_420 = vector.bitcast %and3A_419 : vector<16xi32> to vector<16xf32>
        %add3A_421 = arith.addf %add3A_357, %bitcast3A_404 : vector<16xf32>
        %add3A_422 = arith.addf %add3A_358, %bitcast3A_406 : vector<16xf32>
        %add3A_423 = arith.addf %add3A_359, %bitcast3A_418 : vector<16xf32>
        %add3A_424 = arith.addf %add3A_360, %bitcast3A_420 : vector<16xf32>
        %add3A_425 = arith.constant 6 : i32
        %add3A_426 = arith.addi %mul3A_236, %add3A_425 : i32
        %get3A_427 = arith.constant 0 : i32
        %get3A_428 = arith.constant 0 : i32
        %get3A_429 = tpu.memref_slice %arg6[%scan3A_115, %get3A_427, %get3A_428] : memref<2x200x32xf32, #tpu.memory_space<vmem>> -> memref<1x200x32xf32, #tpu.memory_space<vmem>>
        %get3A_430 = tpu.memref_squeeze %get3A_429 : memref<1x200x32xf32, #tpu.memory_space<vmem>> -> memref<200x32xf32, #tpu.memory_space<vmem>>
        %get3A_431 = arith.index_cast %add3A_426 : i32 to index
        %get3A_432 = arith.constant 0 : index
        %get3A_433 = tpu.vector_load %get3A_430[%get3A_431, %get3A_432] {strides = array<i32>} : memref<200x32xf32, #tpu.memory_space<vmem>>, vector<16xf32>,
        %bitcast3A_434 = vector.bitcast %get3A_433 : vector<16xf32> to vector<16xi32>
        %shift_left3A_435 = arith.shli %bitcast3A_434, %broadcast_in_dim3A_3 : vector<16xi32>
        %bitcast3A_436 = vector.bitcast %shift_left3A_435 : vector<16xi32> to vector<16xf32>
        %and3A_437 = arith.andi %bitcast3A_434, %broadcast_in_dim3A_5 : vector<16xi32>
        %bitcast3A_438 = vector.bitcast %and3A_437 : vector<16xi32> to vector<16xf32>
        %add3A_439 = arith.constant 6 : i32
        %add3A_440 = arith.addi %mul3A_236, %add3A_439 : i32
        %get3A_441 = arith.constant 0 : i32
        %get3A_442 = arith.constant 0 : i32
        %get3A_443 = tpu.memref_slice %arg6[%scan3A_115, %get3A_441, %get3A_442] : memref<2x200x32xf32, #tpu.memory_space<vmem>> -> memref<1x200x32xf32, #tpu.memory_space<vmem>>
        %get3A_444 = tpu.memref_squeeze %get3A_443 : memref<1x200x32xf32, #tpu.memory_space<vmem>> -> memref<200x32xf32, #tpu.memory_space<vmem>>
        %get3A_445 = arith.index_cast %add3A_440 : i32 to index
        %get3A_446 = arith.constant 16 : index
        %get3A_447 = tpu.vector_load %get3A_444[%get3A_445, %get3A_446] {strides = array<i32>} : memref<200x32xf32, #tpu.memory_space<vmem>>, vector<16xf32>,
        %bitcast3A_448 = vector.bitcast %get3A_447 : vector<16xf32> to vector<16xi32>
        %shift_left3A_449 = arith.shli %bitcast3A_448, %broadcast_in_dim3A_3 : vector<16xi32>
        %bitcast3A_450 = vector.bitcast %shift_left3A_449 : vector<16xi32> to vector<16xf32>
        %and3A_451 = arith.andi %bitcast3A_448, %broadcast_in_dim3A_5 : vector<16xi32>
        %bitcast3A_452 = vector.bitcast %and3A_451 : vector<16xi32> to vector<16xf32>
        %add3A_453 = arith.addf %add3A_389, %bitcast3A_436 : vector<16xf32>
        %add3A_454 = arith.addf %add3A_390, %bitcast3A_438 : vector<16xf32>
        %add3A_455 = arith.addf %add3A_391, %bitcast3A_450 : vector<16xf32>
        %add3A_456 = arith.addf %add3A_392, %bitcast3A_452 : vector<16xf32>
        %add3A_457 = arith.constant 7 : i32
        %add3A_458 = arith.addi %mul3A_236, %add3A_457 : i32
        %get3A_459 = arith.constant 0 : i32
        %get3A_460 = arith.constant 0 : i32
        %get3A_461 = tpu.memref_slice %arg6[%scan3A_115, %get3A_459, %get3A_460] : memref<2x200x32xf32, #tpu.memory_space<vmem>> -> memref<1x200x32xf32, #tpu.memory_space<vmem>>
        %get3A_462 = tpu.memref_squeeze %get3A_461 : memref<1x200x32xf32, #tpu.memory_space<vmem>> -> memref<200x32xf32, #tpu.memory_space<vmem>>
        %get3A_463 = arith.index_cast %add3A_458 : i32 to index
        %get3A_464 = arith.constant 0 : index
        %get3A_465 = tpu.vector_load %get3A_462[%get3A_463, %get3A_464] {strides = array<i32>} : memref<200x32xf32, #tpu.memory_space<vmem>>, vector<16xf32>,
        %bitcast3A_466 = vector.bitcast %get3A_465 : vector<16xf32> to vector<16xi32>
        %shift_left3A_467 = arith.shli %bitcast3A_466, %broadcast_in_dim3A_3 : vector<16xi32>
        %bitcast3A_468 = vector.bitcast %shift_left3A_467 : vector<16xi32> to vector<16xf32>
        %and3A_469 = arith.andi %bitcast3A_466, %broadcast_in_dim3A_5 : vector<16xi32>
        %bitcast3A_470 = vector.bitcast %and3A_469 : vector<16xi32> to vector<16xf32>
        %add3A_471 = arith.constant 7 : i32
        %add3A_472 = arith.addi %mul3A_236, %add3A_471 : i32
        %get3A_473 = arith.constant 0 : i32
        %get3A_474 = arith.constant 0 : i32
        %get3A_475 = tpu.memref_slice %arg6[%scan3A_115, %get3A_473, %get3A_474] : memref<2x200x32xf32, #tpu.memory_space<vmem>> -> memref<1x200x32xf32, #tpu.memory_space<vmem>>
        %get3A_476 = tpu.memref_squeeze %get3A_475 : memref<1x200x32xf32, #tpu.memory_space<vmem>> -> memref<200x32xf32, #tpu.memory_space<vmem>>
        %get3A_477 = arith.index_cast %add3A_472 : i32 to index
        %get3A_478 = arith.constant 16 : index
        %get3A_479 = tpu.vector_load %get3A_476[%get3A_477, %get3A_478] {strides = array<i32>} : memref<200x32xf32, #tpu.memory_space<vmem>>, vector<16xf32>,
        %bitcast3A_480 = vector.bitcast %get3A_479 : vector<16xf32> to vector<16xi32>
        %shift_left3A_481 = arith.shli %bitcast3A_480, %broadcast_in_dim3A_3 : vector<16xi32>
        %bitcast3A_482 = vector.bitcast %shift_left3A_481 : vector<16xi32> to vector<16xf32>
        %and3A_483 = arith.andi %bitcast3A_480, %broadcast_in_dim3A_5 : vector<16xi32>
        %bitcast3A_484 = vector.bitcast %and3A_483 : vector<16xi32> to vector<16xf32>
        %add3A_485 = arith.addf %add3A_421, %bitcast3A_468 : vector<16xf32>
        %add3A_486 = arith.addf %add3A_422, %bitcast3A_470 : vector<16xf32>
        %add3A_487 = arith.addf %add3A_423, %bitcast3A_482 : vector<16xf32>
        %add3A_488 = arith.addf %add3A_424, %bitcast3A_484 : vector<16xf32>
        scf.yield %add3A_453, %add3A_454, %add3A_455, %add3A_456, %add3A_485, %add3A_486, %add3A_487, %add3A_488 : vector<16xf32>, vector<16xf32>, vector<16xf32>, vector<16xf32>, vector<16xf32>, vector<16xf32>, vector<16xf32>, vector<16xf32>
      }
      %scan3A_121 = arith.constant 25 : i32
      %add3A_122 = arith.addf %scan3A_120#0, %scan3A_120#4 : vector<16xf32>
      %mul3A_123 = arith.constant 5.000000e-03 : f32
      %mul3A_124 = vector.broadcast %mul3A_123 : f32 to vector<16xf32>
      %mul3A_125 = arith.mulf %add3A_122, %mul3A_124 : vector<16xf32>
      %swap3A = arith.index_cast %add3A_47 : i32 to index
      %swap3A_126 = arith.constant 0 : index
      %swap3A_127 = tpu.vector_load %arg7[%swap3A, %swap3A_126] {strides = array<i32>} : memref<128x64xf32, #tpu.memory_space<vmem>>, vector<16xf32>,
      tpu.vector_store %arg7[%swap3A, %swap3A_126], %mul3A_125 {strides = array<i32>} : memref<128x64xf32, #tpu.memory_space<vmem>>, vector<16xf32>,
      %add3A_128 = arith.addf %scan3A_120#1, %scan3A_120#5 : vector<16xf32>
      %mul3A_129 = arith.constant 5.000000e-03 : f32
      %mul3A_130 = vector.broadcast %mul3A_129 : f32 to vector<16xf32>
      %mul3A_131 = arith.mulf %add3A_128, %mul3A_130 : vector<16xf32>
      %swap3A_132 = arith.index_cast %add3A_47 : i32 to index
      %swap3A_133 = arith.constant 16 : index
      %swap3A_134 = tpu.vector_load %arg7[%swap3A_132, %swap3A_133] {strides = array<i32>} : memref<128x64xf32, #tpu.memory_space<vmem>>, vector<16xf32>,
      tpu.vector_store %arg7[%swap3A_132, %swap3A_133], %mul3A_131 {strides = array<i32>} : memref<128x64xf32, #tpu.memory_space<vmem>>, vector<16xf32>,
      %add3A_135 = arith.addf %scan3A_120#2, %scan3A_120#6 : vector<16xf32>
      %mul3A_136 = arith.constant 5.000000e-03 : f32
      %mul3A_137 = vector.broadcast %mul3A_136 : f32 to vector<16xf32>
      %mul3A_138 = arith.mulf %add3A_135, %mul3A_137 : vector<16xf32>
      %swap3A_139 = arith.index_cast %add3A_47 : i32 to index
      %swap3A_140 = arith.constant 32 : index
      %swap3A_141 = tpu.vector_load %arg7[%swap3A_139, %swap3A_140] {strides = array<i32>} : memref<128x64xf32, #tpu.memory_space<vmem>>, vector<16xf32>,
      tpu.vector_store %arg7[%swap3A_139, %swap3A_140], %mul3A_138 {strides = array<i32>} : memref<128x64xf32, #tpu.memory_space<vmem>>, vector<16xf32>,
      %add3A_142 = arith.addf %scan3A_120#3, %scan3A_120#7 : vector<16xf32>
      %mul3A_143 = arith.constant 5.000000e-03 : f32
      %mul3A_144 = vector.broadcast %mul3A_143 : f32 to vector<16xf32>
      %mul3A_145 = arith.mulf %add3A_142, %mul3A_144 : vector<16xf32>
      %swap3A_146 = arith.index_cast %add3A_47 : i32 to index
      %swap3A_147 = arith.constant 48 : index
      %swap3A_148 = tpu.vector_load %arg7[%swap3A_146, %swap3A_147] {strides = array<i32>} : memref<128x64xf32, #tpu.memory_space<vmem>>, vector<16xf32>,
      tpu.vector_store %arg7[%swap3A_146, %swap3A_147], %mul3A_145 {strides = array<i32>} : memref<128x64xf32, #tpu.memory_space<vmem>>, vector<16xf32>,
      %add3A_149 = arith.constant 2 : i32
      %add3A_150 = arith.addi %add3A_47, %add3A_149 : i32
      %lt3A = arith.constant 128 : i32
      %lt3A_151 = arith.cmpi slt, %add3A_150, %lt3A : i32
      %convert_element_type3A = arith.extui %lt3A_151 : i1 to i32
      %cond3A = arith.constant 0 : i32
      %cond3A_152 = arith.cmpi ne, %convert_element_type3A, %cond3A : i32
      scf.if %cond3A_152 {
        %add3A_226 = arith.constant 2 : i32
        %add3A_227 = arith.addi %add3A_47, %add3A_226 : i32
        %dma_start3A_228 = arith.constant 0 : i32
        %dma_start3A_229 = arith.constant 0 : i32
        %dma_start3A_230 = arith.constant 0 : i32
        %dma_start3A_231 = tpu.memref_slice %arg6[%dma_start3A_228, %dma_start3A_229, %dma_start3A_230] : memref<2x200x32xf32, #tpu.memory_space<vmem>> -> memref<1x200x32xf32, #tpu.memory_space<vmem>>
        %dma_start3A_232 = tpu.memref_squeeze %dma_start3A_231 : memref<1x200x32xf32, #tpu.memory_space<vmem>> -> memref<200x32xf32, #tpu.memory_space<vmem>>
        %dma_start3A_233 = arith.constant 0 : i32
        %dma_start3A_234 = arith.constant 0 : i32
        %dma_start3A_235 = tpu.memref_slice %dma_start3A_232[%dma_start3A_233, %dma_start3A_234] : memref<200x32xf32, #tpu.memory_space<vmem>> -> memref<128x32xf32, #tpu.memory_space<vmem>>
        %dma_start3A_236 = arith.constant 0 : i32
        %dma_start3A_237 = tpu.memref_slice %arg5[%add3A_227, %dma_start3A_236] : memref<128x200xi32, #tpu.memory_space<vmem>> -> memref<1x200xi32, #tpu.memory_space<vmem>>
        %dma_start3A_238 = tpu.memref_squeeze %dma_start3A_237 : memref<1x200xi32, #tpu.memory_space<vmem>> -> memref<200xi32, #tpu.memory_space<vmem>>
        %dma_start3A_239 = arith.constant 0 : i32
        %dma_start3A_240 = tpu.memref_slice %dma_start3A_238[%dma_start3A_239] : memref<200xi32, #tpu.memory_space<vmem>> -> memref<128xi32, #tpu.memory_space<vmem>>
        %dma_start3A_241 = arith.constant 0 : i32
        %dma_start3A_242 = arith.constant 0 : i32
        %dma_start3A_243 = tpu.memref_slice %arg2[%dma_start3A_241, %dma_start3A_242] : memref<1000000x32xf32, #tpu.memory_space<hbm>> -> memref<1000000x32xf32, #tpu.memory_space<hbm>>
        tpu.enqueue_indirect_dma source(%dma_start3A_243 : memref<1000000x32xf32, #tpu.memory_space<hbm>>) target(%dma_start3A_235 : memref<128x32xf32, #tpu.memory_space<vmem>>) offsets(%dma_start3A_240 : memref<128xi32, #tpu.memory_space<vmem>>) semaphore(%arg8 : memref<!tpu.dma_semaphore, #tpu.memory_space<semaphore_mem>>)
        %dma_start3A_244 = arith.constant 0 : i32
        %dma_start3A_245 = arith.constant 0 : i32
        %dma_start3A_246 = arith.constant 0 : i32
        %dma_start3A_247 = tpu.memref_slice %arg6[%dma_start3A_244, %dma_start3A_245, %dma_start3A_246] : memref<2x200x32xf32, #tpu.memory_space<vmem>> -> memref<1x200x32xf32, #tpu.memory_space<vmem>>
        %dma_start3A_248 = tpu.memref_squeeze %dma_start3A_247 : memref<1x200x32xf32, #tpu.memory_space<vmem>> -> memref<200x32xf32, #tpu.memory_space<vmem>>
        %dma_start3A_249 = arith.constant 128 : i32
        %dma_start3A_250 = arith.constant 0 : i32
        %dma_start3A_251 = tpu.memref_slice %dma_start3A_248[%dma_start3A_249, %dma_start3A_250] : memref<200x32xf32, #tpu.memory_space<vmem>> -> memref<72x32xf32, #tpu.memory_space<vmem>>
        %dma_start3A_252 = arith.constant 0 : i32
        %dma_start3A_253 = tpu.memref_slice %arg5[%add3A_227, %dma_start3A_252] : memref<128x200xi32, #tpu.memory_space<vmem>> -> memref<1x200xi32, #tpu.memory_space<vmem>>
        %dma_start3A_254 = tpu.memref_squeeze %dma_start3A_253 : memref<1x200xi32, #tpu.memory_space<vmem>> -> memref<200xi32, #tpu.memory_space<vmem>>
        %dma_start3A_255 = arith.constant 128 : i32
        %dma_start3A_256 = tpu.memref_slice %dma_start3A_254[%dma_start3A_255] : memref<200xi32, #tpu.memory_space<vmem>> -> memref<72xi32, #tpu.memory_space<vmem>>
        %dma_start3A_257 = arith.constant 0 : i32
        %dma_start3A_258 = arith.constant 0 : i32
        %dma_start3A_259 = tpu.memref_slice %arg2[%dma_start3A_257, %dma_start3A_258] : memref<1000000x32xf32, #tpu.memory_space<hbm>> -> memref<1000000x32xf32, #tpu.memory_space<hbm>>
        tpu.enqueue_indirect_dma source(%dma_start3A_259 : memref<1000000x32xf32, #tpu.memory_space<hbm>>) target(%dma_start3A_251 : memref<72x32xf32, #tpu.memory_space<vmem>>) offsets(%dma_start3A_256 : memref<72xi32, #tpu.memory_space<vmem>>) semaphore(%arg8 : memref<!tpu.dma_semaphore, #tpu.memory_space<semaphore_mem>>)
      } else {
      }
      %add3A_153 = arith.constant 1 : i32
      %add3A_154 = arith.addi %add3A_47, %add3A_153 : i32
      %dma_wait3A_155 = arith.constant 1 : i32
      %dma_wait3A_156 = arith.constant 0 : i32
      %dma_wait3A_157 = arith.constant 0 : i32
      %dma_wait3A_158 = tpu.memref_slice %arg6[%dma_wait3A_155, %dma_wait3A_156, %dma_wait3A_157] : memref<2x200x32xf32, #tpu.memory_space<vmem>> -> memref<1x200x32xf32, #tpu.memory_space<vmem>>
      %dma_wait3A_159 = tpu.memref_squeeze %dma_wait3A_158 : memref<1x200x32xf32, #tpu.memory_space<vmem>> -> memref<200x32xf32, #tpu.memory_space<vmem>>
      %dma_wait3A_160 = arith.constant 0 : i32
      %dma_wait3A_161 = arith.constant 0 : i32
      %dma_wait3A_162 = tpu.memref_slice %dma_wait3A_159[%dma_wait3A_160, %dma_wait3A_161] : memref<200x32xf32, #tpu.memory_space<vmem>> -> memref<128x32xf32, #tpu.memory_space<vmem>>
      %dma_wait3A_163 = arith.constant 0 : i32
      %dma_wait3A_164 = tpu.memref_slice %arg5[%add3A_154, %dma_wait3A_163] : memref<128x200xi32, #tpu.memory_space<vmem>> -> memref<1x200xi32, #tpu.memory_space<vmem>>
      %dma_wait3A_165 = tpu.memref_squeeze %dma_wait3A_164 : memref<1x200xi32, #tpu.memory_space<vmem>> -> memref<200xi32, #tpu.memory_space<vmem>>
      %dma_wait3A_166 = arith.constant 0 : i32
      %dma_wait3A_167 = tpu.memref_slice %dma_wait3A_165[%dma_wait3A_166] : memref<200xi32, #tpu.memory_space<vmem>> -> memref<128xi32, #tpu.memory_space<vmem>>
      %dma_wait3A_168 = arith.constant 0 : i32
      %dma_wait3A_169 = arith.constant 0 : i32
      %dma_wait3A_170 = tpu.memref_slice %arg2[%dma_wait3A_168, %dma_wait3A_169] : memref<1000000x32xf32, #tpu.memory_space<hbm>> -> memref<1000000x32xf32, #tpu.memory_space<hbm>>
      tpu.wait_indirect_dma semaphore(%arg9 : memref<!tpu.dma_semaphore, #tpu.memory_space<semaphore_mem>>) src(%dma_wait3A_170 : memref<1000000x32xf32, #tpu.memory_space<hbm>>) dst(%dma_wait3A_162 : memref<128x32xf32, #tpu.memory_space<vmem>>)
      %dma_wait3A_171 = arith.constant 1 : i32
      %dma_wait3A_172 = arith.constant 0 : i32
      %dma_wait3A_173 = arith.constant 0 : i32
      %dma_wait3A_174 = tpu.memref_slice %arg6[%dma_wait3A_171, %dma_wait3A_172, %dma_wait3A_173] : memref<2x200x32xf32, #tpu.memory_space<vmem>> -> memref<1x200x32xf32, #tpu.memory_space<vmem>>
      %dma_wait3A_175 = tpu.memref_squeeze %dma_wait3A_174 : memref<1x200x32xf32, #tpu.memory_space<vmem>> -> memref<200x32xf32, #tpu.memory_space<vmem>>
      %dma_wait3A_176 = arith.constant 128 : i32
      %dma_wait3A_177 = arith.constant 0 : i32
      %dma_wait3A_178 = tpu.memref_slice %dma_wait3A_175[%dma_wait3A_176, %dma_wait3A_177] : memref<200x32xf32, #tpu.memory_space<vmem>> -> memref<72x32xf32, #tpu.memory_space<vmem>>
      %dma_wait3A_179 = arith.constant 0 : i32
      %dma_wait3A_180 = tpu.memref_slice %arg5[%add3A_154, %dma_wait3A_179] : memref<128x200xi32, #tpu.memory_space<vmem>> -> memref<1x200xi32, #tpu.memory_space<vmem>>
      %dma_wait3A_181 = tpu.memref_squeeze %dma_wait3A_180 : memref<1x200xi32, #tpu.memory_space<vmem>> -> memref<200xi32, #tpu.memory_space<vmem>>
      %dma_wait3A_182 = arith.constant 128 : i32
      %dma_wait3A_183 = tpu.memref_slice %dma_wait3A_181[%dma_wait3A_182] : memref<200xi32, #tpu.memory_space<vmem>> -> memref<72xi32, #tpu.memory_space<vmem>>
      %dma_wait3A_184 = arith.constant 0 : i32
      %dma_wait3A_185 = arith.constant 0 : i32
      %dma_wait3A_186 = tpu.memref_slice %arg2[%dma_wait3A_184, %dma_wait3A_185] : memref<1000000x32xf32, #tpu.memory_space<hbm>> -> memref<1000000x32xf32, #tpu.memory_space<hbm>>
      tpu.wait_indirect_dma semaphore(%arg9 : memref<!tpu.dma_semaphore, #tpu.memory_space<semaphore_mem>>) src(%dma_wait3A_186 : memref<1000000x32xf32, #tpu.memory_space<hbm>>) dst(%dma_wait3A_178 : memref<72x32xf32, #tpu.memory_space<vmem>>)
      %add3A_187 = arith.constant 1 : i32
      %add3A_188 = arith.addi %add3A_47, %add3A_187 : i32
      %broadcast_in_dim3A_189 = arith.constant 0.000000e+00 : f32
      %broadcast_in_dim3A_190 = vector.broadcast %broadcast_in_dim3A_189 : f32 to vector<16xf32>
      %scan3A_191 = arith.constant 1 : i32
      %scan3A_192 = arith.constant 0 : i32
      %scan3A_193 = arith.constant 25 : i32
      %scan3A_194 = arith.addi %scan3A_192, %scan3A_193 : i32
      %scan3A_195 = arith.constant 1 : i32
      %scan3A_196:8 = scf.for %scan3A_226 = %scan3A_192 to %scan3A_194 step %scan3A_195 iter_args(%scan3A_227 = %broadcast_in_dim3A_190, %scan3A_228 = %broadcast_in_dim3A_190, %scan3A_229 = %broadcast_in_dim3A_190, %scan3A_230 = %broadcast_in_dim3A_190, %scan3A_231 = %broadcast_in_dim3A_190, %scan3A_232 = %broadcast_in_dim3A_190, %scan3A_233 = %broadcast_in_dim3A_190, %scan3A_234 = %broadcast_in_dim3A_190) -> (vector<16xf32>, vector<16xf32>, vector<16xf32>, vector<16xf32>, vector<16xf32>, vector<16xf32>, vector<16xf32>, vector<16xf32>)  : i32 {
        %mul3A_235 = arith.constant 8 : i32
        %mul3A_236 = arith.muli %scan3A_226, %mul3A_235 : i32
        %add3A_237 = arith.constant 0 : i32
        %add3A_238 = arith.addi %mul3A_236, %add3A_237 : i32
        %get3A = arith.constant 0 : i32
        %get3A_239 = arith.constant 0 : i32
        %get3A_240 = tpu.memref_slice %arg6[%scan3A_191, %get3A, %get3A_239] : memref<2x200x32xf32, #tpu.memory_space<vmem>> -> memref<1x200x32xf32, #tpu.memory_space<vmem>>
        %get3A_241 = tpu.memref_squeeze %get3A_240 : memref<1x200x32xf32, #tpu.memory_space<vmem>> -> memref<200x32xf32, #tpu.memory_space<vmem>>
        %get3A_242 = arith.index_cast %add3A_238 : i32 to index
        %get3A_243 = arith.constant 0 : index
        %get3A_244 = tpu.vector_load %get3A_241[%get3A_242, %get3A_243] {strides = array<i32>} : memref<200x32xf32, #tpu.memory_space<vmem>>, vector<16xf32>,
        %bitcast3A = vector.bitcast %get3A_244 : vector<16xf32> to vector<16xi32>
        %shift_left3A = arith.shli %bitcast3A, %broadcast_in_dim3A_3 : vector<16xi32>
        %bitcast3A_245 = vector.bitcast %shift_left3A : vector<16xi32> to vector<16xf32>
        %and3A = arith.andi %bitcast3A, %broadcast_in_dim3A_5 : vector<16xi32>
        %bitcast3A_246 = vector.bitcast %and3A : vector<16xi32> to vector<16xf32>
        %add3A_247 = arith.constant 0 : i32
        %add3A_248 = arith.addi %mul3A_236, %add3A_247 : i32
        %get3A_249 = arith.constant 0 : i32
        %get3A_250 = arith.constant 0 : i32
        %get3A_251 = tpu.memref_slice %arg6[%scan3A_191, %get3A_249, %get3A_250] : memref<2x200x32xf32, #tpu.memory_space<vmem>> -> memref<1x200x32xf32, #tpu.memory_space<vmem>>
        %get3A_252 = tpu.memref_squeeze %get3A_251 : memref<1x200x32xf32, #tpu.memory_space<vmem>> -> memref<200x32xf32, #tpu.memory_space<vmem>>
        %get3A_253 = arith.index_cast %add3A_248 : i32 to index
        %get3A_254 = arith.constant 16 : index
        %get3A_255 = tpu.vector_load %get3A_252[%get3A_253, %get3A_254] {strides = array<i32>} : memref<200x32xf32, #tpu.memory_space<vmem>>, vector<16xf32>,
        %bitcast3A_256 = vector.bitcast %get3A_255 : vector<16xf32> to vector<16xi32>
        %shift_left3A_257 = arith.shli %bitcast3A_256, %broadcast_in_dim3A_3 : vector<16xi32>
        %bitcast3A_258 = vector.bitcast %shift_left3A_257 : vector<16xi32> to vector<16xf32>
        %and3A_259 = arith.andi %bitcast3A_256, %broadcast_in_dim3A_5 : vector<16xi32>
        %bitcast3A_260 = vector.bitcast %and3A_259 : vector<16xi32> to vector<16xf32>
        %add3A_261 = arith.addf %scan3A_227, %bitcast3A_245 : vector<16xf32>
        %add3A_262 = arith.addf %scan3A_228, %bitcast3A_246 : vector<16xf32>
        %add3A_263 = arith.addf %scan3A_229, %bitcast3A_258 : vector<16xf32>
        %add3A_264 = arith.addf %scan3A_230, %bitcast3A_260 : vector<16xf32>
        %add3A_265 = arith.constant 1 : i32
        %add3A_266 = arith.addi %mul3A_236, %add3A_265 : i32
        %get3A_267 = arith.constant 0 : i32
        %get3A_268 = arith.constant 0 : i32
        %get3A_269 = tpu.memref_slice %arg6[%scan3A_191, %get3A_267, %get3A_268] : memref<2x200x32xf32, #tpu.memory_space<vmem>> -> memref<1x200x32xf32, #tpu.memory_space<vmem>>
        %get3A_270 = tpu.memref_squeeze %get3A_269 : memref<1x200x32xf32, #tpu.memory_space<vmem>> -> memref<200x32xf32, #tpu.memory_space<vmem>>
        %get3A_271 = arith.index_cast %add3A_266 : i32 to index
        %get3A_272 = arith.constant 0 : index
        %get3A_273 = tpu.vector_load %get3A_270[%get3A_271, %get3A_272] {strides = array<i32>} : memref<200x32xf32, #tpu.memory_space<vmem>>, vector<16xf32>,
        %bitcast3A_274 = vector.bitcast %get3A_273 : vector<16xf32> to vector<16xi32>
        %shift_left3A_275 = arith.shli %bitcast3A_274, %broadcast_in_dim3A_3 : vector<16xi32>
        %bitcast3A_276 = vector.bitcast %shift_left3A_275 : vector<16xi32> to vector<16xf32>
        %and3A_277 = arith.andi %bitcast3A_274, %broadcast_in_dim3A_5 : vector<16xi32>
        %bitcast3A_278 = vector.bitcast %and3A_277 : vector<16xi32> to vector<16xf32>
        %add3A_279 = arith.constant 1 : i32
        %add3A_280 = arith.addi %mul3A_236, %add3A_279 : i32
        %get3A_281 = arith.constant 0 : i32
        %get3A_282 = arith.constant 0 : i32
        %get3A_283 = tpu.memref_slice %arg6[%scan3A_191, %get3A_281, %get3A_282] : memref<2x200x32xf32, #tpu.memory_space<vmem>> -> memref<1x200x32xf32, #tpu.memory_space<vmem>>
        %get3A_284 = tpu.memref_squeeze %get3A_283 : memref<1x200x32xf32, #tpu.memory_space<vmem>> -> memref<200x32xf32, #tpu.memory_space<vmem>>
        %get3A_285 = arith.index_cast %add3A_280 : i32 to index
        %get3A_286 = arith.constant 16 : index
        %get3A_287 = tpu.vector_load %get3A_284[%get3A_285, %get3A_286] {strides = array<i32>} : memref<200x32xf32, #tpu.memory_space<vmem>>, vector<16xf32>,
        %bitcast3A_288 = vector.bitcast %get3A_287 : vector<16xf32> to vector<16xi32>
        %shift_left3A_289 = arith.shli %bitcast3A_288, %broadcast_in_dim3A_3 : vector<16xi32>
        %bitcast3A_290 = vector.bitcast %shift_left3A_289 : vector<16xi32> to vector<16xf32>
        %and3A_291 = arith.andi %bitcast3A_288, %broadcast_in_dim3A_5 : vector<16xi32>
        %bitcast3A_292 = vector.bitcast %and3A_291 : vector<16xi32> to vector<16xf32>
        %add3A_293 = arith.addf %scan3A_231, %bitcast3A_276 : vector<16xf32>
        %add3A_294 = arith.addf %scan3A_232, %bitcast3A_278 : vector<16xf32>
        %add3A_295 = arith.addf %scan3A_233, %bitcast3A_290 : vector<16xf32>
        %add3A_296 = arith.addf %scan3A_234, %bitcast3A_292 : vector<16xf32>
        %add3A_297 = arith.constant 2 : i32
        %add3A_298 = arith.addi %mul3A_236, %add3A_297 : i32
        %get3A_299 = arith.constant 0 : i32
        %get3A_300 = arith.constant 0 : i32
        %get3A_301 = tpu.memref_slice %arg6[%scan3A_191, %get3A_299, %get3A_300] : memref<2x200x32xf32, #tpu.memory_space<vmem>> -> memref<1x200x32xf32, #tpu.memory_space<vmem>>
        %get3A_302 = tpu.memref_squeeze %get3A_301 : memref<1x200x32xf32, #tpu.memory_space<vmem>> -> memref<200x32xf32, #tpu.memory_space<vmem>>
        %get3A_303 = arith.index_cast %add3A_298 : i32 to index
        %get3A_304 = arith.constant 0 : index
        %get3A_305 = tpu.vector_load %get3A_302[%get3A_303, %get3A_304] {strides = array<i32>} : memref<200x32xf32, #tpu.memory_space<vmem>>, vector<16xf32>,
        %bitcast3A_306 = vector.bitcast %get3A_305 : vector<16xf32> to vector<16xi32>
        %shift_left3A_307 = arith.shli %bitcast3A_306, %broadcast_in_dim3A_3 : vector<16xi32>
        %bitcast3A_308 = vector.bitcast %shift_left3A_307 : vector<16xi32> to vector<16xf32>
        %and3A_309 = arith.andi %bitcast3A_306, %broadcast_in_dim3A_5 : vector<16xi32>
        %bitcast3A_310 = vector.bitcast %and3A_309 : vector<16xi32> to vector<16xf32>
        %add3A_311 = arith.constant 2 : i32
        %add3A_312 = arith.addi %mul3A_236, %add3A_311 : i32
        %get3A_313 = arith.constant 0 : i32
        %get3A_314 = arith.constant 0 : i32
        %get3A_315 = tpu.memref_slice %arg6[%scan3A_191, %get3A_313, %get3A_314] : memref<2x200x32xf32, #tpu.memory_space<vmem>> -> memref<1x200x32xf32, #tpu.memory_space<vmem>>
        %get3A_316 = tpu.memref_squeeze %get3A_315 : memref<1x200x32xf32, #tpu.memory_space<vmem>> -> memref<200x32xf32, #tpu.memory_space<vmem>>
        %get3A_317 = arith.index_cast %add3A_312 : i32 to index
        %get3A_318 = arith.constant 16 : index
        %get3A_319 = tpu.vector_load %get3A_316[%get3A_317, %get3A_318] {strides = array<i32>} : memref<200x32xf32, #tpu.memory_space<vmem>>, vector<16xf32>,
        %bitcast3A_320 = vector.bitcast %get3A_319 : vector<16xf32> to vector<16xi32>
        %shift_left3A_321 = arith.shli %bitcast3A_320, %broadcast_in_dim3A_3 : vector<16xi32>
        %bitcast3A_322 = vector.bitcast %shift_left3A_321 : vector<16xi32> to vector<16xf32>
        %and3A_323 = arith.andi %bitcast3A_320, %broadcast_in_dim3A_5 : vector<16xi32>
        %bitcast3A_324 = vector.bitcast %and3A_323 : vector<16xi32> to vector<16xf32>
        %add3A_325 = arith.addf %add3A_261, %bitcast3A_308 : vector<16xf32>
        %add3A_326 = arith.addf %add3A_262, %bitcast3A_310 : vector<16xf32>
        %add3A_327 = arith.addf %add3A_263, %bitcast3A_322 : vector<16xf32>
        %add3A_328 = arith.addf %add3A_264, %bitcast3A_324 : vector<16xf32>
        %add3A_329 = arith.constant 3 : i32
        %add3A_330 = arith.addi %mul3A_236, %add3A_329 : i32
        %get3A_331 = arith.constant 0 : i32
        %get3A_332 = arith.constant 0 : i32
        %get3A_333 = tpu.memref_slice %arg6[%scan3A_191, %get3A_331, %get3A_332] : memref<2x200x32xf32, #tpu.memory_space<vmem>> -> memref<1x200x32xf32, #tpu.memory_space<vmem>>
        %get3A_334 = tpu.memref_squeeze %get3A_333 : memref<1x200x32xf32, #tpu.memory_space<vmem>> -> memref<200x32xf32, #tpu.memory_space<vmem>>
        %get3A_335 = arith.index_cast %add3A_330 : i32 to index
        %get3A_336 = arith.constant 0 : index
        %get3A_337 = tpu.vector_load %get3A_334[%get3A_335, %get3A_336] {strides = array<i32>} : memref<200x32xf32, #tpu.memory_space<vmem>>, vector<16xf32>,
        %bitcast3A_338 = vector.bitcast %get3A_337 : vector<16xf32> to vector<16xi32>
        %shift_left3A_339 = arith.shli %bitcast3A_338, %broadcast_in_dim3A_3 : vector<16xi32>
        %bitcast3A_340 = vector.bitcast %shift_left3A_339 : vector<16xi32> to vector<16xf32>
        %and3A_341 = arith.andi %bitcast3A_338, %broadcast_in_dim3A_5 : vector<16xi32>
        %bitcast3A_342 = vector.bitcast %and3A_341 : vector<16xi32> to vector<16xf32>
        %add3A_343 = arith.constant 3 : i32
        %add3A_344 = arith.addi %mul3A_236, %add3A_343 : i32
        %get3A_345 = arith.constant 0 : i32
        %get3A_346 = arith.constant 0 : i32
        %get3A_347 = tpu.memref_slice %arg6[%scan3A_191, %get3A_345, %get3A_346] : memref<2x200x32xf32, #tpu.memory_space<vmem>> -> memref<1x200x32xf32, #tpu.memory_space<vmem>>
        %get3A_348 = tpu.memref_squeeze %get3A_347 : memref<1x200x32xf32, #tpu.memory_space<vmem>> -> memref<200x32xf32, #tpu.memory_space<vmem>>
        %get3A_349 = arith.index_cast %add3A_344 : i32 to index
        %get3A_350 = arith.constant 16 : index
        %get3A_351 = tpu.vector_load %get3A_348[%get3A_349, %get3A_350] {strides = array<i32>} : memref<200x32xf32, #tpu.memory_space<vmem>>, vector<16xf32>,
        %bitcast3A_352 = vector.bitcast %get3A_351 : vector<16xf32> to vector<16xi32>
        %shift_left3A_353 = arith.shli %bitcast3A_352, %broadcast_in_dim3A_3 : vector<16xi32>
        %bitcast3A_354 = vector.bitcast %shift_left3A_353 : vector<16xi32> to vector<16xf32>
        %and3A_355 = arith.andi %bitcast3A_352, %broadcast_in_dim3A_5 : vector<16xi32>
        %bitcast3A_356 = vector.bitcast %and3A_355 : vector<16xi32> to vector<16xf32>
        %add3A_357 = arith.addf %add3A_293, %bitcast3A_340 : vector<16xf32>
        %add3A_358 = arith.addf %add3A_294, %bitcast3A_342 : vector<16xf32>
        %add3A_359 = arith.addf %add3A_295, %bitcast3A_354 : vector<16xf32>
        %add3A_360 = arith.addf %add3A_296, %bitcast3A_356 : vector<16xf32>
        %add3A_361 = arith.constant 4 : i32
        %add3A_362 = arith.addi %mul3A_236, %add3A_361 : i32
        %get3A_363 = arith.constant 0 : i32
        %get3A_364 = arith.constant 0 : i32
        %get3A_365 = tpu.memref_slice %arg6[%scan3A_191, %get3A_363, %get3A_364] : memref<2x200x32xf32, #tpu.memory_space<vmem>> -> memref<1x200x32xf32, #tpu.memory_space<vmem>>
        %get3A_366 = tpu.memref_squeeze %get3A_365 : memref<1x200x32xf32, #tpu.memory_space<vmem>> -> memref<200x32xf32, #tpu.memory_space<vmem>>
        %get3A_367 = arith.index_cast %add3A_362 : i32 to index
        %get3A_368 = arith.constant 0 : index
        %get3A_369 = tpu.vector_load %get3A_366[%get3A_367, %get3A_368] {strides = array<i32>} : memref<200x32xf32, #tpu.memory_space<vmem>>, vector<16xf32>,
        %bitcast3A_370 = vector.bitcast %get3A_369 : vector<16xf32> to vector<16xi32>
        %shift_left3A_371 = arith.shli %bitcast3A_370, %broadcast_in_dim3A_3 : vector<16xi32>
        %bitcast3A_372 = vector.bitcast %shift_left3A_371 : vector<16xi32> to vector<16xf32>
        %and3A_373 = arith.andi %bitcast3A_370, %broadcast_in_dim3A_5 : vector<16xi32>
        %bitcast3A_374 = vector.bitcast %and3A_373 : vector<16xi32> to vector<16xf32>
        %add3A_375 = arith.constant 4 : i32
        %add3A_376 = arith.addi %mul3A_236, %add3A_375 : i32
        %get3A_377 = arith.constant 0 : i32
        %get3A_378 = arith.constant 0 : i32
        %get3A_379 = tpu.memref_slice %arg6[%scan3A_191, %get3A_377, %get3A_378] : memref<2x200x32xf32, #tpu.memory_space<vmem>> -> memref<1x200x32xf32, #tpu.memory_space<vmem>>
        %get3A_380 = tpu.memref_squeeze %get3A_379 : memref<1x200x32xf32, #tpu.memory_space<vmem>> -> memref<200x32xf32, #tpu.memory_space<vmem>>
        %get3A_381 = arith.index_cast %add3A_376 : i32 to index
        %get3A_382 = arith.constant 16 : index
        %get3A_383 = tpu.vector_load %get3A_380[%get3A_381, %get3A_382] {strides = array<i32>} : memref<200x32xf32, #tpu.memory_space<vmem>>, vector<16xf32>,
        %bitcast3A_384 = vector.bitcast %get3A_383 : vector<16xf32> to vector<16xi32>
        %shift_left3A_385 = arith.shli %bitcast3A_384, %broadcast_in_dim3A_3 : vector<16xi32>
        %bitcast3A_386 = vector.bitcast %shift_left3A_385 : vector<16xi32> to vector<16xf32>
        %and3A_387 = arith.andi %bitcast3A_384, %broadcast_in_dim3A_5 : vector<16xi32>
        %bitcast3A_388 = vector.bitcast %and3A_387 : vector<16xi32> to vector<16xf32>
        %add3A_389 = arith.addf %add3A_325, %bitcast3A_372 : vector<16xf32>
        %add3A_390 = arith.addf %add3A_326, %bitcast3A_374 : vector<16xf32>
        %add3A_391 = arith.addf %add3A_327, %bitcast3A_386 : vector<16xf32>
        %add3A_392 = arith.addf %add3A_328, %bitcast3A_388 : vector<16xf32>
        %add3A_393 = arith.constant 5 : i32
        %add3A_394 = arith.addi %mul3A_236, %add3A_393 : i32
        %get3A_395 = arith.constant 0 : i32
        %get3A_396 = arith.constant 0 : i32
        %get3A_397 = tpu.memref_slice %arg6[%scan3A_191, %get3A_395, %get3A_396] : memref<2x200x32xf32, #tpu.memory_space<vmem>> -> memref<1x200x32xf32, #tpu.memory_space<vmem>>
        %get3A_398 = tpu.memref_squeeze %get3A_397 : memref<1x200x32xf32, #tpu.memory_space<vmem>> -> memref<200x32xf32, #tpu.memory_space<vmem>>
        %get3A_399 = arith.index_cast %add3A_394 : i32 to index
        %get3A_400 = arith.constant 0 : index
        %get3A_401 = tpu.vector_load %get3A_398[%get3A_399, %get3A_400] {strides = array<i32>} : memref<200x32xf32, #tpu.memory_space<vmem>>, vector<16xf32>,
        %bitcast3A_402 = vector.bitcast %get3A_401 : vector<16xf32> to vector<16xi32>
        %shift_left3A_403 = arith.shli %bitcast3A_402, %broadcast_in_dim3A_3 : vector<16xi32>
        %bitcast3A_404 = vector.bitcast %shift_left3A_403 : vector<16xi32> to vector<16xf32>
        %and3A_405 = arith.andi %bitcast3A_402, %broadcast_in_dim3A_5 : vector<16xi32>
        %bitcast3A_406 = vector.bitcast %and3A_405 : vector<16xi32> to vector<16xf32>
        %add3A_407 = arith.constant 5 : i32
        %add3A_408 = arith.addi %mul3A_236, %add3A_407 : i32
        %get3A_409 = arith.constant 0 : i32
        %get3A_410 = arith.constant 0 : i32
        %get3A_411 = tpu.memref_slice %arg6[%scan3A_191, %get3A_409, %get3A_410] : memref<2x200x32xf32, #tpu.memory_space<vmem>> -> memref<1x200x32xf32, #tpu.memory_space<vmem>>
        %get3A_412 = tpu.memref_squeeze %get3A_411 : memref<1x200x32xf32, #tpu.memory_space<vmem>> -> memref<200x32xf32, #tpu.memory_space<vmem>>
        %get3A_413 = arith.index_cast %add3A_408 : i32 to index
        %get3A_414 = arith.constant 16 : index
        %get3A_415 = tpu.vector_load %get3A_412[%get3A_413, %get3A_414] {strides = array<i32>} : memref<200x32xf32, #tpu.memory_space<vmem>>, vector<16xf32>,
        %bitcast3A_416 = vector.bitcast %get3A_415 : vector<16xf32> to vector<16xi32>
        %shift_left3A_417 = arith.shli %bitcast3A_416, %broadcast_in_dim3A_3 : vector<16xi32>
        %bitcast3A_418 = vector.bitcast %shift_left3A_417 : vector<16xi32> to vector<16xf32>
        %and3A_419 = arith.andi %bitcast3A_416, %broadcast_in_dim3A_5 : vector<16xi32>
        %bitcast3A_420 = vector.bitcast %and3A_419 : vector<16xi32> to vector<16xf32>
        %add3A_421 = arith.addf %add3A_357, %bitcast3A_404 : vector<16xf32>
        %add3A_422 = arith.addf %add3A_358, %bitcast3A_406 : vector<16xf32>
        %add3A_423 = arith.addf %add3A_359, %bitcast3A_418 : vector<16xf32>
        %add3A_424 = arith.addf %add3A_360, %bitcast3A_420 : vector<16xf32>
        %add3A_425 = arith.constant 6 : i32
        %add3A_426 = arith.addi %mul3A_236, %add3A_425 : i32
        %get3A_427 = arith.constant 0 : i32
        %get3A_428 = arith.constant 0 : i32
        %get3A_429 = tpu.memref_slice %arg6[%scan3A_191, %get3A_427, %get3A_428] : memref<2x200x32xf32, #tpu.memory_space<vmem>> -> memref<1x200x32xf32, #tpu.memory_space<vmem>>
        %get3A_430 = tpu.memref_squeeze %get3A_429 : memref<1x200x32xf32, #tpu.memory_space<vmem>> -> memref<200x32xf32, #tpu.memory_space<vmem>>
        %get3A_431 = arith.index_cast %add3A_426 : i32 to index
        %get3A_432 = arith.constant 0 : index
        %get3A_433 = tpu.vector_load %get3A_430[%get3A_431, %get3A_432] {strides = array<i32>} : memref<200x32xf32, #tpu.memory_space<vmem>>, vector<16xf32>,
        %bitcast3A_434 = vector.bitcast %get3A_433 : vector<16xf32> to vector<16xi32>
        %shift_left3A_435 = arith.shli %bitcast3A_434, %broadcast_in_dim3A_3 : vector<16xi32>
        %bitcast3A_436 = vector.bitcast %shift_left3A_435 : vector<16xi32> to vector<16xf32>
        %and3A_437 = arith.andi %bitcast3A_434, %broadcast_in_dim3A_5 : vector<16xi32>
        %bitcast3A_438 = vector.bitcast %and3A_437 : vector<16xi32> to vector<16xf32>
        %add3A_439 = arith.constant 6 : i32
        %add3A_440 = arith.addi %mul3A_236, %add3A_439 : i32
        %get3A_441 = arith.constant 0 : i32
        %get3A_442 = arith.constant 0 : i32
        %get3A_443 = tpu.memref_slice %arg6[%scan3A_191, %get3A_441, %get3A_442] : memref<2x200x32xf32, #tpu.memory_space<vmem>> -> memref<1x200x32xf32, #tpu.memory_space<vmem>>
        %get3A_444 = tpu.memref_squeeze %get3A_443 : memref<1x200x32xf32, #tpu.memory_space<vmem>> -> memref<200x32xf32, #tpu.memory_space<vmem>>
        %get3A_445 = arith.index_cast %add3A_440 : i32 to index
        %get3A_446 = arith.constant 16 : index
        %get3A_447 = tpu.vector_load %get3A_444[%get3A_445, %get3A_446] {strides = array<i32>} : memref<200x32xf32, #tpu.memory_space<vmem>>, vector<16xf32>,
        %bitcast3A_448 = vector.bitcast %get3A_447 : vector<16xf32> to vector<16xi32>
        %shift_left3A_449 = arith.shli %bitcast3A_448, %broadcast_in_dim3A_3 : vector<16xi32>
        %bitcast3A_450 = vector.bitcast %shift_left3A_449 : vector<16xi32> to vector<16xf32>
        %and3A_451 = arith.andi %bitcast3A_448, %broadcast_in_dim3A_5 : vector<16xi32>
        %bitcast3A_452 = vector.bitcast %and3A_451 : vector<16xi32> to vector<16xf32>
        %add3A_453 = arith.addf %add3A_389, %bitcast3A_436 : vector<16xf32>
        %add3A_454 = arith.addf %add3A_390, %bitcast3A_438 : vector<16xf32>
        %add3A_455 = arith.addf %add3A_391, %bitcast3A_450 : vector<16xf32>
        %add3A_456 = arith.addf %add3A_392, %bitcast3A_452 : vector<16xf32>
        %add3A_457 = arith.constant 7 : i32
        %add3A_458 = arith.addi %mul3A_236, %add3A_457 : i32
        %get3A_459 = arith.constant 0 : i32
        %get3A_460 = arith.constant 0 : i32
        %get3A_461 = tpu.memref_slice %arg6[%scan3A_191, %get3A_459, %get3A_460] : memref<2x200x32xf32, #tpu.memory_space<vmem>> -> memref<1x200x32xf32, #tpu.memory_space<vmem>>
        %get3A_462 = tpu.memref_squeeze %get3A_461 : memref<1x200x32xf32, #tpu.memory_space<vmem>> -> memref<200x32xf32, #tpu.memory_space<vmem>>
        %get3A_463 = arith.index_cast %add3A_458 : i32 to index
        %get3A_464 = arith.constant 0 : index
        %get3A_465 = tpu.vector_load %get3A_462[%get3A_463, %get3A_464] {strides = array<i32>} : memref<200x32xf32, #tpu.memory_space<vmem>>, vector<16xf32>,
        %bitcast3A_466 = vector.bitcast %get3A_465 : vector<16xf32> to vector<16xi32>
        %shift_left3A_467 = arith.shli %bitcast3A_466, %broadcast_in_dim3A_3 : vector<16xi32>
        %bitcast3A_468 = vector.bitcast %shift_left3A_467 : vector<16xi32> to vector<16xf32>
        %and3A_469 = arith.andi %bitcast3A_466, %broadcast_in_dim3A_5 : vector<16xi32>
        %bitcast3A_470 = vector.bitcast %and3A_469 : vector<16xi32> to vector<16xf32>
        %add3A_471 = arith.constant 7 : i32
        %add3A_472 = arith.addi %mul3A_236, %add3A_471 : i32
        %get3A_473 = arith.constant 0 : i32
        %get3A_474 = arith.constant 0 : i32
        %get3A_475 = tpu.memref_slice %arg6[%scan3A_191, %get3A_473, %get3A_474] : memref<2x200x32xf32, #tpu.memory_space<vmem>> -> memref<1x200x32xf32, #tpu.memory_space<vmem>>
        %get3A_476 = tpu.memref_squeeze %get3A_475 : memref<1x200x32xf32, #tpu.memory_space<vmem>> -> memref<200x32xf32, #tpu.memory_space<vmem>>
        %get3A_477 = arith.index_cast %add3A_472 : i32 to index
        %get3A_478 = arith.constant 16 : index
        %get3A_479 = tpu.vector_load %get3A_476[%get3A_477, %get3A_478] {strides = array<i32>} : memref<200x32xf32, #tpu.memory_space<vmem>>, vector<16xf32>,
        %bitcast3A_480 = vector.bitcast %get3A_479 : vector<16xf32> to vector<16xi32>
        %shift_left3A_481 = arith.shli %bitcast3A_480, %broadcast_in_dim3A_3 : vector<16xi32>
        %bitcast3A_482 = vector.bitcast %shift_left3A_481 : vector<16xi32> to vector<16xf32>
        %and3A_483 = arith.andi %bitcast3A_480, %broadcast_in_dim3A_5 : vector<16xi32>
        %bitcast3A_484 = vector.bitcast %and3A_483 : vector<16xi32> to vector<16xf32>
        %add3A_485 = arith.addf %add3A_421, %bitcast3A_468 : vector<16xf32>
        %add3A_486 = arith.addf %add3A_422, %bitcast3A_470 : vector<16xf32>
        %add3A_487 = arith.addf %add3A_423, %bitcast3A_482 : vector<16xf32>
        %add3A_488 = arith.addf %add3A_424, %bitcast3A_484 : vector<16xf32>
        scf.yield %add3A_453, %add3A_454, %add3A_455, %add3A_456, %add3A_485, %add3A_486, %add3A_487, %add3A_488 : vector<16xf32>, vector<16xf32>, vector<16xf32>, vector<16xf32>, vector<16xf32>, vector<16xf32>, vector<16xf32>, vector<16xf32>
      }
      %scan3A_197 = arith.constant 25 : i32
      %add3A_198 = arith.addf %scan3A_196#0, %scan3A_196#4 : vector<16xf32>
      %mul3A_199 = arith.constant 5.000000e-03 : f32
      %mul3A_200 = vector.broadcast %mul3A_199 : f32 to vector<16xf32>
      %mul3A_201 = arith.mulf %add3A_198, %mul3A_200 : vector<16xf32>
      %swap3A_202 = arith.index_cast %add3A_188 : i32 to index
      %swap3A_203 = arith.constant 0 : index
      %swap3A_204 = tpu.vector_load %arg7[%swap3A_202, %swap3A_203] {strides = array<i32>} : memref<128x64xf32, #tpu.memory_space<vmem>>, vector<16xf32>,
      tpu.vector_store %arg7[%swap3A_202, %swap3A_203], %mul3A_201 {strides = array<i32>} : memref<128x64xf32, #tpu.memory_space<vmem>>, vector<16xf32>,
      %add3A_205 = arith.addf %scan3A_196#1, %scan3A_196#5 : vector<16xf32>
      %mul3A_206 = arith.constant 5.000000e-03 : f32
      %mul3A_207 = vector.broadcast %mul3A_206 : f32 to vector<16xf32>
      %mul3A_208 = arith.mulf %add3A_205, %mul3A_207 : vector<16xf32>
      %swap3A_209 = arith.index_cast %add3A_188 : i32 to index
      %swap3A_210 = arith.constant 16 : index
      %swap3A_211 = tpu.vector_load %arg7[%swap3A_209, %swap3A_210] {strides = array<i32>} : memref<128x64xf32, #tpu.memory_space<vmem>>, vector<16xf32>,
      tpu.vector_store %arg7[%swap3A_209, %swap3A_210], %mul3A_208 {strides = array<i32>} : memref<128x64xf32, #tpu.memory_space<vmem>>, vector<16xf32>,
      %add3A_212 = arith.addf %scan3A_196#2, %scan3A_196#6 : vector<16xf32>
      %mul3A_213 = arith.constant 5.000000e-03 : f32
      %mul3A_214 = vector.broadcast %mul3A_213 : f32 to vector<16xf32>
      %mul3A_215 = arith.mulf %add3A_212, %mul3A_214 : vector<16xf32>
      %swap3A_216 = arith.index_cast %add3A_188 : i32 to index
      %swap3A_217 = arith.constant 32 : index
      %swap3A_218 = tpu.vector_load %arg7[%swap3A_216, %swap3A_217] {strides = array<i32>} : memref<128x64xf32, #tpu.memory_space<vmem>>, vector<16xf32>,
      tpu.vector_store %arg7[%swap3A_216, %swap3A_217], %mul3A_215 {strides = array<i32>} : memref<128x64xf32, #tpu.memory_space<vmem>>, vector<16xf32>,
      %add3A_219 = arith.addf %scan3A_196#3, %scan3A_196#7 : vector<16xf32>
      %mul3A_220 = arith.constant 5.000000e-03 : f32
      %mul3A_221 = vector.broadcast %mul3A_220 : f32 to vector<16xf32>
      %mul3A_222 = arith.mulf %add3A_219, %mul3A_221 : vector<16xf32>
      %swap3A_223 = arith.index_cast %add3A_188 : i32 to index
      %swap3A_224 = arith.constant 48 : index
      %swap3A_225 = tpu.vector_load %arg7[%swap3A_223, %swap3A_224] {strides = array<i32>} : memref<128x64xf32, #tpu.memory_space<vmem>>, vector<16xf32>,
      tpu.vector_store %arg7[%swap3A_223, %swap3A_224], %mul3A_222 {strides = array<i32>} : memref<128x64xf32, #tpu.memory_space<vmem>>, vector<16xf32>,
    }
    %scan3A_42 = arith.constant 64 : i32
    "tpu.region"() ({
      %run_scoped3A = tpu.sem_alloc : memref<!tpu.dma_semaphore, #tpu.memory_space<semaphore_mem>>
      %dma_start3A_43 = arith.constant 0 : i32
      %dma_start3A_44 = tpu.memref_slice %arg4[%mul3A_2, %dma_start3A_43] : memref<4096x64xf32, #tpu.memory_space<hbm>> -> memref<128x64xf32, #tpu.memory_space<hbm>>
      %dma_start3A_45 = arith.constant 0 : i32
      %dma_start3A_46 = tpu.memref_slice %arg4[%mul3A_2, %dma_start3A_45] : memref<4096x64xf32, #tpu.memory_space<hbm>> -> memref<128x64xf32, #tpu.memory_space<hbm>>
      tpu.enqueue_dma source(%arg7 : memref<128x64xf32, #tpu.memory_space<vmem>>) target(%dma_start3A_46 : memref<128x64xf32, #tpu.memory_space<hbm>>) target_semaphore(%run_scoped3A : memref<!tpu.dma_semaphore, #tpu.memory_space<semaphore_mem>>)
      %dma_wait3A = arith.constant 0 : i32
      %dma_wait3A_47 = tpu.memref_slice %arg4[%mul3A_2, %dma_wait3A] : memref<4096x64xf32, #tpu.memory_space<hbm>> -> memref<128x64xf32, #tpu.memory_space<hbm>>
      %dma_wait3A_48 = arith.constant 0 : i32
      %dma_wait3A_49 = tpu.memref_slice %arg4[%mul3A_2, %dma_wait3A_48] : memref<4096x64xf32, #tpu.memory_space<hbm>> -> memref<128x64xf32, #tpu.memory_space<hbm>>
      tpu.wait_dma2 semaphore(%run_scoped3A : memref<!tpu.dma_semaphore, #tpu.memory_space<semaphore_mem>>) src(%arg7 : memref<128x64xf32, #tpu.memory_space<vmem>>) dst(%dma_wait3A_49 : memref<128x64xf32, #tpu.memory_space<hbm>>)
      tpu.yield
    }) : () -> ()
    return
  }
}

</mosaic_0001>

<sc_bundles>
// kernel: kernel.4.cloned.1.call-start
scs
__scs_entry_jumppad:
0x0: {  	(pc) =	sbr.rel $0x88, $3  }
0x1: {  	(tag) =	ssettag $0x0;
	lr =	simm.s32 $0x1  }
0x2: {  	[smem:$0x3F9F] =	sst lr;
	_ =	strace $0xD0000000  }
0x3: {  	_ = 	snop  }
0x4: {  	_ = 	snop  }
0x5: {  	_ = 	snop  }
0x6: {  	_ = 	snop  }
0x7: {  	_ = 	snop  }
__scs_overlays_trampoline_lowered:
0x8: {  	[smem:$0x3FAE] =	sst s0  }
0x9: {  	[smem:$0x3FAF] =	sst s1  }
0xa: {  	[smem:$0x3FB0] =	sst s2  }
0xb: {  	[smem:$0x3FB1] =	sst s3  }
0xc: {  	[smem:$0x3FB2] =	sst s4  }
0xd: {  	[smem:$0x3FB3] =	sst s5  }
0xe: {  	[smem:$0x3FB4] =	sst s6  }
0xf: {  	[smem:$0x3FB5] =	sst s7  }
0x10: {  	[smem:$0x3FB6] =	sst s8  }
0x11: {  	[smem:$0x3FB7] =	sst s9;
	s0 =	simm.s32 @!p0 $0x0  }
0x12: {  	s1 =	sld [smem:$0x3F9D];
	s0 =	simm.s32 @p0 $0x1  }
0x13: {  	[smem:$0x3FB8] =	sst s0;
	s0 =	simm.s32 @!p1 $0x0  }
0x14: {  	s2 =	sld [smem:$0x3F9C];
	s0 =	simm.s32 @p1 $0x1  }
0x15: {  	[smem:$0x3FB9] =	sst s0;
	s0 =	simm.s32 @!p2 $0x0  }
0x16: {  	s3 =	sld [smem:$0x3FDB];
	s0 =	simm.s32 @p2 $0x1  }
0x17: {  	s4 =	simm.s32 $0x1BF5;
	[smem:$0x3FBB] =	sst s0  }
0x18: {  	s0 =	sld [smem:$0x3F9E];
	_ =	swait.ge [sflag:s4], $0x0  }
0x19: {  	s7 =	sld [smem:$0x3F9F]  }
0x1a: {  	s8 =	sadd.s32 $0xFFFFE003, lr  }
0x1b: {  	s9 =	sadd.s32 $0xFFFFFEF7, lr;
	s5 =	simm.s32 $0xFFFFFFFF;
	p2 =	slt.u32 s8, $0xFFFFF086  }
0x1c: {  	p1 =	slt.u32 s9, $0xF7A;
	s5 =	simm.s32 @!p2 $0x0  }
0x1d: {  	s5 =	simm.s32 @p1 $0x1;
	p0 =	seq.s32 s7, s2  }
0x1e: {  	s7 =	smul.u32 @!p0 $0xF7A, s2;
	p2 =	seq.s32 @!p0 s5, $0x0  }
0x1f: {  	s9 =	smul.u32 $0xF7A, s1;
	s8 =	simm.s32 @!p0 $0x1BF5;
	p2 =	por !p2, p0  }
0x20: {  	[sflag:s8] =	ssyncset.s32 @!p0 $0xFFFFF086;
	s6 =	sadd.s32 @!p0 s3, s7;
	s7 =	simm.s32 @!p0 $0x108  }
0x21: {  	s3 =	sadd.s32 s3, s9;
	s6 =	sadd.s32 @!p0 $0x88, s6;
	s7 =	simm.s32 @p2 $0x1082  }
0x22: {  	[simem:s7], [sflag:s8] =	dma.local @!p0 [hbm:s6], $0xF7A  }
0x23: {  	s9 =	sor.u32 $0xD0000000, s2;
	s6 =	simm.s32 $0x108;
	_ =	swait.ge @!p0 [sflag:s8], $0x0  }
0x24: {  	s3 =	sadd.s32 $0x88, s3;
	s6 =	simm.s32 @!p1 $0x1082;
	[sflag:s4] =	ssyncset.s32 $0xFFFFF086  }
0x25: {  	[simem:s6], [sflag:s4] =	dma.local [hbm:s3], $0xF7A  }
0x26: {  	[smem:$0x3F9F] =	sst s1;
	(tag) =	ssettag s2;
	_ =	strace s9  }
0x27: {  	s1 =	sld [smem:$0x3FAF]  }
0x28: {  	s2 =	sld [smem:$0x3FB0]  }
0x29: {  	s4 =	sld [smem:$0x3FB2]  }
0x2a: {  	p0 =	seq.s32 s5, $0x0;
	s5 =	sld [smem:$0x3FB3]  }
0x2b: {  	s6 =	sld [smem:$0x3FB4]  }
0x2c: {  	s7 =	sld [smem:$0x3FB5]  }
0x2d: {  	s3 =	simm.s32 $0x108;
	s8 =	sld [smem:$0x3FB6]  }
0x2e: {  	s3 =	simm.s32 @!p0 $0x1082;
	s9 =	sld [smem:$0x3FB7]  }
0x2f: {  	lr =	sadd.s32 s0, s3;
	s0 =	sld [smem:$0x3FAE]  }
0x30: {  	s3 =	sld [smem:$0x3FB1]  }
0x31: {  	[smem:$0x3FBA] =	sst s10  }
0x32: {  	s10 =	sld [smem:$0x3FB8];
	_ =	sdelay $0x3  }
0x33: {  	p0 =	seq.s32 s10, $0x1;
	s10 =	sld [smem:$0x3FBA];
	_ =	sdelay $0x3  }
0x34: {  	[smem:$0x3FBA] =	sst s10  }
0x35: {  	s10 =	sld [smem:$0x3FB9];
	_ =	sdelay $0x3  }
0x36: {  	p1 =	seq.s32 s10, $0x1;
	s10 =	sld [smem:$0x3FBA];
	_ =	sdelay $0x3  }
0x37: {  	[smem:$0x3FBA] =	sst s10  }
0x38: {  	s10 =	sld [smem:$0x3FBB]  }
0x39: {  	_ = 	snop;
	(pc) =	sbr.ind lr, $3  }
0x3a: {  	_ = 	snop  }
0x3b: {  	_ = 	snop  }
0x3c: {  	p2 =	seq.s32 s10, $0x1;
	s10 =	sld [smem:$0x3FBA]  }
0x3d: {  	_ =	shalt  }
0x3e: {  	_ =	shalt  }
0x3f: {  	_ =	shalt  }
0x40: {  	_ =	shalt  }
0x41: {  	_ =	shalt  }
0x42: {  	_ =	shalt  }
0x43: {  	_ =	shalt  }
0x44: {  	_ =	shalt  }
0x45: {  	_ =	shalt  }
0x46: {  	_ =	shalt  }
0x47: {  	_ =	shalt  }
0x48: {  	_ =	shalt  }
0x49: {  	_ =	shalt  }
0x4a: {  	_ =	shalt  }
0x4b: {  	_ =	shalt  }
0x4c: {  	_ =	shalt  }
0x4d: {  	_ =	shalt  }
0x4e: {  	_ =	shalt  }
0x4f: {  	_ =	shalt  }
0x50: {  	_ =	shalt  }
0x51: {  	_ =	shalt  }
0x52: {  	_ =	shalt  }
0x53: {  	_ =	shalt  }
0x54: {  	_ =	shalt  }
0x55: {  	_ =	shalt  }
0x56: {  	_ =	shalt  }
0x57: {  	_ =	shalt  }
0x58: {  	_ =	shalt  }
0x59: {  	_ =	shalt  }
0x5a: {  	_ =	shalt  }
0x5b: {  	_ =	shalt  }
0x5c: {  	_ =	shalt  }
0x5d: {  	_ =	shalt  }
0x5e: {  	_ =	shalt  }
0x5f: {  	_ =	shalt  }
0x60: {  	_ =	shalt  }
0x61: {  	_ =	shalt  }
0x62: {  	_ =	shalt  }
0x63: {  	_ =	shalt  }
0x64: {  	_ =	shalt  }
0x65: {  	_ =	shalt  }
0x66: {  	_ =	shalt  }
0x67: {  	_ =	shalt  }
0x68: {  	_ =	shalt  }
0x69: {  	_ =	shalt  }
0x6a: {  	_ =	shalt  }
0x6b: {  	_ =	shalt  }
0x6c: {  	_ =	shalt  }
0x6d: {  	_ =	shalt  }
0x6e: {  	_ =	shalt  }
0x6f: {  	_ =	shalt  }
0x70: {  	_ =	shalt  }
0x71: {  	_ =	shalt  }
0x72: {  	_ =	shalt  }
0x73: {  	_ =	shalt  }
0x74: {  	_ =	shalt  }
0x75: {  	_ =	shalt  }
0x76: {  	_ =	shalt  }
0x77: {  	_ =	shalt  }
0x78: {  	_ =	shalt  }
0x79: {  	_ =	shalt  }
0x7a: {  	_ =	shalt  }
0x7b: {  	_ =	shalt  }
0x7c: {  	_ =	shalt  }
0x7d: {  	_ =	shalt  }
0x7e: {  	_ =	shalt  }
0x7f: {  	_ =	shalt  }
0x80: {  	_ =	shalt  }
0x81: {  	_ =	shalt  }
0x82: {  	_ =	shalt  }
0x83: {  	_ =	shalt  }
0x84: {  	_ =	shalt  }
0x85: {  	_ =	shalt  }
0x86: {  	_ =	shalt  }
0x87: {  	_ =	shalt  }
.Lfunc_end0:
.L_simem_size_0:
called_computation_lowered:
.L_overlay_start_0:
0x88: {  	s2 =	sld [smem:$0x3FD9]  }
0x89: {  	s3 =	sld [smem:$0x3FFE];
	_ =	sdelay $0x1  }
0x8a: {  	s1 =	srdreg.scid  }
0x8b: {  	s0 =	sand.u32 $0x1, s1  }
0x8c: {  	s17 =	sshll.u32 s0, $0xA;
	s2 =	sadd.s32 s3, s2  }
0x8d: {  	s2 =	sadd.s32 s2, s17  }
0x8e: {  	[smem:$0x3FC6] =	sst s2  }
0x8f: {  	_ = 	snop  }
0x90: {  	s2 =	sld [smem:$0x3FC8];
	(tm) =	ssettm $0x1  }
0x91: {  	s18 =	sld [smem:$0x3FFB];
	_ =	sdelay $0x3  }
0x92: {  	_ =	strace s18  }
0x93: {  	s3 =	sld [smem:$0x3FFC];
	_ =	sdelay $0x3  }
0x94: {  	_ =	strace s3  }
0x95: {  	s3 =	sld [smem:$0x3FFD];
	_ =	sdelay $0x3  }
0x96: {  	_ =	strace s3  }
0x97: {  	_ =	strace $0x8FFFFFFF  }
0x98: {  	s19 =	sld [smem:$0x3FDB];
	_ =	sdelay $0x1  }
0x99: {  	s4 =	simm.s32 $_scs_section_size  }
0x9a: {  	s5 =	simm.s32 $_size__tile_overlayer_lowered;
	s6 =	simm.s32 $_tile_overlayer_lowered  }
0x9b: {  	s22 =	simm.s32 $0x1BFF;
	s21 =	sshll.u32 s6, $0x1;
	s3 =	sadd.s32 s4, s19  }
0x9c: {  	s7 =	simm.s32 $0x0;
	s20 =	sshll.u32 s5, $0x1;
	s5 =	sadd.s32 s21, s3  }
0x9d: {  	[timem:s7], [sflag:s22] =	dma.local [hbm:s5], s20  }
0x9e: {  	_ =	swait.ge [sflag:s22], s20  }
0x9f: {  	s4 =	ssub.s32 $0x0, s20;
	[sflag:s22] =	ssyncset.done $0x0  }
0xa0: {  	[sflag:s22] =	ssyncadd.s32 s4;
	_ =	sdelay $0x1  }
0xa1: {  	s23 =	simm.s32 $0x1B8B  }
0xa2: {  	_ =	swait.ge [sflag:s23], $0x1  }
0xa3: {  	[sflag:s23] =	ssyncset.done $0x0  }
0xa4: {  	s25 =	simm.s32 $0x1B8E;
	s24 =	sld [smem:$0x3FFE];
	[sflag:s23] =	ssyncadd.s32 $0xFFFFFFFF  }
0xa5: {  	s26 =	simm.s32 $execute0_lowered;
	[smem:$0x3FD2] =	sst s25  }
0xa6: {  	s5 =	sshll.u32 s26, $0x1;
	_ =	strace $0x80000046;
	[dreg:$0x1] =	wrdreg $0xFFFFFFFF  }
0xa7: {  	s28 =	simm.s32 $_size_execute0_lowered;
	s3 =	sadd.s32 s3, s5;
	[dreg:$0x0] =	wrdreg $0x0  }
0xa8: {  	s5 =	sshll.u32 s28, $0x1;
	[dreg:$0x2] =	wrdreg s3  }
0xa9: {  	[dreg:$0x3] =	wrdreg s5  }
0xaa: {  	[dreg:$0x4] =	wrdreg $0xC0  }
0xab: {  	_ =	task [dreg:s7], $0x5FFFF  }
0xac: {  	[dreg:$0x1] =	wrdreg $0xFFFFFFFF  }
0xad: {  	[dreg:$0x0] =	wrdreg $0x60  }
0xae: {  	[dreg:$0x2] =	wrdreg s2  }
0xaf: {  	[dreg:$0x3] =	wrdreg s24  }
0xb0: {  	[dreg:$0x4] =	wrdreg $0x9  }
0xb1: {  	_ =	task.clear_ibuf [dreg:s7], $0x5FFFF;
	_ =	strace $0x90000046  }
0xb2: {  	s29 =	simm.s32 $0x9;
	_ =	strace $0x80000048  }
0xb3: {  	_ =	swait.ge [sflag:s29], $0x1  }
0xb4: {  	[sflag:s29] =	ssyncadd.s32 $0xFFFFFFFF  }
0xb5: {  	_ =	strace $0x90000048  }
0xb6: {  	_ =	sfence  }
0xb7: {  	s30 =	sld [smem:$0x0];
	_ =	sdelay $0x2  }
0xb8: {  	s31 =	sshll.u32 s1, $0xD;
	s1 =	sshrl.u32 s1, $0x2  }
0xb9: {  	s3 =	sand.u32 $0x4000, s31;
	s1 =	sadd.s32 s1, s30  }
0xba: {  	s0 =	sor.u32 s3, s0;
	s1 =	sshll.u32 s1, $0x11  }
0xbb: {  	s0 =	sor.u32 s1, s0  }
0xbc: {  	s0 =	sadd.s32 $0x8F2B, s0  }
0xbd: {  	[sflag:s0] =	ssyncadd.remote.s32 $0x1  }
0xbe: {  	_ =	sfence.sel $0xFFFF  }
0xbf: {  	[dreg:$0x0] =	wrdreg $0xFFFFFFFF;
	(pc) =	sbr.abs _section_cstart, $3  }
0xc0: {  	[dreg:$0x1] =	wrdreg $0xFFFFFFFF  }
0xc1: {  	_ =	task.clear_ibuf [dreg:s7], $0x2FFFF;
	_ =	strace $0x9FFFFFFF  }
0xc2: {  	(tm) =	ssettm $0x7FFFFFFF  }
0xc3: {  	_ =	shalt  }
tec
execute0_lowered:
.L_overlay_start_1:
0x0: {  	(tag) =	ssettag $0x1  }
0x1: {  	s1 =	rddreg [dreg:$0x0]  }
0x2: {  	s0 =	rddreg [dreg:$0x1];
	s3 =	simm.s32 $0x0;
	s2 =	srdreg.scid  }
0x3: {  	s4 =	stileid.u32;
	s14 =	simm.s32 $0xC000;
	s18 =	simm.s32 $0x1800  }
0x4: {  	s19 =	simm.s32 $0x2000;
	s20 =	simm.s32 $0x2800;
	s21 =	simm.s32 $0x3000  }
0x5: {  	s22 =	simm.s32 $0x3800;
	s23 =	simm.s32 $0x1;
	s24 =	simm.s32 $0x8000  }
0x6: {  	s25 =	simm.s32 $0x2;
	s31 =	simm.s32 $0x0;
	[smem:$0x7FF] =	sst s3  }
0x7: {  	s5 =	sshll.u32 s4, $0x1;
	s4 =	sadd.s32 $0xA00, s0;
	s28 =	sadd.s32 $0xF4200, s1  }
0x8: {  	s2 =	sand.u32 $0x1, s2;
	s0 =	sadd.s32 $0x3D1200, s0;
	_ =	strace $0x80000047  }
0x9: {  	v0 =	vlaneseq.u32;
	s6 =	ssub.s32 $0x2, s2;
	s5 =	sor.u32 s2, s5;
	[dreg:$0x3] =	wrdreg s28  }
.Ltmp0:
0xa: {  	v0 =	vmul.u32 $0x20, v0;
	s7 =	sshrl.u32 s6, $0x1;
	s29 =	sshll.u32 s5, $0x7;
	(pc) =	sbr.rel .LBB2_1-.Ltmp0, $4  }
0xb: {  	[dreg:$0x4] =	wrdreg s0;
	s26 =	ssub.s32 s6, s7;
	s30 =	sadd.s32 s1, s29  }
0xc: {  	s9 =	sor.u32 $0x40, s5;
	v1 =	vor.u32 $0x200, v0;
	s2 =	smax.u32 s26, $0x1;
	[dreg:$0x5] =	wrdreg s30  }
0xd: {  	p0 =	sne.s32 s5, $0x1F;
	v2 =	vor.u32 $0x400, v0;
	v3 =	vor.u32 $0x600, v0;
	v4 =	vor.u32 $0x800, v0;
	s0 =	sadd.s32 $0xF4280, s30;
	[dreg:$0x6] =	wrdreg s2  }
0xe: {  	v5 =	vor.u32 $0xA00, v0;
	v6 =	vor.u32 $0xC00, v0;
	v7 =	vor.u32 $0xE00, v0;
	s6 =	simm.s32 $0x0;
	s26 =	simm.s32 $0x9000;
	[dreg:$0x7] =	wrdreg s0  }
.LBB2_13:
0xf: {  	s0 =	simm.s32 $0x4  }
0x10: {  	_ =	swait.ge [sflag:s0], $0x1000  }
0x11: {  	[sflag:s0] =	ssyncset.done $0x0  }
0x12: {  	s2 =	simm.s32 $0x3;
	[sflag:s0] =	ssyncadd.s32 $0xFFFFF000  }
0x13: {  	_ =	swait.ge [sflag:s2], $0x1000  }
0x14: {  	s6 =	rddreg [dreg:$0x8]  }
0x15: {  	s30 =	rddreg [dreg:$0x6];
	s6 =	sadd.s32 $0x1, s6  }
0x16: {  	p1 =	sne.s32 s6, s30  }
.Ltmp1:
0x17: {  	_ = 	snop;
	(pc) =	sbr.rel @!p1 .LBB2_14-.Ltmp1, $3  }
0x18: {  	_ =	sdelay $0x1  }
0x19: {  	[sflag:s2] =	ssyncset.done $0x0  }
0x1a: {  	[sflag:s2] =	ssyncadd.s32 $0xFFFFF000  }
.LBB2_1:
.Ltmp2:
0x1b: {  	(pc) =	sbr.rel @p0 .LBB2_5-.Ltmp2, $2  }
0x1c: {  	_ =	sdelay $0x2  }
0x1d: {  	[dreg:$0x8] =	wrdreg s6  }
0x1e: {  	s0 =	simm.s32 $0xA000;
	s2 =	rddreg [dreg:$0x3]  }
0x1f: {  	s6 =	simm.s32 $0x400;
	s7 =	simm.s32 $0x7A1400;
	s13 =	simm.s32 $0x5  }
0x20: {  	[tilespmem:s0], [sflag:$0x5] =	stream.strided.gather [hbm4b:s2+s6], $0x2000, s7, s6, $0x38;
	[tilespmem:$0xC800] =	vst v63  }
0x21: {  	s15 =	simm.s32 $0x0;
	_ =	swait.ge [sflag:s13], $0x2000  }
0x22: {  	s0 =	sand.u32 $0x3FFFF800, s15;
	[sflag:s13] =	ssyncset.done $0x0  }
0x23: {  	s16 =	sadd.s32 $0xA000, s0;
	[sflag:s13] =	ssyncadd.s32 $0xFFFFE000  }
0x24: {  	v8 =	vld [tilespmem:s16+$0x380]  }
0x25: {  	v9 =	vld [tilespmem:s16+$0xB80]  }
0x26: {  	v10 =	vld [tilespmem:s16+$0x0]  }
0x27: {  	v11 =	vld [tilespmem:s16+$0x800]  }
0x28: {  	v12 =	vld [tilespmem:s16+$0x80]  }
0x29: {  	s13 =	simm.s32 $0x7;
	v15 =	vld [tilespmem:s16+$0x880]  }
0x2a: {  	s12 =	simm.s32 $0x0;
	v13 =	vor.u32 s13, v0;
	v17 =	vld [tilespmem:s16+$0x100]  }
0x2b: {  	s17 =	simm.s32 $0x1;
	v14 =	vor.u32 s12, v0;
	v18 =	vld [tilespmem:s16+$0x900]  }
0x2c: {  	v16 =	vor.u32 s17, v0;
	v19 =	vld [tilespmem:s16+$0x180];
	v8 =	vadd.s32 $0x8000, v8;
	v9 =	vadd.s32 $0x8000, v9  }
0x2d: {  	v20 =	vld [tilespmem:s16+$0x980];
	v24 =	vor.u32 s13, v1;
	v8 =	vshrl.u32 v8, $0x10;
	v9 =	vand.u32 $0xFFFF0000, v9  }
0x2e: {  	v21 =	vld [tilespmem:s16+$0xA00];
	v10 =	vadd.s32 $0x8000, v10;
	v11 =	vadd.s32 $0x8000, v11;
	v8 =	vor.u32 v8, v9  }
0x2f: {  	v23 =	vld [tilespmem:s16+$0x280];
	v10 =	vshrl.u32 v10, $0x10;
	v9 =	vand.u32 $0xFFFF0000, v11;
	v11 =	vadd.s32 $0x8000, v12;
	[tilespmem:v13+s14+$0x0] =	vst.idx.msk $0xffff, v8  }
0x30: {  	s28 =	simm.s32 $0x2;
	v8 =	vor.u32 v10, v9;
	v9 =	vshrl.u32 v11, $0x10;
	v10 =	vadd.s32 $0x8000, v15;
	v11 =	vld [tilespmem:s16+$0x390]  }
0x31: {  	v12 =	vor.u32 s28, v0;
	v13 =	vadd.s32 $0x8000, v17;
	v10 =	vand.u32 $0xFFFF0000, v10;
	v17 =	vld [tilespmem:s16+$0xB90]  }
0x32: {  	s11 =	simm.s32 $0x3;
	[tilespmem:v14+s14+$0x0] =	vst.idx.msk $0xffff, v8;
	v14 =	vld [tilespmem:s16+$0xB00];
	v9 =	vor.u32 v9, v10;
	v10 =	vshrl.u32 v13, $0x10;
	v13 =	vadd.s32 $0x8000, v18  }
0x33: {  	v20 =	vadd.s32 $0x8000, v20;
	v15 =	vor.u32 s11, v0;
	v18 =	vld [tilespmem:s16+$0x200];
	v13 =	vand.u32 $0xFFFF0000, v13  }
0x34: {  	s8 =	simm.s32 $0x4;
	s29 =	simm.s32 $0x5;
	v19 =	vadd.s32 $0x8000, v19;
	[tilespmem:v16+s14+$0x0] =	vst.idx.msk $0xffff, v9;
	v10 =	vor.u32 v10, v13;
	v13 =	vand.u32 $0xFFFF0000, v20;
	v20 =	vld [tilespmem:s16+$0xA80]  }
0x35: {  	v22 =	vor.u32 s8, v0;
	v25 =	vor.u32 s29, v0;
	v19 =	vshrl.u32 v19, $0x10;
	v45 =	vld [tilespmem:s16+$0x90]  }
0x36: {  	s10 =	simm.s32 $0x6;
	v13 =	vor.u32 v19, v13;
	v19 =	vld [tilespmem:s16+$0x300];
	v11 =	vadd.s32 $0x8000, v11;
	v17 =	vadd.s32 $0x8000, v17  }
0x37: {  	v26 =	vor.u32 s10, v0;
	[tilespmem:v12+s14+$0x0] =	vst.idx.msk $0xffff, v10;
	v12 =	vld [tilespmem:s16+$0x890];
	v11 =	vshrl.u32 v11, $0x10;
	v17 =	vand.u32 $0xFFFF0000, v17  }
0x38: {  	v48 =	vor.u32 s11, v1;
	v51 =	vor.u32 s29, v1;
	[tilespmem:v15+s14+$0x0] =	vst.idx.msk $0xffff, v13;
	v15 =	vld [tilespmem:s16+$0x910];
	v11 =	vor.u32 v11, v17  }
0x39: {  	v60 =	vor.u32 s10, v2;
	v21 =	vadd.s32 $0x8000, v21;
	v8 =	vadd.s32 $0x8000, v18;
	v18 =	vld [tilespmem:s16+$0x10];
	[tilespmem:v24+s14+$0x0] =	vst.idx.msk $0xffff, v11  }
0x3a: {  	v23 =	vadd.s32 $0x8000, v23;
	v14 =	vadd.s32 $0x8000, v14;
	v20 =	vadd.s32 $0x8000, v20;
	v44 =	vld [tilespmem:s16+$0x3A0]  }
0x3b: {  	v21 =	vand.u32 $0xFFFF0000, v21;
	v14 =	vand.u32 $0xFFFF0000, v14;
	v16 =	vand.u32 $0xFFFF0000, v20;
	v20 =	vld [tilespmem:s16+$0xBA0]  }
0x3c: {  	v8 =	vshrl.u32 v8, $0x10;
	v17 =	vld [tilespmem:s16+$0x810];
	v11 =	vshrl.u32 v23, $0x10;
	v19 =	vadd.s32 $0x8000, v19  }
0x3d: {  	v46 =	vld [tilespmem:s16+$0x990];
	v8 =	vor.u32 v8, v21;
	v11 =	vor.u32 v11, v16;
	v16 =	vshrl.u32 v19, $0x10  }
0x3e: {  	v62 =	vor.u32 s11, v3;
	[tilespmem:v22+s14+$0x0] =	vst.idx.msk $0xffff, v8;
	v19 =	vld [tilespmem:s16+$0x110];
	v14 =	vor.u32 v16, v14;
	v16 =	vor.u32 s13, v2  }
0x3f: {  	v9 =	vor.u32 s12, v1;
	v8 =	vadd.s32 $0x8000, v45;
	v47 =	vld [tilespmem:s16+$0x210];
	v10 =	vadd.s32 $0x8000, v18  }
0x40: {  	v49 =	vld [tilespmem:s16+$0xA10];
	v18 =	vor.u32 s17, v1;
	[tilespmem:v25+s14+$0x0] =	vst.idx.msk $0xffff, v11;
	v21 =	vadd.s32 $0x8000, v44;
	v20 =	vadd.s32 $0x8000, v20  }
0x41: {  	v17 =	vadd.s32 $0x8000, v17;
	[tilespmem:v26+s14+$0x0] =	vst.idx.msk $0xffff, v14;
	v50 =	vld [tilespmem:s16+$0xA90];
	v21 =	vshrl.u32 v21, $0x10;
	v20 =	vand.u32 $0xFFFF0000, v20  }
0x42: {  	v10 =	vshrl.u32 v10, $0x10;
	v13 =	vand.u32 $0xFFFF0000, v17;
	v52 =	vld [tilespmem:s16+$0x310];
	v20 =	vor.u32 v21, v20  }
0x43: {  	v12 =	vadd.s32 $0x8000, v12;
	v8 =	vshrl.u32 v8, $0x10;
	v10 =	vor.u32 v10, v13;
	v13 =	vld [tilespmem:s16+$0x190];
	[tilespmem:v16+s14+$0x0] =	vst.idx.msk $0xffff, v20  }
0x44: {  	v12 =	vand.u32 $0xFFFF0000, v12;
	v17 =	vor.u32 s28, v1;
	v19 =	vadd.s32 $0x8000, v19;
	v16 =	vld [tilespmem:s16+$0x3B0]  }
0x45: {  	v15 =	vadd.s32 $0x8000, v15;
	v8 =	vor.u32 v8, v12;
	[tilespmem:v9+s14+$0x0] =	vst.idx.msk $0xffff, v10;
	v12 =	vshrl.u32 v19, $0x10;
	v19 =	vld [tilespmem:s16+$0xBB0]  }
0x46: {  	v11 =	vand.u32 $0xFFFF0000, v15;
	v14 =	vadd.s32 $0x8000, v47;
	v24 =	vadd.s32 $0x8000, v49;
	[tilespmem:v18+s14+$0x0] =	vst.idx.msk $0xffff, v8;
	v8 =	vld [tilespmem:s16+$0x820]  }
0x47: {  	v15 =	vor.u32 s8, v1;
	v14 =	vshrl.u32 v14, $0x10;
	v10 =	vand.u32 $0xFFFF0000, v24;
	v20 =	vld [tilespmem:s16+$0x290]  }
0x48: {  	v11 =	vor.u32 v12, v11;
	v10 =	vor.u32 v14, v10;
	v14 =	vld [tilespmem:s16+$0x20];
	v13 =	vadd.s32 $0x8000, v13  }
0x49: {  	[tilespmem:v17+s14+$0x0] =	vst.idx.msk $0xffff, v11;
	v11 =	vor.u32 s12, v2;
	v17 =	vld [tilespmem:s16+$0x8A0];
	v12 =	vshrl.u32 v13, $0x10;
	v13 =	vadd.s32 $0x8000, v46  }
0x4a: {  	v55 =	vld [tilespmem:s16+$0x920];
	v13 =	vand.u32 $0xFFFF0000, v13;
	v16 =	vadd.s32 $0x8000, v16;
	v19 =	vadd.s32 $0x8000, v19  }
0x4b: {  	v9 =	vor.u32 v12, v13;
	v12 =	vld [tilespmem:s16+$0xB10];
	v16 =	vshrl.u32 v16, $0x10;
	v19 =	vand.u32 $0xFFFF0000, v19  }
0x4c: {  	[tilespmem:v15+s14+$0x0] =	vst.idx.msk $0xffff, v10;
	v18 =	vadd.s32 $0x8000, v20;
	v20 =	vadd.s32 $0x8000, v50;
	v16 =	vor.u32 v16, v19;
	v19 =	vld [tilespmem:s16+$0xA0]  }
0x4d: {  	v54 =	vadd.s32 $0x8000, v52;
	v57 =	vld [tilespmem:s16+$0xA20];
	v18 =	vshrl.u32 v18, $0x10;
	v20 =	vand.u32 $0xFFFF0000, v20  }
0x4e: {  	v15 =	vor.u32 s28, v2;
	v22 =	vshrl.u32 v54, $0x10;
	[tilespmem:v48+s14+$0x0] =	vst.idx.msk $0xffff, v9;
	v18 =	vor.u32 v18, v20;
	v20 =	vld [tilespmem:s16+$0x120]  }
0x4f: {  	v8 =	vadd.s32 $0x8000, v8;
	v13 =	vor.u32 s10, v1;
	v9 =	vadd.s32 $0x8000, v14;
	v56 =	vld [tilespmem:s16+$0x1A0];
	[tilespmem:v51+s14+$0x0] =	vst.idx.msk $0xffff, v18  }
0x50: {  	v8 =	vand.u32 $0xFFFF0000, v8;
	v14 =	vor.u32 s17, v2;
	v9 =	vshrl.u32 v9, $0x10;
	v58 =	vld [tilespmem:s16+$0x2A0]  }
0x51: {  	v8 =	vor.u32 v9, v8;
	v12 =	vadd.s32 $0x8000, v12;
	v10 =	vadd.s32 $0x8000, v19;
	v19 =	vld [tilespmem:s16+$0x9A0]  }
0x52: {  	v12 =	vand.u32 $0xFFFF0000, v12;
	v9 =	vshrl.u32 v10, $0x10;
	v10 =	vadd.s32 $0x8000, v17;
	v17 =	vld [tilespmem:s16+$0x220]  }
0x53: {  	v59 =	vld [tilespmem:s16+$0xAA0];
	v12 =	vor.u32 v22, v12;
	v18 =	vadd.s32 $0x8000, v20;
	v10 =	vand.u32 $0xFFFF0000, v10  }
0x54: {  	v9 =	vor.u32 v9, v10;
	v10 =	vshrl.u32 v18, $0x10;
	v18 =	vadd.s32 $0x8000, v55  }
0x55: {  	v23 =	vadd.s32 $0x8000, v57;
	[tilespmem:v13+s14+$0x0] =	vst.idx.msk $0xffff, v12;
	v13 =	vadd.s32 $0x8000, v56;
	v12 =	vand.u32 $0xFFFF0000, v18  }
0x56: {  	v10 =	vor.u32 v10, v12;
	v12 =	vshrl.u32 v13, $0x10;
	v13 =	vadd.s32 $0x8000, v19;
	v19 =	vld [tilespmem:s16+$0x320]  }
0x57: {  	[tilespmem:v11+s14+$0x0] =	vst.idx.msk $0xffff, v8;
	v20 =	vor.u32 s11, v2;
	v21 =	vadd.s32 $0x8000, v58;
	v11 =	vadd.s32 $0x8000, v17;
	v17 =	vld [tilespmem:s16+$0xB20]  }
0x58: {  	v22 =	vadd.s32 $0x8000, v59;
	v21 =	vshrl.u32 v21, $0x10;
	[tilespmem:v14+s14+$0x0] =	vst.idx.msk $0xffff, v9;
	v9 =	vld [tilespmem:s16+$0x830];
	v8 =	vand.u32 $0xFFFF0000, v13  }
0x59: {  	v14 =	vand.u32 $0xFFFF0000, v23;
	v8 =	vor.u32 v12, v8;
	v12 =	vld [tilespmem:s16+$0x30];
	v11 =	vshrl.u32 v11, $0x10  }
0x5a: {  	v22 =	vand.u32 $0xFFFF0000, v22;
	v18 =	vor.u32 s8, v2;
	v11 =	vor.u32 v11, v14;
	v14 =	vld [tilespmem:s16+$0xB0]  }
0x5b: {  	v53 =	vor.u32 s13, v3;
	v21 =	vor.u32 v21, v22;
	v13 =	vor.u32 s29, v2;
	[tilespmem:v15+s14+$0x0] =	vst.idx.msk $0xffff, v10;
	v15 =	vld [tilespmem:s16+$0x8B0]  }
0x5c: {  	v10 =	vor.u32 s12, v3;
	v61 =	vld [tilespmem:s16+$0x130];
	v19 =	vadd.s32 $0x8000, v19;
	v17 =	vadd.s32 $0x8000, v17  }
0x5d: {  	[tilespmem:v20+s14+$0x0] =	vst.idx.msk $0xffff, v8;
	v20 =	vld [tilespmem:s16+$0x930];
	v9 =	vadd.s32 $0x8000, v9;
	v19 =	vshrl.u32 v19, $0x10;
	v17 =	vand.u32 $0xFFFF0000, v17  }
0x5e: {  	v9 =	vand.u32 $0xFFFF0000, v9;
	v8 =	vadd.s32 $0x8000, v12;
	v17 =	vor.u32 v19, v17;
	v19 =	vld [tilespmem:s16+$0x1B0]  }
0x5f: {  	[tilespmem:v18+s14+$0x0] =	vst.idx.msk $0xffff, v11;
	v12 =	vor.u32 s17, v3;
	v8 =	vshrl.u32 v8, $0x10;
	v11 =	vadd.s32 $0x8000, v14;
	v14 =	vld [tilespmem:s16+$0x9B0]  }
0x60: {  	v8 =	vor.u32 v8, v9;
	v9 =	vshrl.u32 v11, $0x10;
	v11 =	vadd.s32 $0x8000, v15;
	v15 =	vld [tilespmem:s16+$0x230]  }
0x61: {  	v18 =	vor.u32 s28, v3;
	v63 =	vld [tilespmem:s16+$0xA30];
	[tilespmem:v13+s14+$0x0] =	vst.idx.msk $0xffff, v21;
	v13 =	vadd.s32 $0x8000, v61;
	v11 =	vand.u32 $0xFFFF0000, v11  }
0x62: {  	[tilespmem:v53+s14+$0x0] =	vst.idx.msk $0xffff, v16;
	v16 =	vshrl.u32 v13, $0x10;
	v11 =	vor.u32 v9, v11;
	v9 =	vadd.s32 $0x8000, v20;
	v20 =	vld [tilespmem:s16+$0x2B0]  }
0x63: {  	s30 =	simm.s32 $0x400;
	v13 =	vld [tilespmem:s16+$0xAB0];
	[tilespmem:v60+s14+$0x0] =	vst.idx.msk $0xffff, v17;
	v17 =	vand.u32 $0xFFFF0000, v9;
	v9 =	vor.u32 s8, v3;
	v19 =	vadd.s32 $0x8000, v19  }
0x64: {  	s0 =	sand.u32 $0x3FFFF800, s30;
	[tilespmem:v10+s14+$0x0] =	vst.idx.msk $0xffff, v8;
	v10 =	vor.u32 v16, v17;
	v8 =	vadd.s32 $0x8000, v14;
	v14 =	vld [tilespmem:s16+$0x330];
	v16 =	vshrl.u32 v19, $0x10  }
0x65: {  	s0 =	sadd.s32 $0xA400, s0;
	[tilespmem:v12+s14+$0x0] =	vst.idx.msk $0xffff, v11;
	v11 =	vand.u32 $0xFFFF0000, v8;
	v17 =	vadd.s32 $0x8000, v15;
	v8 =	vor.u32 s29, v3;
	v15 =	vld [tilespmem:s16+$0xB30]  }
0x66: {  	v12 =	vld [tilespmem:s0+$0x380];
	[tilespmem:v18+s14+$0x0] =	vst.idx.msk $0xffff, v10;
	v10 =	vor.u32 v16, v11;
	v11 =	vshrl.u32 v17, $0x10;
	v17 =	vadd.s32 $0x8000, v63  }
0x67: {  	s2 =	simm.s32 $0x8;
	s6 =	simm.s32 $0xA400;
	s7 =	simm.s32 $0x10;
	v16 =	vld [tilespmem:s0+$0xB80];
	[tilespmem:v62+s14+$0x0] =	vst.idx.msk $0xffff, v10;
	v17 =	vand.u32 $0xFFFF0000, v17;
	v18 =	vadd.s32 $0x8000, v20;
	v10 =	vor.u32 s10, v3  }
.LBB2_3:
0x68: {  	p1 =	slt.u32 s7, $0x18;
	v19 =	vld [tilespmem:s0+$0x0];
	v11 =	vor.u32 v11, v17;
	v17 =	vshrl.u32 v18, $0x10;
	v13 =	vadd.s32 $0x8000, v13  }
0x69: {  	v20 =	vor.u32 s2, v0;
	s16 =	sadd.s32 $0x7, s2;
	v18 =	vld [tilespmem:s0+$0x800];
	[tilespmem:v9+s14+$0x0] =	vst.idx.msk $0xffff, v11;
	v9 =	vand.u32 $0xFFFF0000, v13;
	v11 =	vadd.s32 $0x8000, v14  }
0x6a: {  	s8 =	sadd.s32 $0x1, s2;
	v14 =	vor.u32 s16, v0;
	v13 =	vld [tilespmem:s0+$0x80];
	v11 =	vshrl.u32 v11, $0x10;
	v15 =	vadd.s32 $0x8000, v15  }
0x6b: {  	v22 =	vor.u32 s8, v0;
	v9 =	vor.u32 v17, v9;
	v21 =	vld [tilespmem:s0+$0x880];
	v15 =	vand.u32 $0xFFFF0000, v15  }
0x6c: {  	v12 =	vadd.s32 $0x8000, v12;
	v17 =	vld [tilespmem:s0+$0x100];
	v16 =	vadd.s32 $0x8000, v16;
	[tilespmem:v8+s14+$0x0] =	vst.idx.msk $0xffff, v9;
	v8 =	vor.u32 v11, v15  }
0x6d: {  	v12 =	vshrl.u32 v12, $0x10;
	v9 =	vadd.s32 $0x8000, v19;
	v11 =	vld [tilespmem:s0+$0x900];
	v15 =	vand.u32 $0xFFFF0000, v16;
	[tilespmem:v10+s14+$0x0] =	vst.idx.msk $0xffff, v8  }
0x6e: {  	s10 =	sadd.s32 $0x2, s2;
	v8 =	vshrl.u32 v9, $0x10;
	v9 =	vadd.s32 $0x8000, v18;
	v10 =	vld [tilespmem:s0+$0x180];
	v12 =	vor.u32 v12, v15  }
0x6f: {  	v15 =	vor.u32 s10, v0;
	v9 =	vand.u32 $0xFFFF0000, v9;
	v13 =	vadd.s32 $0x8000, v13;
	v16 =	vld [tilespmem:s0+$0x980];
	[tilespmem:v14+s14+$0x0] =	vst.idx.msk $0xffff, v12  }
0x70: {  	s12 =	sadd.s32 $0x3, s2;
	v8 =	vor.u32 v8, v9;
	v9 =	vshrl.u32 v13, $0x10;
	v12 =	vadd.s32 $0x8000, v21;
	v13 =	vld [tilespmem:s0+$0x390]  }
0x71: {  	v14 =	vor.u32 s12, v0;
	[tilespmem:v20+s14+$0x0] =	vst.idx.msk $0xffff, v8;
	v8 =	vand.u32 $0xFFFF0000, v12;
	v12 =	vadd.s32 $0x8000, v17;
	v17 =	vld [tilespmem:s0+$0xB90]  }
0x72: {  	s13 =	sadd.s32 $0x4, s2;
	v8 =	vor.u32 v9, v8;
	v9 =	vshrl.u32 v12, $0x10;
	v11 =	vadd.s32 $0x8000, v11;
	v12 =	vld [tilespmem:s0+$0x200]  }
0x73: {  	v18 =	vor.u32 s13, v0;
	[tilespmem:v22+s14+$0x0] =	vst.idx.msk $0xffff, v8;
	v8 =	vand.u32 $0xFFFF0000, v11;
	v10 =	vadd.s32 $0x8000, v10;
	v11 =	vld [tilespmem:s0+$0xA00]  }
0x74: {  	s11 =	sadd.s32 $0x5, s2;
	v20 =	vor.u32 s16, v1;
	v10 =	vshrl.u32 v10, $0x10;
	v16 =	vadd.s32 $0x8000, v16;
	v19 =	vld [tilespmem:s0+$0x280]  }
0x75: {  	v21 =	vor.u32 s11, v0;
	v8 =	vor.u32 v9, v8;
	v9 =	vand.u32 $0xFFFF0000, v16;
	v16 =	vld [tilespmem:s0+$0xA80]  }
0x76: {  	[tilespmem:v15+s14+$0x0] =	vst.idx.msk $0xffff, v8;
	v8 =	vor.u32 v10, v9;
	v9 =	vld [tilespmem:s0+$0x300];
	v10 =	vadd.s32 $0x8000, v13;
	v13 =	vadd.s32 $0x8000, v17  }
0x77: {  	[tilespmem:v14+s14+$0x0] =	vst.idx.msk $0xffff, v8;
	v8 =	vadd.s32 $0x8000, v12;
	v12 =	vld [tilespmem:s0+$0xB00];
	v10 =	vshrl.u32 v10, $0x10;
	v13 =	vand.u32 $0xFFFF0000, v13  }
0x78: {  	s15 =	sadd.s32 $0x6, s2;
	v14 =	vld [tilespmem:s0+$0x10];
	v8 =	vshrl.u32 v8, $0x10;
	v11 =	vadd.s32 $0x8000, v11;
	v10 =	vor.u32 v10, v13  }
0x79: {  	v17 =	vor.u32 s15, v0;
	v13 =	vld [tilespmem:s0+$0x810];
	v11 =	vand.u32 $0xFFFF0000, v11;
	v15 =	vadd.s32 $0x8000, v19;
	[tilespmem:v20+s14+$0x0] =	vst.idx.msk $0xffff, v10  }
0x7a: {  	v8 =	vor.u32 v8, v11;
	v10 =	vshrl.u32 v15, $0x10;
	v11 =	vadd.s32 $0x8000, v16;
	v15 =	vld [tilespmem:s0+$0x3A0]  }
0x7b: {  	v16 =	vor.u32 s2, v1;
	[tilespmem:v18+s14+$0x0] =	vst.idx.msk $0xffff, v8;
	v8 =	vand.u32 $0xFFFF0000, v11;
	v9 =	vadd.s32 $0x8000, v9;
	v11 =	vld [tilespmem:s0+$0xBA0]  }
0x7c: {  	v18 =	vld [tilespmem:s0+$0x90];
	v8 =	vor.u32 v10, v8;
	v9 =	vshrl.u32 v9, $0x10;
	v10 =	vadd.s32 $0x8000, v12  }
0x7d: {  	v19 =	vor.u32 s8, v1;
	v12 =	vadd.s32 $0x8000, v14;
	v14 =	vld [tilespmem:s0+$0x890];
	[tilespmem:v21+s14+$0x0] =	vst.idx.msk $0xffff, v8;
	v8 =	vand.u32 $0xFFFF0000, v10  }
0x7e: {  	v10 =	vadd.s32 $0x8000, v13;
	v13 =	vld [tilespmem:s0+$0x110];
	v8 =	vor.u32 v9, v8;
	v9 =	vor.u32 s16, v2  }
0x7f: {  	v21 =	vor.u32 s10, v1;
	v12 =	vshrl.u32 v12, $0x10;
	v10 =	vand.u32 $0xFFFF0000, v10;
	v20 =	vld [tilespmem:s0+$0x910];
	[tilespmem:v17+s14+$0x0] =	vst.idx.msk $0xffff, v8  }
0x80: {  	v8 =	vor.u32 v12, v10;
	v10 =	vld [tilespmem:s0+$0x190];
	v12 =	vadd.s32 $0x8000, v15;
	v11 =	vadd.s32 $0x8000, v11  }
0x81: {  	[tilespmem:v16+s14+$0x0] =	vst.idx.msk $0xffff, v8;
	v8 =	vadd.s32 $0x8000, v18;
	v15 =	vld [tilespmem:s0+$0x990];
	v12 =	vshrl.u32 v12, $0x10;
	v11 =	vand.u32 $0xFFFF0000, v11  }
0x82: {  	v8 =	vshrl.u32 v8, $0x10;
	v14 =	vadd.s32 $0x8000, v14;
	v16 =	vld [tilespmem:s0+$0x210];
	v11 =	vor.u32 v12, v11  }
0x83: {  	v12 =	vand.u32 $0xFFFF0000, v14;
	v13 =	vadd.s32 $0x8000, v13;
	v14 =	vor.u32 s12, v1;
	v17 =	vld [tilespmem:s0+$0xA10];
	[tilespmem:v9+s14+$0x0] =	vst.idx.msk $0xffff, v11  }
0x84: {  	v8 =	vor.u32 v8, v12;
	v9 =	vshrl.u32 v13, $0x10;
	v11 =	vadd.s32 $0x8000, v20;
	v12 =	vld [tilespmem:s0+$0x3B0]  }
0x85: {  	[tilespmem:v19+s14+$0x0] =	vst.idx.msk $0xffff, v8;
	v8 =	vand.u32 $0xFFFF0000, v11;
	v10 =	vadd.s32 $0x8000, v10;
	v11 =	vor.u32 s13, v1;
	v13 =	vld [tilespmem:s0+$0xBB0]  }
0x86: {  	v8 =	vor.u32 v9, v8;
	v9 =	vshrl.u32 v10, $0x10;
	v10 =	vadd.s32 $0x8000, v15;
	v15 =	vld [tilespmem:s0+$0x290]  }
0x87: {  	v18 =	vor.u32 s11, v1;
	[tilespmem:v21+s14+$0x0] =	vst.idx.msk $0xffff, v8;
	v8 =	vand.u32 $0xFFFF0000, v10;
	v10 =	vadd.s32 $0x8000, v16;
	v16 =	vld [tilespmem:s0+$0xA90]  }
0x88: {  	v20 =	vor.u32 s16, v3;
	v10 =	vshrl.u32 v10, $0x10;
	v17 =	vadd.s32 $0x8000, v17;
	v19 =	vld [tilespmem:s0+$0x310]  }
0x89: {  	v21 =	vor.u32 s15, v1;
	v8 =	vor.u32 v9, v8;
	v9 =	vand.u32 $0xFFFF0000, v17;
	v17 =	vld [tilespmem:s0+$0xB10]  }
0x8a: {  	v22 =	vld [tilespmem:s0+$0x20];
	[tilespmem:v14+s14+$0x0] =	vst.idx.msk $0xffff, v8;
	v8 =	vor.u32 v10, v9;
	v9 =	vadd.s32 $0x8000, v12;
	v10 =	vadd.s32 $0x8000, v13  }
0x8b: {  	v12 =	vld [tilespmem:s0+$0x820];
	[tilespmem:v11+s14+$0x0] =	vst.idx.msk $0xffff, v8;
	v8 =	vadd.s32 $0x8000, v15;
	v9 =	vshrl.u32 v9, $0x10;
	v10 =	vand.u32 $0xFFFF0000, v10  }
0x8c: {  	v11 =	vld [tilespmem:s0+$0xA0];
	v8 =	vshrl.u32 v8, $0x10;
	v13 =	vadd.s32 $0x8000, v16;
	v9 =	vor.u32 v9, v10  }
0x8d: {  	v10 =	vor.u32 s2, v2;
	v14 =	vld [tilespmem:s0+$0x8A0];
	v13 =	vand.u32 $0xFFFF0000, v13;
	v15 =	vadd.s32 $0x8000, v19;
	[tilespmem:v20+s14+$0x0] =	vst.idx.msk $0xffff, v9  }
0x8e: {  	v9 =	vld [tilespmem:s0+$0x120];
	v8 =	vor.u32 v8, v13;
	v13 =	vshrl.u32 v15, $0x10;
	v15 =	vadd.s32 $0x8000, v17  }
0x8f: {  	v17 =	vor.u32 s8, v2;
	v16 =	vadd.s32 $0x8000, v22;
	v19 =	vld [tilespmem:s0+$0x920];
	[tilespmem:v18+s14+$0x0] =	vst.idx.msk $0xffff, v8;
	v8 =	vand.u32 $0xFFFF0000, v15  }
0x90: {  	v15 =	vshrl.u32 v16, $0x10;
	v12 =	vadd.s32 $0x8000, v12;
	v16 =	vld [tilespmem:s0+$0x1A0];
	v8 =	vor.u32 v13, v8  }
0x91: {  	v13 =	vor.u32 s10, v2;
	v12 =	vand.u32 $0xFFFF0000, v12;
	v11 =	vadd.s32 $0x8000, v11;
	v18 =	vld [tilespmem:s0+$0x9A0];
	[tilespmem:v21+s14+$0x0] =	vst.idx.msk $0xffff, v8  }
0x92: {  	v8 =	vor.u32 v15, v12;
	v11 =	vshrl.u32 v11, $0x10;
	v12 =	vadd.s32 $0x8000, v14;
	v14 =	vld [tilespmem:s0+$0x220]  }
0x93: {  	[tilespmem:v10+s14+$0x0] =	vst.idx.msk $0xffff, v8;
	v8 =	vand.u32 $0xFFFF0000, v12;
	v9 =	vadd.s32 $0x8000, v9;
	v10 =	vor.u32 s12, v2;
	v12 =	vld [tilespmem:s0+$0xA20]  }
0x94: {  	v8 =	vor.u32 v11, v8;
	v9 =	vshrl.u32 v9, $0x10;
	v11 =	vadd.s32 $0x8000, v19;
	v15 =	vld [tilespmem:s0+$0x2A0]  }
0x95: {  	[tilespmem:v17+s14+$0x0] =	vst.idx.msk $0xffff, v8;
	v8 =	vand.u32 $0xFFFF0000, v11;
	v11 =	vadd.s32 $0x8000, v16;
	v16 =	vor.u32 s13, v2;
	v17 =	vld [tilespmem:s0+$0xAA0]  }
0x96: {  	v8 =	vor.u32 v9, v8;
	v9 =	vshrl.u32 v11, $0x10;
	v11 =	vadd.s32 $0x8000, v18;
	v18 =	vld [tilespmem:s0+$0x320]  }
0x97: {  	[tilespmem:v13+s14+$0x0] =	vst.idx.msk $0xffff, v8;
	v8 =	vand.u32 $0xFFFF0000, v11;
	v11 =	vadd.s32 $0x8000, v14;
	v13 =	vor.u32 s11, v2;
	v14 =	vld [tilespmem:s0+$0xB20]  }
0x98: {  	v19 =	vld [tilespmem:s0+$0x30];
	v8 =	vor.u32 v9, v8;
	v9 =	vshrl.u32 v11, $0x10;
	v11 =	vadd.s32 $0x8000, v12  }
0x99: {  	v12 =	vld [tilespmem:s0+$0x830];
	[tilespmem:v10+s14+$0x0] =	vst.idx.msk $0xffff, v8;
	v8 =	vand.u32 $0xFFFF0000, v11;
	v10 =	vadd.s32 $0x8000, v15;
	v11 =	vor.u32 s15, v2  }
0x9a: {  	v15 =	vld [tilespmem:s0+$0xB0];
	v8 =	vor.u32 v9, v8;
	v9 =	vshrl.u32 v10, $0x10;
	v10 =	vadd.s32 $0x8000, v17  }
0x9b: {  	v17 =	vor.u32 s2, v3;
	s2 =	smov.u32 s7;
	v20 =	vld [tilespmem:s0+$0x8B0];
	[tilespmem:v16+s14+$0x0] =	vst.idx.msk $0xffff, v8;
	v8 =	vand.u32 $0xFFFF0000, v10;
	v10 =	vadd.s32 $0x8000, v18  }
0x9c: {  	v16 =	vld [tilespmem:s0+$0x130];
	v8 =	vor.u32 v9, v8;
	v9 =	vshrl.u32 v10, $0x10;
	v10 =	vadd.s32 $0x8000, v14  }
0x9d: {  	v18 =	vor.u32 s8, v3;
	v14 =	vadd.s32 $0x8000, v19;
	v19 =	vld [tilespmem:s0+$0x930];
	[tilespmem:v13+s14+$0x0] =	vst.idx.msk $0xffff, v8;
	v8 =	vand.u32 $0xFFFF0000, v10  }
0x9e: {  	v10 =	vshrl.u32 v14, $0x10;
	v12 =	vadd.s32 $0x8000, v12;
	v13 =	vld [tilespmem:s0+$0x1B0];
	v8 =	vor.u32 v9, v8  }
0x9f: {  	v9 =	vand.u32 $0xFFFF0000, v12;
	v12 =	vadd.s32 $0x8000, v15;
	v15 =	vor.u32 s10, v3;
	v14 =	vld [tilespmem:s0+$0x9B0];
	[tilespmem:v11+s14+$0x0] =	vst.idx.msk $0xffff, v8  }
0xa0: {  	v8 =	vor.u32 v10, v9;
	v9 =	vshrl.u32 v12, $0x10;
	v10 =	vadd.s32 $0x8000, v20;
	v11 =	vld [tilespmem:s0+$0x230]  }
0xa1: {  	[tilespmem:v17+s14+$0x0] =	vst.idx.msk $0xffff, v8;
	v8 =	vand.u32 $0xFFFF0000, v10;
	v10 =	vadd.s32 $0x8000, v16;
	v17 =	vor.u32 s12, v3;
	v16 =	vld [tilespmem:s0+$0xA30]  }
0xa2: {  	v8 =	vor.u32 v9, v8;
	v10 =	vshrl.u32 v10, $0x10;
	v9 =	vadd.s32 $0x8000, v19;
	v19 =	vld [tilespmem:s0+$0x2B0]  }
.Ltmp3:
0xa3: {  	s8 =	sshll.u32 s7, $0x7;
	[tilespmem:v18+s14+$0x0] =	vst.idx.msk $0xffff, v8;
	v8 =	vand.u32 $0xFFFF0000, v9;
	v12 =	vadd.s32 $0x8000, v13;
	v9 =	vor.u32 s13, v3;
	v13 =	vld [tilespmem:s0+$0xAB0];
	(pc) =	sbr.rel @p1 .LBB2_3-.Ltmp3, $4  }
0xa4: {  	s6 =	sadd.s32 $0x400, s6;
	s8 =	sand.u32 $0x3FFFF800, s8;
	v8 =	vor.u32 v10, v8;
	v10 =	vshrl.u32 v12, $0x10;
	v12 =	vadd.s32 $0x8000, v14;
	v14 =	vld [tilespmem:s0+$0x330]  }
0xa5: {  	[tilespmem:v15+s14+$0x0] =	vst.idx.msk $0xffff, v8;
	v18 =	vand.u32 $0xFFFF0000, v12;
	v11 =	vadd.s32 $0x8000, v11;
	v8 =	vor.u32 s11, v3;
	v15 =	vld [tilespmem:s0+$0xB30];
	s0 =	sadd.s32 s8, s6  }
0xa6: {  	v12 =	vld [tilespmem:s0+$0x380];
	v10 =	vor.u32 v10, v18;
	v11 =	vshrl.u32 v11, $0x10;
	v18 =	vadd.s32 $0x8000, v16  }
0xa7: {  	s7 =	sadd.s32 $0x8, s7;
	v16 =	vld [tilespmem:s0+$0xB80];
	[tilespmem:v17+s14+$0x0] =	vst.idx.msk $0xffff, v10;
	v17 =	vand.u32 $0xFFFF0000, v18;
	v18 =	vadd.s32 $0x8000, v19;
	v10 =	vor.u32 s15, v3  }
0xa8: {  	v19 =	vld [tilespmem:s0+$0x0]  }
0xa9: {  	v62 =	vld [tilespmem:s0+$0x800]  }
0xaa: {  	v21 =	vld [tilespmem:s0+$0x80]  }
0xab: {  	v23 =	vld [tilespmem:s0+$0x880]  }
0xac: {  	v25 =	vld [tilespmem:s0+$0x100]  }
0xad: {  	v11 =	vor.u32 v11, v17;
	v61 =	vshrl.u32 v18, $0x10;
	v13 =	vadd.s32 $0x8000, v13;
	s13 =	sadd.s32 $0x7, s2;
	v63 =	vld [tilespmem:s0+$0x900]  }
0xae: {  	v20 =	vor.u32 s2, v0;
	s6 =	sadd.s32 $0x1, s2;
	v31 =	vld [tilespmem:s0+$0x180];
	s7 =	sadd.s32 $0x2, s2;
	v14 =	vadd.s32 $0x8000, v14;
	v22 =	vor.u32 s13, v0  }
0xaf: {  	v34 =	vld [tilespmem:s0+$0x980];
	s8 =	sadd.s32 $0x3, s2;
	s11 =	sadd.s32 $0x5, s2;
	v13 =	vand.u32 $0xFFFF0000, v13;
	v24 =	vor.u32 s6, v0;
	v36 =	vor.u32 s7, v0  }
0xb0: {  	v27 =	vld [tilespmem:s0+$0x200];
	v41 =	vor.u32 s8, v0;
	v29 =	vor.u32 s13, v1;
	v49 =	vor.u32 s11, v0  }
0xb1: {  	v43 =	vld [tilespmem:s0+$0xA00];
	v14 =	vshrl.u32 v14, $0x10;
	v15 =	vadd.s32 $0x8000, v15;
	v26 =	vadd.s32 $0x8000, v12  }
0xb2: {  	v28 =	vld [tilespmem:s0+$0x280];
	v12 =	vor.u32 v61, v13;
	v15 =	vand.u32 $0xFFFF0000, v15;
	v16 =	vadd.s32 $0x8000, v16  }
0xb3: {  	v30 =	vshrl.u32 v26, $0x10;
	v13 =	vor.u32 v14, v15;
	v16 =	vand.u32 $0xFFFF0000, v16  }
0xb4: {  	v19 =	vadd.s32 $0x8000, v19;
	v33 =	vadd.s32 $0x8000, v62;
	v35 =	vadd.s32 $0x8000, v21  }
0xb5: {  	v39 =	vadd.s32 $0x8000, v23;
	v40 =	vadd.s32 $0x8000, v25;
	v17 =	vadd.s32 $0x8000, v63  }
0xb6: {  	v44 =	vld [tilespmem:s0+$0x300];
	v26 =	vadd.s32 $0x8000, v31;
	v18 =	vadd.s32 $0x8000, v34;
	v27 =	vadd.s32 $0x8000, v27  }
0xb7: {  	v46 =	vld [tilespmem:s0+$0xB00];
	v23 =	vadd.s32 $0x8000, v43;
	v53 =	vadd.s32 $0x8000, v28;
	v16 =	vor.u32 v30, v16  }
0xb8: {  	v31 =	vld [tilespmem:s0+$0xA80];
	v32 =	vshrl.u32 v19, $0x10;
	v15 =	vand.u32 $0xFFFF0000, v33;
	v38 =	vshrl.u32 v35, $0x10;
	[tilespmem:v22+s14+$0x0] =	vst.idx.msk $0xffff, v16  }
0xb9: {  	s10 =	sadd.s32 $0x4, s2;
	v42 =	vshrl.u32 v40, $0x10;
	v17 =	vand.u32 $0xFFFF0000, v17;
	v14 =	vor.u32 v32, v15;
	v37 =	vld [tilespmem:s0+$0x390]  }
0xba: {  	v30 =	vor.u32 s10, v0;
	v26 =	vshrl.u32 v26, $0x10;
	v16 =	vand.u32 $0xFFFF0000, v39;
	v22 =	vld [tilespmem:s0+$0xB90];
	[tilespmem:v20+s14+$0x0] =	vst.idx.msk $0xffff, v14  }
0xbb: {  	s12 =	sadd.s32 $0x6, s2;
	v45 =	vand.u32 $0xFFFF0000, v18;
	v50 =	vshrl.u32 v27, $0x10;
	v15 =	vor.u32 v38, v16;
	v32 =	vld [tilespmem:s0+$0x10]  }
0xbc: {  	v52 =	vand.u32 $0xFFFF0000, v23;
	v27 =	vor.u32 s12, v0;
	v56 =	vshrl.u32 v53, $0x10;
	v51 =	vld [tilespmem:s0+$0x810];
	[tilespmem:v24+s14+$0x0] =	vst.idx.msk $0xffff, v15  }
0xbd: {  	v18 =	vadd.s32 $0x8000, v46;
	v46 =	vor.u32 s8, v1;
	v16 =	vor.u32 v42, v17;
	v59 =	vld [tilespmem:s0+$0x90]  }
0xbe: {  	v35 =	vor.u32 s10, v2;
	v55 =	vor.u32 v50, v52;
	v18 =	vand.u32 $0xFFFF0000, v18;
	[tilespmem:v36+s14+$0x0] =	vst.idx.msk $0xffff, v16;
	v61 =	vld [tilespmem:s0+$0x890]  }
0xbf: {  	v52 =	vor.u32 s10, v1;
	v14 =	vor.u32 v26, v45;
	v17 =	vadd.s32 $0x8000, v44;
	v63 =	vld [tilespmem:s0+$0x110]  }
0xc0: {  	v42 =	vor.u32 s7, v1;
	v24 =	vor.u32 s2, v1;
	v17 =	vshrl.u32 v17, $0x10;
	[tilespmem:v41+s14+$0x0] =	vst.idx.msk $0xffff, v14;
	v39 =	vld [tilespmem:s0+$0x910]  }
0xc1: {  	v36 =	vor.u32 s13, v2;
	v57 =	vadd.s32 $0x8000, v31;
	v17 =	vor.u32 v17, v18;
	v40 =	vld [tilespmem:s0+$0x190]  }
0xc2: {  	v41 =	vld [tilespmem:s0+$0x990];
	v21 =	vadd.s32 $0x8000, v37;
	v22 =	vadd.s32 $0x8000, v22;
	v37 =	vor.u32 s6, v1  }
0xc3: {  	[tilespmem:v30+s14+$0x0] =	vst.idx.msk $0xffff, v55;
	v47 =	vshrl.u32 v21, $0x10;
	v48 =	vand.u32 $0xFFFF0000, v22;
	v21 =	vand.u32 $0xFFFF0000, v57  }
0xc4: {  	v43 =	vld [tilespmem:s0+$0x210];
	v62 =	vadd.s32 $0x8000, v32;
	v38 =	vadd.s32 $0x8000, v51;
	v20 =	vor.u32 v47, v48  }
0xc5: {  	[tilespmem:v27+s14+$0x0] =	vst.idx.msk $0xffff, v17;
	v45 =	vld [tilespmem:s0+$0xA10];
	v60 =	vor.u32 v56, v21;
	v14 =	vand.u32 $0xFFFF0000, v38;
	v19 =	vadd.s32 $0x8000, v61  }
0xc6: {  	v21 =	vadd.s32 $0x8000, v63;
	v18 =	vadd.s32 $0x8000, v39;
	[tilespmem:v29+s14+$0x0] =	vst.idx.msk $0xffff, v20;
	v29 =	vadd.s32 $0x8000, v59;
	v59 =	vld [tilespmem:s0+$0x310]  }
0xc7: {  	v51 =	vadd.s32 $0x8000, v40;
	v15 =	vadd.s32 $0x8000, v41;
	v20 =	vshrl.u32 v62, $0x10;
	v54 =	vld [tilespmem:s0+$0x3A0]  }
0xc8: {  	v19 =	vand.u32 $0xFFFF0000, v19;
	[tilespmem:v49+s14+$0x0] =	vst.idx.msk $0xffff, v60;
	v49 =	vshrl.u32 v21, $0x10;
	v18 =	vand.u32 $0xFFFF0000, v18;
	v58 =	vld [tilespmem:s0+$0xBA0]  }
0xc9: {  	v55 =	vshrl.u32 v51, $0x10;
	v15 =	vand.u32 $0xFFFF0000, v15;
	v14 =	vor.u32 v20, v14;
	v53 =	vld [tilespmem:s0+$0x290]  }
0xca: {  	v44 =	vshrl.u32 v29, $0x10;
	v56 =	vld [tilespmem:s0+$0xA90];
	v57 =	vadd.s32 $0x8000, v43;
	v60 =	vadd.s32 $0x8000, v45;
	[tilespmem:v24+s14+$0x0] =	vst.idx.msk $0xffff, v14  }
0xcb: {  	v15 =	vor.u32 v55, v15;
	v43 =	vor.u32 s2, v2;
	v55 =	vor.u32 s7, v2;
	v63 =	vld [tilespmem:s0+$0x20]  }
0xcc: {  	v48 =	vor.u32 v44, v19;
	v21 =	vshrl.u32 v57, $0x10;
	v14 =	vor.u32 s13, v3;
	[tilespmem:v46+s14+$0x0] =	vst.idx.msk $0xffff, v15;
	v38 =	vld [tilespmem:s0+$0x820]  }
0xcd: {  	[tilespmem:v37+s14+$0x0] =	vst.idx.msk $0xffff, v48;
	v51 =	vld [tilespmem:s0+$0x1A0];
	v28 =	vadd.s32 $0x8000, v54;
	v23 =	vadd.s32 $0x8000, v58;
	v54 =	vor.u32 v49, v18  }
0xce: {  	v62 =	vand.u32 $0xFFFF0000, v60;
	v40 =	vld [tilespmem:s0+$0xA0];
	v28 =	vshrl.u32 v28, $0x10;
	v23 =	vand.u32 $0xFFFF0000, v23;
	[tilespmem:v42+s14+$0x0] =	vst.idx.msk $0xffff, v54  }
0xcf: {  	v24 =	vor.u32 s12, v1;
	v44 =	vadd.s32 $0x8000, v59;
	v23 =	vor.u32 v28, v23;
	v30 =	vld [tilespmem:s0+$0x120]  }
0xd0: {  	v58 =	vor.u32 s11, v1;
	v39 =	vadd.s32 $0x8000, v53;
	v19 =	vadd.s32 $0x8000, v56;
	v48 =	vld [tilespmem:s0+$0x920];
	[tilespmem:v36+s14+$0x0] =	vst.idx.msk $0xffff, v23  }
0xd1: {  	v46 =	vshrl.u32 v44, $0x10;
	v41 =	vshrl.u32 v39, $0x10;
	v19 =	vand.u32 $0xFFFF0000, v19;
	v47 =	vld [tilespmem:s0+$0x3B0]  }
0xd2: {  	v45 =	vor.u32 v41, v19;
	v49 =	vadd.s32 $0x8000, v63;
	v34 =	vadd.s32 $0x8000, v51;
	v50 =	vld [tilespmem:s0+$0xBB0]  }
0xd3: {  	v61 =	vld [tilespmem:s0+$0xB10];
	v41 =	vor.u32 s11, v2;
	v36 =	vor.u32 v21, v62;
	v21 =	vadd.s32 $0x8000, v38  }
0xd4: {  	v53 =	vld [tilespmem:s0+$0x9A0];
	v54 =	vadd.s32 $0x8000, v40;
	[tilespmem:v52+s14+$0x0] =	vst.idx.msk $0xffff, v36;
	v52 =	vshrl.u32 v49, $0x10;
	v21 =	vand.u32 $0xFFFF0000, v21  }
0xd5: {  	v42 =	vld [tilespmem:s0+$0x8A0];
	v38 =	vshrl.u32 v34, $0x10;
	v23 =	vor.u32 s2, v3;
	v57 =	vor.u32 v52, v21  }
0xd6: {  	v56 =	vld [tilespmem:s0+$0x220];
	[tilespmem:v58+s14+$0x0] =	vst.idx.msk $0xffff, v45;
	v58 =	vshrl.u32 v54, $0x10;
	v60 =	vadd.s32 $0x8000, v30;
	v32 =	vadd.s32 $0x8000, v48  }
0xd7: {  	v59 =	vld [tilespmem:s0+$0xA20];
	v48 =	vor.u32 s12, v2;
	v37 =	vadd.s32 $0x8000, v47;
	v20 =	vadd.s32 $0x8000, v50  }
0xd8: {  	v62 =	vld [tilespmem:s0+$0x2A0];
	v47 =	vadd.s32 $0x8000, v61;
	v50 =	vor.u32 s6, v2;
	v61 =	vor.u32 s8, v2  }
0xd9: {  	v33 =	vld [tilespmem:s0+$0xAA0];
	[tilespmem:v43+s14+$0x0] =	vst.idx.msk $0xffff, v57;
	v18 =	vshrl.u32 v37, $0x10;
	v20 =	vand.u32 $0xFFFF0000, v20;
	v19 =	vand.u32 $0xFFFF0000, v47  }
0xda: {  	v18 =	vor.u32 v18, v20;
	v17 =	vor.u32 v46, v19;
	v20 =	vadd.s32 $0x8000, v42;
	v42 =	vld [tilespmem:s0+$0x30]  }
0xdb: {  	v63 =	vshrl.u32 v60, $0x10;
	v40 =	vadd.s32 $0x8000, v56;
	v46 =	vld [tilespmem:s0+$0x830];
	v20 =	vand.u32 $0xFFFF0000, v20;
	[tilespmem:v24+s14+$0x0] =	vst.idx.msk $0xffff, v17  }
0xdc: {  	v45 =	vadd.s32 $0x8000, v59;
	v19 =	vadd.s32 $0x8000, v53;
	v16 =	vor.u32 v58, v20;
	v36 =	vld [tilespmem:s0+$0x320]  }
0xdd: {  	v44 =	vshrl.u32 v40, $0x10;
	v47 =	vadd.s32 $0x8000, v62;
	v19 =	vand.u32 $0xFFFF0000, v19;
	v39 =	vld [tilespmem:s0+$0xB20];
	[tilespmem:v50+s14+$0x0] =	vst.idx.msk $0xffff, v16  }
0xde: {  	v52 =	vadd.s32 $0x8000, v33;
	v20 =	vand.u32 $0xFFFF0000, v32;
	v43 =	vor.u32 v38, v19;
	v49 =	vld [tilespmem:s0+$0xB0]  }
0xdf: {  	v51 =	vshrl.u32 v47, $0x10;
	v19 =	vand.u32 $0xFFFF0000, v45;
	v37 =	vor.u32 v63, v20;
	[tilespmem:v61+s14+$0x0] =	vst.idx.msk $0xffff, v43;
	v53 =	vld [tilespmem:s0+$0x8B0]  }
0xe0: {  	v47 =	vor.u32 s10, v3;
	v50 =	vor.u32 v44, v19;
	v19 =	vand.u32 $0xFFFF0000, v52;
	[tilespmem:v55+s14+$0x0] =	vst.idx.msk $0xffff, v37;
	v62 =	vld [tilespmem:s0+$0x1B0]  }
0xe1: {  	v61 =	vor.u32 s6, v3;
	v56 =	vor.u32 v51, v19;
	[tilespmem:v35+s14+$0x0] =	vst.idx.msk $0xffff, v50;
	v33 =	vld [tilespmem:s0+$0x9B0];
	v35 =	vor.u32 s7, v3  }
0xe2: {  	v55 =	vld [tilespmem:s0+$0x130];
	v60 =	vadd.s32 $0x8000, v42;
	v21 =	vadd.s32 $0x8000, v46;
	v42 =	vor.u32 s8, v3  }
0xe3: {  	v59 =	vld [tilespmem:s0+$0x930];
	[tilespmem:v41+s14+$0x0] =	vst.idx.msk $0xffff, v56;
	v63 =	vshrl.u32 v60, $0x10;
	v54 =	vadd.s32 $0x8000, v36;
	v58 =	vadd.s32 $0x8000, v39  }
0xe4: {  	v21 =	vand.u32 $0xFFFF0000, v21;
	v43 =	vld [tilespmem:s0+$0x2B0];
	v57 =	vshrl.u32 v54, $0x10;
	v19 =	vand.u32 $0xFFFF0000, v58  }
0xe5: {  	v45 =	vld [tilespmem:s0+$0xAB0];
	v15 =	vor.u32 v63, v21;
	v58 =	vor.u32 s12, v3;
	v17 =	vor.u32 v57, v19  }
0xe6: {  	[tilespmem:v9+s14+$0x0] =	vst.idx.msk $0xffff, v11;
	v36 =	vld [tilespmem:s0+$0x230];
	v34 =	vadd.s32 $0x8000, v49;
	v38 =	vadd.s32 $0x8000, v53;
	v46 =	vadd.s32 $0x8000, v62  }
0xe7: {  	v39 =	vld [tilespmem:s0+$0xA30];
	v50 =	vadd.s32 $0x8000, v33;
	v53 =	vor.u32 s11, v3;
	v37 =	vshrl.u32 v34, $0x10;
	[tilespmem:v48+s14+$0x0] =	vst.idx.msk $0xffff, v17  }
0xe8: {  	[tilespmem:v8+s14+$0x0] =	vst.idx.msk $0xffff, v12;
	v40 =	vand.u32 $0xFFFF0000, v38;
	v41 =	vadd.s32 $0x8000, v55;
	v44 =	vadd.s32 $0x8000, v59;
	v48 =	vld [tilespmem:s0+$0x330]  }
0xe9: {  	[tilespmem:v10+s14+$0x0] =	vst.idx.msk $0xffff, v13;
	v49 =	vshrl.u32 v46, $0x10;
	v9 =	vor.u32 v37, v40;
	v11 =	vshrl.u32 v41, $0x10;
	v51 =	vld [tilespmem:s0+$0xB30]  }
0xea: {  	[tilespmem:v14+s14+$0x0] =	vst.idx.msk $0xffff, v18;
	v8 =	vand.u32 $0xFFFF0000, v44;
	v57 =	vadd.s32 $0x8000, v43;
	v60 =	vadd.s32 $0x8000, v45  }
0xeb: {  	[tilespmem:v23+s14+$0x0] =	vst.idx.msk $0xffff, v15;
	v8 =	vor.u32 v11, v8;
	v11 =	vand.u32 $0xFFFF0000, v50;
	v52 =	vadd.s32 $0x8000, v36  }
0xec: {  	v55 =	vadd.s32 $0x8000, v39;
	[tilespmem:v61+s14+$0x0] =	vst.idx.msk $0xffff, v9;
	v59 =	vshrl.u32 v57, $0x10;
	v61 =	vand.u32 $0xFFFF0000, v60  }
0xed: {  	v10 =	vor.u32 v49, v11;
	v54 =	vshrl.u32 v52, $0x10;
	v56 =	vand.u32 $0xFFFF0000, v55;
	[tilespmem:v35+s14+$0x0] =	vst.idx.msk $0xffff, v8  }
0xee: {  	v8 =	vor.u32 v54, v56;
	[tilespmem:v42+s14+$0x0] =	vst.idx.msk $0xffff, v10;
	v62 =	vadd.s32 $0x8000, v48;
	v12 =	vadd.s32 $0x8000, v51  }
0xef: {  	v9 =	vor.u32 v59, v61;
	[tilespmem:v47+s14+$0x0] =	vst.idx.msk $0xffff, v8;
	v8 =	vshrl.u32 v62, $0x10;
	v63 =	vand.u32 $0xFFFF0000, v12  }
0xf0: {  	[tilespmem:v53+s14+$0x0] =	vst.idx.msk $0xffff, v9;
	v8 =	vor.u32 v8, v63  }
0xf1: {  	[tilespmem:v58+s14+$0x0] =	vst.idx.msk $0xffff, v8  }
0xf2: {  	s30 =	simm.s32 $0x5;
	s29 =	rddreg [dreg:$0x4]  }
0xf3: {  	[hbm4b:s29+s3] =	stream.linear.scatter [tilespmem:s14], [sflag:$0x5], $0x800, $0x38;
	[tilespmem:$0xC800] =	vst v63  }
0xf4: {  	_ =	swait.ge [sflag:s30], $0x800  }
0xf5: {  	[sflag:s30] =	ssyncset.done $0x0  }
0xf6: {  	[sflag:s30] =	ssyncadd.s32 $0xFFFFF800  }
.LBB2_5:
0xf7: {  	s2 =	rddreg [dreg:$0x5]  }
0xf8: {  	[tilespmem:s31], [sflag:$0x1] =	stream.linear.gather [hbm4b:s2+s31], $0x400, $0x38;
	[tilespmem:$0xC800] =	vst v63  }
0xf9: {  	s0 =	rddreg [dreg:$0x7];
	s6 =	simm.s32 $0x800  }
0xfa: {  	[tilespmem:s6], [sflag:$0x1] =	stream.linear.gather [hbm4b:s0+s31], $0x400, $0x38;
	[tilespmem:$0xC800] =	vst v63  }
0xfb: {  	s15 =	simm.s32 $0x1000;
	s13 =	sadd.s32 $0x1E8500, s2  }
0xfc: {  	[tilespmem:s15], [sflag:$0x1] =	stream.linear.gather [hbm4b:s13+s31], $0x400, $0x38;
	[tilespmem:$0xC800] =	vst v63  }
0xfd: {  	s16 =	sadd.s32 $0x2DC780, s2  }
0xfe: {  	[tilespmem:s18], [sflag:$0x1] =	stream.linear.gather [hbm4b:s16+s31], $0x400, $0x38;
	[tilespmem:$0xC800] =	vst v63  }
0xff: {  	s17 =	sadd.s32 $0x3D0A00, s2  }
0x100: {  	[tilespmem:s19], [sflag:$0x1] =	stream.linear.gather [hbm4b:s17+s31], $0x400, $0x38;
	[tilespmem:$0xC800] =	vst v63  }
0x101: {  	s28 =	sadd.s32 $0x4C4C80, s2  }
0x102: {  	[tilespmem:s20], [sflag:$0x1] =	stream.linear.gather [hbm4b:s28+s31], $0x400, $0x38;
	[tilespmem:$0xC800] =	vst v63  }
.Ltmp4:
0x103: {  	_ = 	snop;
	(pc) =	sbr.rel .LBB2_6-.Ltmp4, $4  }
0x104: {  	s29 =	sadd.s32 $0x5B8F00, s2  }
0x105: {  	[tilespmem:s21], [sflag:$0x1] =	stream.linear.gather [hbm4b:s29+s31], $0x400, $0x38;
	[tilespmem:$0xC800] =	vst v63  }
0x106: {  	s30 =	sadd.s32 $0x6AD180, s2;
	s0 =	simm.s32 $0x0  }
0x107: {  	[tilespmem:s22], [sflag:$0x1] =	stream.linear.gather [hbm4b:s30+s31], $0x400, $0x38;
	[tilespmem:$0xC800] =	vst v63  }
.LBB2_12:
0x108: {  	s0 =	sadd.s32 $0x1, s0  }
0x109: {  	p1 =	sne.s32 s0, $0x7B  }
.Ltmp5:
0x10a: {  	_ = 	snop;
	(pc) =	sbr.rel @!p1 .LBB2_13-.Ltmp5, $1  }
0x10b: {  	_ =	sdelay $0x3  }
.LBB2_6:
0x10c: {  	s2 =	sshllo.u32 s0, $0x1  }
0x10d: {  	p1 =	sgt.u32 s2, $0xF4  }
0x10e: {  	s6 =	sshll.u32 @!p1 s2, $0x5  }
0x10f: {  	s6 =	sor.u32 @!p1 s5, s6  }
0x110: {  	s6 =	smin.u32 @!p1 s6, $0x1E83  }
0x111: {  	s6 =	sshll.u32 @!p1 s6, $0x7  }
0x112: {  	s7 =	simm.s32 @!p1 $0x0;
	s8 =	simm.s32 @!p1 $0x4000;
	s6 =	sadd.s32 @!p1 s1, s6  }
0x113: {  	[tilespmem:s8], [sflag:$0x2] =	stream.linear.gather @!p1 [hbm4b:s6+s7], $0x400, $0x38;
	[tilespmem:$0xC800] =	vst v63  }
0x114: {  	s10 =	simm.s32 @!p1 $0x4800;
	s8 =	sadd.s32 @!p1 $0xF4280, s6  }
0x115: {  	[tilespmem:s10], [sflag:$0x2] =	stream.linear.gather @!p1 [hbm4b:s8+s7], $0x400, $0x38;
	[tilespmem:$0xC800] =	vst v63  }
0x116: {  	s8 =	sadd.s32 @!p1 $0x1E8500, s6;
	s10 =	simm.s32 @!p1 $0x5000  }
0x117: {  	[tilespmem:s10], [sflag:$0x2] =	stream.linear.gather @!p1 [hbm4b:s8+s7], $0x400, $0x38;
	[tilespmem:$0xC800] =	vst v63  }
0x118: {  	s8 =	sadd.s32 @!p1 $0x2DC780, s6;
	s10 =	simm.s32 @!p1 $0x5800  }
0x119: {  	[tilespmem:s10], [sflag:$0x2] =	stream.linear.gather @!p1 [hbm4b:s8+s7], $0x400, $0x38;
	[tilespmem:$0xC800] =	vst v63  }
0x11a: {  	s8 =	sadd.s32 @!p1 $0x3D0A00, s6;
	s10 =	simm.s32 @!p1 $0x6000  }
0x11b: {  	[tilespmem:s10], [sflag:$0x2] =	stream.linear.gather @!p1 [hbm4b:s8+s7], $0x400, $0x38;
	[tilespmem:$0xC800] =	vst v63  }
0x11c: {  	s8 =	sadd.s32 @!p1 $0x4C4C80, s6;
	s10 =	simm.s32 @!p1 $0x6800  }
0x11d: {  	[tilespmem:s10], [sflag:$0x2] =	stream.linear.gather @!p1 [hbm4b:s8+s7], $0x400, $0x38;
	[tilespmem:$0xC800] =	vst v63  }
0x11e: {  	s8 =	sadd.s32 @!p1 $0x5B8F00, s6;
	s10 =	simm.s32 @!p1 $0x7000  }
0x11f: {  	[tilespmem:s10], [sflag:$0x2] =	stream.linear.gather @!p1 [hbm4b:s8+s7], $0x400, $0x38;
	[tilespmem:$0xC800] =	vst v63  }
0x120: {  	s6 =	sadd.s32 @!p1 $0x6AD180, s6;
	s8 =	simm.s32 @!p1 $0x7800  }
0x121: {  	[tilespmem:s8], [sflag:$0x2] =	stream.linear.gather @!p1 [hbm4b:s6+s7], $0x400, $0x38;
	[tilespmem:$0xC800] =	vst v63  }
0x122: {  	_ =	swait.ge [sflag:s23], $0x2000  }
0x123: {  	p2 =	seq.s32 s0, $0x0;
	[sflag:s23] =	ssyncset.done $0x0  }
0x124: {  	s6 =	simm.s32 @!p2 $0x3;
	[sflag:s23] =	ssyncadd.s32 $0xFFFFE000  }
0x125: {  	s29 =	simm.s32 $0x0;
	_ =	swait.ge @!p2 [sflag:s6], $0x1000  }
0x126: {  	s7 =	sand.u32 $0x3FFFF000, s29;
	[sflag:s6] =	ssyncset.done @!p2 $0x0  }
0x127: {  	s30 =	sadd.s32 $0x0, s7;
	[sflag:s6] =	ssyncadd.s32 @!p2 $0xFFFFF000  }
0x128: {  	v8 =	vld [tilespmem:s30+$0x380]  }
0x129: {  	v9 =	vld [tilespmem:s30+$0x1380]  }
0x12a: {  	v10 =	vld [tilespmem:s30+$0x0]  }
0x12b: {  	v11 =	vld [tilespmem:s30+$0x1000]  }
0x12c: {  	v12 =	vld [tilespmem:s30+$0x80]  }
0x12d: {  	s15 =	simm.s32 $0x7;
	v15 =	vld [tilespmem:s30+$0x1080]  }
0x12e: {  	v13 =	vor.u32 s15, v0;
	v17 =	vld [tilespmem:s30+$0x100]  }
0x12f: {  	v14 =	vor.u32 s31, v0;
	s10 =	simm.s32 $0x1;
	v18 =	vld [tilespmem:s30+$0x1100]  }
0x130: {  	v16 =	vor.u32 s10, v0;
	v19 =	vld [tilespmem:s30+$0x180];
	v8 =	vadd.s32 $0x8000, v8;
	v9 =	vadd.s32 $0x8000, v9  }
0x131: {  	v20 =	vld [tilespmem:s30+$0x1180];
	v10 =	vadd.s32 $0x8000, v10;
	v8 =	vshrl.u32 v8, $0x10;
	v9 =	vand.u32 $0xFFFF0000, v9  }
0x132: {  	s16 =	simm.s32 $0x2;
	v21 =	vld [tilespmem:s30+$0x1200];
	v11 =	vadd.s32 $0x8000, v11;
	v10 =	vshrl.u32 v10, $0x10;
	v8 =	vor.u32 v8, v9  }
0x133: {  	v23 =	vld [tilespmem:s30+$0x280];
	v9 =	vand.u32 $0xFFFF0000, v11;
	v11 =	vadd.s32 $0x8000, v12;
	v12 =	vor.u32 s16, v0;
	[tilespmem:v13+s24+$0x0] =	vst.idx.msk $0xffff, v8  }
0x134: {  	s11 =	simm.s32 $0x3;
	v8 =	vor.u32 v10, v9;
	v9 =	vshrl.u32 v11, $0x10;
	v10 =	vadd.s32 $0x8000, v15;
	v11 =	vld [tilespmem:s30+$0x390]  }
0x135: {  	v13 =	vadd.s32 $0x8000, v17;
	v15 =	vor.u32 s11, v0;
	v10 =	vand.u32 $0xFFFF0000, v10;
	v17 =	vld [tilespmem:s30+$0x1390]  }
0x136: {  	[tilespmem:v14+s24+$0x0] =	vst.idx.msk $0xffff, v8;
	v14 =	vld [tilespmem:s30+$0x1300];
	v9 =	vor.u32 v9, v10;
	v10 =	vshrl.u32 v13, $0x10;
	v13 =	vadd.s32 $0x8000, v18  }
0x137: {  	v19 =	vadd.s32 $0x8000, v19;
	v20 =	vadd.s32 $0x8000, v20;
	v18 =	vld [tilespmem:s30+$0x200];
	v13 =	vand.u32 $0xFFFF0000, v13  }
0x138: {  	s12 =	simm.s32 $0x4;
	v19 =	vshrl.u32 v19, $0x10;
	v10 =	vor.u32 v10, v13;
	v13 =	vand.u32 $0xFFFF0000, v20;
	v20 =	vld [tilespmem:s30+$0x1280]  }
0x139: {  	s17 =	simm.s32 $0x5;
	s13 =	simm.s32 $0x6;
	v22 =	vor.u32 s12, v0;
	v24 =	vor.u32 s15, v1;
	[tilespmem:v16+s24+$0x0] =	vst.idx.msk $0xffff, v9;
	v13 =	vor.u32 v19, v13;
	v19 =	vld [tilespmem:s30+$0x300]  }
0x13a: {  	v25 =	vor.u32 s17, v0;
	v26 =	vor.u32 s13, v0;
	v21 =	vadd.s32 $0x8000, v21;
	[tilespmem:v12+s24+$0x0] =	vst.idx.msk $0xffff, v10;
	v12 =	vld [tilespmem:s30+$0x1090]  }
0x13b: {  	v23 =	vadd.s32 $0x8000, v23;
	v11 =	vadd.s32 $0x8000, v11;
	v17 =	vadd.s32 $0x8000, v17;
	[tilespmem:v15+s24+$0x0] =	vst.idx.msk $0xffff, v13;
	v15 =	vld [tilespmem:s30+$0x1110]  }
0x13c: {  	v8 =	vadd.s32 $0x8000, v18;
	v11 =	vshrl.u32 v11, $0x10;
	v17 =	vand.u32 $0xFFFF0000, v17;
	v18 =	vld [tilespmem:s30+$0x10]  }
0x13d: {  	v21 =	vand.u32 $0xFFFF0000, v21;
	v9 =	vor.u32 s31, v1;
	v11 =	vor.u32 v11, v17;
	v17 =	vld [tilespmem:s30+$0x1010]  }
0x13e: {  	v14 =	vadd.s32 $0x8000, v14;
	v8 =	vshrl.u32 v8, $0x10;
	[tilespmem:v24+s24+$0x0] =	vst.idx.msk $0xffff, v11;
	v11 =	vshrl.u32 v23, $0x10;
	v23 =	vld [tilespmem:s30+$0x90]  }
0x13f: {  	v14 =	vand.u32 $0xFFFF0000, v14;
	v8 =	vor.u32 v8, v21;
	v20 =	vadd.s32 $0x8000, v20;
	v21 =	vld [tilespmem:s30+$0x3A0]  }
0x140: {  	v16 =	vand.u32 $0xFFFF0000, v20;
	v19 =	vadd.s32 $0x8000, v19;
	v20 =	vld [tilespmem:s30+$0x13A0];
	v12 =	vadd.s32 $0x8000, v12  }
0x141: {  	[tilespmem:v22+s24+$0x0] =	vst.idx.msk $0xffff, v8;
	v22 =	vld [tilespmem:s30+$0x1190];
	v11 =	vor.u32 v11, v16;
	v16 =	vshrl.u32 v19, $0x10;
	v10 =	vadd.s32 $0x8000, v18  }
0x142: {  	v19 =	vld [tilespmem:s30+$0x110];
	v18 =	vor.u32 s10, v1;
	v14 =	vor.u32 v16, v14;
	v17 =	vadd.s32 $0x8000, v17  }
0x143: {  	v29 =	vld [tilespmem:s30+$0x1210];
	v16 =	vor.u32 s15, v2;
	v10 =	vshrl.u32 v10, $0x10;
	v13 =	vand.u32 $0xFFFF0000, v17  }
0x144: {  	v12 =	vand.u32 $0xFFFF0000, v12;
	v8 =	vadd.s32 $0x8000, v23;
	v23 =	vld [tilespmem:s30+$0x210];
	v10 =	vor.u32 v10, v13  }
0x145: {  	v13 =	vld [tilespmem:s30+$0x190];
	v21 =	vadd.s32 $0x8000, v21;
	v20 =	vadd.s32 $0x8000, v20;
	v8 =	vshrl.u32 v8, $0x10;
	[tilespmem:v9+s24+$0x0] =	vst.idx.msk $0xffff, v10  }
0x146: {  	[tilespmem:v25+s24+$0x0] =	vst.idx.msk $0xffff, v11;
	v21 =	vshrl.u32 v21, $0x10;
	v20 =	vand.u32 $0xFFFF0000, v20;
	v8 =	vor.u32 v8, v12;
	v32 =	vld [tilespmem:s30+$0x20]  }
0x147: {  	v31 =	vor.u32 s15, v3;
	v15 =	vadd.s32 $0x8000, v15;
	v20 =	vor.u32 v21, v20;
	[tilespmem:v18+s24+$0x0] =	vst.idx.msk $0xffff, v8;
	v8 =	vld [tilespmem:s30+$0x1020]  }
0x148: {  	v11 =	vand.u32 $0xFFFF0000, v15;
	v17 =	vor.u32 s16, v1;
	v19 =	vadd.s32 $0x8000, v19;
	[tilespmem:v16+s24+$0x0] =	vst.idx.msk $0xffff, v20;
	v20 =	vld [tilespmem:s30+$0x290]  }
0x149: {  	v15 =	vor.u32 s12, v1;
	v24 =	vadd.s32 $0x8000, v29;
	v12 =	vshrl.u32 v19, $0x10;
	v16 =	vld [tilespmem:s30+$0x3B0]  }
0x14a: {  	v21 =	vor.u32 s11, v1;
	v10 =	vand.u32 $0xFFFF0000, v24;
	v11 =	vor.u32 v12, v11;
	v19 =	vld [tilespmem:s30+$0x13B0]  }
0x14b: {  	[tilespmem:v26+s24+$0x0] =	vst.idx.msk $0xffff, v14;
	v14 =	vadd.s32 $0x8000, v23;
	v23 =	vor.u32 s17, v1;
	v13 =	vadd.s32 $0x8000, v13  }
0x14c: {  	v14 =	vshrl.u32 v14, $0x10;
	v12 =	vshrl.u32 v13, $0x10;
	v13 =	vadd.s32 $0x8000, v22;
	v22 =	vld [tilespmem:s30+$0x1290]  }
0x14d: {  	v30 =	vld [tilespmem:s30+$0x310];
	[tilespmem:v17+s24+$0x0] =	vst.idx.msk $0xffff, v11;
	v10 =	vor.u32 v14, v10;
	v13 =	vand.u32 $0xFFFF0000, v13;
	v11 =	vadd.s32 $0x8000, v32  }
0x14e: {  	v34 =	vld [tilespmem:s30+$0x120];
	v8 =	vadd.s32 $0x8000, v8;
	v9 =	vor.u32 v12, v13;
	v18 =	vadd.s32 $0x8000, v20  }
0x14f: {  	v12 =	vld [tilespmem:s30+$0x1310];
	v11 =	vshrl.u32 v11, $0x10;
	v14 =	vadd.s32 $0x8000, v16;
	v16 =	vadd.s32 $0x8000, v19  }
0x150: {  	v8 =	vand.u32 $0xFFFF0000, v8;
	v19 =	vld [tilespmem:s30+$0xA0];
	[tilespmem:v21+s24+$0x0] =	vst.idx.msk $0xffff, v9;
	v14 =	vshrl.u32 v14, $0x10;
	v16 =	vand.u32 $0xFFFF0000, v16  }
0x151: {  	v8 =	vor.u32 v11, v8;
	v11 =	vld [tilespmem:s30+$0x11A0];
	v20 =	vadd.s32 $0x8000, v22;
	v14 =	vor.u32 v14, v16  }
0x152: {  	v18 =	vshrl.u32 v18, $0x10;
	v22 =	vld [tilespmem:s30+$0x10A0];
	v20 =	vand.u32 $0xFFFF0000, v20;
	[tilespmem:v31+s24+$0x0] =	vst.idx.msk $0xffff, v14  }
0x153: {  	v14 =	vor.u32 v18, v20;
	v20 =	vld [tilespmem:s30+$0x3C0]  }
0x154: {  	v25 =	vadd.s32 $0x8000, v30;
	[tilespmem:v15+s24+$0x0] =	vst.idx.msk $0xffff, v10;
	v16 =	vor.u32 s31, v2;
	v12 =	vadd.s32 $0x8000, v12;
	v33 =	vld [tilespmem:s30+$0x13C0]  }
0x155: {  	v35 =	vor.u32 s15, v4;
	v18 =	vshrl.u32 v25, $0x10;
	v12 =	vand.u32 $0xFFFF0000, v12;
	[tilespmem:v23+s24+$0x0] =	vst.idx.msk $0xffff, v14;
	v23 =	vld [tilespmem:s30+$0x1220]  }
0x156: {  	v39 =	vor.u32 s15, v5;
	v17 =	vor.u32 s10, v2;
	v12 =	vor.u32 v18, v12;
	v18 =	vld [tilespmem:s30+$0x1120]  }
0x157: {  	v43 =	vor.u32 s15, v6;
	v44 =	vor.u32 s17, v3;
	v9 =	vadd.s32 $0x8000, v19;
	v36 =	vld [tilespmem:s30+$0x2A0]  }
0x158: {  	v13 =	vor.u32 s13, v1;
	v9 =	vshrl.u32 v9, $0x10;
	v37 =	vld [tilespmem:s30+$0x12A0];
	v21 =	vadd.s32 $0x8000, v22  }
0x159: {  	v22 =	vld [tilespmem:s30+$0x1A0];
	[tilespmem:v16+s24+$0x0] =	vst.idx.msk $0xffff, v8;
	v10 =	vand.u32 $0xFFFF0000, v21;
	v20 =	vadd.s32 $0x8000, v20;
	v21 =	vadd.s32 $0x8000, v33  }
0x15a: {  	v38 =	vld [tilespmem:s30+$0x30];
	v9 =	vor.u32 v9, v10;
	v20 =	vshrl.u32 v20, $0x10;
	v21 =	vand.u32 $0xFFFF0000, v21  }
0x15b: {  	v15 =	vor.u32 s11, v2;
	v14 =	vadd.s32 $0x8000, v34;
	v10 =	vld [tilespmem:s30+$0x220];
	[tilespmem:v17+s24+$0x0] =	vst.idx.msk $0xffff, v9;
	v20 =	vor.u32 v20, v21  }
0x15c: {  	v19 =	vor.u32 s16, v2;
	v14 =	vshrl.u32 v14, $0x10;
	v11 =	vadd.s32 $0x8000, v11;
	v9 =	vld [tilespmem:s30+$0x1030];
	[tilespmem:v35+s24+$0x0] =	vst.idx.msk $0xffff, v20  }
0x15d: {  	[tilespmem:v13+s24+$0x0] =	vst.idx.msk $0xffff, v12;
	v11 =	vand.u32 $0xFFFF0000, v11;
	v12 =	vor.u32 s17, v2;
	v18 =	vadd.s32 $0x8000, v18;
	v20 =	vld [tilespmem:s30+$0x3D0]  }
0x15e: {  	v25 =	vadd.s32 $0x8000, v37;
	v18 =	vand.u32 $0xFFFF0000, v18;
	v21 =	vadd.s32 $0x8000, v22;
	v13 =	vld [tilespmem:s30+$0x13D0]  }
0x15f: {  	v22 =	vor.u32 s12, v2;
	v14 =	vor.u32 v14, v18;
	v18 =	vshrl.u32 v21, $0x10;
	v21 =	vld [tilespmem:s30+$0x320]  }
0x160: {  	v10 =	vadd.s32 $0x8000, v10;
	v11 =	vor.u32 v18, v11;
	v18 =	vadd.s32 $0x8000, v23;
	v23 =	vld [tilespmem:s30+$0x1320]  }
0x161: {  	v40 =	vld [tilespmem:s30+$0xB0];
	v10 =	vshrl.u32 v10, $0x10;
	v16 =	vand.u32 $0xFFFF0000, v18;
	v18 =	vadd.s32 $0x8000, v36  }
0x162: {  	[tilespmem:v19+s24+$0x0] =	vst.idx.msk $0xffff, v14;
	v14 =	vld [tilespmem:s30+$0x10B0];
	v18 =	vshrl.u32 v18, $0x10;
	v10 =	vor.u32 v10, v16;
	v16 =	vand.u32 $0xFFFF0000, v25  }
0x163: {  	v41 =	vld [tilespmem:s30+$0x1130];
	v16 =	vor.u32 v18, v16;
	v18 =	vadd.s32 $0x8000, v20;
	v13 =	vadd.s32 $0x8000, v13  }
0x164: {  	v17 =	vor.u32 s13, v2;
	[tilespmem:v22+s24+$0x0] =	vst.idx.msk $0xffff, v10;
	v20 =	vld [tilespmem:s30+$0x130];
	v18 =	vshrl.u32 v18, $0x10;
	v13 =	vand.u32 $0xFFFF0000, v13  }
0x165: {  	v19 =	vadd.s32 $0x8000, v21;
	v42 =	vld [tilespmem:s30+$0x230];
	[tilespmem:v12+s24+$0x0] =	vst.idx.msk $0xffff, v16;
	v21 =	vadd.s32 $0x8000, v23;
	v13 =	vor.u32 v18, v13  }
0x166: {  	v12 =	vld [tilespmem:s30+$0x1230];
	v19 =	vshrl.u32 v19, $0x10;
	v18 =	vadd.s32 $0x8000, v38;
	v21 =	vand.u32 $0xFFFF0000, v21;
	[tilespmem:v39+s24+$0x0] =	vst.idx.msk $0xffff, v13  }
0x167: {  	v9 =	vadd.s32 $0x8000, v9;
	v13 =	vshrl.u32 v18, $0x10;
	v18 =	vor.u32 v19, v21;
	v19 =	vld [tilespmem:s30+$0x3E0]  }
0x168: {  	v8 =	vor.u32 s31, v3;
	[tilespmem:v15+s24+$0x0] =	vst.idx.msk $0xffff, v11;
	v15 =	vor.u32 s16, v3;
	v9 =	vand.u32 $0xFFFF0000, v9;
	v21 =	vld [tilespmem:s30+$0x13E0]  }
0x169: {  	v23 =	vor.u32 s10, v3;
	v9 =	vor.u32 v13, v9;
	v13 =	vadd.s32 $0x8000, v14;
	v14 =	vld [tilespmem:s30+$0x1B0]  }
0x16a: {  	v11 =	vadd.s32 $0x8000, v40;
	v10 =	vand.u32 $0xFFFF0000, v13;
	v13 =	vadd.s32 $0x8000, v20;
	v20 =	vld [tilespmem:s30+$0x11B0]  }
0x16b: {  	v11 =	vshrl.u32 v11, $0x10;
	v22 =	vor.u32 s11, v3;
	v24 =	vadd.s32 $0x8000, v41;
	[tilespmem:v17+s24+$0x0] =	vst.idx.msk $0xffff, v18;
	v17 =	vld [tilespmem:s30+$0x12B0]  }
0x16c: {  	v45 =	vld [tilespmem:s30+$0x1330];
	v13 =	vshrl.u32 v13, $0x10;
	v10 =	vor.u32 v11, v10;
	v11 =	vand.u32 $0xFFFF0000, v24  }
0x16d: {  	v16 =	vor.u32 s12, v3;
	v12 =	vadd.s32 $0x8000, v12;
	[tilespmem:v8+s24+$0x0] =	vst.idx.msk $0xffff, v9;
	v11 =	vor.u32 v13, v11;
	v13 =	vld [tilespmem:s30+$0x2B0]  }
0x16e: {  	[tilespmem:v23+s24+$0x0] =	vst.idx.msk $0xffff, v10;
	v10 =	vld [tilespmem:s30+$0x1040];
	v19 =	vadd.s32 $0x8000, v19;
	v21 =	vadd.s32 $0x8000, v21;
	v14 =	vadd.s32 $0x8000, v14  }
0x16f: {  	[tilespmem:v15+s24+$0x0] =	vst.idx.msk $0xffff, v11;
	v11 =	vld [tilespmem:s30+$0x10C0];
	v18 =	vshrl.u32 v19, $0x10;
	v19 =	vand.u32 $0xFFFF0000, v21;
	v20 =	vadd.s32 $0x8000, v20  }
0x170: {  	v21 =	vld [tilespmem:s30+$0x330];
	v18 =	vor.u32 v18, v19;
	v19 =	vand.u32 $0xFFFF0000, v20;
	v20 =	vadd.s32 $0x8000, v42  }
0x171: {  	v8 =	vand.u32 $0xFFFF0000, v12;
	v14 =	vshrl.u32 v14, $0x10;
	[tilespmem:v43+s24+$0x0] =	vst.idx.msk $0xffff, v18;
	v18 =	vshrl.u32 v20, $0x10;
	v20 =	vld [tilespmem:s30+$0x40]  }
0x172: {  	v12 =	vor.u32 s13, v3;
	v15 =	vor.u32 s10, v4;
	v14 =	vor.u32 v14, v19;
	v19 =	vld [tilespmem:s30+$0x3F0]  }
0x173: {  	v25 =	vadd.s32 $0x8000, v45;
	v9 =	vadd.s32 $0x8000, v13;
	v13 =	vld [tilespmem:s30+$0x13F0];
	v8 =	vor.u32 v18, v8  }
0x174: {  	v18 =	vshrl.u32 v9, $0x10;
	v9 =	vadd.s32 $0x8000, v17;
	v17 =	vor.u32 s31, v4  }
0x175: {  	v47 =	vld [tilespmem:s30+$0x140];
	[tilespmem:v22+s24+$0x0] =	vst.idx.msk $0xffff, v14;
	v22 =	vadd.s32 $0x8000, v10;
	v11 =	vadd.s32 $0x8000, v11;
	v23 =	vand.u32 $0xFFFF0000, v9  }
0x176: {  	[tilespmem:v16+s24+$0x0] =	vst.idx.msk $0xffff, v8;
	v8 =	vand.u32 $0xFFFF0000, v22;
	v16 =	vor.u32 s16, v4;
	v9 =	vadd.s32 $0x8000, v21;
	v21 =	vld [tilespmem:s30+$0xC0]  }
0x177: {  	v48 =	vld [tilespmem:s30+$0x1C0];
	v11 =	vand.u32 $0xFFFF0000, v11;
	v18 =	vor.u32 v18, v23;
	v23 =	vand.u32 $0xFFFF0000, v25  }
0x178: {  	v14 =	vadd.s32 $0x8000, v20;
	v20 =	vld [tilespmem:s30+$0x1140];
	v19 =	vadd.s32 $0x8000, v19;
	v13 =	vadd.s32 $0x8000, v13  }
0x179: {  	v22 =	vld [tilespmem:s30+$0x1240];
	v14 =	vshrl.u32 v14, $0x10;
	v19 =	vshrl.u32 v19, $0x10;
	v13 =	vand.u32 $0xFFFF0000, v13  }
0x17a: {  	v46 =	vshrl.u32 v9, $0x10;
	[tilespmem:v44+s24+$0x0] =	vst.idx.msk $0xffff, v18;
	v8 =	vor.u32 v14, v8;
	v10 =	vor.u32 v19, v13;
	v19 =	vld [tilespmem:s30+$0x11C0]  }
0x17b: {  	v9 =	vor.u32 s15, v7;
	v23 =	vor.u32 v46, v23;
	v14 =	vld [tilespmem:s30+$0x240];
	v13 =	vadd.s32 $0x8000, v21;
	[tilespmem:v17+s24+$0x0] =	vst.idx.msk $0xffff, v8  }
0x17c: {  	v18 =	vadd.s32 $0x8000, v47;
	[tilespmem:v12+s24+$0x0] =	vst.idx.msk $0xffff, v23;
	v23 =	vor.u32 s12, v4;
	v13 =	vshrl.u32 v13, $0x10;
	v49 =	vld [tilespmem:s30+$0x50]  }
0x17d: {  	v11 =	vor.u32 v13, v11;
	v13 =	vshrl.u32 v18, $0x10;
	v18 =	vadd.s32 $0x8000, v20;
	v20 =	vld [tilespmem:s30+$0x2C0]  }
0x17e: {  	v21 =	vor.u32 s11, v4;
	v12 =	vand.u32 $0xFFFF0000, v18;
	v18 =	vadd.s32 $0x8000, v48;
	[tilespmem:v15+s24+$0x0] =	vst.idx.msk $0xffff, v11;
	v11 =	vld [tilespmem:s30+$0x1050]  }
0x17f: {  	v24 =	vld [tilespmem:s30+$0x12C0];
	v12 =	vor.u32 v13, v12;
	v13 =	vshrl.u32 v18, $0x10;
	v18 =	vadd.s32 $0x8000, v19  }
0x180: {  	v17 =	vor.u32 s17, v4;
	v14 =	vadd.s32 $0x8000, v14;
	v19 =	vld [tilespmem:s30+$0x340];
	v8 =	vand.u32 $0xFFFF0000, v18  }
0x181: {  	[tilespmem:v16+s24+$0x0] =	vst.idx.msk $0xffff, v12;
	v12 =	vor.u32 s31, v5;
	v18 =	vld [tilespmem:s30+$0x1340];
	v8 =	vor.u32 v13, v8;
	v13 =	vshrl.u32 v14, $0x10  }
0x182: {  	v50 =	vld [tilespmem:s30+$0x150];
	v14 =	vadd.s32 $0x8000, v22;
	v15 =	vadd.s32 $0x8000, v20;
	v20 =	vor.u32 s13, v4  }
0x183: {  	v22 =	vld [tilespmem:s30+$0xD0];
	v14 =	vand.u32 $0xFFFF0000, v14;
	[tilespmem:v21+s24+$0x0] =	vst.idx.msk $0xffff, v8;
	v8 =	vadd.s32 $0x8000, v49;
	v11 =	vadd.s32 $0x8000, v11  }
0x184: {  	v16 =	vld [tilespmem:s30+$0x10D0];
	v13 =	vor.u32 v13, v14;
	v14 =	vshrl.u32 v15, $0x10;
	v15 =	vadd.s32 $0x8000, v24  }
0x185: {  	v21 =	vld [tilespmem:s30+$0x1150];
	v8 =	vshrl.u32 v8, $0x10;
	v11 =	vand.u32 $0xFFFF0000, v11;
	v15 =	vand.u32 $0xFFFF0000, v15  }
0x186: {  	v51 =	vld [tilespmem:s30+$0x1D0];
	v19 =	vadd.s32 $0x8000, v19;
	[tilespmem:v23+s24+$0x0] =	vst.idx.msk $0xffff, v13;
	v8 =	vor.u32 v8, v11;
	v14 =	vor.u32 v14, v15  }
0x187: {  	v15 =	vshrl.u32 v19, $0x10;
	v18 =	vadd.s32 $0x8000, v18;
	v19 =	vor.u32 s10, v5;
	v23 =	vld [tilespmem:s30+$0x1250]  }
0x188: {  	v18 =	vand.u32 $0xFFFF0000, v18;
	v13 =	vadd.s32 $0x8000, v22;
	v22 =	vld [tilespmem:s30+$0x11D0];
	[tilespmem:v17+s24+$0x0] =	vst.idx.msk $0xffff, v14;
	v14 =	vadd.s32 $0x8000, v50  }
0x189: {  	[tilespmem:v12+s24+$0x0] =	vst.idx.msk $0xffff, v8;
	v17 =	vor.u32 s11, v5;
	v11 =	vshrl.u32 v13, $0x10;
	v13 =	vadd.s32 $0x8000, v16;
	v16 =	vld [tilespmem:s30+$0x250]  }
0x18a: {  	v53 =	vld [tilespmem:s30+$0x60];
	v15 =	vor.u32 v15, v18;
	v18 =	vor.u32 s16, v5;
	v13 =	vand.u32 $0xFFFF0000, v13  }
0x18b: {  	v11 =	vor.u32 v11, v13;
	v13 =	vshrl.u32 v14, $0x10;
	v14 =	vadd.s32 $0x8000, v21;
	v21 =	vld [tilespmem:s30+$0x2D0]  }
0x18c: {  	v52 =	vld [tilespmem:s30+$0x12D0];
	[tilespmem:v20+s24+$0x0] =	vst.idx.msk $0xffff, v15;
	v15 =	vadd.s32 $0x8000, v51;
	v20 =	vor.u32 s12, v5;
	v14 =	vand.u32 $0xFFFF0000, v14  }
0x18d: {  	[tilespmem:v19+s24+$0x0] =	vst.idx.msk $0xffff, v11;
	v11 =	vld [tilespmem:s30+$0x1060];
	v13 =	vor.u32 v13, v14;
	v14 =	vshrl.u32 v15, $0x10;
	v15 =	vadd.s32 $0x8000, v22  }
0x18e: {  	v22 =	vld [tilespmem:s30+$0x350];
	v8 =	vand.u32 $0xFFFF0000, v15;
	v12 =	vadd.s32 $0x8000, v16;
	v15 =	vor.u32 s17, v5  }
0x18f: {  	v16 =	vld [tilespmem:s30+$0x1350];
	[tilespmem:v18+s24+$0x0] =	vst.idx.msk $0xffff, v13;
	v13 =	vor.u32 s31, v6;
	v8 =	vor.u32 v14, v8;
	v14 =	vadd.s32 $0x8000, v23  }
0x190: {  	v12 =	vshrl.u32 v12, $0x10;
	v23 =	vld [tilespmem:s30+$0xE0];
	v14 =	vand.u32 $0xFFFF0000, v14;
	v19 =	vadd.s32 $0x8000, v21  }
0x191: {  	v54 =	vld [tilespmem:s30+$0x160];
	v21 =	vor.u32 s13, v5;
	[tilespmem:v17+s24+$0x0] =	vst.idx.msk $0xffff, v8;
	v8 =	vadd.s32 $0x8000, v53;
	v12 =	vor.u32 v12, v14  }
0x192: {  	v18 =	vld [tilespmem:s30+$0x10E0];
	v14 =	vshrl.u32 v19, $0x10;
	v19 =	vadd.s32 $0x8000, v52;
	v8 =	vshrl.u32 v8, $0x10  }
0x193: {  	v11 =	vadd.s32 $0x8000, v11;
	v55 =	vld [tilespmem:s30+$0x1E0];
	v19 =	vand.u32 $0xFFFF0000, v19;
	v22 =	vadd.s32 $0x8000, v22  }
0x194: {  	v11 =	vand.u32 $0xFFFF0000, v11;
	v14 =	vor.u32 v14, v19;
	v19 =	vshrl.u32 v22, $0x10;
	v22 =	vld [tilespmem:s30+$0x1160]  }
0x195: {  	v17 =	vor.u32 s10, v6;
	[tilespmem:v20+s24+$0x0] =	vst.idx.msk $0xffff, v12;
	v20 =	vld [tilespmem:s30+$0x11E0];
	v16 =	vadd.s32 $0x8000, v16;
	v8 =	vor.u32 v8, v11  }
0x196: {  	v16 =	vand.u32 $0xFFFF0000, v16;
	v12 =	vadd.s32 $0x8000, v23;
	[tilespmem:v15+s24+$0x0] =	vst.idx.msk $0xffff, v14;
	v14 =	vadd.s32 $0x8000, v54;
	v23 =	vld [tilespmem:s30+$0x1260]  }
0x197: {  	v15 =	vor.u32 s11, v6;
	v11 =	vshrl.u32 v12, $0x10;
	v12 =	vadd.s32 $0x8000, v18;
	v18 =	vld [tilespmem:s30+$0x260]  }
0x198: {  	v16 =	vor.u32 v19, v16;
	v19 =	vor.u32 s16, v6;
	v56 =	vld [tilespmem:s30+$0x12E0];
	v12 =	vand.u32 $0xFFFF0000, v12  }
0x199: {  	[tilespmem:v13+s24+$0x0] =	vst.idx.msk $0xffff, v8;
	v11 =	vor.u32 v11, v12;
	v12 =	vshrl.u32 v14, $0x10;
	v14 =	vadd.s32 $0x8000, v22;
	v22 =	vld [tilespmem:s30+$0x2E0]  }
0x19a: {  	v57 =	vld [tilespmem:s30+$0x70];
	[tilespmem:v21+s24+$0x0] =	vst.idx.msk $0xffff, v16;
	v16 =	vadd.s32 $0x8000, v55;
	v21 =	vor.u32 s12, v6;
	v14 =	vand.u32 $0xFFFF0000, v14  }
0x19b: {  	[tilespmem:v17+s24+$0x0] =	vst.idx.msk $0xffff, v11;
	v11 =	vld [tilespmem:s30+$0x1070];
	v12 =	vor.u32 v12, v14;
	v14 =	vshrl.u32 v16, $0x10;
	v16 =	vadd.s32 $0x8000, v20  }
0x19c: {  	v20 =	vld [tilespmem:s30+$0x360];
	v13 =	vadd.s32 $0x8000, v18;
	v8 =	vand.u32 $0xFFFF0000, v16;
	v16 =	vor.u32 s17, v6  }
0x19d: {  	v18 =	vld [tilespmem:s30+$0x1360];
	v13 =	vshrl.u32 v13, $0x10;
	v8 =	vor.u32 v14, v8;
	v14 =	vadd.s32 $0x8000, v23  }
0x19e: {  	[tilespmem:v19+s24+$0x0] =	vst.idx.msk $0xffff, v12;
	v12 =	vor.u32 s31, v7;
	v19 =	vld [tilespmem:s30+$0x10F0];
	v14 =	vand.u32 $0xFFFF0000, v14;
	v17 =	vadd.s32 $0x8000, v22  }
0x19f: {  	v23 =	vld [tilespmem:s30+$0xF0];
	v22 =	vor.u32 s13, v6;
	[tilespmem:v15+s24+$0x0] =	vst.idx.msk $0xffff, v8;
	v8 =	vadd.s32 $0x8000, v57;
	v15 =	vor.u32 s10, v7  }
0x1a0: {  	v58 =	vld [tilespmem:s30+$0x170];
	v13 =	vor.u32 v13, v14;
	v14 =	vshrl.u32 v17, $0x10;
	v17 =	vadd.s32 $0x8000, v56  }
0x1a1: {  	v11 =	vadd.s32 $0x8000, v11;
	v59 =	vld [tilespmem:s30+$0x1F0];
	v17 =	vand.u32 $0xFFFF0000, v17;
	v20 =	vadd.s32 $0x8000, v20  }
0x1a2: {  	v18 =	vadd.s32 $0x8000, v18;
	v14 =	vor.u32 v14, v17;
	v17 =	vshrl.u32 v20, $0x10;
	v20 =	vld [tilespmem:s30+$0x1170]  }
0x1a3: {  	v8 =	vshrl.u32 v8, $0x10;
	v11 =	vand.u32 $0xFFFF0000, v11;
	[tilespmem:v21+s24+$0x0] =	vst.idx.msk $0xffff, v13;
	v21 =	vld [tilespmem:s30+$0x11F0];
	v18 =	vand.u32 $0xFFFF0000, v18  }
0x1a4: {  	v17 =	vor.u32 v17, v18;
	v13 =	vadd.s32 $0x8000, v23;
	v18 =	vor.u32 s16, v7;
	[tilespmem:v16+s24+$0x0] =	vst.idx.msk $0xffff, v14;
	v16 =	vld [tilespmem:s30+$0x1270]  }
0x1a5: {  	v23 =	vor.u32 v8, v11;
	v11 =	vadd.s32 $0x8000, v19;
	v8 =	vshrl.u32 v13, $0x10;
	v13 =	vld [tilespmem:s30+$0x270]  }
0x1a6: {  	v14 =	vadd.s32 $0x8000, v58;
	v19 =	vor.u32 s11, v7;
	v11 =	vand.u32 $0xFFFF0000, v11  }
0x1a7: {  	[tilespmem:v22+s24+$0x0] =	vst.idx.msk $0xffff, v17;
	v22 =	vor.u32 s12, v7;
	v17 =	vld [tilespmem:s30+$0x12F0];
	v60 =	vor.u32 v8, v11;
	v11 =	vadd.s32 $0x8000, v20  }
0x1a8: {  	s29 =	simm.s32 $0x800;
	v8 =	vshrl.u32 v14, $0x10;
	v14 =	vadd.s32 $0x8000, v59;
	v62 =	vld [tilespmem:s30+$0x1370];
	v11 =	vand.u32 $0xFFFF0000, v11  }
0x1a9: {  	s7 =	sand.u32 $0x3FFFF000, s29;
	[tilespmem:v9+s24+$0x0] =	vst.idx.msk $0xffff, v10;
	v20 =	vld [tilespmem:s30+$0x2F0];
	v9 =	vadd.s32 $0x8000, v16;
	v61 =	vor.u32 v8, v11;
	v8 =	vadd.s32 $0x8000, v21  }
0x1aa: {  	s12 =	sadd.s32 $0x800, s7;
	v11 =	vshrl.u32 v14, $0x10;
	v21 =	vld [tilespmem:s30+$0x370];
	v13 =	vadd.s32 $0x8000, v13;
	v14 =	vand.u32 $0xFFFF0000, v8  }
0x1ab: {  	[tilespmem:v12+s24+$0x0] =	vst.idx.msk $0xffff, v23;
	v12 =	vand.u32 $0xFFFF0000, v9;
	v9 =	vor.u32 s13, v7;
	v10 =	vor.u32 v11, v14;
	v11 =	vld [tilespmem:s12+$0x380]  }
0x1ac: {  	s7 =	simm.s32 $0x8;
	[tilespmem:v15+s24+$0x0] =	vst.idx.msk $0xffff, v60;
	v17 =	vadd.s32 $0x8000, v17;
	v8 =	vor.u32 s17, v7;
	v13 =	vshrl.u32 v13, $0x10;
	v14 =	vld [tilespmem:s12+$0x1380]  }
0x1ad: {  	s15 =	simm.s32 $0xF;
	s10 =	simm.s32 $0x9;
	v16 =	vld [tilespmem:s12+$0x0];
	v63 =	vand.u32 $0xFFFF0000, v17;
	v12 =	vor.u32 v13, v12;
	v13 =	vor.u32 s7, v0;
	[tilespmem:v19+s24+$0x0] =	vst.idx.msk $0xffff, v10  }
0x1ae: {  	s11 =	sshll.u32 s0, $0x6;
	v15 =	vld [tilespmem:s12+$0x1000];
	v20 =	vadd.s32 $0x8000, v20;
	v19 =	vor.u32 s15, v0;
	[tilespmem:v22+s24+$0x0] =	vst.idx.msk $0xffff, v12;
	v12 =	vor.u32 s10, v0  }
0x1af: {  	s30 =	sor.u32 s5, s11;
	[tilespmem:v18+s24+$0x0] =	vst.idx.msk $0xffff, v61;
	v17 =	vld [tilespmem:s12+$0x80];
	v23 =	vshrl.u32 v20, $0x10;
	v18 =	vadd.s32 $0x8000, v21;
	v21 =	vadd.s32 $0x8000, v62  }
0x1b0: {  	s28 =	simm.s32 $0x10;
	s13 =	simm.s32 $0x800;
	s6 =	smin.u32 s30, $0x1E83;
	v10 =	vor.u32 v23, v63;
	v20 =	vshrl.u32 v18, $0x10;
	v18 =	vld [tilespmem:s12+$0x1080];
	v21 =	vand.u32 $0xFFFF0000, v21  }
.LBB2_7:
0x1b1: {  	p3 =	slt.u32 s28, $0x18;
	v22 =	vld [tilespmem:s12+$0x100];
	v11 =	vadd.s32 $0x8000, v11;
	v14 =	vadd.s32 $0x8000, v14;
	[tilespmem:v8+s24+$0x0] =	vst.idx.msk $0xffff, v10;
	v8 =	vor.u32 v20, v21  }
0x1b2: {  	v10 =	vadd.s32 $0x8000, v16;
	v16 =	vld [tilespmem:s12+$0x1100];
	v11 =	vshrl.u32 v11, $0x10;
	v14 =	vand.u32 $0xFFFF0000, v14;
	[tilespmem:v9+s24+$0x0] =	vst.idx.msk $0xffff, v8  }
0x1b3: {  	s29 =	sadd.s32 $0x2, s7;
	v8 =	vshrl.u32 v10, $0x10;
	v9 =	vadd.s32 $0x8000, v15;
	v10 =	vld [tilespmem:s12+$0x180];
	v11 =	vor.u32 v11, v14  }
0x1b4: {  	v15 =	vor.u32 s29, v0;
	v9 =	vand.u32 $0xFFFF0000, v9;
	v14 =	vadd.s32 $0x8000, v17;
	v17 =	vld [tilespmem:s12+$0x1180];
	[tilespmem:v19+s24+$0x0] =	vst.idx.msk $0xffff, v11  }
0x1b5: {  	s30 =	sadd.s32 $0x3, s7;
	v8 =	vor.u32 v8, v9;
	v9 =	vshrl.u32 v14, $0x10;
	v11 =	vadd.s32 $0x8000, v18;
	v14 =	vld [tilespmem:s12+$0x390]  }
0x1b6: {  	[tilespmem:v13+s24+$0x0] =	vst.idx.msk $0xffff, v8;
	v8 =	vand.u32 $0xFFFF0000, v11;
	v11 =	vadd.s32 $0x8000, v22;
	v13 =	vor.u32 s30, v0;
	v18 =	vld [tilespmem:s12+$0x1390]  }
0x1b7: {  	s16 =	sadd.s32 $0x4, s7;
	v8 =	vor.u32 v9, v8;
	v9 =	vshrl.u32 v11, $0x10;
	v11 =	vadd.s32 $0x8000, v16;
	v16 =	vld [tilespmem:s12+$0x200]  }
0x1b8: {  	[tilespmem:v12+s24+$0x0] =	vst.idx.msk $0xffff, v8;
	v8 =	vand.u32 $0xFFFF0000, v11;
	v10 =	vadd.s32 $0x8000, v10;
	v11 =	vld [tilespmem:s12+$0x1200];
	v12 =	vor.u32 s16, v0  }
0x1b9: {  	s8 =	sadd.s32 $0x5, s7;
	v20 =	vor.u32 s15, v1;
	v10 =	vshrl.u32 v10, $0x10;
	v17 =	vadd.s32 $0x8000, v17;
	v19 =	vld [tilespmem:s12+$0x280]  }
0x1ba: {  	v21 =	vor.u32 s8, v0;
	v8 =	vor.u32 v9, v8;
	v9 =	vand.u32 $0xFFFF0000, v17;
	v17 =	vld [tilespmem:s12+$0x1280]  }
0x1bb: {  	[tilespmem:v15+s24+$0x0] =	vst.idx.msk $0xffff, v8;
	v8 =	vor.u32 v10, v9;
	v9 =	vld [tilespmem:s12+$0x300];
	v10 =	vadd.s32 $0x8000, v14;
	v14 =	vadd.s32 $0x8000, v18  }
0x1bc: {  	[tilespmem:v13+s24+$0x0] =	vst.idx.msk $0xffff, v8;
	v8 =	vadd.s32 $0x8000, v16;
	v13 =	vld [tilespmem:s12+$0x1300];
	v10 =	vshrl.u32 v10, $0x10;
	v14 =	vand.u32 $0xFFFF0000, v14  }
0x1bd: {  	s17 =	sadd.s32 $0x6, s7;
	v15 =	vld [tilespmem:s12+$0x10];
	v8 =	vshrl.u32 v8, $0x10;
	v11 =	vadd.s32 $0x8000, v11;
	v10 =	vor.u32 v10, v14  }
0x1be: {  	v18 =	vor.u32 s17, v0;
	v14 =	vld [tilespmem:s12+$0x1010];
	v11 =	vand.u32 $0xFFFF0000, v11;
	v16 =	vadd.s32 $0x8000, v19;
	[tilespmem:v20+s24+$0x0] =	vst.idx.msk $0xffff, v10  }
0x1bf: {  	v8 =	vor.u32 v8, v11;
	v10 =	vshrl.u32 v16, $0x10;
	v11 =	vadd.s32 $0x8000, v17;
	v16 =	vld [tilespmem:s12+$0x3A0]  }
0x1c0: {  	v17 =	vor.u32 s7, v1;
	[tilespmem:v12+s24+$0x0] =	vst.idx.msk $0xffff, v8;
	v8 =	vand.u32 $0xFFFF0000, v11;
	v9 =	vadd.s32 $0x8000, v9;
	v11 =	vld [tilespmem:s12+$0x13A0]  }
0x1c1: {  	v12 =	vld [tilespmem:s12+$0x90];
	v8 =	vor.u32 v10, v8;
	v9 =	vshrl.u32 v9, $0x10;
	v10 =	vadd.s32 $0x8000, v13  }
0x1c2: {  	v19 =	vor.u32 s10, v1;
	v13 =	vadd.s32 $0x8000, v15;
	v15 =	vld [tilespmem:s12+$0x1090];
	[tilespmem:v21+s24+$0x0] =	vst.idx.msk $0xffff, v8;
	v8 =	vand.u32 $0xFFFF0000, v10  }
0x1c3: {  	v10 =	vadd.s32 $0x8000, v14;
	v14 =	vld [tilespmem:s12+$0x110];
	v8 =	vor.u32 v9, v8;
	v9 =	vor.u32 s15, v2  }
0x1c4: {  	v21 =	vor.u32 s29, v1;
	v13 =	vshrl.u32 v13, $0x10;
	v10 =	vand.u32 $0xFFFF0000, v10;
	v20 =	vld [tilespmem:s12+$0x1110];
	[tilespmem:v18+s24+$0x0] =	vst.idx.msk $0xffff, v8  }
0x1c5: {  	v8 =	vor.u32 v13, v10;
	v10 =	vld [tilespmem:s12+$0x190];
	v13 =	vadd.s32 $0x8000, v16;
	v11 =	vadd.s32 $0x8000, v11  }
0x1c6: {  	[tilespmem:v17+s24+$0x0] =	vst.idx.msk $0xffff, v8;
	v8 =	vadd.s32 $0x8000, v12;
	v12 =	vld [tilespmem:s12+$0x1190];
	v13 =	vshrl.u32 v13, $0x10;
	v11 =	vand.u32 $0xFFFF0000, v11  }
0x1c7: {  	v8 =	vshrl.u32 v8, $0x10;
	v15 =	vadd.s32 $0x8000, v15;
	v16 =	vld [tilespmem:s12+$0x210];
	v11 =	vor.u32 v13, v11  }
0x1c8: {  	v13 =	vand.u32 $0xFFFF0000, v15;
	v14 =	vadd.s32 $0x8000, v14;
	v15 =	vor.u32 s30, v1;
	v17 =	vld [tilespmem:s12+$0x1210];
	[tilespmem:v9+s24+$0x0] =	vst.idx.msk $0xffff, v11  }
0x1c9: {  	v8 =	vor.u32 v8, v13;
	v9 =	vshrl.u32 v14, $0x10;
	v11 =	vadd.s32 $0x8000, v20;
	v13 =	vld [tilespmem:s12+$0x3B0]  }
0x1ca: {  	[tilespmem:v19+s24+$0x0] =	vst.idx.msk $0xffff, v8;
	v8 =	vand.u32 $0xFFFF0000, v11;
	v10 =	vadd.s32 $0x8000, v10;
	v11 =	vor.u32 s16, v1;
	v14 =	vld [tilespmem:s12+$0x13B0]  }
0x1cb: {  	v8 =	vor.u32 v9, v8;
	v9 =	vshrl.u32 v10, $0x10;
	v10 =	vadd.s32 $0x8000, v12;
	v12 =	vld [tilespmem:s12+$0x290]  }
0x1cc: {  	v18 =	vor.u32 s8, v1;
	[tilespmem:v21+s24+$0x0] =	vst.idx.msk $0xffff, v8;
	v8 =	vand.u32 $0xFFFF0000, v10;
	v10 =	vadd.s32 $0x8000, v16;
	v16 =	vld [tilespmem:s12+$0x1290]  }
0x1cd: {  	v20 =	vor.u32 s15, v3;
	v10 =	vshrl.u32 v10, $0x10;
	v17 =	vadd.s32 $0x8000, v17;
	v19 =	vld [tilespmem:s12+$0x310]  }
0x1ce: {  	v21 =	vor.u32 s17, v1;
	v8 =	vor.u32 v9, v8;
	v9 =	vand.u32 $0xFFFF0000, v17;
	v17 =	vld [tilespmem:s12+$0x1310]  }
0x1cf: {  	v22 =	vld [tilespmem:s12+$0x20];
	[tilespmem:v15+s24+$0x0] =	vst.idx.msk $0xffff, v8;
	v8 =	vor.u32 v10, v9;
	v9 =	vadd.s32 $0x8000, v13;
	v10 =	vadd.s32 $0x8000, v14  }
0x1d0: {  	v13 =	vld [tilespmem:s12+$0x1020];
	[tilespmem:v11+s24+$0x0] =	vst.idx.msk $0xffff, v8;
	v8 =	vadd.s32 $0x8000, v12;
	v9 =	vshrl.u32 v9, $0x10;
	v10 =	vand.u32 $0xFFFF0000, v10  }
0x1d1: {  	v11 =	vld [tilespmem:s12+$0xA0];
	v8 =	vshrl.u32 v8, $0x10;
	v12 =	vadd.s32 $0x8000, v16;
	v9 =	vor.u32 v9, v10  }
0x1d2: {  	v10 =	vor.u32 s7, v2;
	v14 =	vld [tilespmem:s12+$0x10A0];
	v12 =	vand.u32 $0xFFFF0000, v12;
	v15 =	vadd.s32 $0x8000, v19;
	[tilespmem:v20+s24+$0x0] =	vst.idx.msk $0xffff, v9  }
0x1d3: {  	v8 =	vor.u32 v8, v12;
	v9 =	vshrl.u32 v15, $0x10;
	v12 =	vadd.s32 $0x8000, v17;
	v15 =	vld [tilespmem:s12+$0x3C0]  }
0x1d4: {  	v17 =	vor.u32 s10, v2;
	v16 =	vadd.s32 $0x8000, v22;
	[tilespmem:v18+s24+$0x0] =	vst.idx.msk $0xffff, v8;
	v8 =	vand.u32 $0xFFFF0000, v12;
	v12 =	vld [tilespmem:s12+$0x13C0]  }
0x1d5: {  	v16 =	vshrl.u32 v16, $0x10;
	v13 =	vadd.s32 $0x8000, v13;
	v18 =	vld [tilespmem:s12+$0x120];
	v8 =	vor.u32 v9, v8  }
0x1d6: {  	v19 =	vor.u32 s29, v2;
	v9 =	vand.u32 $0xFFFF0000, v13;
	v11 =	vadd.s32 $0x8000, v11;
	v13 =	vld [tilespmem:s12+$0x1120];
	[tilespmem:v21+s24+$0x0] =	vst.idx.msk $0xffff, v8  }
0x1d7: {  	v20 =	vor.u32 s15, v4;
	v8 =	vshrl.u32 v11, $0x10;
	v11 =	vadd.s32 $0x8000, v14;
	v14 =	vld [tilespmem:s12+$0x1A0]  }
0x1d8: {  	v21 =	vor.u32 s30, v2;
	v9 =	vor.u32 v16, v9;
	v11 =	vand.u32 $0xFFFF0000, v11;
	v16 =	vld [tilespmem:s12+$0x11A0]  }
0x1d9: {  	[tilespmem:v10+s24+$0x0] =	vst.idx.msk $0xffff, v9;
	v8 =	vor.u32 v8, v11;
	v9 =	vld [tilespmem:s12+$0x220];
	v10 =	vadd.s32 $0x8000, v15;
	v11 =	vadd.s32 $0x8000, v12  }
0x1da: {  	[tilespmem:v17+s24+$0x0] =	vst.idx.msk $0xffff, v8;
	v8 =	vadd.s32 $0x8000, v18;
	v12 =	vld [tilespmem:s12+$0x1220];
	v10 =	vshrl.u32 v10, $0x10;
	v11 =	vand.u32 $0xFFFF0000, v11  }
0x1db: {  	v8 =	vshrl.u32 v8, $0x10;
	v13 =	vadd.s32 $0x8000, v13;
	v15 =	vld [tilespmem:s12+$0x2A0];
	v10 =	vor.u32 v10, v11  }
0x1dc: {  	v11 =	vand.u32 $0xFFFF0000, v13;
	v13 =	vadd.s32 $0x8000, v14;
	v14 =	vor.u32 s16, v2;
	v17 =	vld [tilespmem:s12+$0x12A0];
	[tilespmem:v20+s24+$0x0] =	vst.idx.msk $0xffff, v10  }
0x1dd: {  	v8 =	vor.u32 v8, v11;
	v10 =	vshrl.u32 v13, $0x10;
	v11 =	vadd.s32 $0x8000, v16;
	v13 =	vld [tilespmem:s12+$0x3D0]  }
0x1de: {  	[tilespmem:v19+s24+$0x0] =	vst.idx.msk $0xffff, v8;
	v8 =	vand.u32 $0xFFFF0000, v11;
	v9 =	vadd.s32 $0x8000, v9;
	v11 =	vor.u32 s8, v2;
	v16 =	vld [tilespmem:s12+$0x13D0]  }
0x1df: {  	v8 =	vor.u32 v10, v8;
	v9 =	vshrl.u32 v9, $0x10;
	v10 =	vadd.s32 $0x8000, v12;
	v12 =	vld [tilespmem:s12+$0x320]  }
0x1e0: {  	v18 =	vor.u32 s7, v3;
	[tilespmem:v21+s24+$0x0] =	vst.idx.msk $0xffff, v8;
	v8 =	vand.u32 $0xFFFF0000, v10;
	v10 =	vadd.s32 $0x8000, v15;
	v15 =	vld [tilespmem:s12+$0x1320]  }
0x1e1: {  	v20 =	vor.u32 s15, v5;
	v19 =	vld [tilespmem:s12+$0x30];
	v10 =	vshrl.u32 v10, $0x10;
	v17 =	vadd.s32 $0x8000, v17  }
0x1e2: {  	v8 =	vor.u32 v9, v8;
	v21 =	vld [tilespmem:s12+$0x1030];
	v9 =	vand.u32 $0xFFFF0000, v17;
	v17 =	vor.u32 s17, v2  }
0x1e3: {  	v22 =	vld [tilespmem:s12+$0xB0];
	[tilespmem:v14+s24+$0x0] =	vst.idx.msk $0xffff, v8;
	v8 =	vor.u32 v10, v9;
	v9 =	vadd.s32 $0x8000, v13;
	v10 =	vadd.s32 $0x8000, v16  }
0x1e4: {  	v13 =	vld [tilespmem:s12+$0x10B0];
	[tilespmem:v11+s24+$0x0] =	vst.idx.msk $0xffff, v8;
	v8 =	vadd.s32 $0x8000, v12;
	v9 =	vshrl.u32 v9, $0x10;
	v10 =	vand.u32 $0xFFFF0000, v10  }
0x1e5: {  	v11 =	vld [tilespmem:s12+$0x130];
	v8 =	vshrl.u32 v8, $0x10;
	v12 =	vadd.s32 $0x8000, v15;
	v9 =	vor.u32 v9, v10  }
0x1e6: {  	v14 =	vor.u32 s10, v3;
	v10 =	vadd.s32 $0x8000, v19;
	v15 =	vld [tilespmem:s12+$0x1130];
	v12 =	vand.u32 $0xFFFF0000, v12;
	[tilespmem:v20+s24+$0x0] =	vst.idx.msk $0xffff, v9  }
0x1e7: {  	v9 =	vshrl.u32 v10, $0x10;
	v10 =	vadd.s32 $0x8000, v21;
	v8 =	vor.u32 v8, v12;
	v12 =	vld [tilespmem:s12+$0x3E0]  }
0x1e8: {  	v19 =	vor.u32 s29, v3;
	v10 =	vand.u32 $0xFFFF0000, v10;
	v16 =	vadd.s32 $0x8000, v22;
	[tilespmem:v17+s24+$0x0] =	vst.idx.msk $0xffff, v8;
	v8 =	vld [tilespmem:s12+$0x13E0]  }
0x1e9: {  	v9 =	vor.u32 v9, v10;
	v10 =	vshrl.u32 v16, $0x10;
	v13 =	vadd.s32 $0x8000, v13;
	v16 =	vld [tilespmem:s12+$0x1B0]  }
0x1ea: {  	v17 =	vor.u32 s30, v3;
	[tilespmem:v18+s24+$0x0] =	vst.idx.msk $0xffff, v9;
	v9 =	vand.u32 $0xFFFF0000, v13;
	v11 =	vadd.s32 $0x8000, v11;
	v13 =	vld [tilespmem:s12+$0x11B0]  }
0x1eb: {  	v20 =	vor.u32 s15, v6;
	v11 =	vshrl.u32 v11, $0x10;
	v15 =	vadd.s32 $0x8000, v15;
	v18 =	vld [tilespmem:s12+$0x230]  }
0x1ec: {  	v21 =	vor.u32 s16, v3;
	v9 =	vor.u32 v10, v9;
	v10 =	vand.u32 $0xFFFF0000, v15;
	v15 =	vld [tilespmem:s12+$0x1230]  }
0x1ed: {  	[tilespmem:v14+s24+$0x0] =	vst.idx.msk $0xffff, v9;
	v9 =	vor.u32 v11, v10;
	v10 =	vld [tilespmem:s12+$0x2B0];
	v11 =	vadd.s32 $0x8000, v12;
	v8 =	vadd.s32 $0x8000, v8  }
0x1ee: {  	[tilespmem:v19+s24+$0x0] =	vst.idx.msk $0xffff, v9;
	v9 =	vadd.s32 $0x8000, v16;
	v12 =	vld [tilespmem:s12+$0x12B0];
	v11 =	vshrl.u32 v11, $0x10;
	v8 =	vand.u32 $0xFFFF0000, v8  }
0x1ef: {  	v9 =	vshrl.u32 v9, $0x10;
	v13 =	vadd.s32 $0x8000, v13;
	v14 =	vld [tilespmem:s12+$0x330];
	v8 =	vor.u32 v11, v8  }
0x1f0: {  	v16 =	vor.u32 s8, v3;
	v11 =	vand.u32 $0xFFFF0000, v13;
	v13 =	vadd.s32 $0x8000, v18;
	v18 =	vld [tilespmem:s12+$0x1330];
	[tilespmem:v20+s24+$0x0] =	vst.idx.msk $0xffff, v8  }
0x1f1: {  	v8 =	vor.u32 v9, v11;
	v9 =	vshrl.u32 v13, $0x10;
	v11 =	vadd.s32 $0x8000, v15;
	v13 =	vld [tilespmem:s12+$0x3F0]  }
0x1f2: {  	[tilespmem:v17+s24+$0x0] =	vst.idx.msk $0xffff, v8;
	v8 =	vand.u32 $0xFFFF0000, v11;
	v10 =	vadd.s32 $0x8000, v10;
	v11 =	vor.u32 s17, v3;
	v15 =	vld [tilespmem:s12+$0x13F0]  }
0x1f3: {  	v17 =	vld [tilespmem:s12+$0x40];
	v8 =	vor.u32 v9, v8;
	v9 =	vshrl.u32 v10, $0x10;
	v10 =	vadd.s32 $0x8000, v12  }
0x1f4: {  	v19 =	vor.u32 s7, v4;
	v12 =	vld [tilespmem:s12+$0x1040];
	[tilespmem:v21+s24+$0x0] =	vst.idx.msk $0xffff, v8;
	v8 =	vand.u32 $0xFFFF0000, v10;
	v10 =	vadd.s32 $0x8000, v14  }
0x1f5: {  	v20 =	vor.u32 s15, v7;
	v14 =	vld [tilespmem:s12+$0xC0];
	v10 =	vshrl.u32 v10, $0x10;
	v18 =	vadd.s32 $0x8000, v18  }
0x1f6: {  	v22 =	vor.u32 s10, v4;
	v8 =	vor.u32 v9, v8;
	v21 =	vld [tilespmem:s12+$0x10C0];
	v9 =	vand.u32 $0xFFFF0000, v18  }
0x1f7: {  	v18 =	vld [tilespmem:s12+$0x140];
	[tilespmem:v16+s24+$0x0] =	vst.idx.msk $0xffff, v8;
	v8 =	vor.u32 v10, v9;
	v9 =	vadd.s32 $0x8000, v13;
	v10 =	vadd.s32 $0x8000, v15  }
0x1f8: {  	v13 =	vadd.s32 $0x8000, v17;
	v15 =	vld [tilespmem:s12+$0x1140];
	[tilespmem:v11+s24+$0x0] =	vst.idx.msk $0xffff, v8;
	v8 =	vshrl.u32 v9, $0x10;
	v9 =	vand.u32 $0xFFFF0000, v10  }
0x1f9: {  	v10 =	vshrl.u32 v13, $0x10;
	v11 =	vadd.s32 $0x8000, v12;
	v12 =	vld [tilespmem:s12+$0x1C0];
	v8 =	vor.u32 v8, v9  }
0x1fa: {  	v13 =	vor.u32 s29, v4;
	v9 =	vand.u32 $0xFFFF0000, v11;
	v11 =	vadd.s32 $0x8000, v14;
	v14 =	vld [tilespmem:s12+$0x11C0];
	[tilespmem:v20+s24+$0x0] =	vst.idx.msk $0xffff, v8  }
0x1fb: {  	v8 =	vor.u32 v10, v9;
	v9 =	vshrl.u32 v11, $0x10;
	v10 =	vadd.s32 $0x8000, v21;
	v11 =	vld [tilespmem:s12+$0x240]  }
0x1fc: {  	v16 =	vor.u32 s30, v4;
	[tilespmem:v19+s24+$0x0] =	vst.idx.msk $0xffff, v8;
	v8 =	vand.u32 $0xFFFF0000, v10;
	v10 =	vadd.s32 $0x8000, v18;
	v17 =	vld [tilespmem:s12+$0x1240]  }
0x1fd: {  	v8 =	vor.u32 v9, v8;
	v9 =	vshrl.u32 v10, $0x10;
	v10 =	vadd.s32 $0x8000, v15;
	v15 =	vld [tilespmem:s12+$0x2C0]  }
0x1fe: {  	[tilespmem:v22+s24+$0x0] =	vst.idx.msk $0xffff, v8;
	v8 =	vand.u32 $0xFFFF0000, v10;
	v10 =	vadd.s32 $0x8000, v12;
	v12 =	vor.u32 s16, v4;
	v18 =	vld [tilespmem:s12+$0x12C0]  }
0x1ff: {  	v8 =	vor.u32 v9, v8;
	v9 =	vshrl.u32 v10, $0x10;
	v10 =	vadd.s32 $0x8000, v14;
	v14 =	vld [tilespmem:s12+$0x340]  }
0x200: {  	[tilespmem:v13+s24+$0x0] =	vst.idx.msk $0xffff, v8;
	v8 =	vand.u32 $0xFFFF0000, v10;
	v10 =	vadd.s32 $0x8000, v11;
	v11 =	vor.u32 s8, v4;
	v13 =	vld [tilespmem:s12+$0x1340]  }
0x201: {  	v19 =	vld [tilespmem:s12+$0x50];
	v8 =	vor.u32 v9, v8;
	v9 =	vshrl.u32 v10, $0x10;
	v10 =	vadd.s32 $0x8000, v17  }
0x202: {  	v17 =	vld [tilespmem:s12+$0x1050];
	[tilespmem:v16+s24+$0x0] =	vst.idx.msk $0xffff, v8;
	v8 =	vand.u32 $0xFFFF0000, v10;
	v10 =	vadd.s32 $0x8000, v15;
	v15 =	vor.u32 s17, v4  }
0x203: {  	v16 =	vld [tilespmem:s12+$0xD0];
	v8 =	vor.u32 v9, v8;
	v9 =	vshrl.u32 v10, $0x10;
	v10 =	vadd.s32 $0x8000, v18  }
0x204: {  	v18 =	vor.u32 s7, v5;
	v20 =	vld [tilespmem:s12+$0x10D0];
	[tilespmem:v12+s24+$0x0] =	vst.idx.msk $0xffff, v8;
	v8 =	vand.u32 $0xFFFF0000, v10;
	v10 =	vadd.s32 $0x8000, v14  }
0x205: {  	v12 =	vld [tilespmem:s12+$0x150];
	v8 =	vor.u32 v9, v8;
	v9 =	vshrl.u32 v10, $0x10;
	v10 =	vadd.s32 $0x8000, v13  }
0x206: {  	v14 =	vor.u32 s10, v5;
	v13 =	vadd.s32 $0x8000, v19;
	v19 =	vld [tilespmem:s12+$0x1150];
	[tilespmem:v11+s24+$0x0] =	vst.idx.msk $0xffff, v8;
	v8 =	vand.u32 $0xFFFF0000, v10  }
0x207: {  	v10 =	vshrl.u32 v13, $0x10;
	v11 =	vadd.s32 $0x8000, v17;
	v13 =	vld [tilespmem:s12+$0x1D0];
	v8 =	vor.u32 v9, v8  }
0x208: {  	v9 =	vand.u32 $0xFFFF0000, v11;
	v11 =	vadd.s32 $0x8000, v16;
	v16 =	vor.u32 s29, v5;
	v17 =	vld [tilespmem:s12+$0x11D0];
	[tilespmem:v15+s24+$0x0] =	vst.idx.msk $0xffff, v8  }
0x209: {  	v8 =	vor.u32 v10, v9;
	v9 =	vshrl.u32 v11, $0x10;
	v10 =	vadd.s32 $0x8000, v20;
	v11 =	vld [tilespmem:s12+$0x250]  }
0x20a: {  	[tilespmem:v18+s24+$0x0] =	vst.idx.msk $0xffff, v8;
	v8 =	vand.u32 $0xFFFF0000, v10;
	v10 =	vadd.s32 $0x8000, v12;
	v12 =	vor.u32 s30, v5;
	v15 =	vld [tilespmem:s12+$0x1250]  }
0x20b: {  	v8 =	vor.u32 v9, v8;
	v9 =	vshrl.u32 v10, $0x10;
	v10 =	vadd.s32 $0x8000, v19;
	v18 =	vld [tilespmem:s12+$0x2D0]  }
0x20c: {  	[tilespmem:v14+s24+$0x0] =	vst.idx.msk $0xffff, v8;
	v8 =	vand.u32 $0xFFFF0000, v10;
	v10 =	vadd.s32 $0x8000, v13;
	v13 =	vor.u32 s16, v5;
	v14 =	vld [tilespmem:s12+$0x12D0]  }
0x20d: {  	v8 =	vor.u32 v9, v8;
	v9 =	vshrl.u32 v10, $0x10;
	v10 =	vadd.s32 $0x8000, v17;
	v17 =	vld [tilespmem:s12+$0x350]  }
0x20e: {  	[tilespmem:v16+s24+$0x0] =	vst.idx.msk $0xffff, v8;
	v8 =	vand.u32 $0xFFFF0000, v10;
	v10 =	vadd.s32 $0x8000, v11;
	v11 =	vor.u32 s8, v5;
	v16 =	vld [tilespmem:s12+$0x1350]  }
0x20f: {  	v19 =	vld [tilespmem:s12+$0x60];
	v8 =	vor.u32 v9, v8;
	v9 =	vshrl.u32 v10, $0x10;
	v10 =	vadd.s32 $0x8000, v15  }
0x210: {  	v15 =	vld [tilespmem:s12+$0x1060];
	[tilespmem:v12+s24+$0x0] =	vst.idx.msk $0xffff, v8;
	v8 =	vand.u32 $0xFFFF0000, v10;
	v10 =	vadd.s32 $0x8000, v18;
	v12 =	vor.u32 s17, v5  }
0x211: {  	v18 =	vld [tilespmem:s12+$0xE0];
	v8 =	vor.u32 v9, v8;
	v9 =	vshrl.u32 v10, $0x10;
	v10 =	vadd.s32 $0x8000, v14  }
0x212: {  	v14 =	vor.u32 s7, v6;
	v20 =	vld [tilespmem:s12+$0x10E0];
	[tilespmem:v13+s24+$0x0] =	vst.idx.msk $0xffff, v8;
	v8 =	vand.u32 $0xFFFF0000, v10;
	v10 =	vadd.s32 $0x8000, v17  }
0x213: {  	v13 =	vld [tilespmem:s12+$0x160];
	v8 =	vor.u32 v9, v8;
	v9 =	vshrl.u32 v10, $0x10;
	v10 =	vadd.s32 $0x8000, v16  }
0x214: {  	v17 =	vor.u32 s10, v6;
	v16 =	vadd.s32 $0x8000, v19;
	v19 =	vld [tilespmem:s12+$0x1160];
	[tilespmem:v11+s24+$0x0] =	vst.idx.msk $0xffff, v8;
	v8 =	vand.u32 $0xFFFF0000, v10  }
0x215: {  	v10 =	vshrl.u32 v16, $0x10;
	v11 =	vadd.s32 $0x8000, v15;
	v15 =	vld [tilespmem:s12+$0x1E0];
	v8 =	vor.u32 v9, v8  }
0x216: {  	v16 =	vor.u32 s29, v6;
	v9 =	vand.u32 $0xFFFF0000, v11;
	v11 =	vadd.s32 $0x8000, v18;
	v18 =	vld [tilespmem:s12+$0x11E0];
	[tilespmem:v12+s24+$0x0] =	vst.idx.msk $0xffff, v8  }
0x217: {  	v8 =	vor.u32 v10, v9;
	v9 =	vshrl.u32 v11, $0x10;
	v10 =	vadd.s32 $0x8000, v20;
	v11 =	vld [tilespmem:s12+$0x260]  }
0x218: {  	v12 =	vor.u32 s30, v6;
	[tilespmem:v14+s24+$0x0] =	vst.idx.msk $0xffff, v8;
	v8 =	vand.u32 $0xFFFF0000, v10;
	v10 =	vadd.s32 $0x8000, v13;
	v13 =	vld [tilespmem:s12+$0x1260]  }
0x219: {  	v8 =	vor.u32 v9, v8;
	v9 =	vshrl.u32 v10, $0x10;
	v10 =	vadd.s32 $0x8000, v19;
	v14 =	vld [tilespmem:s12+$0x2E0]  }
0x21a: {  	[tilespmem:v17+s24+$0x0] =	vst.idx.msk $0xffff, v8;
	v8 =	vand.u32 $0xFFFF0000, v10;
	v10 =	vadd.s32 $0x8000, v15;
	v15 =	vor.u32 s16, v6;
	v17 =	vld [tilespmem:s12+$0x12E0]  }
0x21b: {  	v8 =	vor.u32 v9, v8;
	v9 =	vshrl.u32 v10, $0x10;
	v10 =	vadd.s32 $0x8000, v18;
	v18 =	vld [tilespmem:s12+$0x360]  }
0x21c: {  	[tilespmem:v16+s24+$0x0] =	vst.idx.msk $0xffff, v8;
	v8 =	vand.u32 $0xFFFF0000, v10;
	v10 =	vadd.s32 $0x8000, v11;
	v11 =	vor.u32 s8, v6;
	v16 =	vld [tilespmem:s12+$0x1360]  }
0x21d: {  	v19 =	vld [tilespmem:s12+$0x70];
	v8 =	vor.u32 v9, v8;
	v9 =	vshrl.u32 v10, $0x10;
	v10 =	vadd.s32 $0x8000, v13  }
0x21e: {  	v13 =	vld [tilespmem:s12+$0x1070];
	[tilespmem:v12+s24+$0x0] =	vst.idx.msk $0xffff, v8;
	v8 =	vand.u32 $0xFFFF0000, v10;
	v10 =	vadd.s32 $0x8000, v14;
	v12 =	vor.u32 s17, v6  }
0x21f: {  	v14 =	vld [tilespmem:s12+$0xF0];
	v8 =	vor.u32 v9, v8;
	v9 =	vshrl.u32 v10, $0x10;
	v10 =	vadd.s32 $0x8000, v17  }
0x220: {  	v17 =	vor.u32 s7, v7;
	s7 =	smov.u32 s28;
	v20 =	vld [tilespmem:s12+$0x10F0];
	[tilespmem:v15+s24+$0x0] =	vst.idx.msk $0xffff, v8;
	v8 =	vand.u32 $0xFFFF0000, v10;
	v10 =	vadd.s32 $0x8000, v18  }
0x221: {  	v15 =	vld [tilespmem:s12+$0x170];
	v8 =	vor.u32 v9, v8;
	v9 =	vshrl.u32 v10, $0x10;
	v10 =	vadd.s32 $0x8000, v16  }
0x222: {  	v18 =	vor.u32 s10, v7;
	v16 =	vadd.s32 $0x8000, v19;
	v19 =	vld [tilespmem:s12+$0x1170];
	[tilespmem:v11+s24+$0x0] =	vst.idx.msk $0xffff, v8;
	v8 =	vand.u32 $0xFFFF0000, v10  }
0x223: {  	v10 =	vshrl.u32 v16, $0x10;
	v11 =	vadd.s32 $0x8000, v13;
	v13 =	vld [tilespmem:s12+$0x1F0];
	v8 =	vor.u32 v9, v8  }
0x224: {  	v9 =	vand.u32 $0xFFFF0000, v11;
	v11 =	vadd.s32 $0x8000, v14;
	v14 =	vor.u32 s29, v7;
	v16 =	vld [tilespmem:s12+$0x11F0];
	[tilespmem:v12+s24+$0x0] =	vst.idx.msk $0xffff, v8  }
0x225: {  	v8 =	vor.u32 v10, v9;
	v9 =	vshrl.u32 v11, $0x10;
	v10 =	vadd.s32 $0x8000, v20;
	v11 =	vld [tilespmem:s12+$0x270]  }
0x226: {  	v12 =	vor.u32 s30, v7;
	[tilespmem:v17+s24+$0x0] =	vst.idx.msk $0xffff, v8;
	v8 =	vand.u32 $0xFFFF0000, v10;
	v10 =	vadd.s32 $0x8000, v15;
	v15 =	vld [tilespmem:s12+$0x1270]  }
0x227: {  	v8 =	vor.u32 v9, v8;
	v9 =	vshrl.u32 v10, $0x10;
	v10 =	vadd.s32 $0x8000, v19;
	v17 =	vld [tilespmem:s12+$0x2F0]  }
0x228: {  	s10 =	sshll.u32 s28, $0x8;
	[tilespmem:v18+s24+$0x0] =	vst.idx.msk $0xffff, v8;
	v8 =	vand.u32 $0xFFFF0000, v10;
	v10 =	vadd.s32 $0x8000, v13;
	v18 =	vor.u32 s16, v7;
	v13 =	vld [tilespmem:s12+$0x12F0]  }
0x229: {  	s13 =	sadd.s32 $0x800, s13;
	s10 =	sand.u32 $0x3FFFF000, s10;
	v8 =	vor.u32 v9, v8;
	v9 =	vshrl.u32 v10, $0x10;
	v10 =	vadd.s32 $0x8000, v16;
	v19 =	vld [tilespmem:s12+$0x370]  }
0x22a: {  	[tilespmem:v14+s24+$0x0] =	vst.idx.msk $0xffff, v8;
	v10 =	vand.u32 $0xFFFF0000, v10;
	v14 =	vadd.s32 $0x8000, v11;
	v8 =	vor.u32 s8, v7;
	v21 =	vld [tilespmem:s12+$0x1370];
	s12 =	sadd.s32 s10, s13  }
0x22b: {  	v11 =	vld [tilespmem:s12+$0x380];
	v9 =	vor.u32 v9, v10;
	v10 =	vshrl.u32 v14, $0x10;
	v15 =	vadd.s32 $0x8000, v15  }
.Ltmp6:
0x22c: {  	v14 =	vld [tilespmem:s12+$0x1380];
	[tilespmem:v12+s24+$0x0] =	vst.idx.msk $0xffff, v9;
	v12 =	vand.u32 $0xFFFF0000, v15;
	v15 =	vadd.s32 $0x8000, v17;
	v9 =	vor.u32 s17, v7;
	(pc) =	sbr.rel @p3 .LBB2_7-.Ltmp6, $4  }
0x22d: {  	v16 =	vld [tilespmem:s12+$0x0];
	v10 =	vor.u32 v10, v12;
	v22 =	vshrl.u32 v15, $0x10;
	v12 =	vadd.s32 $0x8000, v13  }
0x22e: {  	s15 =	sadd.s32 $0x7, s28;
	v13 =	vor.u32 s28, v0;
	v15 =	vld [tilespmem:s12+$0x1000];
	[tilespmem:v18+s24+$0x0] =	vst.idx.msk $0xffff, v10;
	v10 =	vand.u32 $0xFFFF0000, v12;
	v12 =	vadd.s32 $0x8000, v19  }
0x22f: {  	s10 =	sadd.s32 $0x1, s28;
	v19 =	vor.u32 s15, v0;
	v17 =	vld [tilespmem:s12+$0x80];
	v20 =	vshrl.u32 v12, $0x10;
	v21 =	vadd.s32 $0x8000, v21  }
0x230: {  	s28 =	sadd.s32 $0x8, s28;
	v12 =	vor.u32 s10, v0;
	v10 =	vor.u32 v22, v10;
	v18 =	vld [tilespmem:s12+$0x1080];
	v21 =	vand.u32 $0xFFFF0000, v21  }
0x231: {  	v22 =	vld [tilespmem:s12+$0x100]  }
0x232: {  	v23 =	vld [tilespmem:s12+$0x1100]  }
0x233: {  	v24 =	vld [tilespmem:s12+$0x180]  }
0x234: {  	v11 =	vadd.s32 $0x8000, v11;
	v14 =	vadd.s32 $0x8000, v14;
	v63 =	vld [tilespmem:s12+$0x1180];
	v27 =	vor.u32 s15, v1  }
0x235: {  	s8 =	sadd.s32 $0x2, s7;
	v25 =	vld [tilespmem:s12+$0x200];
	v56 =	vor.u32 s7, v1;
	v62 =	vor.u32 s15, v2;
	v11 =	vshrl.u32 v11, $0x10  }
0x236: {  	s13 =	sadd.s32 $0x3, s7;
	v41 =	vld [tilespmem:s12+$0x1200];
	s16 =	sadd.s32 $0x4, s7;
	s17 =	sadd.s32 $0x5, s7;
	v14 =	vand.u32 $0xFFFF0000, v14;
	v16 =	vadd.s32 $0x8000, v16;
	v34 =	vor.u32 s8, v0  }
0x237: {  	v26 =	vld [tilespmem:s12+$0x280];
	s28 =	sadd.s32 $0x6, s7;
	v38 =	vor.u32 s13, v0;
	v28 =	vor.u32 s16, v0;
	v45 =	vor.u32 s17, v0  }
0x238: {  	v29 =	vld [tilespmem:s12+$0x1280];
	v50 =	vor.u32 s28, v0;
	v14 =	vor.u32 v11, v14;
	v15 =	vadd.s32 $0x8000, v15  }
0x239: {  	v44 =	vld [tilespmem:s12+$0x1300];
	v11 =	vor.u32 v20, v21;
	v16 =	vshrl.u32 v16, $0x10;
	v32 =	vand.u32 $0xFFFF0000, v15  }
0x23a: {  	[tilespmem:v19+s24+$0x0] =	vst.idx.msk $0xffff, v14;
	v33 =	vadd.s32 $0x8000, v17;
	v14 =	vor.u32 v16, v32;
	v35 =	vadd.s32 $0x8000, v18  }
0x23b: {  	v42 =	vld [tilespmem:s12+$0x300];
	v15 =	vshrl.u32 v33, $0x10;
	v16 =	vand.u32 $0xFFFF0000, v35;
	v37 =	vadd.s32 $0x8000, v22  }
0x23c: {  	v19 =	vld [tilespmem:s12+$0x390];
	v40 =	vadd.s32 $0x8000, v23;
	v24 =	vadd.s32 $0x8000, v24;
	v20 =	vadd.s32 $0x8000, v63  }
0x23d: {  	v36 =	vld [tilespmem:s12+$0x1390];
	[tilespmem:v13+s24+$0x0] =	vst.idx.msk $0xffff, v14;
	v25 =	vadd.s32 $0x8000, v25;
	v23 =	vadd.s32 $0x8000, v41;
	v49 =	vadd.s32 $0x8000, v26  }
0x23e: {  	v54 =	vadd.s32 $0x8000, v29;
	v14 =	vadd.s32 $0x8000, v44;
	v15 =	vor.u32 v15, v16;
	v30 =	vld [tilespmem:s12+$0x10]  }
0x23f: {  	v63 =	vor.u32 s10, v1;
	v39 =	vshrl.u32 v37, $0x10;
	v21 =	vand.u32 $0xFFFF0000, v40;
	v47 =	vld [tilespmem:s12+$0x1010];
	[tilespmem:v12+s24+$0x0] =	vst.idx.msk $0xffff, v15  }
0x240: {  	v24 =	vshrl.u32 v24, $0x10;
	v43 =	vand.u32 $0xFFFF0000, v20;
	v16 =	vor.u32 v39, v21;
	v57 =	vld [tilespmem:s12+$0x90]  }
0x241: {  	v46 =	vshrl.u32 v25, $0x10;
	v48 =	vand.u32 $0xFFFF0000, v23;
	v53 =	vshrl.u32 v49, $0x10;
	[tilespmem:v34+s24+$0x0] =	vst.idx.msk $0xffff, v16;
	v59 =	vld [tilespmem:s12+$0x1090]  }
0x242: {  	v14 =	vand.u32 $0xFFFF0000, v14;
	v37 =	vor.u32 s8, v1;
	v13 =	vor.u32 v24, v43;
	v61 =	vld [tilespmem:s12+$0x110]  }
0x243: {  	v52 =	vor.u32 v46, v48;
	v21 =	vadd.s32 $0x8000, v42;
	v42 =	vor.u32 s13, v1;
	[tilespmem:v38+s24+$0x0] =	vst.idx.msk $0xffff, v13;
	v33 =	vld [tilespmem:s12+$0x1110]  }
0x244: {  	v58 =	vshrl.u32 v21, $0x10;
	v19 =	vadd.s32 $0x8000, v19;
	v18 =	vadd.s32 $0x8000, v36;
	v34 =	vld [tilespmem:s12+$0x190]  }
0x245: {  	[tilespmem:v28+s24+$0x0] =	vst.idx.msk $0xffff, v52;
	v14 =	vor.u32 v58, v14;
	v36 =	vld [tilespmem:s12+$0x1190];
	v19 =	vshrl.u32 v19, $0x10;
	v18 =	vand.u32 $0xFFFF0000, v18  }
0x246: {  	v48 =	vor.u32 s16, v1;
	v38 =	vld [tilespmem:s12+$0x210];
	[tilespmem:v50+s24+$0x0] =	vst.idx.msk $0xffff, v14;
	v18 =	vor.u32 v19, v18;
	v32 =	vadd.s32 $0x8000, v47  }
0x247: {  	v40 =	vld [tilespmem:s12+$0x1210];
	v60 =	vadd.s32 $0x8000, v30;
	[tilespmem:v27+s24+$0x0] =	vst.idx.msk $0xffff, v18;
	v18 =	vand.u32 $0xFFFF0000, v54;
	v35 =	vand.u32 $0xFFFF0000, v32  }
0x248: {  	v25 =	vld [tilespmem:s12+$0x310];
	v15 =	vor.u32 v53, v18;
	v18 =	vshrl.u32 v60, $0x10;
	v27 =	vadd.s32 $0x8000, v57  }
0x249: {  	v51 =	vld [tilespmem:s12+$0x3A0];
	v17 =	vadd.s32 $0x8000, v59;
	v12 =	vor.u32 v18, v35;
	v39 =	vshrl.u32 v27, $0x10  }
0x24a: {  	v55 =	vld [tilespmem:s12+$0x13A0];
	v17 =	vand.u32 $0xFFFF0000, v17;
	v41 =	vadd.s32 $0x8000, v61;
	v16 =	vadd.s32 $0x8000, v33  }
0x24b: {  	v58 =	vld [tilespmem:s12+$0x1310];
	[tilespmem:v45+s24+$0x0] =	vst.idx.msk $0xffff, v15;
	v47 =	vadd.s32 $0x8000, v34;
	v52 =	vadd.s32 $0x8000, v36;
	v54 =	vadd.s32 $0x8000, v38  }
0x24c: {  	v57 =	vadd.s32 $0x8000, v40;
	v44 =	vor.u32 v39, v17;
	v45 =	vshrl.u32 v41, $0x10;
	v49 =	vld [tilespmem:s12+$0x290]  }
0x24d: {  	v16 =	vand.u32 $0xFFFF0000, v16;
	v53 =	vld [tilespmem:s12+$0x1290];
	v17 =	vand.u32 $0xFFFF0000, v52;
	[tilespmem:v56+s24+$0x0] =	vst.idx.msk $0xffff, v12;
	v56 =	vor.u32 s17, v1  }
0x24e: {  	v22 =	vshrl.u32 v54, $0x10;
	v60 =	vand.u32 $0xFFFF0000, v57;
	v41 =	vor.u32 s10, v2;
	v59 =	vld [tilespmem:s12+$0x20]  }
0x24f: {  	v50 =	vor.u32 v45, v16;
	[tilespmem:v63+s24+$0x0] =	vst.idx.msk $0xffff, v44;
	v61 =	vld [tilespmem:s12+$0x1020];
	v26 =	vadd.s32 $0x8000, v51;
	v19 =	vadd.s32 $0x8000, v55  }
0x250: {  	v13 =	vor.u32 v22, v60;
	v63 =	vld [tilespmem:s12+$0xA0];
	[tilespmem:v37+s24+$0x0] =	vst.idx.msk $0xffff, v50;
	v26 =	vshrl.u32 v26, $0x10;
	v19 =	vand.u32 $0xFFFF0000, v19  }
0x251: {  	v35 =	vadd.s32 $0x8000, v25;
	v39 =	vadd.s32 $0x8000, v58;
	v34 =	vld [tilespmem:s12+$0x10A0];
	[tilespmem:v48+s24+$0x0] =	vst.idx.msk $0xffff, v13;
	v19 =	vor.u32 v26, v19  }
0x252: {  	v38 =	vshrl.u32 v35, $0x10;
	v22 =	vand.u32 $0xFFFF0000, v39;
	v48 =	vor.u32 s8, v2;
	v28 =	vld [tilespmem:s12+$0x120];
	[tilespmem:v62+s24+$0x0] =	vst.idx.msk $0xffff, v19  }
0x253: {  	v39 =	vor.u32 s15, v5;
	v51 =	vshrl.u32 v47, $0x10;
	v55 =	vor.u32 s15, v3;
	v43 =	vld [tilespmem:s12+$0x3B0]  }
0x254: {  	v47 =	vor.u32 s15, v4;
	v16 =	vor.u32 v51, v17;
	v24 =	vadd.s32 $0x8000, v49;
	v46 =	vld [tilespmem:s12+$0x13B0]  }
0x255: {  	v44 =	vld [tilespmem:s12+$0x1120];
	v33 =	vshrl.u32 v24, $0x10;
	v19 =	vadd.s32 $0x8000, v53;
	v17 =	vadd.s32 $0x8000, v59  }
0x256: {  	v52 =	vld [tilespmem:s12+$0x220];
	v15 =	vadd.s32 $0x8000, v61;
	v61 =	vor.u32 s16, v2;
	v19 =	vand.u32 $0xFFFF0000, v19  }
0x257: {  	v54 =	vld [tilespmem:s12+$0x1220];
	[tilespmem:v42+s24+$0x0] =	vst.idx.msk $0xffff, v16;
	v45 =	vadd.s32 $0x8000, v63;
	v50 =	vadd.s32 $0x8000, v34;
	v37 =	vor.u32 v33, v19  }
0x258: {  	v51 =	vld [tilespmem:s12+$0x11A0];
	v42 =	vshrl.u32 v17, $0x10;
	v49 =	vshrl.u32 v45, $0x10;
	v53 =	vand.u32 $0xFFFF0000, v50;
	[tilespmem:v56+s24+$0x0] =	vst.idx.msk $0xffff, v37  }
0x259: {  	v12 =	vor.u32 v49, v53;
	v57 =	vld [tilespmem:s12+$0x2A0];
	v27 =	vadd.s32 $0x8000, v43;
	v18 =	vadd.s32 $0x8000, v46  }
0x25a: {  	v28 =	vadd.s32 $0x8000, v28;
	v59 =	vld [tilespmem:s12+$0x12A0];
	[tilespmem:v41+s24+$0x0] =	vst.idx.msk $0xffff, v12;
	v62 =	vshrl.u32 v27, $0x10;
	v18 =	vand.u32 $0xFFFF0000, v18  }
0x25b: {  	v19 =	vadd.s32 $0x8000, v44;
	v44 =	vld [tilespmem:s12+$0xB0];
	v27 =	vor.u32 s28, v1;
	v18 =	vor.u32 v62, v18  }
0x25c: {  	v15 =	vand.u32 $0xFFFF0000, v15;
	v58 =	vshrl.u32 v28, $0x10;
	v19 =	vand.u32 $0xFFFF0000, v19;
	v46 =	vld [tilespmem:s12+$0x1A0];
	[tilespmem:v55+s24+$0x0] =	vst.idx.msk $0xffff, v18  }
0x25d: {  	v34 =	vor.u32 s17, v2;
	v63 =	vor.u32 v58, v19;
	v18 =	vor.u32 s7, v2;
	v36 =	vld [tilespmem:s12+$0x3C0]  }
0x25e: {  	v15 =	vor.u32 v42, v15;
	v16 =	vadd.s32 $0x8000, v52;
	v14 =	vadd.s32 $0x8000, v54;
	[tilespmem:v48+s24+$0x0] =	vst.idx.msk $0xffff, v63;
	v40 =	vld [tilespmem:s12+$0x13C0]  }
0x25f: {  	v54 =	vor.u32 s10, v3;
	v56 =	vor.u32 s13, v2;
	v43 =	vor.u32 v38, v22;
	v50 =	vld [tilespmem:s12+$0x130]  }
0x260: {  	v16 =	vshrl.u32 v16, $0x10;
	v49 =	vor.u32 s28, v2;
	v32 =	vadd.s32 $0x8000, v51;
	v52 =	vld [tilespmem:s12+$0x1130];
	[tilespmem:v27+s24+$0x0] =	vst.idx.msk $0xffff, v43  }
0x261: {  	v19 =	vor.u32 s7, v3;
	v20 =	vand.u32 $0xFFFF0000, v32;
	v60 =	vadd.s32 $0x8000, v46;
	v27 =	vld [tilespmem:s12+$0x320]  }
0x262: {  	v37 =	vadd.s32 $0x8000, v57;
	v31 =	vshrl.u32 v60, $0x10;
	[tilespmem:v18+s24+$0x0] =	vst.idx.msk $0xffff, v15;
	v25 =	vadd.s32 $0x8000, v36;
	v36 =	vld [tilespmem:s12+$0x1320]  }
0x263: {  	v42 =	vadd.s32 $0x8000, v59;
	v35 =	vor.u32 v31, v20;
	v24 =	vadd.s32 $0x8000, v40;
	v38 =	vld [tilespmem:s12+$0x30]  }
0x264: {  	v59 =	vor.u32 s8, v3;
	[tilespmem:v56+s24+$0x0] =	vst.idx.msk $0xffff, v35;
	v43 =	vld [tilespmem:s12+$0x1030];
	v55 =	vshrl.u32 v25, $0x10;
	v24 =	vand.u32 $0xFFFF0000, v24  }
0x265: {  	v41 =	vshrl.u32 v37, $0x10;
	v46 =	vand.u32 $0xFFFF0000, v42;
	v63 =	vld [tilespmem:s12+$0x11B0];
	v21 =	vor.u32 v55, v24  }
0x266: {  	v32 =	vadd.s32 $0x8000, v50;
	v13 =	vor.u32 v41, v46;
	v40 =	vand.u32 $0xFFFF0000, v14;
	v25 =	vld [tilespmem:s12+$0x1B0];
	[tilespmem:v47+s24+$0x0] =	vst.idx.msk $0xffff, v21  }
0x267: {  	v50 =	vor.u32 s28, v3;
	[tilespmem:v34+s24+$0x0] =	vst.idx.msk $0xffff, v13;
	v34 =	vor.u32 s13, v3;
	v12 =	vor.u32 v16, v40;
	v62 =	vld [tilespmem:s12+$0x3D0]  }
0x268: {  	v16 =	vadd.s32 $0x8000, v44;
	v40 =	vor.u32 s16, v3;
	v27 =	vadd.s32 $0x8000, v27;
	v33 =	vld [tilespmem:s12+$0x13D0]  }
0x269: {  	[tilespmem:v61+s24+$0x0] =	vst.idx.msk $0xffff, v12;
	v61 =	vshrl.u32 v16, $0x10;
	v12 =	vor.u32 s15, v7;
	v47 =	vld [tilespmem:s12+$0x10B0];
	v51 =	vshrl.u32 v27, $0x10  }
0x26a: {  	v22 =	vld [tilespmem:s12+$0x230];
	v18 =	vadd.s32 $0x8000, v36;
	v53 =	vadd.s32 $0x8000, v38;
	v57 =	vadd.s32 $0x8000, v43  }
0x26b: {  	v35 =	vld [tilespmem:s12+$0x1230];
	v17 =	vadd.s32 $0x8000, v63;
	v18 =	vand.u32 $0xFFFF0000, v18;
	v56 =	vshrl.u32 v53, $0x10  }
0x26c: {  	v36 =	vld [tilespmem:s12+$0x2B0];
	v25 =	vadd.s32 $0x8000, v25;
	v17 =	vand.u32 $0xFFFF0000, v17;
	v14 =	vor.u32 v51, v18  }
0x26d: {  	v38 =	vld [tilespmem:s12+$0x12B0];
	v42 =	vshrl.u32 v25, $0x10;
	[tilespmem:v49+s24+$0x0] =	vst.idx.msk $0xffff, v14;
	v45 =	vadd.s32 $0x8000, v62;
	v21 =	vadd.s32 $0x8000, v33  }
0x26e: {  	v17 =	vor.u32 v42, v17;
	v41 =	vld [tilespmem:s12+$0x330];
	v48 =	vshrl.u32 v45, $0x10;
	v21 =	vand.u32 $0xFFFF0000, v21  }
0x26f: {  	v44 =	vadd.s32 $0x8000, v22;
	v62 =	vadd.s32 $0x8000, v47;
	v43 =	vld [tilespmem:s12+$0x1330];
	[tilespmem:v34+s24+$0x0] =	vst.idx.msk $0xffff, v17;
	v20 =	vor.u32 v48, v21  }
0x270: {  	v33 =	vor.u32 s15, v6;
	v16 =	vand.u32 $0xFFFF0000, v62;
	v48 =	vadd.s32 $0x8000, v35;
	v35 =	vld [tilespmem:s12+$0x1C0];
	[tilespmem:v39+s24+$0x0] =	vst.idx.msk $0xffff, v20  }
0x271: {  	v47 =	vshrl.u32 v44, $0x10;
	v45 =	vor.u32 s17, v3;
	v15 =	vor.u32 v61, v16;
	v55 =	vld [tilespmem:s12+$0x3E0]  }
0x272: {  	v21 =	vadd.s32 $0x8000, v52;
	v16 =	vadd.s32 $0x8000, v36;
	v20 =	vand.u32 $0xFFFF0000, v57;
	[tilespmem:v54+s24+$0x0] =	vst.idx.msk $0xffff, v15;
	v58 =	vld [tilespmem:s12+$0x13E0]  }
0x273: {  	v37 =	vand.u32 $0xFFFF0000, v21;
	v60 =	vor.u32 v56, v20;
	v20 =	vshrl.u32 v32, $0x10;
	v61 =	vld [tilespmem:s12+$0x10C0]  }
0x274: {  	v53 =	vadd.s32 $0x8000, v38;
	v16 =	vshrl.u32 v16, $0x10;
	v14 =	vor.u32 v20, v37;
	[tilespmem:v19+s24+$0x0] =	vst.idx.msk $0xffff, v60;
	v37 =	vld [tilespmem:s12+$0x11C0]  }
0x275: {  	v56 =	vand.u32 $0xFFFF0000, v53;
	v57 =	vadd.s32 $0x8000, v41;
	v60 =	vadd.s32 $0x8000, v43;
	v51 =	vld [tilespmem:s12+$0x40]  }
0x276: {  	v16 =	vor.u32 v16, v56;
	v54 =	vld [tilespmem:s12+$0x1040];
	[tilespmem:v59+s24+$0x0] =	vst.idx.msk $0xffff, v14;
	v59 =	vshrl.u32 v57, $0x10;
	v24 =	vand.u32 $0xFFFF0000, v60  }
0x277: {  	v62 =	vor.u32 s10, v4;
	[tilespmem:v45+s24+$0x0] =	vst.idx.msk $0xffff, v16;
	v45 =	vor.u32 s13, v4;
	v63 =	vld [tilespmem:s12+$0x140];
	v14 =	vor.u32 v59, v24  }
0x278: {  	[tilespmem:v50+s24+$0x0] =	vst.idx.msk $0xffff, v14;
	v29 =	vadd.s32 $0x8000, v55;
	v18 =	vadd.s32 $0x8000, v58;
	v55 =	vor.u32 s7, v4;
	v58 =	vld [tilespmem:s12+$0xC0]  }
0x279: {  	v42 =	vadd.s32 $0x8000, v61;
	v53 =	vld [tilespmem:s12+$0x340];
	v39 =	vshrl.u32 v29, $0x10;
	v18 =	vand.u32 $0xFFFF0000, v18  }
0x27a: {  	v34 =	vld [tilespmem:s12+$0x1140];
	v18 =	vor.u32 v39, v18;
	v23 =	vadd.s32 $0x8000, v51;
	v39 =	vor.u32 s8, v4  }
0x27b: {  	v56 =	vld [tilespmem:s12+$0x1340];
	v51 =	vadd.s32 $0x8000, v35;
	[tilespmem:v33+s24+$0x0] =	vst.idx.msk $0xffff, v18;
	v18 =	vand.u32 $0xFFFF0000, v48;
	v36 =	vshrl.u32 v23, $0x10  }
0x27c: {  	v44 =	vadd.s32 $0x8000, v63;
	v46 =	vld [tilespmem:s12+$0x3F0];
	v52 =	vor.u32 v47, v18;
	v18 =	vadd.s32 $0x8000, v54  }
0x27d: {  	v49 =	vld [tilespmem:s12+$0x13F0];
	v48 =	vshrl.u32 v44, $0x10;
	v18 =	vand.u32 $0xFFFF0000, v18;
	v38 =	vadd.s32 $0x8000, v58  }
0x27e: {  	v50 =	vld [tilespmem:s12+$0x12C0];
	[tilespmem:v40+s24+$0x0] =	vst.idx.msk $0xffff, v52;
	v52 =	vor.u32 s16, v4;
	v58 =	vor.u32 s17, v4;
	v24 =	vadd.s32 $0x8000, v53  }
0x27f: {  	v40 =	vld [tilespmem:s12+$0x240];
	v15 =	vor.u32 v36, v18;
	v41 =	vshrl.u32 v38, $0x10;
	v18 =	vand.u32 $0xFFFF0000, v42  }
0x280: {  	v43 =	vld [tilespmem:s12+$0x1240];
	v42 =	vadd.s32 $0x8000, v56;
	v56 =	vor.u32 s13, v5;
	v47 =	vor.u32 v41, v18;
	[tilespmem:v55+s24+$0x0] =	vst.idx.msk $0xffff, v15  }
0x281: {  	v55 =	vshrl.u32 v51, $0x10;
	v41 =	vshrl.u32 v24, $0x10;
	v59 =	vld [tilespmem:s12+$0x50];
	v32 =	vadd.s32 $0x8000, v46  }
0x282: {  	v63 =	vld [tilespmem:s12+$0x1050];
	v33 =	vadd.s32 $0x8000, v49;
	v49 =	vadd.s32 $0x8000, v34;
	v13 =	vshrl.u32 v32, $0x10  }
0x283: {  	v46 =	vld [tilespmem:s12+$0x2C0];
	v17 =	vand.u32 $0xFFFF0000, v33;
	v18 =	vand.u32 $0xFFFF0000, v49;
	v33 =	vor.u32 s28, v4  }
0x284: {  	[tilespmem:v62+s24+$0x0] =	vst.idx.msk $0xffff, v47;
	v13 =	vor.u32 v13, v17;
	v54 =	vor.u32 v48, v18;
	v17 =	vadd.s32 $0x8000, v37  }
0x285: {  	v34 =	vld [tilespmem:s12+$0xD0];
	v57 =	vadd.s32 $0x8000, v40;
	v62 =	vadd.s32 $0x8000, v43;
	v37 =	vadd.s32 $0x8000, v50  }
0x286: {  	v38 =	vld [tilespmem:s12+$0x10D0];
	v50 =	vor.u32 s8, v5;
	v17 =	vand.u32 $0xFFFF0000, v17;
	v61 =	vshrl.u32 v57, $0x10;
	[tilespmem:v39+s24+$0x0] =	vst.idx.msk $0xffff, v54  }
0x287: {  	v39 =	vor.u32 s7, v5;
	v60 =	vor.u32 v55, v17;
	v17 =	vand.u32 $0xFFFF0000, v62;
	v26 =	vld [tilespmem:s12+$0x150]  }
0x288: {  	v43 =	vld [tilespmem:s12+$0x1150];
	v44 =	vadd.s32 $0x8000, v59;
	v20 =	vadd.s32 $0x8000, v63;
	v32 =	vadd.s32 $0x8000, v46;
	[tilespmem:v45+s24+$0x0] =	vst.idx.msk $0xffff, v60  }
0x289: {  	v35 =	vor.u32 v61, v17;
	v17 =	vand.u32 $0xFFFF0000, v37;
	v45 =	vor.u32 s10, v5;
	v46 =	vld [tilespmem:s12+$0x1D0]  }
0x28a: {  	v47 =	vshrl.u32 v44, $0x10;
	v20 =	vand.u32 $0xFFFF0000, v20;
	v36 =	vshrl.u32 v32, $0x10;
	[tilespmem:v52+s24+$0x0] =	vst.idx.msk $0xffff, v35;
	v48 =	vld [tilespmem:s12+$0x11D0]  }
0x28b: {  	v49 =	vadd.s32 $0x8000, v34;
	v19 =	vadd.s32 $0x8000, v38;
	v40 =	vor.u32 v36, v17;
	v51 =	vld [tilespmem:s12+$0x250]  }
0x28c: {  	v61 =	vor.u32 s16, v5;
	v52 =	vor.u32 v47, v20;
	v53 =	vshrl.u32 v49, $0x10;
	v54 =	vld [tilespmem:s12+$0x1250];
	[tilespmem:v58+s24+$0x0] =	vst.idx.msk $0xffff, v40  }
0x28d: {  	v19 =	vand.u32 $0xFFFF0000, v19;
	v35 =	vor.u32 s17, v5;
	v17 =	vand.u32 $0xFFFF0000, v42;
	v57 =	vld [tilespmem:s12+$0x2D0]  }
0x28e: {  	v15 =	vor.u32 v53, v19;
	[tilespmem:v39+s24+$0x0] =	vst.idx.msk $0xffff, v52;
	v55 =	vadd.s32 $0x8000, v26;
	v18 =	vadd.s32 $0x8000, v43;
	v59 =	vld [tilespmem:s12+$0x12D0]  }
0x28f: {  	v16 =	vor.u32 v41, v17;
	v36 =	vld [tilespmem:s12+$0x60];
	v58 =	vshrl.u32 v55, $0x10;
	v18 =	vand.u32 $0xFFFF0000, v18  }
0x290: {  	v42 =	vor.u32 s28, v5;
	[tilespmem:v33+s24+$0x0] =	vst.idx.msk $0xffff, v16;
	v40 =	vld [tilespmem:s12+$0x1060];
	v60 =	vadd.s32 $0x8000, v46;
	v63 =	vor.u32 v58, v18  }
0x291: {  	v62 =	vld [tilespmem:s12+$0x350];
	v17 =	vadd.s32 $0x8000, v48;
	v48 =	vor.u32 s7, v6;
	v32 =	vshrl.u32 v60, $0x10  }
0x292: {  	v33 =	vld [tilespmem:s12+$0x1350];
	[tilespmem:v45+s24+$0x0] =	vst.idx.msk $0xffff, v15;
	v17 =	vand.u32 $0xFFFF0000, v17;
	v34 =	vadd.s32 $0x8000, v51;
	v39 =	vadd.s32 $0x8000, v54  }
0x293: {  	v43 =	vld [tilespmem:s12+$0xE0];
	v37 =	vor.u32 v32, v17;
	v38 =	vshrl.u32 v34, $0x10;
	v17 =	vand.u32 $0xFFFF0000, v39  }
0x294: {  	v47 =	vld [tilespmem:s12+$0x10E0];
	[tilespmem:v50+s24+$0x0] =	vst.idx.msk $0xffff, v63;
	v41 =	vadd.s32 $0x8000, v57;
	v44 =	vor.u32 v38, v17;
	v46 =	vadd.s32 $0x8000, v59  }
0x295: {  	v50 =	vld [tilespmem:s12+$0x160];
	[tilespmem:v56+s24+$0x0] =	vst.idx.msk $0xffff, v37;
	v55 =	vadd.s32 $0x8000, v36;
	v56 =	vor.u32 s10, v6;
	v20 =	vadd.s32 $0x8000, v40  }
0x296: {  	v54 =	vld [tilespmem:s12+$0x1160];
	v38 =	vor.u32 s16, v6;
	v45 =	vshrl.u32 v41, $0x10;
	v17 =	vand.u32 $0xFFFF0000, v46  }
0x297: {  	v49 =	vadd.s32 $0x8000, v62;
	v53 =	vadd.s32 $0x8000, v33;
	v57 =	vld [tilespmem:s12+$0x1E0];
	v58 =	vshrl.u32 v55, $0x10  }
0x298: {  	[tilespmem:v61+s24+$0x0] =	vst.idx.msk $0xffff, v44;
	v59 =	vld [tilespmem:s12+$0x11E0];
	v20 =	vand.u32 $0xFFFF0000, v20;
	v61 =	vor.u32 s8, v6;
	v33 =	vor.u32 s13, v6  }
0x299: {  	v44 =	vor.u32 s17, v6;
	v51 =	vor.u32 v45, v17;
	v52 =	vshrl.u32 v49, $0x10;
	v27 =	vld [tilespmem:s12+$0x260]  }
0x29a: {  	v17 =	vand.u32 $0xFFFF0000, v53;
	v60 =	vadd.s32 $0x8000, v43;
	v14 =	vor.u32 v58, v20;
	v63 =	vld [tilespmem:s12+$0x1260];
	[tilespmem:v35+s24+$0x0] =	vst.idx.msk $0xffff, v51  }
0x29b: {  	v19 =	vadd.s32 $0x8000, v47;
	v16 =	vor.u32 v52, v17;
	v62 =	vshrl.u32 v60, $0x10;
	v34 =	vld [tilespmem:s12+$0x2E0]  }
0x29c: {  	v19 =	vand.u32 $0xFFFF0000, v19;
	[tilespmem:v48+s24+$0x0] =	vst.idx.msk $0xffff, v14;
	v32 =	vadd.s32 $0x8000, v50;
	v18 =	vadd.s32 $0x8000, v54;
	v36 =	vld [tilespmem:s12+$0x12E0]  }
0x29d: {  	v51 =	vor.u32 s28, v6;
	v45 =	vld [tilespmem:s12+$0x70];
	v35 =	vshrl.u32 v32, $0x10;
	v18 =	vand.u32 $0xFFFF0000, v18  }
0x29e: {  	[tilespmem:v42+s24+$0x0] =	vst.idx.msk $0xffff, v16;
	v15 =	vor.u32 v62, v19;
	v49 =	vld [tilespmem:s12+$0x1070];
	v37 =	vadd.s32 $0x8000, v57;
	v40 =	vor.u32 v35, v18  }
0x29f: {  	v39 =	vld [tilespmem:s12+$0x360];
	v17 =	vadd.s32 $0x8000, v59;
	v57 =	vor.u32 s7, v7;
	v41 =	vshrl.u32 v37, $0x10  }
0x2a0: {  	v42 =	vld [tilespmem:s12+$0x1360];
	[tilespmem:v56+s24+$0x0] =	vst.idx.msk $0xffff, v15;
	v17 =	vand.u32 $0xFFFF0000, v17;
	v43 =	vadd.s32 $0x8000, v27;
	v48 =	vadd.s32 $0x8000, v63  }
0x2a1: {  	v52 =	vld [tilespmem:s12+$0xF0];
	v46 =	vor.u32 v41, v17;
	v47 =	vshrl.u32 v43, $0x10;
	v17 =	vand.u32 $0xFFFF0000, v48  }
0x2a2: {  	v56 =	vld [tilespmem:s12+$0x10F0];
	[tilespmem:v61+s24+$0x0] =	vst.idx.msk $0xffff, v40;
	v43 =	vor.u32 s13, v7;
	v48 =	vor.u32 s16, v7;
	v50 =	vadd.s32 $0x8000, v34  }
0x2a3: {  	v59 =	vld [tilespmem:s12+$0x170];
	v53 =	vor.u32 v47, v17;
	v55 =	vadd.s32 $0x8000, v36;
	v32 =	vadd.s32 $0x8000, v45  }
0x2a4: {  	v63 =	vld [tilespmem:s12+$0x1170];
	[tilespmem:v33+s24+$0x0] =	vst.idx.msk $0xffff, v46;
	v33 =	vor.u32 s10, v7;
	v20 =	vadd.s32 $0x8000, v49;
	v54 =	vshrl.u32 v50, $0x10  }
0x2a5: {  	v17 =	vand.u32 $0xFFFF0000, v55;
	v58 =	vadd.s32 $0x8000, v39;
	v62 =	vadd.s32 $0x8000, v42;
	v34 =	vld [tilespmem:s12+$0x1F0]  }
0x2a6: {  	[tilespmem:v38+s24+$0x0] =	vst.idx.msk $0xffff, v53;
	v35 =	vshrl.u32 v32, $0x10;
	v36 =	vld [tilespmem:s12+$0x11F0];
	v20 =	vand.u32 $0xFFFF0000, v20;
	v38 =	vor.u32 s8, v7  }
0x2a7: {  	v60 =	vor.u32 v54, v17;
	v61 =	vshrl.u32 v58, $0x10;
	v17 =	vand.u32 $0xFFFF0000, v62;
	v39 =	vld [tilespmem:s12+$0x270]  }
0x2a8: {  	v37 =	vadd.s32 $0x8000, v52;
	v14 =	vor.u32 v35, v20;
	v19 =	vadd.s32 $0x8000, v56;
	v41 =	vld [tilespmem:s12+$0x1270];
	[tilespmem:v44+s24+$0x0] =	vst.idx.msk $0xffff, v60  }
0x2a9: {  	v54 =	vor.u32 s17, v7;
	v58 =	vor.u32 s28, v7;
	v16 =	vor.u32 v61, v17;
	v44 =	vld [tilespmem:s12+$0x2F0]  }
0x2aa: {  	v40 =	vshrl.u32 v37, $0x10;
	v19 =	vand.u32 $0xFFFF0000, v19;
	v42 =	vadd.s32 $0x8000, v59;
	[tilespmem:v51+s24+$0x0] =	vst.idx.msk $0xffff, v16;
	v46 =	vld [tilespmem:s12+$0x12F0]  }
0x2ab: {  	[tilespmem:v8+s24+$0x0] =	vst.idx.msk $0xffff, v10;
	v15 =	vor.u32 v40, v19;
	v18 =	vadd.s32 $0x8000, v63;
	v45 =	vshrl.u32 v42, $0x10;
	v49 =	vld [tilespmem:s12+$0x370]  }
0x2ac: {  	[tilespmem:v9+s24+$0x0] =	vst.idx.msk $0xffff, v11;
	v8 =	vand.u32 $0xFFFF0000, v18;
	v52 =	vld [tilespmem:s12+$0x1370];
	v47 =	vadd.s32 $0x8000, v34;
	v51 =	vadd.s32 $0x8000, v36  }
0x2ad: {  	[tilespmem:v12+s24+$0x0] =	vst.idx.msk $0xffff, v13;
	v8 =	vor.u32 v45, v8;
	v50 =	vshrl.u32 v47, $0x10;
	v10 =	vand.u32 $0xFFFF0000, v51  }
0x2ae: {  	[tilespmem:v57+s24+$0x0] =	vst.idx.msk $0xffff, v14;
	v53 =	vadd.s32 $0x8000, v39;
	v56 =	vadd.s32 $0x8000, v41;
	v9 =	vor.u32 v50, v10  }
0x2af: {  	[tilespmem:v33+s24+$0x0] =	vst.idx.msk $0xffff, v15;
	v55 =	vshrl.u32 v53, $0x10;
	v12 =	vand.u32 $0xFFFF0000, v56;
	v57 =	vadd.s32 $0x8000, v44  }
0x2b0: {  	[tilespmem:v38+s24+$0x0] =	vst.idx.msk $0xffff, v8;
	v8 =	vor.u32 v55, v12;
	v60 =	vadd.s32 $0x8000, v46;
	v59 =	vshrl.u32 v57, $0x10  }
.Ltmp7:
0x2b1: {  	[tilespmem:v43+s24+$0x0] =	vst.idx.msk $0xffff, v9;
	v61 =	vand.u32 $0xFFFF0000, v60;
	v62 =	vadd.s32 $0x8000, v49;
	v11 =	vadd.s32 $0x8000, v52;
	(pc) =	sbr.rel @p1 .LBB2_12-.Ltmp7, $4  }
0x2b2: {  	[tilespmem:v48+s24+$0x0] =	vst.idx.msk $0xffff, v8;
	v8 =	vshrl.u32 v62, $0x10;
	v9 =	vor.u32 v59, v61;
	v63 =	vand.u32 $0xFFFF0000, v11  }
0x2b3: {  	s6 =	sshll.u32 s6, $0x9;
	[tilespmem:v54+s24+$0x0] =	vst.idx.msk $0xffff, v9;
	v8 =	vor.u32 v8, v63  }
0x2b4: {  	s6 =	sadd.s32 s4, s6;
	[tilespmem:v58+s24+$0x0] =	vst.idx.msk $0xffff, v8  }
0x2b5: {  	[hbm4b:s6+s3] =	stream.linear.scatter [tilespmem:s24], [sflag:$0x3], $0x1000, $0x38;
	[tilespmem:$0xC800] =	vst v63  }
0x2b6: {  	s6 =	sadd.s32 s9, s11  }
0x2b7: {  	s6 =	smin.u32 s6, $0x1E83  }
0x2b8: {  	s6 =	sshll.u32 s6, $0x7  }
0x2b9: {  	s6 =	sadd.s32 s1, s6  }
0x2ba: {  	[tilespmem:s3], [sflag:$0x1] =	stream.linear.gather [hbm4b:s6+s3], $0x400, $0x38;
	[tilespmem:$0xC800] =	vst v63  }
0x2bb: {  	s8 =	simm.s32 $0x800;
	s7 =	sadd.s32 $0xF4280, s6  }
0x2bc: {  	[tilespmem:s8], [sflag:$0x1] =	stream.linear.gather [hbm4b:s7+s3], $0x400, $0x38;
	[tilespmem:$0xC800] =	vst v63  }
0x2bd: {  	s10 =	simm.s32 $0x1000;
	s8 =	sadd.s32 $0x1E8500, s6  }
0x2be: {  	[tilespmem:s10], [sflag:$0x1] =	stream.linear.gather [hbm4b:s8+s3], $0x400, $0x38;
	[tilespmem:$0xC800] =	vst v63  }
0x2bf: {  	s11 =	sadd.s32 $0x2DC780, s6  }
0x2c0: {  	[tilespmem:s18], [sflag:$0x1] =	stream.linear.gather [hbm4b:s11+s3], $0x400, $0x38;
	[tilespmem:$0xC800] =	vst v63  }
0x2c1: {  	s12 =	sadd.s32 $0x3D0A00, s6  }
0x2c2: {  	[tilespmem:s19], [sflag:$0x1] =	stream.linear.gather [hbm4b:s12+s3], $0x400, $0x38;
	[tilespmem:$0xC800] =	vst v63  }
0x2c3: {  	s13 =	sadd.s32 $0x4C4C80, s6  }
0x2c4: {  	[tilespmem:s20], [sflag:$0x1] =	stream.linear.gather [hbm4b:s13+s3], $0x400, $0x38;
	[tilespmem:$0xC800] =	vst v63  }
0x2c5: {  	s15 =	sadd.s32 $0x5B8F00, s6  }
0x2c6: {  	[tilespmem:s21], [sflag:$0x1] =	stream.linear.gather [hbm4b:s15+s3], $0x400, $0x38;
	[tilespmem:$0xC800] =	vst v63  }
0x2c7: {  	s6 =	sadd.s32 $0x6AD180, s6  }
0x2c8: {  	[tilespmem:s22], [sflag:$0x1] =	stream.linear.gather [hbm4b:s6+s3], $0x400, $0x38;
	[tilespmem:$0xC800] =	vst v63  }
0x2c9: {  	_ =	swait.ge [sflag:s25], $0x2000  }
0x2ca: {  	[sflag:s25] =	ssyncset.done $0x0  }
0x2cb: {  	s6 =	simm.s32 @!p2 $0x4;
	[sflag:s25] =	ssyncadd.s32 $0xFFFFE000  }
0x2cc: {  	s16 =	simm.s32 $0x0;
	_ =	swait.ge @!p2 [sflag:s6], $0x1000  }
0x2cd: {  	s7 =	sand.u32 $0x3FFFF000, s16;
	[sflag:s6] =	ssyncset.done @!p2 $0x0  }
0x2ce: {  	[sflag:s6] =	ssyncadd.s32 @!p2 $0xFFFFF000;
	s6 =	sadd.s32 $0x0, s7  }
0x2cf: {  	v8 =	vld [tilespmem:s6+$0x4380]  }
0x2d0: {  	v9 =	vld [tilespmem:s6+$0x5380]  }
0x2d1: {  	v10 =	vld [tilespmem:s6+$0x4000]  }
0x2d2: {  	v11 =	vld [tilespmem:s6+$0x5000]  }
0x2d3: {  	v12 =	vld [tilespmem:s6+$0x4080]  }
0x2d4: {  	s16 =	simm.s32 $0x7;
	v15 =	vld [tilespmem:s6+$0x5080]  }
0x2d5: {  	s17 =	simm.s32 $0x1;
	v13 =	vor.u32 s16, v0;
	v17 =	vld [tilespmem:s6+$0x4100]  }
0x2d6: {  	v16 =	vor.u32 s17, v0;
	s13 =	simm.s32 $0x0;
	v18 =	vld [tilespmem:s6+$0x5100]  }
0x2d7: {  	v14 =	vor.u32 s13, v0;
	v19 =	vld [tilespmem:s6+$0x4180];
	v8 =	vadd.s32 $0x8000, v8;
	v9 =	vadd.s32 $0x8000, v9  }
0x2d8: {  	v20 =	vld [tilespmem:s6+$0x5180];
	v10 =	vadd.s32 $0x8000, v10;
	v8 =	vshrl.u32 v8, $0x10;
	v9 =	vand.u32 $0xFFFF0000, v9  }
0x2d9: {  	s28 =	simm.s32 $0x2;
	v21 =	vld [tilespmem:s6+$0x5200];
	v11 =	vadd.s32 $0x8000, v11;
	v10 =	vshrl.u32 v10, $0x10;
	v8 =	vor.u32 v8, v9  }
0x2da: {  	v23 =	vld [tilespmem:s6+$0x4280];
	v9 =	vand.u32 $0xFFFF0000, v11;
	v11 =	vadd.s32 $0x8000, v12;
	v12 =	vor.u32 s28, v0;
	[tilespmem:v13+s26+$0x0] =	vst.idx.msk $0xffff, v8  }
0x2db: {  	s29 =	simm.s32 $0x3;
	v8 =	vor.u32 v10, v9;
	v9 =	vshrl.u32 v11, $0x10;
	v10 =	vadd.s32 $0x8000, v15;
	v11 =	vld [tilespmem:s6+$0x4390]  }
0x2dc: {  	v13 =	vadd.s32 $0x8000, v17;
	v15 =	vor.u32 s29, v0;
	v10 =	vand.u32 $0xFFFF0000, v10;
	v17 =	vld [tilespmem:s6+$0x5390]  }
0x2dd: {  	[tilespmem:v14+s26+$0x0] =	vst.idx.msk $0xffff, v8;
	v14 =	vld [tilespmem:s6+$0x5300];
	v9 =	vor.u32 v9, v10;
	v10 =	vshrl.u32 v13, $0x10;
	v13 =	vadd.s32 $0x8000, v18  }
0x2de: {  	v19 =	vadd.s32 $0x8000, v19;
	v20 =	vadd.s32 $0x8000, v20;
	v18 =	vld [tilespmem:s6+$0x4200];
	v13 =	vand.u32 $0xFFFF0000, v13  }
0x2df: {  	s10 =	simm.s32 $0x5;
	v19 =	vshrl.u32 v19, $0x10;
	v10 =	vor.u32 v10, v13;
	v13 =	vand.u32 $0xFFFF0000, v20;
	v20 =	vld [tilespmem:s6+$0x5280]  }
0x2e0: {  	v24 =	vor.u32 s16, v1;
	v25 =	vor.u32 s10, v0;
	s12 =	simm.s32 $0x4;
	s15 =	simm.s32 $0x6;
	[tilespmem:v16+s26+$0x0] =	vst.idx.msk $0xffff, v9;
	v13 =	vor.u32 v19, v13;
	v19 =	vld [tilespmem:s6+$0x4300]  }
0x2e1: {  	v22 =	vor.u32 s12, v0;
	v26 =	vor.u32 s15, v0;
	v21 =	vadd.s32 $0x8000, v21;
	[tilespmem:v12+s26+$0x0] =	vst.idx.msk $0xffff, v10;
	v12 =	vld [tilespmem:s6+$0x5090]  }
0x2e2: {  	v23 =	vadd.s32 $0x8000, v23;
	v11 =	vadd.s32 $0x8000, v11;
	v17 =	vadd.s32 $0x8000, v17;
	[tilespmem:v15+s26+$0x0] =	vst.idx.msk $0xffff, v13;
	v15 =	vld [tilespmem:s6+$0x5110]  }
0x2e3: {  	v8 =	vadd.s32 $0x8000, v18;
	v11 =	vshrl.u32 v11, $0x10;
	v17 =	vand.u32 $0xFFFF0000, v17;
	v18 =	vld [tilespmem:s6+$0x4010]  }
0x2e4: {  	v21 =	vand.u32 $0xFFFF0000, v21;
	v9 =	vor.u32 s13, v1;
	v11 =	vor.u32 v11, v17;
	v17 =	vld [tilespmem:s6+$0x5010]  }
0x2e5: {  	v14 =	vadd.s32 $0x8000, v14;
	v8 =	vshrl.u32 v8, $0x10;
	[tilespmem:v24+s26+$0x0] =	vst.idx.msk $0xffff, v11;
	v11 =	vshrl.u32 v23, $0x10;
	v23 =	vld [tilespmem:s6+$0x4090]  }
0x2e6: {  	v14 =	vand.u32 $0xFFFF0000, v14;
	v8 =	vor.u32 v8, v21;
	v20 =	vadd.s32 $0x8000, v20;
	v21 =	vld [tilespmem:s6+$0x43A0]  }
0x2e7: {  	v16 =	vand.u32 $0xFFFF0000, v20;
	v19 =	vadd.s32 $0x8000, v19;
	v20 =	vld [tilespmem:s6+$0x53A0];
	v12 =	vadd.s32 $0x8000, v12  }
0x2e8: {  	[tilespmem:v22+s26+$0x0] =	vst.idx.msk $0xffff, v8;
	v22 =	vld [tilespmem:s6+$0x5190];
	v11 =	vor.u32 v11, v16;
	v16 =	vshrl.u32 v19, $0x10;
	v10 =	vadd.s32 $0x8000, v18  }
0x2e9: {  	v19 =	vld [tilespmem:s6+$0x4110];
	v18 =	vor.u32 s17, v1;
	v14 =	vor.u32 v16, v14;
	v17 =	vadd.s32 $0x8000, v17  }
0x2ea: {  	v29 =	vld [tilespmem:s6+$0x5210];
	v16 =	vor.u32 s16, v2;
	v10 =	vshrl.u32 v10, $0x10;
	v13 =	vand.u32 $0xFFFF0000, v17  }
0x2eb: {  	v12 =	vand.u32 $0xFFFF0000, v12;
	v8 =	vadd.s32 $0x8000, v23;
	v23 =	vld [tilespmem:s6+$0x4210];
	v10 =	vor.u32 v10, v13  }
0x2ec: {  	v13 =	vld [tilespmem:s6+$0x4190];
	v21 =	vadd.s32 $0x8000, v21;
	v20 =	vadd.s32 $0x8000, v20;
	v8 =	vshrl.u32 v8, $0x10;
	[tilespmem:v9+s26+$0x0] =	vst.idx.msk $0xffff, v10  }
0x2ed: {  	[tilespmem:v25+s26+$0x0] =	vst.idx.msk $0xffff, v11;
	v21 =	vshrl.u32 v21, $0x10;
	v20 =	vand.u32 $0xFFFF0000, v20;
	v8 =	vor.u32 v8, v12;
	v32 =	vld [tilespmem:s6+$0x4020]  }
0x2ee: {  	v31 =	vor.u32 s16, v3;
	v15 =	vadd.s32 $0x8000, v15;
	v20 =	vor.u32 v21, v20;
	[tilespmem:v18+s26+$0x0] =	vst.idx.msk $0xffff, v8;
	v8 =	vld [tilespmem:s6+$0x5020]  }
0x2ef: {  	v11 =	vand.u32 $0xFFFF0000, v15;
	v17 =	vor.u32 s28, v1;
	v19 =	vadd.s32 $0x8000, v19;
	[tilespmem:v16+s26+$0x0] =	vst.idx.msk $0xffff, v20;
	v20 =	vld [tilespmem:s6+$0x4290]  }
0x2f0: {  	v15 =	vor.u32 s12, v1;
	v24 =	vadd.s32 $0x8000, v29;
	v12 =	vshrl.u32 v19, $0x10;
	v16 =	vld [tilespmem:s6+$0x43B0]  }
0x2f1: {  	v21 =	vor.u32 s29, v1;
	v10 =	vand.u32 $0xFFFF0000, v24;
	v11 =	vor.u32 v12, v11;
	v19 =	vld [tilespmem:s6+$0x53B0]  }
0x2f2: {  	[tilespmem:v26+s26+$0x0] =	vst.idx.msk $0xffff, v14;
	v14 =	vadd.s32 $0x8000, v23;
	v23 =	vor.u32 s10, v1;
	v13 =	vadd.s32 $0x8000, v13  }
0x2f3: {  	v14 =	vshrl.u32 v14, $0x10;
	v12 =	vshrl.u32 v13, $0x10;
	v13 =	vadd.s32 $0x8000, v22;
	v22 =	vld [tilespmem:s6+$0x5290]  }
0x2f4: {  	v30 =	vld [tilespmem:s6+$0x4310];
	[tilespmem:v17+s26+$0x0] =	vst.idx.msk $0xffff, v11;
	v10 =	vor.u32 v14, v10;
	v13 =	vand.u32 $0xFFFF0000, v13;
	v11 =	vadd.s32 $0x8000, v32  }
0x2f5: {  	v34 =	vld [tilespmem:s6+$0x4120];
	v8 =	vadd.s32 $0x8000, v8;
	v9 =	vor.u32 v12, v13;
	v18 =	vadd.s32 $0x8000, v20  }
0x2f6: {  	v12 =	vld [tilespmem:s6+$0x5310];
	v11 =	vshrl.u32 v11, $0x10;
	v14 =	vadd.s32 $0x8000, v16;
	v16 =	vadd.s32 $0x8000, v19  }
0x2f7: {  	v8 =	vand.u32 $0xFFFF0000, v8;
	v19 =	vld [tilespmem:s6+$0x40A0];
	[tilespmem:v21+s26+$0x0] =	vst.idx.msk $0xffff, v9;
	v14 =	vshrl.u32 v14, $0x10;
	v16 =	vand.u32 $0xFFFF0000, v16  }
0x2f8: {  	v8 =	vor.u32 v11, v8;
	v11 =	vld [tilespmem:s6+$0x51A0];
	v20 =	vadd.s32 $0x8000, v22;
	v14 =	vor.u32 v14, v16  }
0x2f9: {  	v18 =	vshrl.u32 v18, $0x10;
	v22 =	vld [tilespmem:s6+$0x50A0];
	v20 =	vand.u32 $0xFFFF0000, v20;
	[tilespmem:v31+s26+$0x0] =	vst.idx.msk $0xffff, v14  }
0x2fa: {  	v14 =	vor.u32 v18, v20;
	v20 =	vld [tilespmem:s6+$0x43C0]  }
0x2fb: {  	v25 =	vadd.s32 $0x8000, v30;
	[tilespmem:v15+s26+$0x0] =	vst.idx.msk $0xffff, v10;
	v16 =	vor.u32 s13, v2;
	v12 =	vadd.s32 $0x8000, v12;
	v33 =	vld [tilespmem:s6+$0x53C0]  }
0x2fc: {  	v35 =	vor.u32 s16, v4;
	v18 =	vshrl.u32 v25, $0x10;
	v12 =	vand.u32 $0xFFFF0000, v12;
	[tilespmem:v23+s26+$0x0] =	vst.idx.msk $0xffff, v14;
	v23 =	vld [tilespmem:s6+$0x5220]  }
0x2fd: {  	v39 =	vor.u32 s16, v5;
	v17 =	vor.u32 s17, v2;
	v12 =	vor.u32 v18, v12;
	v18 =	vld [tilespmem:s6+$0x5120]  }
0x2fe: {  	v43 =	vor.u32 s16, v6;
	v44 =	vor.u32 s10, v3;
	v9 =	vadd.s32 $0x8000, v19;
	v36 =	vld [tilespmem:s6+$0x42A0]  }
0x2ff: {  	v13 =	vor.u32 s15, v1;
	v9 =	vshrl.u32 v9, $0x10;
	v37 =	vld [tilespmem:s6+$0x52A0];
	v21 =	vadd.s32 $0x8000, v22  }
0x300: {  	v22 =	vld [tilespmem:s6+$0x41A0];
	[tilespmem:v16+s26+$0x0] =	vst.idx.msk $0xffff, v8;
	v10 =	vand.u32 $0xFFFF0000, v21;
	v20 =	vadd.s32 $0x8000, v20;
	v21 =	vadd.s32 $0x8000, v33  }
0x301: {  	v38 =	vld [tilespmem:s6+$0x4030];
	v9 =	vor.u32 v9, v10;
	v20 =	vshrl.u32 v20, $0x10;
	v21 =	vand.u32 $0xFFFF0000, v21  }
0x302: {  	v15 =	vor.u32 s29, v2;
	v14 =	vadd.s32 $0x8000, v34;
	v10 =	vld [tilespmem:s6+$0x4220];
	[tilespmem:v17+s26+$0x0] =	vst.idx.msk $0xffff, v9;
	v20 =	vor.u32 v20, v21  }
0x303: {  	v19 =	vor.u32 s28, v2;
	v14 =	vshrl.u32 v14, $0x10;
	v11 =	vadd.s32 $0x8000, v11;
	v9 =	vld [tilespmem:s6+$0x5030];
	[tilespmem:v35+s26+$0x0] =	vst.idx.msk $0xffff, v20  }
0x304: {  	[tilespmem:v13+s26+$0x0] =	vst.idx.msk $0xffff, v12;
	v11 =	vand.u32 $0xFFFF0000, v11;
	v12 =	vor.u32 s10, v2;
	v18 =	vadd.s32 $0x8000, v18;
	v20 =	vld [tilespmem:s6+$0x43D0]  }
0x305: {  	v25 =	vadd.s32 $0x8000, v37;
	v18 =	vand.u32 $0xFFFF0000, v18;
	v21 =	vadd.s32 $0x8000, v22;
	v13 =	vld [tilespmem:s6+$0x53D0]  }
0x306: {  	v22 =	vor.u32 s12, v2;
	v14 =	vor.u32 v14, v18;
	v18 =	vshrl.u32 v21, $0x10;
	v21 =	vld [tilespmem:s6+$0x4320]  }
0x307: {  	v10 =	vadd.s32 $0x8000, v10;
	v11 =	vor.u32 v18, v11;
	v18 =	vadd.s32 $0x8000, v23;
	v23 =	vld [tilespmem:s6+$0x5320]  }
0x308: {  	v40 =	vld [tilespmem:s6+$0x40B0];
	v10 =	vshrl.u32 v10, $0x10;
	v16 =	vand.u32 $0xFFFF0000, v18;
	v18 =	vadd.s32 $0x8000, v36  }
0x309: {  	[tilespmem:v19+s26+$0x0] =	vst.idx.msk $0xffff, v14;
	v14 =	vld [tilespmem:s6+$0x50B0];
	v18 =	vshrl.u32 v18, $0x10;
	v10 =	vor.u32 v10, v16;
	v16 =	vand.u32 $0xFFFF0000, v25  }
0x30a: {  	v41 =	vld [tilespmem:s6+$0x5130];
	v16 =	vor.u32 v18, v16;
	v18 =	vadd.s32 $0x8000, v20;
	v13 =	vadd.s32 $0x8000, v13  }
0x30b: {  	v17 =	vor.u32 s15, v2;
	[tilespmem:v22+s26+$0x0] =	vst.idx.msk $0xffff, v10;
	v20 =	vld [tilespmem:s6+$0x4130];
	v18 =	vshrl.u32 v18, $0x10;
	v13 =	vand.u32 $0xFFFF0000, v13  }
0x30c: {  	v19 =	vadd.s32 $0x8000, v21;
	v42 =	vld [tilespmem:s6+$0x4230];
	[tilespmem:v12+s26+$0x0] =	vst.idx.msk $0xffff, v16;
	v21 =	vadd.s32 $0x8000, v23;
	v13 =	vor.u32 v18, v13  }
0x30d: {  	v12 =	vld [tilespmem:s6+$0x5230];
	v19 =	vshrl.u32 v19, $0x10;
	v18 =	vadd.s32 $0x8000, v38;
	v21 =	vand.u32 $0xFFFF0000, v21;
	[tilespmem:v39+s26+$0x0] =	vst.idx.msk $0xffff, v13  }
0x30e: {  	v9 =	vadd.s32 $0x8000, v9;
	v13 =	vshrl.u32 v18, $0x10;
	v18 =	vor.u32 v19, v21;
	v19 =	vld [tilespmem:s6+$0x43E0]  }
0x30f: {  	v8 =	vor.u32 s13, v3;
	[tilespmem:v15+s26+$0x0] =	vst.idx.msk $0xffff, v11;
	v15 =	vor.u32 s28, v3;
	v9 =	vand.u32 $0xFFFF0000, v9;
	v21 =	vld [tilespmem:s6+$0x53E0]  }
0x310: {  	v23 =	vor.u32 s17, v3;
	v9 =	vor.u32 v13, v9;
	v13 =	vadd.s32 $0x8000, v14;
	v14 =	vld [tilespmem:s6+$0x41B0]  }
0x311: {  	v11 =	vadd.s32 $0x8000, v40;
	v10 =	vand.u32 $0xFFFF0000, v13;
	v13 =	vadd.s32 $0x8000, v20;
	v20 =	vld [tilespmem:s6+$0x51B0]  }
0x312: {  	v11 =	vshrl.u32 v11, $0x10;
	v22 =	vor.u32 s29, v3;
	v24 =	vadd.s32 $0x8000, v41;
	[tilespmem:v17+s26+$0x0] =	vst.idx.msk $0xffff, v18;
	v17 =	vld [tilespmem:s6+$0x52B0]  }
0x313: {  	v45 =	vld [tilespmem:s6+$0x5330];
	v13 =	vshrl.u32 v13, $0x10;
	v10 =	vor.u32 v11, v10;
	v11 =	vand.u32 $0xFFFF0000, v24  }
0x314: {  	v16 =	vor.u32 s12, v3;
	v12 =	vadd.s32 $0x8000, v12;
	[tilespmem:v8+s26+$0x0] =	vst.idx.msk $0xffff, v9;
	v11 =	vor.u32 v13, v11;
	v13 =	vld [tilespmem:s6+$0x42B0]  }
0x315: {  	[tilespmem:v23+s26+$0x0] =	vst.idx.msk $0xffff, v10;
	v10 =	vld [tilespmem:s6+$0x5040];
	v19 =	vadd.s32 $0x8000, v19;
	v21 =	vadd.s32 $0x8000, v21;
	v14 =	vadd.s32 $0x8000, v14  }
0x316: {  	[tilespmem:v15+s26+$0x0] =	vst.idx.msk $0xffff, v11;
	v11 =	vld [tilespmem:s6+$0x50C0];
	v18 =	vshrl.u32 v19, $0x10;
	v19 =	vand.u32 $0xFFFF0000, v21;
	v20 =	vadd.s32 $0x8000, v20  }
0x317: {  	v21 =	vld [tilespmem:s6+$0x4330];
	v18 =	vor.u32 v18, v19;
	v19 =	vand.u32 $0xFFFF0000, v20;
	v20 =	vadd.s32 $0x8000, v42  }
0x318: {  	v8 =	vand.u32 $0xFFFF0000, v12;
	v14 =	vshrl.u32 v14, $0x10;
	[tilespmem:v43+s26+$0x0] =	vst.idx.msk $0xffff, v18;
	v18 =	vshrl.u32 v20, $0x10;
	v20 =	vld [tilespmem:s6+$0x4040]  }
0x319: {  	v12 =	vor.u32 s15, v3;
	v15 =	vor.u32 s17, v4;
	v14 =	vor.u32 v14, v19;
	v19 =	vld [tilespmem:s6+$0x43F0]  }
0x31a: {  	v25 =	vadd.s32 $0x8000, v45;
	v9 =	vadd.s32 $0x8000, v13;
	v13 =	vld [tilespmem:s6+$0x53F0];
	v8 =	vor.u32 v18, v8  }
0x31b: {  	v18 =	vshrl.u32 v9, $0x10;
	v9 =	vadd.s32 $0x8000, v17;
	v17 =	vor.u32 s13, v4  }
0x31c: {  	v47 =	vld [tilespmem:s6+$0x4140];
	[tilespmem:v22+s26+$0x0] =	vst.idx.msk $0xffff, v14;
	v22 =	vadd.s32 $0x8000, v10;
	v11 =	vadd.s32 $0x8000, v11;
	v23 =	vand.u32 $0xFFFF0000, v9  }
0x31d: {  	[tilespmem:v16+s26+$0x0] =	vst.idx.msk $0xffff, v8;
	v8 =	vand.u32 $0xFFFF0000, v22;
	v16 =	vor.u32 s28, v4;
	v9 =	vadd.s32 $0x8000, v21;
	v21 =	vld [tilespmem:s6+$0x40C0]  }
0x31e: {  	v48 =	vld [tilespmem:s6+$0x41C0];
	v11 =	vand.u32 $0xFFFF0000, v11;
	v18 =	vor.u32 v18, v23;
	v23 =	vand.u32 $0xFFFF0000, v25  }
0x31f: {  	v14 =	vadd.s32 $0x8000, v20;
	v20 =	vld [tilespmem:s6+$0x5140];
	v19 =	vadd.s32 $0x8000, v19;
	v13 =	vadd.s32 $0x8000, v13  }
0x320: {  	v22 =	vld [tilespmem:s6+$0x5240];
	v14 =	vshrl.u32 v14, $0x10;
	v19 =	vshrl.u32 v19, $0x10;
	v13 =	vand.u32 $0xFFFF0000, v13  }
0x321: {  	v46 =	vshrl.u32 v9, $0x10;
	[tilespmem:v44+s26+$0x0] =	vst.idx.msk $0xffff, v18;
	v8 =	vor.u32 v14, v8;
	v10 =	vor.u32 v19, v13;
	v19 =	vld [tilespmem:s6+$0x51C0]  }
0x322: {  	v9 =	vor.u32 s16, v7;
	v23 =	vor.u32 v46, v23;
	v14 =	vld [tilespmem:s6+$0x4240];
	v13 =	vadd.s32 $0x8000, v21;
	[tilespmem:v17+s26+$0x0] =	vst.idx.msk $0xffff, v8  }
0x323: {  	v18 =	vadd.s32 $0x8000, v47;
	[tilespmem:v12+s26+$0x0] =	vst.idx.msk $0xffff, v23;
	v23 =	vor.u32 s12, v4;
	v13 =	vshrl.u32 v13, $0x10;
	v49 =	vld [tilespmem:s6+$0x4050]  }
0x324: {  	v11 =	vor.u32 v13, v11;
	v13 =	vshrl.u32 v18, $0x10;
	v18 =	vadd.s32 $0x8000, v20;
	v20 =	vld [tilespmem:s6+$0x42C0]  }
0x325: {  	v21 =	vor.u32 s29, v4;
	v12 =	vand.u32 $0xFFFF0000, v18;
	v18 =	vadd.s32 $0x8000, v48;
	[tilespmem:v15+s26+$0x0] =	vst.idx.msk $0xffff, v11;
	v11 =	vld [tilespmem:s6+$0x5050]  }
0x326: {  	v24 =	vld [tilespmem:s6+$0x52C0];
	v12 =	vor.u32 v13, v12;
	v13 =	vshrl.u32 v18, $0x10;
	v18 =	vadd.s32 $0x8000, v19  }
0x327: {  	v17 =	vor.u32 s10, v4;
	v14 =	vadd.s32 $0x8000, v14;
	v19 =	vld [tilespmem:s6+$0x4340];
	v8 =	vand.u32 $0xFFFF0000, v18  }
0x328: {  	[tilespmem:v16+s26+$0x0] =	vst.idx.msk $0xffff, v12;
	v12 =	vor.u32 s13, v5;
	v18 =	vld [tilespmem:s6+$0x5340];
	v8 =	vor.u32 v13, v8;
	v13 =	vshrl.u32 v14, $0x10  }
0x329: {  	v50 =	vld [tilespmem:s6+$0x4150];
	v14 =	vadd.s32 $0x8000, v22;
	v15 =	vadd.s32 $0x8000, v20;
	v20 =	vor.u32 s15, v4  }
0x32a: {  	v22 =	vld [tilespmem:s6+$0x40D0];
	v14 =	vand.u32 $0xFFFF0000, v14;
	[tilespmem:v21+s26+$0x0] =	vst.idx.msk $0xffff, v8;
	v8 =	vadd.s32 $0x8000, v49;
	v11 =	vadd.s32 $0x8000, v11  }
0x32b: {  	v16 =	vld [tilespmem:s6+$0x50D0];
	v13 =	vor.u32 v13, v14;
	v14 =	vshrl.u32 v15, $0x10;
	v15 =	vadd.s32 $0x8000, v24  }
0x32c: {  	v21 =	vld [tilespmem:s6+$0x5150];
	v8 =	vshrl.u32 v8, $0x10;
	v11 =	vand.u32 $0xFFFF0000, v11;
	v15 =	vand.u32 $0xFFFF0000, v15  }
0x32d: {  	v51 =	vld [tilespmem:s6+$0x41D0];
	v19 =	vadd.s32 $0x8000, v19;
	[tilespmem:v23+s26+$0x0] =	vst.idx.msk $0xffff, v13;
	v8 =	vor.u32 v8, v11;
	v14 =	vor.u32 v14, v15  }
0x32e: {  	v15 =	vshrl.u32 v19, $0x10;
	v18 =	vadd.s32 $0x8000, v18;
	v19 =	vor.u32 s17, v5;
	v23 =	vld [tilespmem:s6+$0x5250]  }
0x32f: {  	v18 =	vand.u32 $0xFFFF0000, v18;
	v13 =	vadd.s32 $0x8000, v22;
	v22 =	vld [tilespmem:s6+$0x51D0];
	[tilespmem:v17+s26+$0x0] =	vst.idx.msk $0xffff, v14;
	v14 =	vadd.s32 $0x8000, v50  }
0x330: {  	[tilespmem:v12+s26+$0x0] =	vst.idx.msk $0xffff, v8;
	v17 =	vor.u32 s29, v5;
	v11 =	vshrl.u32 v13, $0x10;
	v13 =	vadd.s32 $0x8000, v16;
	v16 =	vld [tilespmem:s6+$0x4250]  }
0x331: {  	v53 =	vld [tilespmem:s6+$0x4060];
	v15 =	vor.u32 v15, v18;
	v18 =	vor.u32 s28, v5;
	v13 =	vand.u32 $0xFFFF0000, v13  }
0x332: {  	v11 =	vor.u32 v11, v13;
	v13 =	vshrl.u32 v14, $0x10;
	v14 =	vadd.s32 $0x8000, v21;
	v21 =	vld [tilespmem:s6+$0x42D0]  }
0x333: {  	v52 =	vld [tilespmem:s6+$0x52D0];
	[tilespmem:v20+s26+$0x0] =	vst.idx.msk $0xffff, v15;
	v15 =	vadd.s32 $0x8000, v51;
	v20 =	vor.u32 s12, v5;
	v14 =	vand.u32 $0xFFFF0000, v14  }
0x334: {  	[tilespmem:v19+s26+$0x0] =	vst.idx.msk $0xffff, v11;
	v11 =	vld [tilespmem:s6+$0x5060];
	v13 =	vor.u32 v13, v14;
	v14 =	vshrl.u32 v15, $0x10;
	v15 =	vadd.s32 $0x8000, v22  }
0x335: {  	v22 =	vld [tilespmem:s6+$0x4350];
	v8 =	vand.u32 $0xFFFF0000, v15;
	v12 =	vadd.s32 $0x8000, v16;
	v15 =	vor.u32 s10, v5  }
0x336: {  	v16 =	vld [tilespmem:s6+$0x5350];
	[tilespmem:v18+s26+$0x0] =	vst.idx.msk $0xffff, v13;
	v13 =	vor.u32 s13, v6;
	v8 =	vor.u32 v14, v8;
	v14 =	vadd.s32 $0x8000, v23  }
0x337: {  	v12 =	vshrl.u32 v12, $0x10;
	v23 =	vld [tilespmem:s6+$0x40E0];
	v14 =	vand.u32 $0xFFFF0000, v14;
	v19 =	vadd.s32 $0x8000, v21  }
0x338: {  	v54 =	vld [tilespmem:s6+$0x4160];
	v21 =	vor.u32 s15, v5;
	[tilespmem:v17+s26+$0x0] =	vst.idx.msk $0xffff, v8;
	v8 =	vadd.s32 $0x8000, v53;
	v12 =	vor.u32 v12, v14  }
0x339: {  	v18 =	vld [tilespmem:s6+$0x50E0];
	v14 =	vshrl.u32 v19, $0x10;
	v19 =	vadd.s32 $0x8000, v52;
	v8 =	vshrl.u32 v8, $0x10  }
0x33a: {  	v11 =	vadd.s32 $0x8000, v11;
	v55 =	vld [tilespmem:s6+$0x41E0];
	v19 =	vand.u32 $0xFFFF0000, v19;
	v22 =	vadd.s32 $0x8000, v22  }
0x33b: {  	v11 =	vand.u32 $0xFFFF0000, v11;
	v14 =	vor.u32 v14, v19;
	v19 =	vshrl.u32 v22, $0x10;
	v22 =	vld [tilespmem:s6+$0x5160]  }
0x33c: {  	v17 =	vor.u32 s17, v6;
	[tilespmem:v20+s26+$0x0] =	vst.idx.msk $0xffff, v12;
	v20 =	vld [tilespmem:s6+$0x51E0];
	v16 =	vadd.s32 $0x8000, v16;
	v8 =	vor.u32 v8, v11  }
0x33d: {  	v16 =	vand.u32 $0xFFFF0000, v16;
	v12 =	vadd.s32 $0x8000, v23;
	[tilespmem:v15+s26+$0x0] =	vst.idx.msk $0xffff, v14;
	v14 =	vadd.s32 $0x8000, v54;
	v23 =	vld [tilespmem:s6+$0x5260]  }
0x33e: {  	v15 =	vor.u32 s29, v6;
	v11 =	vshrl.u32 v12, $0x10;
	v12 =	vadd.s32 $0x8000, v18;
	v18 =	vld [tilespmem:s6+$0x4260]  }
0x33f: {  	v16 =	vor.u32 v19, v16;
	v19 =	vor.u32 s28, v6;
	v56 =	vld [tilespmem:s6+$0x52E0];
	v12 =	vand.u32 $0xFFFF0000, v12  }
0x340: {  	[tilespmem:v13+s26+$0x0] =	vst.idx.msk $0xffff, v8;
	v11 =	vor.u32 v11, v12;
	v12 =	vshrl.u32 v14, $0x10;
	v14 =	vadd.s32 $0x8000, v22;
	v22 =	vld [tilespmem:s6+$0x42E0]  }
0x341: {  	v57 =	vld [tilespmem:s6+$0x4070];
	[tilespmem:v21+s26+$0x0] =	vst.idx.msk $0xffff, v16;
	v16 =	vadd.s32 $0x8000, v55;
	v21 =	vor.u32 s12, v6;
	v14 =	vand.u32 $0xFFFF0000, v14  }
0x342: {  	[tilespmem:v17+s26+$0x0] =	vst.idx.msk $0xffff, v11;
	v11 =	vld [tilespmem:s6+$0x5070];
	v12 =	vor.u32 v12, v14;
	v14 =	vshrl.u32 v16, $0x10;
	v16 =	vadd.s32 $0x8000, v20  }
0x343: {  	v20 =	vld [tilespmem:s6+$0x4360];
	v13 =	vadd.s32 $0x8000, v18;
	v8 =	vand.u32 $0xFFFF0000, v16;
	v16 =	vor.u32 s10, v6  }
0x344: {  	v18 =	vld [tilespmem:s6+$0x5360];
	v13 =	vshrl.u32 v13, $0x10;
	v8 =	vor.u32 v14, v8;
	v14 =	vadd.s32 $0x8000, v23  }
0x345: {  	[tilespmem:v19+s26+$0x0] =	vst.idx.msk $0xffff, v12;
	v12 =	vor.u32 s13, v7;
	v19 =	vld [tilespmem:s6+$0x50F0];
	v14 =	vand.u32 $0xFFFF0000, v14;
	v17 =	vadd.s32 $0x8000, v22  }
0x346: {  	v23 =	vld [tilespmem:s6+$0x40F0];
	v22 =	vor.u32 s15, v6;
	[tilespmem:v15+s26+$0x0] =	vst.idx.msk $0xffff, v8;
	v8 =	vadd.s32 $0x8000, v57;
	v15 =	vor.u32 s17, v7  }
0x347: {  	v58 =	vld [tilespmem:s6+$0x4170];
	v13 =	vor.u32 v13, v14;
	v14 =	vshrl.u32 v17, $0x10;
	v17 =	vadd.s32 $0x8000, v56  }
0x348: {  	v11 =	vadd.s32 $0x8000, v11;
	v59 =	vld [tilespmem:s6+$0x41F0];
	v17 =	vand.u32 $0xFFFF0000, v17;
	v20 =	vadd.s32 $0x8000, v20  }
0x349: {  	v18 =	vadd.s32 $0x8000, v18;
	v14 =	vor.u32 v14, v17;
	v17 =	vshrl.u32 v20, $0x10;
	v20 =	vld [tilespmem:s6+$0x5170]  }
0x34a: {  	v8 =	vshrl.u32 v8, $0x10;
	v11 =	vand.u32 $0xFFFF0000, v11;
	[tilespmem:v21+s26+$0x0] =	vst.idx.msk $0xffff, v13;
	v21 =	vld [tilespmem:s6+$0x51F0];
	v18 =	vand.u32 $0xFFFF0000, v18  }
0x34b: {  	v17 =	vor.u32 v17, v18;
	v13 =	vadd.s32 $0x8000, v23;
	v18 =	vor.u32 s28, v7;
	[tilespmem:v16+s26+$0x0] =	vst.idx.msk $0xffff, v14;
	v16 =	vld [tilespmem:s6+$0x5270]  }
0x34c: {  	v23 =	vor.u32 v8, v11;
	v11 =	vadd.s32 $0x8000, v19;
	v8 =	vshrl.u32 v13, $0x10;
	v13 =	vld [tilespmem:s6+$0x4270]  }
0x34d: {  	v14 =	vadd.s32 $0x8000, v58;
	v19 =	vor.u32 s29, v7;
	v11 =	vand.u32 $0xFFFF0000, v11  }
0x34e: {  	[tilespmem:v22+s26+$0x0] =	vst.idx.msk $0xffff, v17;
	v22 =	vor.u32 s12, v7;
	v17 =	vld [tilespmem:s6+$0x52F0];
	v60 =	vor.u32 v8, v11;
	v11 =	vadd.s32 $0x8000, v20  }
0x34f: {  	s30 =	simm.s32 $0x800;
	v8 =	vshrl.u32 v14, $0x10;
	v14 =	vadd.s32 $0x8000, v59;
	v62 =	vld [tilespmem:s6+$0x5370];
	v11 =	vand.u32 $0xFFFF0000, v11  }
0x350: {  	s7 =	sand.u32 $0x3FFFF000, s30;
	[tilespmem:v9+s26+$0x0] =	vst.idx.msk $0xffff, v10;
	v20 =	vld [tilespmem:s6+$0x42F0];
	v9 =	vadd.s32 $0x8000, v16;
	v61 =	vor.u32 v8, v11;
	v8 =	vadd.s32 $0x8000, v21  }
0x351: {  	s11 =	sadd.s32 $0x800, s7;
	v11 =	vshrl.u32 v14, $0x10;
	v21 =	vld [tilespmem:s6+$0x4370];
	v13 =	vadd.s32 $0x8000, v13;
	v14 =	vand.u32 $0xFFFF0000, v8  }
0x352: {  	[tilespmem:v12+s26+$0x0] =	vst.idx.msk $0xffff, v23;
	v12 =	vand.u32 $0xFFFF0000, v9;
	v9 =	vor.u32 s15, v7;
	v10 =	vor.u32 v11, v14;
	v11 =	vld [tilespmem:s11+$0x4380]  }
0x353: {  	[tilespmem:v15+s26+$0x0] =	vst.idx.msk $0xffff, v60;
	s6 =	simm.s32 $0x8;
	v17 =	vadd.s32 $0x8000, v17;
	v8 =	vor.u32 s10, v7;
	v13 =	vshrl.u32 v13, $0x10;
	v14 =	vld [tilespmem:s11+$0x5380]  }
0x354: {  	s7 =	simm.s32 $0x9;
	v16 =	vld [tilespmem:s11+$0x4000];
	s10 =	simm.s32 $0xF;
	v63 =	vand.u32 $0xFFFF0000, v17;
	v12 =	vor.u32 v13, v12;
	v13 =	vor.u32 s6, v0;
	[tilespmem:v19+s26+$0x0] =	vst.idx.msk $0xffff, v10  }
0x355: {  	s2 =	sshll.u32 s2, $0x5;
	v15 =	vld [tilespmem:s11+$0x5000];
	v20 =	vadd.s32 $0x8000, v20;
	v19 =	vor.u32 s10, v0;
	[tilespmem:v22+s26+$0x0] =	vst.idx.msk $0xffff, v12;
	v12 =	vor.u32 s7, v0  }
0x356: {  	s2 =	sor.u32 s5, s2;
	[tilespmem:v18+s26+$0x0] =	vst.idx.msk $0xffff, v61;
	v17 =	vld [tilespmem:s11+$0x4080];
	v23 =	vshrl.u32 v20, $0x10;
	v18 =	vadd.s32 $0x8000, v21;
	v21 =	vadd.s32 $0x8000, v62  }
0x357: {  	s2 =	smin.u32 s2, $0x1E83;
	s13 =	simm.s32 $0x10;
	s12 =	simm.s32 $0x800;
	v10 =	vor.u32 v23, v63;
	v20 =	vshrl.u32 v18, $0x10;
	v18 =	vld [tilespmem:s11+$0x5080];
	v21 =	vand.u32 $0xFFFF0000, v21  }
.LBB2_10:
0x358: {  	p1 =	slt.u32 s13, $0x18;
	v22 =	vld [tilespmem:s11+$0x4100];
	v11 =	vadd.s32 $0x8000, v11;
	v14 =	vadd.s32 $0x8000, v14;
	[tilespmem:v8+s26+$0x0] =	vst.idx.msk $0xffff, v10;
	v8 =	vor.u32 v20, v21  }
0x359: {  	v10 =	vadd.s32 $0x8000, v16;
	v16 =	vld [tilespmem:s11+$0x5100];
	v11 =	vshrl.u32 v11, $0x10;
	v14 =	vand.u32 $0xFFFF0000, v14;
	[tilespmem:v9+s26+$0x0] =	vst.idx.msk $0xffff, v8  }
0x35a: {  	s8 =	sadd.s32 $0x2, s6;
	v8 =	vshrl.u32 v10, $0x10;
	v9 =	vadd.s32 $0x8000, v15;
	v10 =	vld [tilespmem:s11+$0x4180];
	v11 =	vor.u32 v11, v14  }
0x35b: {  	v15 =	vor.u32 s8, v0;
	v9 =	vand.u32 $0xFFFF0000, v9;
	v14 =	vadd.s32 $0x8000, v17;
	v17 =	vld [tilespmem:s11+$0x5180];
	[tilespmem:v19+s26+$0x0] =	vst.idx.msk $0xffff, v11  }
0x35c: {  	s28 =	sadd.s32 $0x3, s6;
	v8 =	vor.u32 v8, v9;
	v9 =	vshrl.u32 v14, $0x10;
	v11 =	vadd.s32 $0x8000, v18;
	v14 =	vld [tilespmem:s11+$0x4390]  }
0x35d: {  	[tilespmem:v13+s26+$0x0] =	vst.idx.msk $0xffff, v8;
	v8 =	vand.u32 $0xFFFF0000, v11;
	v11 =	vadd.s32 $0x8000, v22;
	v13 =	vor.u32 s28, v0;
	v18 =	vld [tilespmem:s11+$0x5390]  }
0x35e: {  	s16 =	sadd.s32 $0x4, s6;
	v8 =	vor.u32 v9, v8;
	v9 =	vshrl.u32 v11, $0x10;
	v11 =	vadd.s32 $0x8000, v16;
	v16 =	vld [tilespmem:s11+$0x4200]  }
0x35f: {  	[tilespmem:v12+s26+$0x0] =	vst.idx.msk $0xffff, v8;
	v8 =	vand.u32 $0xFFFF0000, v11;
	v10 =	vadd.s32 $0x8000, v10;
	v11 =	vld [tilespmem:s11+$0x5200];
	v12 =	vor.u32 s16, v0  }
0x360: {  	s15 =	sadd.s32 $0x5, s6;
	v20 =	vor.u32 s10, v1;
	v10 =	vshrl.u32 v10, $0x10;
	v17 =	vadd.s32 $0x8000, v17;
	v19 =	vld [tilespmem:s11+$0x4280]  }
0x361: {  	v21 =	vor.u32 s15, v0;
	v8 =	vor.u32 v9, v8;
	v9 =	vand.u32 $0xFFFF0000, v17;
	v17 =	vld [tilespmem:s11+$0x5280]  }
0x362: {  	[tilespmem:v15+s26+$0x0] =	vst.idx.msk $0xffff, v8;
	v8 =	vor.u32 v10, v9;
	v9 =	vld [tilespmem:s11+$0x4300];
	v10 =	vadd.s32 $0x8000, v14;
	v14 =	vadd.s32 $0x8000, v18  }
0x363: {  	[tilespmem:v13+s26+$0x0] =	vst.idx.msk $0xffff, v8;
	v8 =	vadd.s32 $0x8000, v16;
	v13 =	vld [tilespmem:s11+$0x5300];
	v10 =	vshrl.u32 v10, $0x10;
	v14 =	vand.u32 $0xFFFF0000, v14  }
0x364: {  	s17 =	sadd.s32 $0x6, s6;
	v15 =	vld [tilespmem:s11+$0x4010];
	v8 =	vshrl.u32 v8, $0x10;
	v11 =	vadd.s32 $0x8000, v11;
	v10 =	vor.u32 v10, v14  }
0x365: {  	v18 =	vor.u32 s17, v0;
	v14 =	vld [tilespmem:s11+$0x5010];
	v11 =	vand.u32 $0xFFFF0000, v11;
	v16 =	vadd.s32 $0x8000, v19;
	[tilespmem:v20+s26+$0x0] =	vst.idx.msk $0xffff, v10  }
0x366: {  	v8 =	vor.u32 v8, v11;
	v10 =	vshrl.u32 v16, $0x10;
	v11 =	vadd.s32 $0x8000, v17;
	v16 =	vld [tilespmem:s11+$0x43A0]  }
0x367: {  	v17 =	vor.u32 s6, v1;
	[tilespmem:v12+s26+$0x0] =	vst.idx.msk $0xffff, v8;
	v8 =	vand.u32 $0xFFFF0000, v11;
	v9 =	vadd.s32 $0x8000, v9;
	v11 =	vld [tilespmem:s11+$0x53A0]  }
0x368: {  	v12 =	vld [tilespmem:s11+$0x4090];
	v8 =	vor.u32 v10, v8;
	v9 =	vshrl.u32 v9, $0x10;
	v10 =	vadd.s32 $0x8000, v13  }
0x369: {  	v19 =	vor.u32 s7, v1;
	v13 =	vadd.s32 $0x8000, v15;
	v15 =	vld [tilespmem:s11+$0x5090];
	[tilespmem:v21+s26+$0x0] =	vst.idx.msk $0xffff, v8;
	v8 =	vand.u32 $0xFFFF0000, v10  }
0x36a: {  	v10 =	vadd.s32 $0x8000, v14;
	v14 =	vld [tilespmem:s11+$0x4110];
	v8 =	vor.u32 v9, v8;
	v9 =	vor.u32 s10, v2  }
0x36b: {  	v21 =	vor.u32 s8, v1;
	v13 =	vshrl.u32 v13, $0x10;
	v10 =	vand.u32 $0xFFFF0000, v10;
	v20 =	vld [tilespmem:s11+$0x5110];
	[tilespmem:v18+s26+$0x0] =	vst.idx.msk $0xffff, v8  }
0x36c: {  	v8 =	vor.u32 v13, v10;
	v10 =	vld [tilespmem:s11+$0x4190];
	v13 =	vadd.s32 $0x8000, v16;
	v11 =	vadd.s32 $0x8000, v11  }
0x36d: {  	[tilespmem:v17+s26+$0x0] =	vst.idx.msk $0xffff, v8;
	v8 =	vadd.s32 $0x8000, v12;
	v12 =	vld [tilespmem:s11+$0x5190];
	v13 =	vshrl.u32 v13, $0x10;
	v11 =	vand.u32 $0xFFFF0000, v11  }
0x36e: {  	v8 =	vshrl.u32 v8, $0x10;
	v15 =	vadd.s32 $0x8000, v15;
	v16 =	vld [tilespmem:s11+$0x4210];
	v11 =	vor.u32 v13, v11  }
0x36f: {  	v13 =	vand.u32 $0xFFFF0000, v15;
	v14 =	vadd.s32 $0x8000, v14;
	v15 =	vor.u32 s28, v1;
	v17 =	vld [tilespmem:s11+$0x5210];
	[tilespmem:v9+s26+$0x0] =	vst.idx.msk $0xffff, v11  }
0x370: {  	v8 =	vor.u32 v8, v13;
	v9 =	vshrl.u32 v14, $0x10;
	v11 =	vadd.s32 $0x8000, v20;
	v13 =	vld [tilespmem:s11+$0x43B0]  }
0x371: {  	[tilespmem:v19+s26+$0x0] =	vst.idx.msk $0xffff, v8;
	v8 =	vand.u32 $0xFFFF0000, v11;
	v10 =	vadd.s32 $0x8000, v10;
	v11 =	vor.u32 s16, v1;
	v14 =	vld [tilespmem:s11+$0x53B0]  }
0x372: {  	v8 =	vor.u32 v9, v8;
	v9 =	vshrl.u32 v10, $0x10;
	v10 =	vadd.s32 $0x8000, v12;
	v12 =	vld [tilespmem:s11+$0x4290]  }
0x373: {  	v18 =	vor.u32 s15, v1;
	[tilespmem:v21+s26+$0x0] =	vst.idx.msk $0xffff, v8;
	v8 =	vand.u32 $0xFFFF0000, v10;
	v10 =	vadd.s32 $0x8000, v16;
	v16 =	vld [tilespmem:s11+$0x5290]  }
0x374: {  	v20 =	vor.u32 s10, v3;
	v10 =	vshrl.u32 v10, $0x10;
	v17 =	vadd.s32 $0x8000, v17;
	v19 =	vld [tilespmem:s11+$0x4310]  }
0x375: {  	v21 =	vor.u32 s17, v1;
	v8 =	vor.u32 v9, v8;
	v9 =	vand.u32 $0xFFFF0000, v17;
	v17 =	vld [tilespmem:s11+$0x5310]  }
0x376: {  	v22 =	vld [tilespmem:s11+$0x4020];
	[tilespmem:v15+s26+$0x0] =	vst.idx.msk $0xffff, v8;
	v8 =	vor.u32 v10, v9;
	v9 =	vadd.s32 $0x8000, v13;
	v10 =	vadd.s32 $0x8000, v14  }
0x377: {  	v13 =	vld [tilespmem:s11+$0x5020];
	[tilespmem:v11+s26+$0x0] =	vst.idx.msk $0xffff, v8;
	v8 =	vadd.s32 $0x8000, v12;
	v9 =	vshrl.u32 v9, $0x10;
	v10 =	vand.u32 $0xFFFF0000, v10  }
0x378: {  	v11 =	vld [tilespmem:s11+$0x40A0];
	v8 =	vshrl.u32 v8, $0x10;
	v12 =	vadd.s32 $0x8000, v16;
	v9 =	vor.u32 v9, v10  }
0x379: {  	v10 =	vor.u32 s6, v2;
	v14 =	vld [tilespmem:s11+$0x50A0];
	v12 =	vand.u32 $0xFFFF0000, v12;
	v15 =	vadd.s32 $0x8000, v19;
	[tilespmem:v20+s26+$0x0] =	vst.idx.msk $0xffff, v9  }
0x37a: {  	v8 =	vor.u32 v8, v12;
	v9 =	vshrl.u32 v15, $0x10;
	v12 =	vadd.s32 $0x8000, v17;
	v15 =	vld [tilespmem:s11+$0x43C0]  }
0x37b: {  	v17 =	vor.u32 s7, v2;
	v16 =	vadd.s32 $0x8000, v22;
	[tilespmem:v18+s26+$0x0] =	vst.idx.msk $0xffff, v8;
	v8 =	vand.u32 $0xFFFF0000, v12;
	v12 =	vld [tilespmem:s11+$0x53C0]  }
0x37c: {  	v16 =	vshrl.u32 v16, $0x10;
	v13 =	vadd.s32 $0x8000, v13;
	v18 =	vld [tilespmem:s11+$0x4120];
	v8 =	vor.u32 v9, v8  }
0x37d: {  	v19 =	vor.u32 s8, v2;
	v9 =	vand.u32 $0xFFFF0000, v13;
	v11 =	vadd.s32 $0x8000, v11;
	v13 =	vld [tilespmem:s11+$0x5120];
	[tilespmem:v21+s26+$0x0] =	vst.idx.msk $0xffff, v8  }
0x37e: {  	v20 =	vor.u32 s10, v4;
	v8 =	vshrl.u32 v11, $0x10;
	v11 =	vadd.s32 $0x8000, v14;
	v14 =	vld [tilespmem:s11+$0x41A0]  }
0x37f: {  	v21 =	vor.u32 s28, v2;
	v9 =	vor.u32 v16, v9;
	v11 =	vand.u32 $0xFFFF0000, v11;
	v16 =	vld [tilespmem:s11+$0x51A0]  }
0x380: {  	[tilespmem:v10+s26+$0x0] =	vst.idx.msk $0xffff, v9;
	v8 =	vor.u32 v8, v11;
	v9 =	vld [tilespmem:s11+$0x4220];
	v10 =	vadd.s32 $0x8000, v15;
	v11 =	vadd.s32 $0x8000, v12  }
0x381: {  	[tilespmem:v17+s26+$0x0] =	vst.idx.msk $0xffff, v8;
	v8 =	vadd.s32 $0x8000, v18;
	v12 =	vld [tilespmem:s11+$0x5220];
	v10 =	vshrl.u32 v10, $0x10;
	v11 =	vand.u32 $0xFFFF0000, v11  }
0x382: {  	v8 =	vshrl.u32 v8, $0x10;
	v13 =	vadd.s32 $0x8000, v13;
	v15 =	vld [tilespmem:s11+$0x42A0];
	v10 =	vor.u32 v10, v11  }
0x383: {  	v11 =	vand.u32 $0xFFFF0000, v13;
	v13 =	vadd.s32 $0x8000, v14;
	v14 =	vor.u32 s16, v2;
	v17 =	vld [tilespmem:s11+$0x52A0];
	[tilespmem:v20+s26+$0x0] =	vst.idx.msk $0xffff, v10  }
0x384: {  	v8 =	vor.u32 v8, v11;
	v10 =	vshrl.u32 v13, $0x10;
	v11 =	vadd.s32 $0x8000, v16;
	v13 =	vld [tilespmem:s11+$0x43D0]  }
0x385: {  	[tilespmem:v19+s26+$0x0] =	vst.idx.msk $0xffff, v8;
	v8 =	vand.u32 $0xFFFF0000, v11;
	v9 =	vadd.s32 $0x8000, v9;
	v11 =	vor.u32 s15, v2;
	v16 =	vld [tilespmem:s11+$0x53D0]  }
0x386: {  	v8 =	vor.u32 v10, v8;
	v9 =	vshrl.u32 v9, $0x10;
	v10 =	vadd.s32 $0x8000, v12;
	v12 =	vld [tilespmem:s11+$0x4320]  }
0x387: {  	v18 =	vor.u32 s6, v3;
	[tilespmem:v21+s26+$0x0] =	vst.idx.msk $0xffff, v8;
	v8 =	vand.u32 $0xFFFF0000, v10;
	v10 =	vadd.s32 $0x8000, v15;
	v15 =	vld [tilespmem:s11+$0x5320]  }
0x388: {  	v20 =	vor.u32 s10, v5;
	v19 =	vld [tilespmem:s11+$0x4030];
	v10 =	vshrl.u32 v10, $0x10;
	v17 =	vadd.s32 $0x8000, v17  }
0x389: {  	v8 =	vor.u32 v9, v8;
	v21 =	vld [tilespmem:s11+$0x5030];
	v9 =	vand.u32 $0xFFFF0000, v17;
	v17 =	vor.u32 s17, v2  }
0x38a: {  	v22 =	vld [tilespmem:s11+$0x40B0];
	[tilespmem:v14+s26+$0x0] =	vst.idx.msk $0xffff, v8;
	v8 =	vor.u32 v10, v9;
	v9 =	vadd.s32 $0x8000, v13;
	v10 =	vadd.s32 $0x8000, v16  }
0x38b: {  	v13 =	vld [tilespmem:s11+$0x50B0];
	[tilespmem:v11+s26+$0x0] =	vst.idx.msk $0xffff, v8;
	v8 =	vadd.s32 $0x8000, v12;
	v9 =	vshrl.u32 v9, $0x10;
	v10 =	vand.u32 $0xFFFF0000, v10  }
0x38c: {  	v11 =	vld [tilespmem:s11+$0x4130];
	v8 =	vshrl.u32 v8, $0x10;
	v12 =	vadd.s32 $0x8000, v15;
	v9 =	vor.u32 v9, v10  }
0x38d: {  	v14 =	vor.u32 s7, v3;
	v10 =	vadd.s32 $0x8000, v19;
	v15 =	vld [tilespmem:s11+$0x5130];
	v12 =	vand.u32 $0xFFFF0000, v12;
	[tilespmem:v20+s26+$0x0] =	vst.idx.msk $0xffff, v9  }
0x38e: {  	v9 =	vshrl.u32 v10, $0x10;
	v10 =	vadd.s32 $0x8000, v21;
	v8 =	vor.u32 v8, v12;
	v12 =	vld [tilespmem:s11+$0x43E0]  }
0x38f: {  	v19 =	vor.u32 s8, v3;
	v10 =	vand.u32 $0xFFFF0000, v10;
	v16 =	vadd.s32 $0x8000, v22;
	[tilespmem:v17+s26+$0x0] =	vst.idx.msk $0xffff, v8;
	v8 =	vld [tilespmem:s11+$0x53E0]  }
0x390: {  	v9 =	vor.u32 v9, v10;
	v10 =	vshrl.u32 v16, $0x10;
	v13 =	vadd.s32 $0x8000, v13;
	v16 =	vld [tilespmem:s11+$0x41B0]  }
0x391: {  	v17 =	vor.u32 s28, v3;
	[tilespmem:v18+s26+$0x0] =	vst.idx.msk $0xffff, v9;
	v9 =	vand.u32 $0xFFFF0000, v13;
	v11 =	vadd.s32 $0x8000, v11;
	v13 =	vld [tilespmem:s11+$0x51B0]  }
0x392: {  	v20 =	vor.u32 s10, v6;
	v11 =	vshrl.u32 v11, $0x10;
	v15 =	vadd.s32 $0x8000, v15;
	v18 =	vld [tilespmem:s11+$0x4230]  }
0x393: {  	v21 =	vor.u32 s16, v3;
	v9 =	vor.u32 v10, v9;
	v10 =	vand.u32 $0xFFFF0000, v15;
	v15 =	vld [tilespmem:s11+$0x5230]  }
0x394: {  	[tilespmem:v14+s26+$0x0] =	vst.idx.msk $0xffff, v9;
	v9 =	vor.u32 v11, v10;
	v10 =	vld [tilespmem:s11+$0x42B0];
	v11 =	vadd.s32 $0x8000, v12;
	v8 =	vadd.s32 $0x8000, v8  }
0x395: {  	[tilespmem:v19+s26+$0x0] =	vst.idx.msk $0xffff, v9;
	v9 =	vadd.s32 $0x8000, v16;
	v12 =	vld [tilespmem:s11+$0x52B0];
	v11 =	vshrl.u32 v11, $0x10;
	v8 =	vand.u32 $0xFFFF0000, v8  }
0x396: {  	v9 =	vshrl.u32 v9, $0x10;
	v13 =	vadd.s32 $0x8000, v13;
	v14 =	vld [tilespmem:s11+$0x4330];
	v8 =	vor.u32 v11, v8  }
0x397: {  	v16 =	vor.u32 s15, v3;
	v11 =	vand.u32 $0xFFFF0000, v13;
	v13 =	vadd.s32 $0x8000, v18;
	v18 =	vld [tilespmem:s11+$0x5330];
	[tilespmem:v20+s26+$0x0] =	vst.idx.msk $0xffff, v8  }
0x398: {  	v8 =	vor.u32 v9, v11;
	v9 =	vshrl.u32 v13, $0x10;
	v11 =	vadd.s32 $0x8000, v15;
	v13 =	vld [tilespmem:s11+$0x43F0]  }
0x399: {  	[tilespmem:v17+s26+$0x0] =	vst.idx.msk $0xffff, v8;
	v8 =	vand.u32 $0xFFFF0000, v11;
	v10 =	vadd.s32 $0x8000, v10;
	v11 =	vor.u32 s17, v3;
	v15 =	vld [tilespmem:s11+$0x53F0]  }
0x39a: {  	v17 =	vld [tilespmem:s11+$0x4040];
	v8 =	vor.u32 v9, v8;
	v9 =	vshrl.u32 v10, $0x10;
	v10 =	vadd.s32 $0x8000, v12  }
0x39b: {  	v19 =	vor.u32 s6, v4;
	v12 =	vld [tilespmem:s11+$0x5040];
	[tilespmem:v21+s26+$0x0] =	vst.idx.msk $0xffff, v8;
	v8 =	vand.u32 $0xFFFF0000, v10;
	v10 =	vadd.s32 $0x8000, v14  }
0x39c: {  	v20 =	vor.u32 s10, v7;
	v14 =	vld [tilespmem:s11+$0x40C0];
	v10 =	vshrl.u32 v10, $0x10;
	v18 =	vadd.s32 $0x8000, v18  }
0x39d: {  	v22 =	vor.u32 s7, v4;
	v8 =	vor.u32 v9, v8;
	v21 =	vld [tilespmem:s11+$0x50C0];
	v9 =	vand.u32 $0xFFFF0000, v18  }
0x39e: {  	v18 =	vld [tilespmem:s11+$0x4140];
	[tilespmem:v16+s26+$0x0] =	vst.idx.msk $0xffff, v8;
	v8 =	vor.u32 v10, v9;
	v9 =	vadd.s32 $0x8000, v13;
	v10 =	vadd.s32 $0x8000, v15  }
0x39f: {  	v13 =	vadd.s32 $0x8000, v17;
	v15 =	vld [tilespmem:s11+$0x5140];
	[tilespmem:v11+s26+$0x0] =	vst.idx.msk $0xffff, v8;
	v8 =	vshrl.u32 v9, $0x10;
	v9 =	vand.u32 $0xFFFF0000, v10  }
0x3a0: {  	v10 =	vshrl.u32 v13, $0x10;
	v11 =	vadd.s32 $0x8000, v12;
	v12 =	vld [tilespmem:s11+$0x41C0];
	v8 =	vor.u32 v8, v9  }
0x3a1: {  	v13 =	vor.u32 s8, v4;
	v9 =	vand.u32 $0xFFFF0000, v11;
	v11 =	vadd.s32 $0x8000, v14;
	v14 =	vld [tilespmem:s11+$0x51C0];
	[tilespmem:v20+s26+$0x0] =	vst.idx.msk $0xffff, v8  }
0x3a2: {  	v8 =	vor.u32 v10, v9;
	v9 =	vshrl.u32 v11, $0x10;
	v10 =	vadd.s32 $0x8000, v21;
	v11 =	vld [tilespmem:s11+$0x4240]  }
0x3a3: {  	v16 =	vor.u32 s28, v4;
	[tilespmem:v19+s26+$0x0] =	vst.idx.msk $0xffff, v8;
	v8 =	vand.u32 $0xFFFF0000, v10;
	v10 =	vadd.s32 $0x8000, v18;
	v17 =	vld [tilespmem:s11+$0x5240]  }
0x3a4: {  	v8 =	vor.u32 v9, v8;
	v9 =	vshrl.u32 v10, $0x10;
	v10 =	vadd.s32 $0x8000, v15;
	v15 =	vld [tilespmem:s11+$0x42C0]  }
0x3a5: {  	[tilespmem:v22+s26+$0x0] =	vst.idx.msk $0xffff, v8;
	v8 =	vand.u32 $0xFFFF0000, v10;
	v10 =	vadd.s32 $0x8000, v12;
	v12 =	vor.u32 s16, v4;
	v18 =	vld [tilespmem:s11+$0x52C0]  }
0x3a6: {  	v8 =	vor.u32 v9, v8;
	v9 =	vshrl.u32 v10, $0x10;
	v10 =	vadd.s32 $0x8000, v14;
	v14 =	vld [tilespmem:s11+$0x4340]  }
0x3a7: {  	[tilespmem:v13+s26+$0x0] =	vst.idx.msk $0xffff, v8;
	v8 =	vand.u32 $0xFFFF0000, v10;
	v10 =	vadd.s32 $0x8000, v11;
	v11 =	vor.u32 s15, v4;
	v13 =	vld [tilespmem:s11+$0x5340]  }
0x3a8: {  	v19 =	vld [tilespmem:s11+$0x4050];
	v8 =	vor.u32 v9, v8;
	v9 =	vshrl.u32 v10, $0x10;
	v10 =	vadd.s32 $0x8000, v17  }
0x3a9: {  	v17 =	vld [tilespmem:s11+$0x5050];
	[tilespmem:v16+s26+$0x0] =	vst.idx.msk $0xffff, v8;
	v8 =	vand.u32 $0xFFFF0000, v10;
	v10 =	vadd.s32 $0x8000, v15;
	v15 =	vor.u32 s17, v4  }
0x3aa: {  	v16 =	vld [tilespmem:s11+$0x40D0];
	v8 =	vor.u32 v9, v8;
	v9 =	vshrl.u32 v10, $0x10;
	v10 =	vadd.s32 $0x8000, v18  }
0x3ab: {  	v18 =	vor.u32 s6, v5;
	v20 =	vld [tilespmem:s11+$0x50D0];
	[tilespmem:v12+s26+$0x0] =	vst.idx.msk $0xffff, v8;
	v8 =	vand.u32 $0xFFFF0000, v10;
	v10 =	vadd.s32 $0x8000, v14  }
0x3ac: {  	v12 =	vld [tilespmem:s11+$0x4150];
	v8 =	vor.u32 v9, v8;
	v9 =	vshrl.u32 v10, $0x10;
	v10 =	vadd.s32 $0x8000, v13  }
0x3ad: {  	v14 =	vor.u32 s7, v5;
	v13 =	vadd.s32 $0x8000, v19;
	v19 =	vld [tilespmem:s11+$0x5150];
	[tilespmem:v11+s26+$0x0] =	vst.idx.msk $0xffff, v8;
	v8 =	vand.u32 $0xFFFF0000, v10  }
0x3ae: {  	v10 =	vshrl.u32 v13, $0x10;
	v11 =	vadd.s32 $0x8000, v17;
	v13 =	vld [tilespmem:s11+$0x41D0];
	v8 =	vor.u32 v9, v8  }
0x3af: {  	v9 =	vand.u32 $0xFFFF0000, v11;
	v11 =	vadd.s32 $0x8000, v16;
	v16 =	vor.u32 s8, v5;
	v17 =	vld [tilespmem:s11+$0x51D0];
	[tilespmem:v15+s26+$0x0] =	vst.idx.msk $0xffff, v8  }
0x3b0: {  	v8 =	vor.u32 v10, v9;
	v9 =	vshrl.u32 v11, $0x10;
	v10 =	vadd.s32 $0x8000, v20;
	v11 =	vld [tilespmem:s11+$0x4250]  }
0x3b1: {  	[tilespmem:v18+s26+$0x0] =	vst.idx.msk $0xffff, v8;
	v8 =	vand.u32 $0xFFFF0000, v10;
	v10 =	vadd.s32 $0x8000, v12;
	v12 =	vor.u32 s28, v5;
	v15 =	vld [tilespmem:s11+$0x5250]  }
0x3b2: {  	v8 =	vor.u32 v9, v8;
	v9 =	vshrl.u32 v10, $0x10;
	v10 =	vadd.s32 $0x8000, v19;
	v18 =	vld [tilespmem:s11+$0x42D0]  }
0x3b3: {  	[tilespmem:v14+s26+$0x0] =	vst.idx.msk $0xffff, v8;
	v8 =	vand.u32 $0xFFFF0000, v10;
	v10 =	vadd.s32 $0x8000, v13;
	v13 =	vor.u32 s16, v5;
	v14 =	vld [tilespmem:s11+$0x52D0]  }
0x3b4: {  	v8 =	vor.u32 v9, v8;
	v9 =	vshrl.u32 v10, $0x10;
	v10 =	vadd.s32 $0x8000, v17;
	v17 =	vld [tilespmem:s11+$0x4350]  }
0x3b5: {  	[tilespmem:v16+s26+$0x0] =	vst.idx.msk $0xffff, v8;
	v8 =	vand.u32 $0xFFFF0000, v10;
	v10 =	vadd.s32 $0x8000, v11;
	v11 =	vor.u32 s15, v5;
	v16 =	vld [tilespmem:s11+$0x5350]  }
0x3b6: {  	v19 =	vld [tilespmem:s11+$0x4060];
	v8 =	vor.u32 v9, v8;
	v9 =	vshrl.u32 v10, $0x10;
	v10 =	vadd.s32 $0x8000, v15  }
0x3b7: {  	v15 =	vld [tilespmem:s11+$0x5060];
	[tilespmem:v12+s26+$0x0] =	vst.idx.msk $0xffff, v8;
	v8 =	vand.u32 $0xFFFF0000, v10;
	v10 =	vadd.s32 $0x8000, v18;
	v12 =	vor.u32 s17, v5  }
0x3b8: {  	v18 =	vld [tilespmem:s11+$0x40E0];
	v8 =	vor.u32 v9, v8;
	v9 =	vshrl.u32 v10, $0x10;
	v10 =	vadd.s32 $0x8000, v14  }
0x3b9: {  	v14 =	vor.u32 s6, v6;
	v20 =	vld [tilespmem:s11+$0x50E0];
	[tilespmem:v13+s26+$0x0] =	vst.idx.msk $0xffff, v8;
	v8 =	vand.u32 $0xFFFF0000, v10;
	v10 =	vadd.s32 $0x8000, v17  }
0x3ba: {  	v13 =	vld [tilespmem:s11+$0x4160];
	v8 =	vor.u32 v9, v8;
	v9 =	vshrl.u32 v10, $0x10;
	v10 =	vadd.s32 $0x8000, v16  }
0x3bb: {  	v17 =	vor.u32 s7, v6;
	v16 =	vadd.s32 $0x8000, v19;
	v19 =	vld [tilespmem:s11+$0x5160];
	[tilespmem:v11+s26+$0x0] =	vst.idx.msk $0xffff, v8;
	v8 =	vand.u32 $0xFFFF0000, v10  }
0x3bc: {  	v10 =	vshrl.u32 v16, $0x10;
	v11 =	vadd.s32 $0x8000, v15;
	v15 =	vld [tilespmem:s11+$0x41E0];
	v8 =	vor.u32 v9, v8  }
0x3bd: {  	v16 =	vor.u32 s8, v6;
	v9 =	vand.u32 $0xFFFF0000, v11;
	v11 =	vadd.s32 $0x8000, v18;
	v18 =	vld [tilespmem:s11+$0x51E0];
	[tilespmem:v12+s26+$0x0] =	vst.idx.msk $0xffff, v8  }
0x3be: {  	v8 =	vor.u32 v10, v9;
	v9 =	vshrl.u32 v11, $0x10;
	v10 =	vadd.s32 $0x8000, v20;
	v11 =	vld [tilespmem:s11+$0x4260]  }
0x3bf: {  	v12 =	vor.u32 s28, v6;
	[tilespmem:v14+s26+$0x0] =	vst.idx.msk $0xffff, v8;
	v8 =	vand.u32 $0xFFFF0000, v10;
	v10 =	vadd.s32 $0x8000, v13;
	v13 =	vld [tilespmem:s11+$0x5260]  }
0x3c0: {  	v8 =	vor.u32 v9, v8;
	v9 =	vshrl.u32 v10, $0x10;
	v10 =	vadd.s32 $0x8000, v19;
	v14 =	vld [tilespmem:s11+$0x42E0]  }
0x3c1: {  	[tilespmem:v17+s26+$0x0] =	vst.idx.msk $0xffff, v8;
	v8 =	vand.u32 $0xFFFF0000, v10;
	v10 =	vadd.s32 $0x8000, v15;
	v15 =	vor.u32 s16, v6;
	v17 =	vld [tilespmem:s11+$0x52E0]  }
0x3c2: {  	v8 =	vor.u32 v9, v8;
	v9 =	vshrl.u32 v10, $0x10;
	v10 =	vadd.s32 $0x8000, v18;
	v18 =	vld [tilespmem:s11+$0x4360]  }
0x3c3: {  	[tilespmem:v16+s26+$0x0] =	vst.idx.msk $0xffff, v8;
	v8 =	vand.u32 $0xFFFF0000, v10;
	v10 =	vadd.s32 $0x8000, v11;
	v11 =	vor.u32 s15, v6;
	v16 =	vld [tilespmem:s11+$0x5360]  }
0x3c4: {  	v19 =	vld [tilespmem:s11+$0x4070];
	v8 =	vor.u32 v9, v8;
	v9 =	vshrl.u32 v10, $0x10;
	v10 =	vadd.s32 $0x8000, v13  }
0x3c5: {  	v13 =	vld [tilespmem:s11+$0x5070];
	[tilespmem:v12+s26+$0x0] =	vst.idx.msk $0xffff, v8;
	v8 =	vand.u32 $0xFFFF0000, v10;
	v10 =	vadd.s32 $0x8000, v14;
	v12 =	vor.u32 s17, v6  }
0x3c6: {  	v14 =	vld [tilespmem:s11+$0x40F0];
	v8 =	vor.u32 v9, v8;
	v9 =	vshrl.u32 v10, $0x10;
	v10 =	vadd.s32 $0x8000, v17  }
0x3c7: {  	v17 =	vor.u32 s6, v7;
	s6 =	smov.u32 s13;
	v20 =	vld [tilespmem:s11+$0x50F0];
	[tilespmem:v15+s26+$0x0] =	vst.idx.msk $0xffff, v8;
	v8 =	vand.u32 $0xFFFF0000, v10;
	v10 =	vadd.s32 $0x8000, v18  }
0x3c8: {  	v15 =	vld [tilespmem:s11+$0x4170];
	v8 =	vor.u32 v9, v8;
	v9 =	vshrl.u32 v10, $0x10;
	v10 =	vadd.s32 $0x8000, v16  }
0x3c9: {  	v18 =	vor.u32 s7, v7;
	v16 =	vadd.s32 $0x8000, v19;
	v19 =	vld [tilespmem:s11+$0x5170];
	[tilespmem:v11+s26+$0x0] =	vst.idx.msk $0xffff, v8;
	v8 =	vand.u32 $0xFFFF0000, v10  }
0x3ca: {  	v10 =	vshrl.u32 v16, $0x10;
	v11 =	vadd.s32 $0x8000, v13;
	v13 =	vld [tilespmem:s11+$0x41F0];
	v8 =	vor.u32 v9, v8  }
0x3cb: {  	v9 =	vand.u32 $0xFFFF0000, v11;
	v11 =	vadd.s32 $0x8000, v14;
	v14 =	vor.u32 s8, v7;
	v16 =	vld [tilespmem:s11+$0x51F0];
	[tilespmem:v12+s26+$0x0] =	vst.idx.msk $0xffff, v8  }
0x3cc: {  	v8 =	vor.u32 v10, v9;
	v9 =	vshrl.u32 v11, $0x10;
	v10 =	vadd.s32 $0x8000, v20;
	v11 =	vld [tilespmem:s11+$0x4270]  }
0x3cd: {  	v12 =	vor.u32 s28, v7;
	[tilespmem:v17+s26+$0x0] =	vst.idx.msk $0xffff, v8;
	v8 =	vand.u32 $0xFFFF0000, v10;
	v10 =	vadd.s32 $0x8000, v15;
	v15 =	vld [tilespmem:s11+$0x5270]  }
0x3ce: {  	v8 =	vor.u32 v9, v8;
	v9 =	vshrl.u32 v10, $0x10;
	v10 =	vadd.s32 $0x8000, v19;
	v17 =	vld [tilespmem:s11+$0x42F0]  }
0x3cf: {  	s7 =	sshll.u32 s13, $0x8;
	[tilespmem:v18+s26+$0x0] =	vst.idx.msk $0xffff, v8;
	v8 =	vand.u32 $0xFFFF0000, v10;
	v10 =	vadd.s32 $0x8000, v13;
	v18 =	vor.u32 s16, v7;
	v13 =	vld [tilespmem:s11+$0x52F0]  }
0x3d0: {  	s12 =	sadd.s32 $0x800, s12;
	s7 =	sand.u32 $0x3FFFF000, s7;
	v8 =	vor.u32 v9, v8;
	v9 =	vshrl.u32 v10, $0x10;
	v10 =	vadd.s32 $0x8000, v16;
	v19 =	vld [tilespmem:s11+$0x4370]  }
0x3d1: {  	[tilespmem:v14+s26+$0x0] =	vst.idx.msk $0xffff, v8;
	v10 =	vand.u32 $0xFFFF0000, v10;
	v14 =	vadd.s32 $0x8000, v11;
	v8 =	vor.u32 s15, v7;
	v21 =	vld [tilespmem:s11+$0x5370];
	s11 =	sadd.s32 s7, s12  }
0x3d2: {  	v11 =	vld [tilespmem:s11+$0x4380];
	v9 =	vor.u32 v9, v10;
	v10 =	vshrl.u32 v14, $0x10;
	v15 =	vadd.s32 $0x8000, v15  }
.Ltmp8:
0x3d3: {  	v14 =	vld [tilespmem:s11+$0x5380];
	[tilespmem:v12+s26+$0x0] =	vst.idx.msk $0xffff, v9;
	v12 =	vand.u32 $0xFFFF0000, v15;
	v15 =	vadd.s32 $0x8000, v17;
	v9 =	vor.u32 s17, v7;
	(pc) =	sbr.rel @p1 .LBB2_10-.Ltmp8, $4  }
0x3d4: {  	v16 =	vld [tilespmem:s11+$0x4000];
	v10 =	vor.u32 v10, v12;
	v22 =	vshrl.u32 v15, $0x10;
	v12 =	vadd.s32 $0x8000, v13  }
0x3d5: {  	s10 =	sadd.s32 $0x7, s13;
	v13 =	vor.u32 s13, v0;
	v15 =	vld [tilespmem:s11+$0x5000];
	[tilespmem:v18+s26+$0x0] =	vst.idx.msk $0xffff, v10;
	v10 =	vand.u32 $0xFFFF0000, v12;
	v12 =	vadd.s32 $0x8000, v19  }
0x3d6: {  	s7 =	sadd.s32 $0x1, s13;
	v19 =	vor.u32 s10, v0;
	v17 =	vld [tilespmem:s11+$0x4080];
	v20 =	vshrl.u32 v12, $0x10;
	v21 =	vadd.s32 $0x8000, v21  }
0x3d7: {  	s13 =	sadd.s32 $0x8, s13;
	v12 =	vor.u32 s7, v0;
	v10 =	vor.u32 v22, v10;
	v18 =	vld [tilespmem:s11+$0x5080];
	v21 =	vand.u32 $0xFFFF0000, v21  }
0x3d8: {  	v22 =	vld [tilespmem:s11+$0x4100]  }
0x3d9: {  	v23 =	vld [tilespmem:s11+$0x5100]  }
0x3da: {  	v24 =	vld [tilespmem:s11+$0x4180]  }
0x3db: {  	v11 =	vadd.s32 $0x8000, v11;
	v14 =	vadd.s32 $0x8000, v14;
	v63 =	vld [tilespmem:s11+$0x5180];
	v27 =	vor.u32 s10, v1  }
0x3dc: {  	s8 =	sadd.s32 $0x2, s6;
	v25 =	vld [tilespmem:s11+$0x4200];
	v56 =	vor.u32 s6, v1;
	v62 =	vor.u32 s10, v2;
	v11 =	vshrl.u32 v11, $0x10  }
0x3dd: {  	s12 =	sadd.s32 $0x3, s6;
	v41 =	vld [tilespmem:s11+$0x5200];
	s13 =	sadd.s32 $0x4, s6;
	s15 =	sadd.s32 $0x5, s6;
	v14 =	vand.u32 $0xFFFF0000, v14;
	v16 =	vadd.s32 $0x8000, v16;
	v34 =	vor.u32 s8, v0  }
0x3de: {  	v26 =	vld [tilespmem:s11+$0x4280];
	s16 =	sadd.s32 $0x6, s6;
	v38 =	vor.u32 s12, v0;
	v28 =	vor.u32 s13, v0;
	v45 =	vor.u32 s15, v0  }
0x3df: {  	v29 =	vld [tilespmem:s11+$0x5280];
	v50 =	vor.u32 s16, v0;
	v14 =	vor.u32 v11, v14;
	v15 =	vadd.s32 $0x8000, v15  }
0x3e0: {  	v44 =	vld [tilespmem:s11+$0x5300];
	v11 =	vor.u32 v20, v21;
	v16 =	vshrl.u32 v16, $0x10;
	v32 =	vand.u32 $0xFFFF0000, v15  }
0x3e1: {  	[tilespmem:v19+s26+$0x0] =	vst.idx.msk $0xffff, v14;
	v33 =	vadd.s32 $0x8000, v17;
	v14 =	vor.u32 v16, v32;
	v35 =	vadd.s32 $0x8000, v18  }
0x3e2: {  	v42 =	vld [tilespmem:s11+$0x4300];
	v15 =	vshrl.u32 v33, $0x10;
	v16 =	vand.u32 $0xFFFF0000, v35;
	v37 =	vadd.s32 $0x8000, v22  }
0x3e3: {  	v19 =	vld [tilespmem:s11+$0x4390];
	v40 =	vadd.s32 $0x8000, v23;
	v24 =	vadd.s32 $0x8000, v24;
	v20 =	vadd.s32 $0x8000, v63  }
0x3e4: {  	v36 =	vld [tilespmem:s11+$0x5390];
	[tilespmem:v13+s26+$0x0] =	vst.idx.msk $0xffff, v14;
	v25 =	vadd.s32 $0x8000, v25;
	v23 =	vadd.s32 $0x8000, v41;
	v49 =	vadd.s32 $0x8000, v26  }
0x3e5: {  	v54 =	vadd.s32 $0x8000, v29;
	v14 =	vadd.s32 $0x8000, v44;
	v15 =	vor.u32 v15, v16;
	v30 =	vld [tilespmem:s11+$0x4010]  }
0x3e6: {  	v63 =	vor.u32 s7, v1;
	v39 =	vshrl.u32 v37, $0x10;
	v21 =	vand.u32 $0xFFFF0000, v40;
	v47 =	vld [tilespmem:s11+$0x5010];
	[tilespmem:v12+s26+$0x0] =	vst.idx.msk $0xffff, v15  }
0x3e7: {  	v24 =	vshrl.u32 v24, $0x10;
	v43 =	vand.u32 $0xFFFF0000, v20;
	v16 =	vor.u32 v39, v21;
	v57 =	vld [tilespmem:s11+$0x4090]  }
0x3e8: {  	v46 =	vshrl.u32 v25, $0x10;
	v48 =	vand.u32 $0xFFFF0000, v23;
	v53 =	vshrl.u32 v49, $0x10;
	[tilespmem:v34+s26+$0x0] =	vst.idx.msk $0xffff, v16;
	v59 =	vld [tilespmem:s11+$0x5090]  }
0x3e9: {  	v14 =	vand.u32 $0xFFFF0000, v14;
	v37 =	vor.u32 s8, v1;
	v13 =	vor.u32 v24, v43;
	v61 =	vld [tilespmem:s11+$0x4110]  }
0x3ea: {  	v52 =	vor.u32 v46, v48;
	v21 =	vadd.s32 $0x8000, v42;
	v42 =	vor.u32 s12, v1;
	[tilespmem:v38+s26+$0x0] =	vst.idx.msk $0xffff, v13;
	v33 =	vld [tilespmem:s11+$0x5110]  }
0x3eb: {  	v58 =	vshrl.u32 v21, $0x10;
	v19 =	vadd.s32 $0x8000, v19;
	v18 =	vadd.s32 $0x8000, v36;
	v34 =	vld [tilespmem:s11+$0x4190]  }
0x3ec: {  	[tilespmem:v28+s26+$0x0] =	vst.idx.msk $0xffff, v52;
	v14 =	vor.u32 v58, v14;
	v36 =	vld [tilespmem:s11+$0x5190];
	v19 =	vshrl.u32 v19, $0x10;
	v18 =	vand.u32 $0xFFFF0000, v18  }
0x3ed: {  	v48 =	vor.u32 s13, v1;
	v38 =	vld [tilespmem:s11+$0x4210];
	[tilespmem:v50+s26+$0x0] =	vst.idx.msk $0xffff, v14;
	v18 =	vor.u32 v19, v18;
	v32 =	vadd.s32 $0x8000, v47  }
0x3ee: {  	v40 =	vld [tilespmem:s11+$0x5210];
	v60 =	vadd.s32 $0x8000, v30;
	[tilespmem:v27+s26+$0x0] =	vst.idx.msk $0xffff, v18;
	v18 =	vand.u32 $0xFFFF0000, v54;
	v35 =	vand.u32 $0xFFFF0000, v32  }
0x3ef: {  	v25 =	vld [tilespmem:s11+$0x4310];
	v15 =	vor.u32 v53, v18;
	v18 =	vshrl.u32 v60, $0x10;
	v27 =	vadd.s32 $0x8000, v57  }
0x3f0: {  	v51 =	vld [tilespmem:s11+$0x43A0];
	v17 =	vadd.s32 $0x8000, v59;
	v12 =	vor.u32 v18, v35;
	v39 =	vshrl.u32 v27, $0x10  }
0x3f1: {  	v55 =	vld [tilespmem:s11+$0x53A0];
	v17 =	vand.u32 $0xFFFF0000, v17;
	v41 =	vadd.s32 $0x8000, v61;
	v16 =	vadd.s32 $0x8000, v33  }
0x3f2: {  	v58 =	vld [tilespmem:s11+$0x5310];
	[tilespmem:v45+s26+$0x0] =	vst.idx.msk $0xffff, v15;
	v47 =	vadd.s32 $0x8000, v34;
	v52 =	vadd.s32 $0x8000, v36;
	v54 =	vadd.s32 $0x8000, v38  }
0x3f3: {  	v57 =	vadd.s32 $0x8000, v40;
	v44 =	vor.u32 v39, v17;
	v45 =	vshrl.u32 v41, $0x10;
	v49 =	vld [tilespmem:s11+$0x4290]  }
0x3f4: {  	v16 =	vand.u32 $0xFFFF0000, v16;
	v53 =	vld [tilespmem:s11+$0x5290];
	v17 =	vand.u32 $0xFFFF0000, v52;
	[tilespmem:v56+s26+$0x0] =	vst.idx.msk $0xffff, v12;
	v56 =	vor.u32 s15, v1  }
0x3f5: {  	v22 =	vshrl.u32 v54, $0x10;
	v60 =	vand.u32 $0xFFFF0000, v57;
	v41 =	vor.u32 s7, v2;
	v59 =	vld [tilespmem:s11+$0x4020]  }
0x3f6: {  	v50 =	vor.u32 v45, v16;
	[tilespmem:v63+s26+$0x0] =	vst.idx.msk $0xffff, v44;
	v61 =	vld [tilespmem:s11+$0x5020];
	v26 =	vadd.s32 $0x8000, v51;
	v19 =	vadd.s32 $0x8000, v55  }
0x3f7: {  	v13 =	vor.u32 v22, v60;
	v63 =	vld [tilespmem:s11+$0x40A0];
	[tilespmem:v37+s26+$0x0] =	vst.idx.msk $0xffff, v50;
	v26 =	vshrl.u32 v26, $0x10;
	v19 =	vand.u32 $0xFFFF0000, v19  }
0x3f8: {  	v35 =	vadd.s32 $0x8000, v25;
	v39 =	vadd.s32 $0x8000, v58;
	v34 =	vld [tilespmem:s11+$0x50A0];
	[tilespmem:v48+s26+$0x0] =	vst.idx.msk $0xffff, v13;
	v19 =	vor.u32 v26, v19  }
0x3f9: {  	v38 =	vshrl.u32 v35, $0x10;
	v22 =	vand.u32 $0xFFFF0000, v39;
	v48 =	vor.u32 s8, v2;
	v28 =	vld [tilespmem:s11+$0x4120];
	[tilespmem:v62+s26+$0x0] =	vst.idx.msk $0xffff, v19  }
0x3fa: {  	v39 =	vor.u32 s10, v5;
	v51 =	vshrl.u32 v47, $0x10;
	v55 =	vor.u32 s10, v3;
	v43 =	vld [tilespmem:s11+$0x43B0]  }
0x3fb: {  	v47 =	vor.u32 s10, v4;
	v16 =	vor.u32 v51, v17;
	v24 =	vadd.s32 $0x8000, v49;
	v46 =	vld [tilespmem:s11+$0x53B0]  }
0x3fc: {  	v44 =	vld [tilespmem:s11+$0x5120];
	v33 =	vshrl.u32 v24, $0x10;
	v19 =	vadd.s32 $0x8000, v53;
	v17 =	vadd.s32 $0x8000, v59  }
0x3fd: {  	v52 =	vld [tilespmem:s11+$0x4220];
	v15 =	vadd.s32 $0x8000, v61;
	v61 =	vor.u32 s13, v2;
	v19 =	vand.u32 $0xFFFF0000, v19  }
0x3fe: {  	v54 =	vld [tilespmem:s11+$0x5220];
	[tilespmem:v42+s26+$0x0] =	vst.idx.msk $0xffff, v16;
	v45 =	vadd.s32 $0x8000, v63;
	v50 =	vadd.s32 $0x8000, v34;
	v37 =	vor.u32 v33, v19  }
0x3ff: {  	v51 =	vld [tilespmem:s11+$0x51A0];
	v42 =	vshrl.u32 v17, $0x10;
	v49 =	vshrl.u32 v45, $0x10;
	v53 =	vand.u32 $0xFFFF0000, v50;
	[tilespmem:v56+s26+$0x0] =	vst.idx.msk $0xffff, v37  }
0x400: {  	v12 =	vor.u32 v49, v53;
	v57 =	vld [tilespmem:s11+$0x42A0];
	v27 =	vadd.s32 $0x8000, v43;
	v18 =	vadd.s32 $0x8000, v46  }
0x401: {  	v28 =	vadd.s32 $0x8000, v28;
	v59 =	vld [tilespmem:s11+$0x52A0];
	[tilespmem:v41+s26+$0x0] =	vst.idx.msk $0xffff, v12;
	v62 =	vshrl.u32 v27, $0x10;
	v18 =	vand.u32 $0xFFFF0000, v18  }
0x402: {  	v19 =	vadd.s32 $0x8000, v44;
	v44 =	vld [tilespmem:s11+$0x40B0];
	v27 =	vor.u32 s16, v1;
	v18 =	vor.u32 v62, v18  }
0x403: {  	v15 =	vand.u32 $0xFFFF0000, v15;
	v58 =	vshrl.u32 v28, $0x10;
	v19 =	vand.u32 $0xFFFF0000, v19;
	v46 =	vld [tilespmem:s11+$0x41A0];
	[tilespmem:v55+s26+$0x0] =	vst.idx.msk $0xffff, v18  }
0x404: {  	v34 =	vor.u32 s15, v2;
	v63 =	vor.u32 v58, v19;
	v18 =	vor.u32 s6, v2;
	v36 =	vld [tilespmem:s11+$0x43C0]  }
0x405: {  	v15 =	vor.u32 v42, v15;
	v16 =	vadd.s32 $0x8000, v52;
	v14 =	vadd.s32 $0x8000, v54;
	[tilespmem:v48+s26+$0x0] =	vst.idx.msk $0xffff, v63;
	v40 =	vld [tilespmem:s11+$0x53C0]  }
0x406: {  	v54 =	vor.u32 s7, v3;
	v56 =	vor.u32 s12, v2;
	v43 =	vor.u32 v38, v22;
	v50 =	vld [tilespmem:s11+$0x4130]  }
0x407: {  	v16 =	vshrl.u32 v16, $0x10;
	v49 =	vor.u32 s16, v2;
	v32 =	vadd.s32 $0x8000, v51;
	v52 =	vld [tilespmem:s11+$0x5130];
	[tilespmem:v27+s26+$0x0] =	vst.idx.msk $0xffff, v43  }
0x408: {  	v19 =	vor.u32 s6, v3;
	v20 =	vand.u32 $0xFFFF0000, v32;
	v60 =	vadd.s32 $0x8000, v46;
	v27 =	vld [tilespmem:s11+$0x4320]  }
0x409: {  	v37 =	vadd.s32 $0x8000, v57;
	v31 =	vshrl.u32 v60, $0x10;
	[tilespmem:v18+s26+$0x0] =	vst.idx.msk $0xffff, v15;
	v25 =	vadd.s32 $0x8000, v36;
	v36 =	vld [tilespmem:s11+$0x5320]  }
0x40a: {  	v42 =	vadd.s32 $0x8000, v59;
	v35 =	vor.u32 v31, v20;
	v24 =	vadd.s32 $0x8000, v40;
	v38 =	vld [tilespmem:s11+$0x4030]  }
0x40b: {  	v59 =	vor.u32 s8, v3;
	[tilespmem:v56+s26+$0x0] =	vst.idx.msk $0xffff, v35;
	v43 =	vld [tilespmem:s11+$0x5030];
	v55 =	vshrl.u32 v25, $0x10;
	v24 =	vand.u32 $0xFFFF0000, v24  }
0x40c: {  	v41 =	vshrl.u32 v37, $0x10;
	v46 =	vand.u32 $0xFFFF0000, v42;
	v63 =	vld [tilespmem:s11+$0x51B0];
	v21 =	vor.u32 v55, v24  }
0x40d: {  	v32 =	vadd.s32 $0x8000, v50;
	v13 =	vor.u32 v41, v46;
	v40 =	vand.u32 $0xFFFF0000, v14;
	v25 =	vld [tilespmem:s11+$0x41B0];
	[tilespmem:v47+s26+$0x0] =	vst.idx.msk $0xffff, v21  }
0x40e: {  	v50 =	vor.u32 s16, v3;
	[tilespmem:v34+s26+$0x0] =	vst.idx.msk $0xffff, v13;
	v34 =	vor.u32 s12, v3;
	v12 =	vor.u32 v16, v40;
	v62 =	vld [tilespmem:s11+$0x43D0]  }
0x40f: {  	v16 =	vadd.s32 $0x8000, v44;
	v40 =	vor.u32 s13, v3;
	v27 =	vadd.s32 $0x8000, v27;
	v33 =	vld [tilespmem:s11+$0x53D0]  }
0x410: {  	[tilespmem:v61+s26+$0x0] =	vst.idx.msk $0xffff, v12;
	v61 =	vshrl.u32 v16, $0x10;
	v12 =	vor.u32 s10, v7;
	v47 =	vld [tilespmem:s11+$0x50B0];
	v51 =	vshrl.u32 v27, $0x10  }
0x411: {  	v22 =	vld [tilespmem:s11+$0x4230];
	v18 =	vadd.s32 $0x8000, v36;
	v53 =	vadd.s32 $0x8000, v38;
	v57 =	vadd.s32 $0x8000, v43  }
0x412: {  	v35 =	vld [tilespmem:s11+$0x5230];
	v17 =	vadd.s32 $0x8000, v63;
	v18 =	vand.u32 $0xFFFF0000, v18;
	v56 =	vshrl.u32 v53, $0x10  }
0x413: {  	v36 =	vld [tilespmem:s11+$0x42B0];
	v25 =	vadd.s32 $0x8000, v25;
	v17 =	vand.u32 $0xFFFF0000, v17;
	v14 =	vor.u32 v51, v18  }
0x414: {  	v38 =	vld [tilespmem:s11+$0x52B0];
	v42 =	vshrl.u32 v25, $0x10;
	[tilespmem:v49+s26+$0x0] =	vst.idx.msk $0xffff, v14;
	v45 =	vadd.s32 $0x8000, v62;
	v21 =	vadd.s32 $0x8000, v33  }
0x415: {  	v17 =	vor.u32 v42, v17;
	v41 =	vld [tilespmem:s11+$0x4330];
	v48 =	vshrl.u32 v45, $0x10;
	v21 =	vand.u32 $0xFFFF0000, v21  }
0x416: {  	v44 =	vadd.s32 $0x8000, v22;
	v62 =	vadd.s32 $0x8000, v47;
	v43 =	vld [tilespmem:s11+$0x5330];
	[tilespmem:v34+s26+$0x0] =	vst.idx.msk $0xffff, v17;
	v20 =	vor.u32 v48, v21  }
0x417: {  	v33 =	vor.u32 s10, v6;
	v16 =	vand.u32 $0xFFFF0000, v62;
	v48 =	vadd.s32 $0x8000, v35;
	v35 =	vld [tilespmem:s11+$0x41C0];
	[tilespmem:v39+s26+$0x0] =	vst.idx.msk $0xffff, v20  }
0x418: {  	v47 =	vshrl.u32 v44, $0x10;
	v45 =	vor.u32 s15, v3;
	v15 =	vor.u32 v61, v16;
	v55 =	vld [tilespmem:s11+$0x43E0]  }
0x419: {  	v21 =	vadd.s32 $0x8000, v52;
	v16 =	vadd.s32 $0x8000, v36;
	v20 =	vand.u32 $0xFFFF0000, v57;
	[tilespmem:v54+s26+$0x0] =	vst.idx.msk $0xffff, v15;
	v58 =	vld [tilespmem:s11+$0x53E0]  }
0x41a: {  	v37 =	vand.u32 $0xFFFF0000, v21;
	v60 =	vor.u32 v56, v20;
	v20 =	vshrl.u32 v32, $0x10;
	v61 =	vld [tilespmem:s11+$0x50C0]  }
0x41b: {  	v53 =	vadd.s32 $0x8000, v38;
	v16 =	vshrl.u32 v16, $0x10;
	v14 =	vor.u32 v20, v37;
	[tilespmem:v19+s26+$0x0] =	vst.idx.msk $0xffff, v60;
	v37 =	vld [tilespmem:s11+$0x51C0]  }
0x41c: {  	v56 =	vand.u32 $0xFFFF0000, v53;
	v57 =	vadd.s32 $0x8000, v41;
	v60 =	vadd.s32 $0x8000, v43;
	v51 =	vld [tilespmem:s11+$0x4040]  }
0x41d: {  	v16 =	vor.u32 v16, v56;
	v54 =	vld [tilespmem:s11+$0x5040];
	[tilespmem:v59+s26+$0x0] =	vst.idx.msk $0xffff, v14;
	v59 =	vshrl.u32 v57, $0x10;
	v24 =	vand.u32 $0xFFFF0000, v60  }
0x41e: {  	v62 =	vor.u32 s7, v4;
	[tilespmem:v45+s26+$0x0] =	vst.idx.msk $0xffff, v16;
	v45 =	vor.u32 s12, v4;
	v63 =	vld [tilespmem:s11+$0x4140];
	v14 =	vor.u32 v59, v24  }
0x41f: {  	[tilespmem:v50+s26+$0x0] =	vst.idx.msk $0xffff, v14;
	v29 =	vadd.s32 $0x8000, v55;
	v18 =	vadd.s32 $0x8000, v58;
	v55 =	vor.u32 s6, v4;
	v58 =	vld [tilespmem:s11+$0x40C0]  }
0x420: {  	v42 =	vadd.s32 $0x8000, v61;
	v53 =	vld [tilespmem:s11+$0x4340];
	v39 =	vshrl.u32 v29, $0x10;
	v18 =	vand.u32 $0xFFFF0000, v18  }
0x421: {  	v34 =	vld [tilespmem:s11+$0x5140];
	v18 =	vor.u32 v39, v18;
	v23 =	vadd.s32 $0x8000, v51;
	v39 =	vor.u32 s8, v4  }
0x422: {  	v56 =	vld [tilespmem:s11+$0x5340];
	v51 =	vadd.s32 $0x8000, v35;
	[tilespmem:v33+s26+$0x0] =	vst.idx.msk $0xffff, v18;
	v18 =	vand.u32 $0xFFFF0000, v48;
	v36 =	vshrl.u32 v23, $0x10  }
0x423: {  	v44 =	vadd.s32 $0x8000, v63;
	v46 =	vld [tilespmem:s11+$0x43F0];
	v52 =	vor.u32 v47, v18;
	v18 =	vadd.s32 $0x8000, v54  }
0x424: {  	v49 =	vld [tilespmem:s11+$0x53F0];
	v48 =	vshrl.u32 v44, $0x10;
	v18 =	vand.u32 $0xFFFF0000, v18;
	v38 =	vadd.s32 $0x8000, v58  }
0x425: {  	v50 =	vld [tilespmem:s11+$0x52C0];
	[tilespmem:v40+s26+$0x0] =	vst.idx.msk $0xffff, v52;
	v52 =	vor.u32 s13, v4;
	v58 =	vor.u32 s15, v4;
	v24 =	vadd.s32 $0x8000, v53  }
0x426: {  	v40 =	vld [tilespmem:s11+$0x4240];
	v15 =	vor.u32 v36, v18;
	v41 =	vshrl.u32 v38, $0x10;
	v18 =	vand.u32 $0xFFFF0000, v42  }
0x427: {  	v43 =	vld [tilespmem:s11+$0x5240];
	v42 =	vadd.s32 $0x8000, v56;
	v56 =	vor.u32 s12, v5;
	v47 =	vor.u32 v41, v18;
	[tilespmem:v55+s26+$0x0] =	vst.idx.msk $0xffff, v15  }
0x428: {  	v55 =	vshrl.u32 v51, $0x10;
	v41 =	vshrl.u32 v24, $0x10;
	v59 =	vld [tilespmem:s11+$0x4050];
	v32 =	vadd.s32 $0x8000, v46  }
0x429: {  	v63 =	vld [tilespmem:s11+$0x5050];
	v33 =	vadd.s32 $0x8000, v49;
	v49 =	vadd.s32 $0x8000, v34;
	v13 =	vshrl.u32 v32, $0x10  }
0x42a: {  	v46 =	vld [tilespmem:s11+$0x42C0];
	v17 =	vand.u32 $0xFFFF0000, v33;
	v18 =	vand.u32 $0xFFFF0000, v49;
	v33 =	vor.u32 s16, v4  }
0x42b: {  	[tilespmem:v62+s26+$0x0] =	vst.idx.msk $0xffff, v47;
	v13 =	vor.u32 v13, v17;
	v54 =	vor.u32 v48, v18;
	v17 =	vadd.s32 $0x8000, v37  }
0x42c: {  	v34 =	vld [tilespmem:s11+$0x40D0];
	v57 =	vadd.s32 $0x8000, v40;
	v62 =	vadd.s32 $0x8000, v43;
	v37 =	vadd.s32 $0x8000, v50  }
0x42d: {  	v38 =	vld [tilespmem:s11+$0x50D0];
	v50 =	vor.u32 s8, v5;
	v17 =	vand.u32 $0xFFFF0000, v17;
	v61 =	vshrl.u32 v57, $0x10;
	[tilespmem:v39+s26+$0x0] =	vst.idx.msk $0xffff, v54  }
0x42e: {  	v39 =	vor.u32 s6, v5;
	v60 =	vor.u32 v55, v17;
	v17 =	vand.u32 $0xFFFF0000, v62;
	v26 =	vld [tilespmem:s11+$0x4150]  }
0x42f: {  	v43 =	vld [tilespmem:s11+$0x5150];
	v44 =	vadd.s32 $0x8000, v59;
	v20 =	vadd.s32 $0x8000, v63;
	v32 =	vadd.s32 $0x8000, v46;
	[tilespmem:v45+s26+$0x0] =	vst.idx.msk $0xffff, v60  }
0x430: {  	v35 =	vor.u32 v61, v17;
	v17 =	vand.u32 $0xFFFF0000, v37;
	v45 =	vor.u32 s7, v5;
	v46 =	vld [tilespmem:s11+$0x41D0]  }
0x431: {  	v47 =	vshrl.u32 v44, $0x10;
	v20 =	vand.u32 $0xFFFF0000, v20;
	v36 =	vshrl.u32 v32, $0x10;
	[tilespmem:v52+s26+$0x0] =	vst.idx.msk $0xffff, v35;
	v48 =	vld [tilespmem:s11+$0x51D0]  }
0x432: {  	v49 =	vadd.s32 $0x8000, v34;
	v19 =	vadd.s32 $0x8000, v38;
	v40 =	vor.u32 v36, v17;
	v51 =	vld [tilespmem:s11+$0x4250]  }
0x433: {  	v61 =	vor.u32 s13, v5;
	v52 =	vor.u32 v47, v20;
	v53 =	vshrl.u32 v49, $0x10;
	v54 =	vld [tilespmem:s11+$0x5250];
	[tilespmem:v58+s26+$0x0] =	vst.idx.msk $0xffff, v40  }
0x434: {  	v19 =	vand.u32 $0xFFFF0000, v19;
	v35 =	vor.u32 s15, v5;
	v17 =	vand.u32 $0xFFFF0000, v42;
	v57 =	vld [tilespmem:s11+$0x42D0]  }
0x435: {  	v15 =	vor.u32 v53, v19;
	[tilespmem:v39+s26+$0x0] =	vst.idx.msk $0xffff, v52;
	v55 =	vadd.s32 $0x8000, v26;
	v18 =	vadd.s32 $0x8000, v43;
	v59 =	vld [tilespmem:s11+$0x52D0]  }
0x436: {  	v16 =	vor.u32 v41, v17;
	v36 =	vld [tilespmem:s11+$0x4060];
	v58 =	vshrl.u32 v55, $0x10;
	v18 =	vand.u32 $0xFFFF0000, v18  }
0x437: {  	v42 =	vor.u32 s16, v5;
	[tilespmem:v33+s26+$0x0] =	vst.idx.msk $0xffff, v16;
	v40 =	vld [tilespmem:s11+$0x5060];
	v60 =	vadd.s32 $0x8000, v46;
	v63 =	vor.u32 v58, v18  }
0x438: {  	v62 =	vld [tilespmem:s11+$0x4350];
	v17 =	vadd.s32 $0x8000, v48;
	v48 =	vor.u32 s6, v6;
	v32 =	vshrl.u32 v60, $0x10  }
0x439: {  	v33 =	vld [tilespmem:s11+$0x5350];
	[tilespmem:v45+s26+$0x0] =	vst.idx.msk $0xffff, v15;
	v17 =	vand.u32 $0xFFFF0000, v17;
	v34 =	vadd.s32 $0x8000, v51;
	v39 =	vadd.s32 $0x8000, v54  }
0x43a: {  	v43 =	vld [tilespmem:s11+$0x40E0];
	v37 =	vor.u32 v32, v17;
	v38 =	vshrl.u32 v34, $0x10;
	v17 =	vand.u32 $0xFFFF0000, v39  }
0x43b: {  	v47 =	vld [tilespmem:s11+$0x50E0];
	[tilespmem:v50+s26+$0x0] =	vst.idx.msk $0xffff, v63;
	v41 =	vadd.s32 $0x8000, v57;
	v44 =	vor.u32 v38, v17;
	v46 =	vadd.s32 $0x8000, v59  }
0x43c: {  	v50 =	vld [tilespmem:s11+$0x4160];
	[tilespmem:v56+s26+$0x0] =	vst.idx.msk $0xffff, v37;
	v55 =	vadd.s32 $0x8000, v36;
	v56 =	vor.u32 s7, v6;
	v20 =	vadd.s32 $0x8000, v40  }
0x43d: {  	v54 =	vld [tilespmem:s11+$0x5160];
	v38 =	vor.u32 s13, v6;
	v45 =	vshrl.u32 v41, $0x10;
	v17 =	vand.u32 $0xFFFF0000, v46  }
0x43e: {  	v49 =	vadd.s32 $0x8000, v62;
	v53 =	vadd.s32 $0x8000, v33;
	v57 =	vld [tilespmem:s11+$0x41E0];
	v58 =	vshrl.u32 v55, $0x10  }
0x43f: {  	[tilespmem:v61+s26+$0x0] =	vst.idx.msk $0xffff, v44;
	v59 =	vld [tilespmem:s11+$0x51E0];
	v20 =	vand.u32 $0xFFFF0000, v20;
	v61 =	vor.u32 s8, v6;
	v33 =	vor.u32 s12, v6  }
0x440: {  	v44 =	vor.u32 s15, v6;
	v51 =	vor.u32 v45, v17;
	v52 =	vshrl.u32 v49, $0x10;
	v27 =	vld [tilespmem:s11+$0x4260]  }
0x441: {  	v17 =	vand.u32 $0xFFFF0000, v53;
	v60 =	vadd.s32 $0x8000, v43;
	v14 =	vor.u32 v58, v20;
	v63 =	vld [tilespmem:s11+$0x5260];
	[tilespmem:v35+s26+$0x0] =	vst.idx.msk $0xffff, v51  }
0x442: {  	v19 =	vadd.s32 $0x8000, v47;
	v16 =	vor.u32 v52, v17;
	v62 =	vshrl.u32 v60, $0x10;
	v34 =	vld [tilespmem:s11+$0x42E0]  }
0x443: {  	v19 =	vand.u32 $0xFFFF0000, v19;
	[tilespmem:v48+s26+$0x0] =	vst.idx.msk $0xffff, v14;
	v32 =	vadd.s32 $0x8000, v50;
	v18 =	vadd.s32 $0x8000, v54;
	v36 =	vld [tilespmem:s11+$0x52E0]  }
0x444: {  	v51 =	vor.u32 s16, v6;
	v45 =	vld [tilespmem:s11+$0x4070];
	v35 =	vshrl.u32 v32, $0x10;
	v18 =	vand.u32 $0xFFFF0000, v18  }
0x445: {  	[tilespmem:v42+s26+$0x0] =	vst.idx.msk $0xffff, v16;
	v15 =	vor.u32 v62, v19;
	v49 =	vld [tilespmem:s11+$0x5070];
	v37 =	vadd.s32 $0x8000, v57;
	v40 =	vor.u32 v35, v18  }
0x446: {  	v39 =	vld [tilespmem:s11+$0x4360];
	v17 =	vadd.s32 $0x8000, v59;
	v57 =	vor.u32 s6, v7;
	v41 =	vshrl.u32 v37, $0x10  }
0x447: {  	v42 =	vld [tilespmem:s11+$0x5360];
	[tilespmem:v56+s26+$0x0] =	vst.idx.msk $0xffff, v15;
	v17 =	vand.u32 $0xFFFF0000, v17;
	v43 =	vadd.s32 $0x8000, v27;
	v48 =	vadd.s32 $0x8000, v63  }
0x448: {  	v52 =	vld [tilespmem:s11+$0x40F0];
	v46 =	vor.u32 v41, v17;
	v47 =	vshrl.u32 v43, $0x10;
	v17 =	vand.u32 $0xFFFF0000, v48  }
0x449: {  	v56 =	vld [tilespmem:s11+$0x50F0];
	[tilespmem:v61+s26+$0x0] =	vst.idx.msk $0xffff, v40;
	v43 =	vor.u32 s12, v7;
	v48 =	vor.u32 s13, v7;
	v50 =	vadd.s32 $0x8000, v34  }
0x44a: {  	v59 =	vld [tilespmem:s11+$0x4170];
	v53 =	vor.u32 v47, v17;
	v55 =	vadd.s32 $0x8000, v36;
	v32 =	vadd.s32 $0x8000, v45  }
0x44b: {  	v63 =	vld [tilespmem:s11+$0x5170];
	[tilespmem:v33+s26+$0x0] =	vst.idx.msk $0xffff, v46;
	v33 =	vor.u32 s7, v7;
	v20 =	vadd.s32 $0x8000, v49;
	v54 =	vshrl.u32 v50, $0x10  }
0x44c: {  	v17 =	vand.u32 $0xFFFF0000, v55;
	v58 =	vadd.s32 $0x8000, v39;
	v62 =	vadd.s32 $0x8000, v42;
	v34 =	vld [tilespmem:s11+$0x41F0]  }
0x44d: {  	[tilespmem:v38+s26+$0x0] =	vst.idx.msk $0xffff, v53;
	v35 =	vshrl.u32 v32, $0x10;
	v36 =	vld [tilespmem:s11+$0x51F0];
	v20 =	vand.u32 $0xFFFF0000, v20;
	v38 =	vor.u32 s8, v7  }
0x44e: {  	v60 =	vor.u32 v54, v17;
	v61 =	vshrl.u32 v58, $0x10;
	v17 =	vand.u32 $0xFFFF0000, v62;
	v39 =	vld [tilespmem:s11+$0x4270]  }
0x44f: {  	v37 =	vadd.s32 $0x8000, v52;
	v14 =	vor.u32 v35, v20;
	v19 =	vadd.s32 $0x8000, v56;
	v41 =	vld [tilespmem:s11+$0x5270];
	[tilespmem:v44+s26+$0x0] =	vst.idx.msk $0xffff, v60  }
0x450: {  	v54 =	vor.u32 s15, v7;
	v58 =	vor.u32 s16, v7;
	v16 =	vor.u32 v61, v17;
	v44 =	vld [tilespmem:s11+$0x42F0]  }
0x451: {  	v40 =	vshrl.u32 v37, $0x10;
	v19 =	vand.u32 $0xFFFF0000, v19;
	v42 =	vadd.s32 $0x8000, v59;
	[tilespmem:v51+s26+$0x0] =	vst.idx.msk $0xffff, v16;
	v46 =	vld [tilespmem:s11+$0x52F0]  }
0x452: {  	[tilespmem:v8+s26+$0x0] =	vst.idx.msk $0xffff, v10;
	v15 =	vor.u32 v40, v19;
	v18 =	vadd.s32 $0x8000, v63;
	v45 =	vshrl.u32 v42, $0x10;
	v49 =	vld [tilespmem:s11+$0x4370]  }
0x453: {  	[tilespmem:v9+s26+$0x0] =	vst.idx.msk $0xffff, v11;
	v8 =	vand.u32 $0xFFFF0000, v18;
	v52 =	vld [tilespmem:s11+$0x5370];
	v47 =	vadd.s32 $0x8000, v34;
	v51 =	vadd.s32 $0x8000, v36  }
0x454: {  	[tilespmem:v12+s26+$0x0] =	vst.idx.msk $0xffff, v13;
	v8 =	vor.u32 v45, v8;
	v50 =	vshrl.u32 v47, $0x10;
	v10 =	vand.u32 $0xFFFF0000, v51  }
0x455: {  	[tilespmem:v57+s26+$0x0] =	vst.idx.msk $0xffff, v14;
	v53 =	vadd.s32 $0x8000, v39;
	v56 =	vadd.s32 $0x8000, v41;
	v9 =	vor.u32 v50, v10  }
0x456: {  	[tilespmem:v33+s26+$0x0] =	vst.idx.msk $0xffff, v15;
	v55 =	vshrl.u32 v53, $0x10;
	v12 =	vand.u32 $0xFFFF0000, v56;
	v57 =	vadd.s32 $0x8000, v44  }
0x457: {  	[tilespmem:v38+s26+$0x0] =	vst.idx.msk $0xffff, v8;
	v8 =	vor.u32 v55, v12;
	v60 =	vadd.s32 $0x8000, v46;
	v59 =	vshrl.u32 v57, $0x10  }
.Ltmp9:
0x458: {  	[tilespmem:v43+s26+$0x0] =	vst.idx.msk $0xffff, v9;
	v61 =	vand.u32 $0xFFFF0000, v60;
	v62 =	vadd.s32 $0x8000, v49;
	v11 =	vadd.s32 $0x8000, v52;
	(pc) =	sbr.rel .LBB2_12-.Ltmp9, $4  }
0x459: {  	[tilespmem:v48+s26+$0x0] =	vst.idx.msk $0xffff, v8;
	v8 =	vshrl.u32 v62, $0x10;
	v9 =	vor.u32 v59, v61;
	v63 =	vand.u32 $0xFFFF0000, v11  }
0x45a: {  	s2 =	sshll.u32 s2, $0x9;
	[tilespmem:v54+s26+$0x0] =	vst.idx.msk $0xffff, v9;
	v8 =	vor.u32 v8, v63  }
0x45b: {  	s2 =	sadd.s32 s4, s2;
	[tilespmem:v58+s26+$0x0] =	vst.idx.msk $0xffff, v8  }
0x45c: {  	[hbm4b:s2+s3] =	stream.linear.scatter [tilespmem:s26], [sflag:$0x4], $0x1000, $0x38;
	[tilespmem:$0xC800] =	vst v63  }
.LBB2_14:
0x45d: {  	_ =	sfence.sel $0x180000  }
0x45e: {  	[bflag:$0x0] =	sbarrier.arrive $0xFFFF  }
0x45f: {  	_ =	strace $0x90000047  }
0x460: {  	s0 =	stileid.u32;
	[bflag:$0x2] =	sbarrier.arrive $0xFFFF  }
0x461: {  	p0 =	sne.s32 s0, $0x0;
	s0 =	rddreg [dreg:$0x2]  }
0x462: {  	s0 =	sadd.s32 @!p0 $0x100000, s0  }
0x463: {  	[sflag:s0] =	ssyncadd.tile.s32 @!p0 $0x1;
	_ =	shalt  }
.Lfunc_end2:
_tile_overlayer_lowered:
.L_overlay_start_2:
0x464: {  	(tag) =	ssettag $0x2  }
0x465: {  	s0 =	rddreg [dreg:$0x0];
	s2 =	stileid.u32  }
0x466: {  	s1 =	rddreg [dreg:$0x1];
	p0 =	sne.s32 s2, $0x0  }
0x467: {  	s3 =	rddreg [dreg:$0x2];
	[bflag:$0x3] =	sbarrier.arrive $0xFFFF;
	s2 =	simm.s32 @!p0 $0x1C05  }
0x468: {  	[timem:s3], [sflag:s2] =	dma.local @!p0 [hbm:s0], s1  }
0x469: {  	s0 =	simm.s32 @!p0 $0x5  }
0x46a: {  	_ =	swait.ge @!p0 [sflag:s0], s1  }
0x46b: {  	s1 =	ssub.s32 @!p0 $0x0, s1;
	[sflag:s0] =	ssyncset.done @!p0 $0x0  }
0x46c: {  	[sflag:s0] =	ssyncadd.s32 @!p0 s1  }
0x46d: {  	[bflag:$0x3] =	sbarrier.arrive $0xFFFF  }
0x46e: {  	_ =	shalt  }

// kernel: kernel.7.cloned.1.call-start
scs
__scs_entry_jumppad:
0x0: {  	(pc) =	sbr.rel $0x88, $3  }
0x1: {  	(tag) =	ssettag $0x0;
	lr =	simm.s32 $0x1  }
0x2: {  	[smem:$0x3F9F] =	sst lr;
	_ =	strace $0xD0000000  }
0x3: {  	_ = 	snop  }
0x4: {  	_ = 	snop  }
0x5: {  	_ = 	snop  }
0x6: {  	_ = 	snop  }
0x7: {  	_ = 	snop  }
__scs_overlays_trampoline_lowered:
0x8: {  	[smem:$0x3FAE] =	sst s0  }
0x9: {  	[smem:$0x3FAF] =	sst s1  }
0xa: {  	[smem:$0x3FB0] =	sst s2  }
0xb: {  	[smem:$0x3FB1] =	sst s3  }
0xc: {  	[smem:$0x3FB2] =	sst s4  }
0xd: {  	[smem:$0x3FB3] =	sst s5  }
0xe: {  	[smem:$0x3FB4] =	sst s6  }
0xf: {  	[smem:$0x3FB5] =	sst s7  }
0x10: {  	[smem:$0x3FB6] =	sst s8  }
0x11: {  	[smem:$0x3FB7] =	sst s9;
	s0 =	simm.s32 @!p0 $0x0  }
0x12: {  	s1 =	sld [smem:$0x3F9D];
	s0 =	simm.s32 @p0 $0x1  }
0x13: {  	[smem:$0x3FB8] =	sst s0;
	s0 =	simm.s32 @!p1 $0x0  }
0x14: {  	s2 =	sld [smem:$0x3F9C];
	s0 =	simm.s32 @p1 $0x1  }
0x15: {  	[smem:$0x3FB9] =	sst s0;
	s0 =	simm.s32 @!p2 $0x0  }
0x16: {  	s3 =	sld [smem:$0x3FDB];
	s0 =	simm.s32 @p2 $0x1  }
0x17: {  	s4 =	simm.s32 $0x1BF5;
	[smem:$0x3FBB] =	sst s0  }
0x18: {  	s0 =	sld [smem:$0x3F9E];
	_ =	swait.ge [sflag:s4], $0x0  }
0x19: {  	s7 =	sld [smem:$0x3F9F]  }
0x1a: {  	s8 =	sadd.s32 $0xFFFFE003, lr  }
0x1b: {  	s9 =	sadd.s32 $0xFFFFFEF7, lr;
	s5 =	simm.s32 $0xFFFFFFFF;
	p2 =	slt.u32 s8, $0xFFFFF086  }
0x1c: {  	p1 =	slt.u32 s9, $0xF7A;
	s5 =	simm.s32 @!p2 $0x0  }
0x1d: {  	s5 =	simm.s32 @p1 $0x1;
	p0 =	seq.s32 s7, s2  }
0x1e: {  	s7 =	smul.u32 @!p0 $0xF7A, s2;
	p2 =	seq.s32 @!p0 s5, $0x0  }
0x1f: {  	s9 =	smul.u32 $0xF7A, s1;
	s8 =	simm.s32 @!p0 $0x1BF5;
	p2 =	por !p2, p0  }
0x20: {  	[sflag:s8] =	ssyncset.s32 @!p0 $0xFFFFF086;
	s6 =	sadd.s32 @!p0 s3, s7;
	s7 =	simm.s32 @!p0 $0x108  }
0x21: {  	s3 =	sadd.s32 s3, s9;
	s6 =	sadd.s32 @!p0 $0x88, s6;
	s7 =	simm.s32 @p2 $0x1082  }
0x22: {  	[simem:s7], [sflag:s8] =	dma.local @!p0 [hbm:s6], $0xF7A  }
0x23: {  	s9 =	sor.u32 $0xD0000000, s2;
	s6 =	simm.s32 $0x108;
	_ =	swait.ge @!p0 [sflag:s8], $0x0  }
0x24: {  	s3 =	sadd.s32 $0x88, s3;
	s6 =	simm.s32 @!p1 $0x1082;
	[sflag:s4] =	ssyncset.s32 $0xFFFFF086  }
0x25: {  	[simem:s6], [sflag:s4] =	dma.local [hbm:s3], $0xF7A  }
0x26: {  	[smem:$0x3F9F] =	sst s1;
	(tag) =	ssettag s2;
	_ =	strace s9  }
0x27: {  	s1 =	sld [smem:$0x3FAF]  }
0x28: {  	s2 =	sld [smem:$0x3FB0]  }
0x29: {  	s4 =	sld [smem:$0x3FB2]  }
0x2a: {  	p0 =	seq.s32 s5, $0x0;
	s5 =	sld [smem:$0x3FB3]  }
0x2b: {  	s6 =	sld [smem:$0x3FB4]  }
0x2c: {  	s7 =	sld [smem:$0x3FB5]  }
0x2d: {  	s3 =	simm.s32 $0x108;
	s8 =	sld [smem:$0x3FB6]  }
0x2e: {  	s3 =	simm.s32 @!p0 $0x1082;
	s9 =	sld [smem:$0x3FB7]  }
0x2f: {  	lr =	sadd.s32 s0, s3;
	s0 =	sld [smem:$0x3FAE]  }
0x30: {  	s3 =	sld [smem:$0x3FB1]  }
0x31: {  	[smem:$0x3FBA] =	sst s10  }
0x32: {  	s10 =	sld [smem:$0x3FB8];
	_ =	sdelay $0x3  }
0x33: {  	p0 =	seq.s32 s10, $0x1;
	s10 =	sld [smem:$0x3FBA];
	_ =	sdelay $0x3  }
0x34: {  	[smem:$0x3FBA] =	sst s10  }
0x35: {  	s10 =	sld [smem:$0x3FB9];
	_ =	sdelay $0x3  }
0x36: {  	p1 =	seq.s32 s10, $0x1;
	s10 =	sld [smem:$0x3FBA];
	_ =	sdelay $0x3  }
0x37: {  	[smem:$0x3FBA] =	sst s10  }
0x38: {  	s10 =	sld [smem:$0x3FBB]  }
0x39: {  	_ = 	snop;
	(pc) =	sbr.ind lr, $3  }
0x3a: {  	_ = 	snop  }
0x3b: {  	_ = 	snop  }
0x3c: {  	p2 =	seq.s32 s10, $0x1;
	s10 =	sld [smem:$0x3FBA]  }
0x3d: {  	_ =	shalt  }
0x3e: {  	_ =	shalt  }
0x3f: {  	_ =	shalt  }
0x40: {  	_ =	shalt  }
0x41: {  	_ =	shalt  }
0x42: {  	_ =	shalt  }
0x43: {  	_ =	shalt  }
0x44: {  	_ =	shalt  }
0x45: {  	_ =	shalt  }
0x46: {  	_ =	shalt  }
0x47: {  	_ =	shalt  }
0x48: {  	_ =	shalt  }
0x49: {  	_ =	shalt  }
0x4a: {  	_ =	shalt  }
0x4b: {  	_ =	shalt  }
0x4c: {  	_ =	shalt  }
0x4d: {  	_ =	shalt  }
0x4e: {  	_ =	shalt  }
0x4f: {  	_ =	shalt  }
0x50: {  	_ =	shalt  }
0x51: {  	_ =	shalt  }
0x52: {  	_ =	shalt  }
0x53: {  	_ =	shalt  }
0x54: {  	_ =	shalt  }
0x55: {  	_ =	shalt  }
0x56: {  	_ =	shalt  }
0x57: {  	_ =	shalt  }
0x58: {  	_ =	shalt  }
0x59: {  	_ =	shalt  }
0x5a: {  	_ =	shalt  }
0x5b: {  	_ =	shalt  }
0x5c: {  	_ =	shalt  }
0x5d: {  	_ =	shalt  }
0x5e: {  	_ =	shalt  }
0x5f: {  	_ =	shalt  }
0x60: {  	_ =	shalt  }
0x61: {  	_ =	shalt  }
0x62: {  	_ =	shalt  }
0x63: {  	_ =	shalt  }
0x64: {  	_ =	shalt  }
0x65: {  	_ =	shalt  }
0x66: {  	_ =	shalt  }
0x67: {  	_ =	shalt  }
0x68: {  	_ =	shalt  }
0x69: {  	_ =	shalt  }
0x6a: {  	_ =	shalt  }
0x6b: {  	_ =	shalt  }
0x6c: {  	_ =	shalt  }
0x6d: {  	_ =	shalt  }
0x6e: {  	_ =	shalt  }
0x6f: {  	_ =	shalt  }
0x70: {  	_ =	shalt  }
0x71: {  	_ =	shalt  }
0x72: {  	_ =	shalt  }
0x73: {  	_ =	shalt  }
0x74: {  	_ =	shalt  }
0x75: {  	_ =	shalt  }
0x76: {  	_ =	shalt  }
0x77: {  	_ =	shalt  }
0x78: {  	_ =	shalt  }
0x79: {  	_ =	shalt  }
0x7a: {  	_ =	shalt  }
0x7b: {  	_ =	shalt  }
0x7c: {  	_ =	shalt  }
0x7d: {  	_ =	shalt  }
0x7e: {  	_ =	shalt  }
0x7f: {  	_ =	shalt  }
0x80: {  	_ =	shalt  }
0x81: {  	_ =	shalt  }
0x82: {  	_ =	shalt  }
0x83: {  	_ =	shalt  }
0x84: {  	_ =	shalt  }
0x85: {  	_ =	shalt  }
0x86: {  	_ =	shalt  }
0x87: {  	_ =	shalt  }
.Lfunc_end0:
.L_simem_size_0:
called_computation.1_lowered:
.L_overlay_start_0:
0x88: {  	s2 =	sld [smem:$0x3FD9]  }
0x89: {  	s3 =	sld [smem:$0x3FFE];
	_ =	sdelay $0x1  }
0x8a: {  	s1 =	srdreg.scid  }
0x8b: {  	s0 =	sand.u32 $0x1, s1  }
0x8c: {  	s17 =	sshll.u32 s0, $0xA;
	s2 =	sadd.s32 s3, s2  }
0x8d: {  	s2 =	sadd.s32 s2, s17  }
0x8e: {  	[smem:$0x3FC6] =	sst s2  }
0x8f: {  	_ = 	snop  }
0x90: {  	s2 =	sld [smem:$0x3FD0];
	(tm) =	ssettm $0x1  }
0x91: {  	s18 =	sld [smem:$0x3FFB];
	_ =	sdelay $0x3  }
0x92: {  	_ =	strace s18  }
0x93: {  	s3 =	sld [smem:$0x3FFC];
	_ =	sdelay $0x3  }
0x94: {  	_ =	strace s3  }
0x95: {  	s3 =	sld [smem:$0x3FFD];
	_ =	sdelay $0x3  }
0x96: {  	_ =	strace s3  }
0x97: {  	_ =	strace $0x8FFFFFFF  }
0x98: {  	s19 =	sld [smem:$0x3FDB];
	_ =	sdelay $0x1  }
0x99: {  	s4 =	simm.s32 $_scs_section_size  }
0x9a: {  	s5 =	simm.s32 $_size__tile_overlayer_lowered;
	s6 =	simm.s32 $_tile_overlayer_lowered  }
0x9b: {  	s22 =	simm.s32 $0x1BFF;
	s21 =	sshll.u32 s6, $0x1;
	s3 =	sadd.s32 s4, s19  }
0x9c: {  	s7 =	simm.s32 $0x0;
	s20 =	sshll.u32 s5, $0x1;
	s5 =	sadd.s32 s21, s3  }
0x9d: {  	[timem:s7], [sflag:s22] =	dma.local [hbm:s5], s20  }
0x9e: {  	_ =	swait.ge [sflag:s22], s20  }
0x9f: {  	s4 =	ssub.s32 $0x0, s20;
	[sflag:s22] =	ssyncset.done $0x0  }
0xa0: {  	[sflag:s22] =	ssyncadd.s32 s4;
	_ =	sdelay $0x1  }
0xa1: {  	s23 =	simm.s32 $0x1B8B  }
0xa2: {  	_ =	swait.ge [sflag:s23], $0x1  }
0xa3: {  	[sflag:s23] =	ssyncset.done $0x0  }
0xa4: {  	s25 =	simm.s32 $0x1B8E;
	s24 =	sld [smem:$0x3FFE];
	[sflag:s23] =	ssyncadd.s32 $0xFFFFFFFF  }
0xa5: {  	s26 =	simm.s32 $execute0_lowered;
	[smem:$0x3FD2] =	sst s25  }
0xa6: {  	s5 =	sshll.u32 s26, $0x1;
	_ =	strace $0x80000049;
	[dreg:$0x1] =	wrdreg $0xFFFFFFFF  }
0xa7: {  	s28 =	simm.s32 $_size_execute0_lowered;
	s3 =	sadd.s32 s3, s5;
	[dreg:$0x0] =	wrdreg $0x0  }
0xa8: {  	s5 =	sshll.u32 s28, $0x1;
	[dreg:$0x2] =	wrdreg s3  }
0xa9: {  	[dreg:$0x3] =	wrdreg s5  }
0xaa: {  	[dreg:$0x4] =	wrdreg $0xC0  }
0xab: {  	_ =	task [dreg:s7], $0x5FFFF  }
0xac: {  	[dreg:$0x1] =	wrdreg $0xFFFFFFFF  }
0xad: {  	[dreg:$0x0] =	wrdreg $0x60  }
0xae: {  	[dreg:$0x2] =	wrdreg s24  }
0xaf: {  	[dreg:$0x3] =	wrdreg s2  }
0xb0: {  	[dreg:$0x4] =	wrdreg $0x9  }
0xb1: {  	_ =	task.clear_ibuf [dreg:s7], $0x5FFFF;
	_ =	strace $0x90000049  }
0xb2: {  	s29 =	simm.s32 $0x9;
	_ =	strace $0x8000004B  }
0xb3: {  	_ =	swait.ge [sflag:s29], $0x1  }
0xb4: {  	[sflag:s29] =	ssyncadd.s32 $0xFFFFFFFF  }
0xb5: {  	_ =	strace $0x9000004B  }
0xb6: {  	_ =	sfence  }
0xb7: {  	s30 =	sld [smem:$0x0];
	_ =	sdelay $0x2  }
0xb8: {  	s31 =	sshll.u32 s1, $0xD;
	s1 =	sshrl.u32 s1, $0x2  }
0xb9: {  	s3 =	sand.u32 $0x4000, s31;
	s1 =	sadd.s32 s1, s30  }
0xba: {  	s0 =	sor.u32 s3, s0;
	s1 =	sshll.u32 s1, $0x11  }
0xbb: {  	s0 =	sor.u32 s1, s0  }
0xbc: {  	s0 =	sadd.s32 $0x8F2B, s0  }
0xbd: {  	[sflag:s0] =	ssyncadd.remote.s32 $0x1  }
0xbe: {  	_ =	sfence.sel $0xFFFF  }
0xbf: {  	[dreg:$0x0] =	wrdreg $0xFFFFFFFF;
	(pc) =	sbr.abs _section_cstart, $3  }
0xc0: {  	[dreg:$0x1] =	wrdreg $0xFFFFFFFF  }
0xc1: {  	_ =	task.clear_ibuf [dreg:s7], $0x2FFFF;
	_ =	strace $0x9FFFFFFF  }
0xc2: {  	(tm) =	ssettm $0x7FFFFFFF  }
0xc3: {  	_ =	shalt  }
tec
execute0_lowered:
.L_overlay_start_1:
0x0: {  	(tag) =	ssettag $0x1  }
0x1: {  	s1 =	srdreg.scid  }
0x2: {  	s4 =	rddreg [dreg:$0x0];
	s0 =	stileid.u32  }
0x3: {  	s6 =	rddreg [dreg:$0x1];
	s2 =	simm.s32 $0x0;
	s9 =	simm.s32 $0x6400  }
0x4: {  	s10 =	simm.s32 $0x48;
	s11 =	simm.s32 $0x7400;
	s12 =	simm.s32 $0x7D00  }
0x5: {  	s13 =	simm.s32 $0x8D00;
	s14 =	simm.s32 $0x1;
	s5 =	sand.u32 $0x1, s1  }
0x6: {  	s15 =	simm.s32 $0x2;
	s3 =	sshll.u32 s0, $0x8;
	s7 =	sshll.u32 s5, $0x7  }
0x7: {  	s16 =	simm.s32 $0x9600;
	s1 =	rddreg [dreg:$0x2];
	s7 =	sor.u32 s7, s3  }
0x8: {  	s17 =	simm.s32 $0x0;
	[smem:$0x7FF] =	sst s2;
	s8 =	smul.u32 $0x19, s7  }
0x9: {  	_ =	strace $0x8000004A;
	s5 =	ssub.s32 $0x2, s5;
	s3 =	sadd.s32 $0xA00, s4  }
0xa: {  	s31 =	sshrl.u32 s5, $0x1;
	s7 =	sshll.u32 s7, $0x3;
	s4 =	sadd.s32 s8, s4  }
0xb: {  	s8 =	ssub.s32 s5, s31;
	s5 =	sadd.s32 s6, s7;
	s7 =	simm.s32 $0x3  }
0xc: {  	s4 =	sadd.s32 $0x3D1400, s4;
	s6 =	smax.u32 s8, $0x1;
	s8 =	simm.s32 $0x80  }
.LBB2_1:
0xd: {  	[tilespmem:s2], [sflag:$0x3] =	stream.linear.gather [hbm4b:s4+s2], $0x6400, $0x38;
	[tilespmem:$0xB600] =	vst v63  }
0xe: {  	_ =	swait.ge [sflag:s7], $0x6400  }
0xf: {  	[sflag:s7] =	ssyncset.done $0x0  }
0x10: {  	[sflag:s7] =	ssyncadd.s32 $0xFFFF9C00  }
0x11: {  	[tilespmem:s9], [sflag:$0x1] =	stream.indirect.gather [hbm4b:s3+s8], $0x20, s2, s8, $0xb8;
	[tilespmem:$0xB600] =	vst v63  }
0x12: {  	s18 =	simm.s32 $0x0  }
0x13: {  	[tilespmem:s11], [sflag:$0x1] =	stream.indirect.gather [hbm4b:s3+s10], $0x20, s8, s10, $0xb8;
	[tilespmem:$0xB600] =	vst v63  }
.LBB2_2:
0x14: {  	s19 =	sshllo.u32 s18, $0x1  }
0x15: {  	s20 =	smul.u32 $0x320, s19;
	_ =	sdelay $0x1  }
0x16: {  	s20 =	sshra.s32 s20, $0x2  }
0x17: {  	[tilespmem:s12], [sflag:$0x2] =	stream.indirect.gather [hbm4b:s3+s8], $0x20, s20, s8, $0xb8;
	[tilespmem:$0xB600] =	vst v63  }
0x18: {  	s20 =	sadd.s32 $0x80, s20  }
0x19: {  	[tilespmem:s13], [sflag:$0x2] =	stream.indirect.gather [hbm4b:s3+s10], $0x20, s20, s10, $0xb8;
	[tilespmem:$0xB600] =	vst v63  }
0x1a: {  	_ =	swait.ge [sflag:s14], $0x1000  }
0x1b: {  	[sflag:s14] =	ssyncset.done $0x0  }
0x1c: {  	[sflag:s14] =	ssyncadd.s32 $0xFFFFF000  }
0x1d: {  	_ =	swait.ge [sflag:s14], $0x900  }
0x1e: {  	[sflag:s14] =	ssyncset.done $0x0  }
0x1f: {  	s20 =	simm.s32 $0x0;
	[sflag:s14] =	ssyncadd.s32 $0xFFFFF700  }
0x20: {  	v0 =	vld [tilespmem:s20+$0x64C0]  }
0x21: {  	v1 =	vld [tilespmem:s20+$0x64D0]  }
0x22: {  	v3 =	vld [tilespmem:s20+$0x64E0]  }
0x23: {  	v4 =	vld [tilespmem:s20+$0x6480]  }
0x24: {  	v9 =	vld [tilespmem:s20+$0x6490]  }
0x25: {  	v10 =	vld [tilespmem:s20+$0x64A0]  }
0x26: {  	v11 =	vld [tilespmem:s20+$0x6440]  }
0x27: {  	v16 =	vld [tilespmem:s20+$0x6400]  }
0x28: {  	v2 =	vimm.f32 $0.0e+00;
	v17 =	vld [tilespmem:s20+$0x6410];
	v7 =	vshll.u32 v0, $0x10;
	v8 =	vand.u32 $0xFFFF0000, v0  }
0x29: {  	v6 =	vshll.u32 v1, $0x10;
	v5 =	vand.u32 $0xFFFF0000, v1;
	v0 =	vshll.u32 v3, $0x10  }
0x2a: {  	v21 =	vld [tilespmem:s20+$0x6450];
	v14 =	vshll.u32 v4, $0x10;
	v15 =	vand.u32 $0xFFFF0000, v4;
	v1 =	vand.u32 $0xFFFF0000, v3  }
0x2b: {  	v12 =	vshll.u32 v9, $0x10;
	v13 =	vand.u32 $0xFFFF0000, v9;
	v3 =	vshll.u32 v10, $0x10  }
0x2c: {  	v9 =	vshll.u32 v11, $0x10;
	v11 =	vand.u32 $0xFFFF0000, v11;
	v4 =	vand.u32 $0xFFFF0000, v10  }
0x2d: {  	v18 =	vld [tilespmem:s20+$0x6460];
	v10 =	vshll.u32 v16, $0x10;
	v16 =	vand.u32 $0xFFFF0000, v16;
	v19 =	vshll.u32 v17, $0x10  }
0x2e: {  	v17 =	vand.u32 $0xFFFF0000, v17;
	v10 =	vadd.f32 v10, v2;
	v16 =	vadd.f32 v16, v2  }
0x2f: {  	v23 =	vshll.u32 v21, $0x10;
	v19 =	vadd.f32 v19, v2;
	v20 =	vadd.f32 v17, v2;
	v17 =	vld [tilespmem:s20+$0x6420]  }
0x30: {  	v24 =	vand.u32 $0xFFFF0000, v21;
	v21 =	vadd.f32 v9, v10;
	v22 =	vadd.f32 v11, v16  }
0x31: {  	s21 =	simm.s32 $0x400;
	v16 =	vld [tilespmem:s20+$0x6430];
	v11 =	vimm.f32 $0.0e+00;
	v10 =	vimm.f32 $0.0e+00;
	v9 =	vimm.f32 $0.0e+00  }
.LBB2_3:
0x32: {  	p0 =	sne.s32 s21, $0x6000;
	v19 =	vadd.f32 v23, v19;
	v20 =	vadd.f32 v24, v20;
	v23 =	vshll.u32 v18, $0x10  }
0x33: {  	v18 =	vand.u32 $0xFFFF0000, v18;
	v24 =	vld [tilespmem:s20+$0x6470];
	v14 =	vadd.f32 v14, v21;
	v15 =	vadd.f32 v15, v22  }
0x34: {  	v21 =	vshll.u32 v17, $0x10;
	v12 =	vadd.f32 v12, v19;
	v13 =	vadd.f32 v13, v20  }
0x35: {  	s22 =	sshra.s32 s21, $0x2;
	v17 =	vand.u32 $0xFFFF0000, v17;
	v19 =	vld [tilespmem:s20+$0x64B0];
	v20 =	vadd.f32 v7, v14;
	v22 =	vadd.f32 v8, v15  }
0x36: {  	v8 =	vld [tilespmem:s22+$0x64C0];
	v7 =	vshll.u32 v16, $0x10;
	v25 =	vadd.f32 v6, v12;
	v26 =	vadd.f32 v5, v13  }
0x37: {  	v2 =	vadd.f32 v21, v2;
	v5 =	vand.u32 $0xFFFF0000, v16;
	v6 =	vadd.f32 v17, v11;
	v11 =	vld [tilespmem:s20+$0x64F0];
	s20 =	smov.u32 s22  }
0x38: {  	v7 =	vadd.f32 v7, v10;
	v5 =	vadd.f32 v5, v9;
	v12 =	vld [tilespmem:s20+$0x64D0];
	v9 =	vshll.u32 v24, $0x10  }
0x39: {  	v2 =	vadd.f32 v23, v2;
	v10 =	vand.u32 $0xFFFF0000, v24;
	v6 =	vadd.f32 v18, v6;
	v13 =	vld [tilespmem:s20+$0x64E0]  }
0x3a: {  	v7 =	vadd.f32 v9, v7;
	v5 =	vadd.f32 v10, v5;
	v15 =	vld [tilespmem:s20+$0x6480];
	v9 =	vshll.u32 v19, $0x10  }
0x3b: {  	v2 =	vadd.f32 v3, v2;
	v10 =	vand.u32 $0xFFFF0000, v19;
	v3 =	vadd.f32 v4, v6;
	v16 =	vld [tilespmem:s20+$0x6490]  }
0x3c: {  	v6 =	vadd.f32 v9, v7;
	v5 =	vadd.f32 v10, v5;
	v4 =	vld [tilespmem:s20+$0x64A0];
	v7 =	vshll.u32 v11, $0x10  }
0x3d: {  	v2 =	vadd.f32 v0, v2;
	v9 =	vand.u32 $0xFFFF0000, v11;
	v11 =	vadd.f32 v1, v3;
	v17 =	vld [tilespmem:s20+$0x6440]  }
0x3e: {  	v10 =	vadd.f32 v7, v6;
	v9 =	vadd.f32 v9, v5;
	v19 =	vld [tilespmem:s20+$0x6400]  }
0x3f: {  	v7 =	vshll.u32 v8, $0x10;
	v8 =	vand.u32 $0xFFFF0000, v8;
	v21 =	vld [tilespmem:s20+$0x6410]  }
0x40: {  	v6 =	vshll.u32 v12, $0x10;
	v5 =	vand.u32 $0xFFFF0000, v12;
	v0 =	vshll.u32 v13, $0x10  }
0x41: {  	v1 =	vand.u32 $0xFFFF0000, v13;
	v14 =	vshll.u32 v15, $0x10;
	v15 =	vand.u32 $0xFFFF0000, v15;
	v24 =	vld [tilespmem:s20+$0x6450]  }
0x42: {  	v12 =	vshll.u32 v16, $0x10;
	v13 =	vand.u32 $0xFFFF0000, v16;
	v3 =	vshll.u32 v4, $0x10  }
.Ltmp0:
0x43: {  	v4 =	vand.u32 $0xFFFF0000, v4;
	v27 =	vshll.u32 v17, $0x10;
	v28 =	vand.u32 $0xFFFF0000, v17;
	v18 =	vld [tilespmem:s20+$0x6460];
	(pc) =	sbr.rel @p0 .LBB2_3-.Ltmp0, $4  }
0x44: {  	v16 =	vshll.u32 v19, $0x10;
	v17 =	vand.u32 $0xFFFF0000, v19;
	v19 =	vshll.u32 v21, $0x10  }
0x45: {  	v21 =	vand.u32 $0xFFFF0000, v21;
	v29 =	vadd.f32 v16, v20;
	v22 =	vadd.f32 v17, v22;
	v17 =	vld [tilespmem:s20+$0x6420]  }
0x46: {  	v19 =	vadd.f32 v19, v25;
	v20 =	vadd.f32 v21, v26;
	v23 =	vshll.u32 v24, $0x10  }
0x47: {  	s21 =	sadd.s32 $0x400, s21;
	v24 =	vand.u32 $0xFFFF0000, v24;
	v21 =	vadd.f32 v27, v29;
	v22 =	vadd.f32 v28, v22;
	v16 =	vld [tilespmem:s20+$0x6430]  }
0x48: {  	v19 =	vadd.f32 v23, v19;
	v20 =	vadd.f32 v24, v20  }
0x49: {  	v23 =	vshll.u32 v18, $0x10;
	v14 =	vadd.f32 v14, v21;
	v15 =	vadd.f32 v15, v22  }
0x4a: {  	v18 =	vand.u32 $0xFFFF0000, v18;
	v21 =	vld [tilespmem:s20+$0x6470];
	v12 =	vadd.f32 v12, v19;
	v13 =	vadd.f32 v13, v20  }
0x4b: {  	v19 =	vshll.u32 v17, $0x10;
	v7 =	vadd.f32 v7, v14;
	v8 =	vadd.f32 v8, v15  }
0x4c: {  	v14 =	vand.u32 $0xFFFF0000, v17;
	v15 =	vld [tilespmem:s20+$0x64B0];
	v2 =	vadd.f32 v19, v2;
	v6 =	vadd.f32 v6, v12  }
0x4d: {  	v12 =	vshll.u32 v16, $0x10;
	v5 =	vadd.f32 v5, v13;
	v11 =	vadd.f32 v14, v11  }
0x4e: {  	v13 =	vand.u32 $0xFFFF0000, v16;
	v14 =	vld [tilespmem:s20+$0x64F0];
	v10 =	vadd.f32 v12, v10;
	v2 =	vadd.f32 v23, v2  }
0x4f: {  	v9 =	vadd.f32 v13, v9;
	v12 =	vshll.u32 v21, $0x10;
	v11 =	vadd.f32 v18, v11  }
0x50: {  	v13 =	vand.u32 $0xFFFF0000, v21;
	v10 =	vadd.f32 v12, v10;
	v2 =	vadd.f32 v3, v2  }
0x51: {  	v3 =	vadd.f32 v13, v9;
	v9 =	vshll.u32 v15, $0x10;
	v4 =	vadd.f32 v4, v11  }
0x52: {  	v11 =	vand.u32 $0xFFFF0000, v15;
	v9 =	vadd.f32 v9, v10;
	v0 =	vadd.f32 v0, v2  }
0x53: {  	v2 =	vadd.f32 v11, v3;
	v3 =	vshll.u32 v14, $0x10;
	v1 =	vadd.f32 v1, v4  }
0x54: {  	v4 =	vand.u32 $0xFFFF0000, v14;
	v3 =	vadd.f32 v3, v9;
	v0 =	vadd.f32 v0, v7  }
0x55: {  	v2 =	vadd.f32 v4, v2;
	v1 =	vadd.f32 v1, v8  }
0x56: {  	s31 =	sshll.u32 s18, $0x7;
	v0 =	vmul.f32 $4.999999890e-03, v0;
	v3 =	vadd.f32 v3, v6  }
0x57: {  	p0 =	seq.s32 s18, $0x3F;
	s20 =	sand.u32 $0x3FFFFF80, s31;
	v2 =	vadd.f32 v2, v5;
	v1 =	vmul.f32 $4.999999890e-03, v1  }
0x58: {  	s21 =	smul.u32 @!p0 $0x640, s18;
	[tilespmem:s20+$0x9600] =	vst v0;
	v0 =	vmul.f32 $4.999999890e-03, v3  }
0x59: {  	[tilespmem:s20+$0x9610] =	vst v1;
	v1 =	vmul.f32 $4.999999890e-03, v2  }
0x5a: {  	s21 =	sshra.s32 @!p0 s21, $0x2;
	[tilespmem:s20+$0x9620] =	vst v0  }
0x5b: {  	s22 =	simm.s32 @!p0 $0x80;
	s23 =	simm.s32 @!p0 $0x6400;
	[tilespmem:s20+$0x9630] =	vst v1;
	s20 =	sadd.s32 @!p0 $0x190, s21  }
0x5c: {  	[tilespmem:s23], [sflag:$0x1] =	stream.indirect.gather @!p0 [hbm4b:s3+s22], $0x20, s20, s22, $0xb8;
	[tilespmem:$0xB600] =	vst v63  }
0x5d: {  	s20 =	sadd.s32 @!p0 $0x210, s21;
	s21 =	simm.s32 @!p0 $0x48;
	s22 =	simm.s32 @!p0 $0x7400  }
0x5e: {  	[tilespmem:s22], [sflag:$0x1] =	stream.indirect.gather @!p0 [hbm4b:s3+s21], $0x20, s20, s21, $0xb8;
	[tilespmem:$0xB600] =	vst v63  }
0x5f: {  	_ =	swait.ge [sflag:s15], $0x1000  }
0x60: {  	[sflag:s15] =	ssyncset.done $0x0  }
0x61: {  	[sflag:s15] =	ssyncadd.s32 $0xFFFFF000  }
0x62: {  	_ =	swait.ge [sflag:s15], $0x900  }
0x63: {  	[sflag:s15] =	ssyncset.done $0x0  }
0x64: {  	s20 =	simm.s32 $0x0;
	[sflag:s15] =	ssyncadd.s32 $0xFFFFF700  }
0x65: {  	v0 =	vld [tilespmem:s20+$0x7DC0]  }
0x66: {  	v1 =	vld [tilespmem:s20+$0x7DD0]  }
0x67: {  	v3 =	vld [tilespmem:s20+$0x7DE0]  }
0x68: {  	v4 =	vld [tilespmem:s20+$0x7D80]  }
0x69: {  	v9 =	vld [tilespmem:s20+$0x7D90]  }
0x6a: {  	v10 =	vld [tilespmem:s20+$0x7DA0]  }
0x6b: {  	v11 =	vld [tilespmem:s20+$0x7D40]  }
0x6c: {  	v16 =	vld [tilespmem:s20+$0x7D00]  }
0x6d: {  	v2 =	vimm.f32 $0.0e+00;
	v17 =	vld [tilespmem:s20+$0x7D10];
	v7 =	vshll.u32 v0, $0x10;
	v8 =	vand.u32 $0xFFFF0000, v0  }
0x6e: {  	v6 =	vshll.u32 v1, $0x10;
	v5 =	vand.u32 $0xFFFF0000, v1;
	v0 =	vshll.u32 v3, $0x10  }
0x6f: {  	v21 =	vld [tilespmem:s20+$0x7D50];
	v14 =	vshll.u32 v4, $0x10;
	v15 =	vand.u32 $0xFFFF0000, v4;
	v1 =	vand.u32 $0xFFFF0000, v3  }
0x70: {  	v12 =	vshll.u32 v9, $0x10;
	v13 =	vand.u32 $0xFFFF0000, v9;
	v3 =	vshll.u32 v10, $0x10  }
0x71: {  	v9 =	vshll.u32 v11, $0x10;
	v11 =	vand.u32 $0xFFFF0000, v11;
	v4 =	vand.u32 $0xFFFF0000, v10  }
0x72: {  	v18 =	vld [tilespmem:s20+$0x7D60];
	v10 =	vshll.u32 v16, $0x10;
	v16 =	vand.u32 $0xFFFF0000, v16;
	v19 =	vshll.u32 v17, $0x10  }
0x73: {  	v17 =	vand.u32 $0xFFFF0000, v17;
	v10 =	vadd.f32 v10, v2;
	v16 =	vadd.f32 v16, v2  }
0x74: {  	v23 =	vshll.u32 v21, $0x10;
	v19 =	vadd.f32 v19, v2;
	v20 =	vadd.f32 v17, v2;
	v17 =	vld [tilespmem:s20+$0x7D20]  }
0x75: {  	v24 =	vand.u32 $0xFFFF0000, v21;
	v21 =	vadd.f32 v9, v10;
	v22 =	vadd.f32 v11, v16  }
0x76: {  	s21 =	simm.s32 $0x400;
	v16 =	vld [tilespmem:s20+$0x7D30];
	v11 =	vimm.f32 $0.0e+00;
	v10 =	vimm.f32 $0.0e+00;
	v9 =	vimm.f32 $0.0e+00  }
.LBB2_5:
0x77: {  	p0 =	sne.s32 s21, $0x6000;
	v19 =	vadd.f32 v23, v19;
	v20 =	vadd.f32 v24, v20;
	v23 =	vshll.u32 v18, $0x10  }
0x78: {  	v18 =	vand.u32 $0xFFFF0000, v18;
	v24 =	vld [tilespmem:s20+$0x7D70];
	v14 =	vadd.f32 v14, v21;
	v15 =	vadd.f32 v15, v22  }
0x79: {  	v21 =	vshll.u32 v17, $0x10;
	v12 =	vadd.f32 v12, v19;
	v13 =	vadd.f32 v13, v20  }
0x7a: {  	s22 =	sshra.s32 s21, $0x2;
	v17 =	vand.u32 $0xFFFF0000, v17;
	v19 =	vld [tilespmem:s20+$0x7DB0];
	v20 =	vadd.f32 v7, v14;
	v22 =	vadd.f32 v8, v15  }
0x7b: {  	v8 =	vld [tilespmem:s22+$0x7DC0];
	v7 =	vshll.u32 v16, $0x10;
	v25 =	vadd.f32 v6, v12;
	v26 =	vadd.f32 v5, v13  }
0x7c: {  	v2 =	vadd.f32 v21, v2;
	v5 =	vand.u32 $0xFFFF0000, v16;
	v6 =	vadd.f32 v17, v11;
	v11 =	vld [tilespmem:s20+$0x7DF0];
	s20 =	smov.u32 s22  }
0x7d: {  	v7 =	vadd.f32 v7, v10;
	v5 =	vadd.f32 v5, v9;
	v12 =	vld [tilespmem:s20+$0x7DD0];
	v9 =	vshll.u32 v24, $0x10  }
0x7e: {  	v2 =	vadd.f32 v23, v2;
	v10 =	vand.u32 $0xFFFF0000, v24;
	v6 =	vadd.f32 v18, v6;
	v13 =	vld [tilespmem:s20+$0x7DE0]  }
0x7f: {  	v7 =	vadd.f32 v9, v7;
	v5 =	vadd.f32 v10, v5;
	v15 =	vld [tilespmem:s20+$0x7D80];
	v9 =	vshll.u32 v19, $0x10  }
0x80: {  	v2 =	vadd.f32 v3, v2;
	v10 =	vand.u32 $0xFFFF0000, v19;
	v3 =	vadd.f32 v4, v6;
	v16 =	vld [tilespmem:s20+$0x7D90]  }
0x81: {  	v6 =	vadd.f32 v9, v7;
	v5 =	vadd.f32 v10, v5;
	v4 =	vld [tilespmem:s20+$0x7DA0];
	v7 =	vshll.u32 v11, $0x10  }
0x82: {  	v2 =	vadd.f32 v0, v2;
	v9 =	vand.u32 $0xFFFF0000, v11;
	v11 =	vadd.f32 v1, v3;
	v17 =	vld [tilespmem:s20+$0x7D40]  }
0x83: {  	v10 =	vadd.f32 v7, v6;
	v9 =	vadd.f32 v9, v5;
	v19 =	vld [tilespmem:s20+$0x7D00]  }
0x84: {  	v7 =	vshll.u32 v8, $0x10;
	v8 =	vand.u32 $0xFFFF0000, v8;
	v21 =	vld [tilespmem:s20+$0x7D10]  }
0x85: {  	v6 =	vshll.u32 v12, $0x10;
	v5 =	vand.u32 $0xFFFF0000, v12;
	v0 =	vshll.u32 v13, $0x10  }
0x86: {  	v1 =	vand.u32 $0xFFFF0000, v13;
	v14 =	vshll.u32 v15, $0x10;
	v15 =	vand.u32 $0xFFFF0000, v15;
	v24 =	vld [tilespmem:s20+$0x7D50]  }
0x87: {  	v12 =	vshll.u32 v16, $0x10;
	v13 =	vand.u32 $0xFFFF0000, v16;
	v3 =	vshll.u32 v4, $0x10  }
.Ltmp1:
0x88: {  	v4 =	vand.u32 $0xFFFF0000, v4;
	v27 =	vshll.u32 v17, $0x10;
	v28 =	vand.u32 $0xFFFF0000, v17;
	v18 =	vld [tilespmem:s20+$0x7D60];
	(pc) =	sbr.rel @p0 .LBB2_5-.Ltmp1, $4  }
0x89: {  	v16 =	vshll.u32 v19, $0x10;
	v17 =	vand.u32 $0xFFFF0000, v19;
	v19 =	vshll.u32 v21, $0x10  }
0x8a: {  	v21 =	vand.u32 $0xFFFF0000, v21;
	v29 =	vadd.f32 v16, v20;
	v22 =	vadd.f32 v17, v22;
	v17 =	vld [tilespmem:s20+$0x7D20]  }
0x8b: {  	v19 =	vadd.f32 v19, v25;
	v20 =	vadd.f32 v21, v26;
	v23 =	vshll.u32 v24, $0x10  }
0x8c: {  	s21 =	sadd.s32 $0x400, s21;
	v24 =	vand.u32 $0xFFFF0000, v24;
	v21 =	vadd.f32 v27, v29;
	v22 =	vadd.f32 v28, v22;
	v16 =	vld [tilespmem:s20+$0x7D30]  }
0x8d: {  	v19 =	vadd.f32 v23, v19;
	v20 =	vadd.f32 v24, v20  }
0x8e: {  	v45 =	vshll.u32 v18, $0x10;
	v14 =	vadd.f32 v14, v21;
	v15 =	vadd.f32 v15, v22  }
0x8f: {  	v47 =	vld [tilespmem:s20+$0x7D70];
	v12 =	vadd.f32 v12, v19;
	v13 =	vadd.f32 v13, v20;
	v48 =	vshll.u32 v17, $0x10  }
0x90: {  	v49 =	vand.u32 $0xFFFF0000, v17;
	v7 =	vadd.f32 v7, v14;
	v8 =	vadd.f32 v8, v15  }
0x91: {  	v46 =	vand.u32 $0xFFFF0000, v18;
	v50 =	vld [tilespmem:s20+$0x7DB0];
	v2 =	vadd.f32 v48, v2;
	v11 =	vadd.f32 v49, v11  }
0x92: {  	v6 =	vadd.f32 v6, v12;
	v51 =	vshll.u32 v16, $0x10;
	v5 =	vadd.f32 v5, v13  }
0x93: {  	v53 =	vld [tilespmem:s20+$0x7DF0];
	v52 =	vand.u32 $0xFFFF0000, v16;
	v10 =	vadd.f32 v51, v10;
	v2 =	vadd.f32 v45, v2  }
0x94: {  	v9 =	vadd.f32 v52, v9;
	v54 =	vshll.u32 v47, $0x10;
	v11 =	vadd.f32 v46, v11  }
0x95: {  	v55 =	vand.u32 $0xFFFF0000, v47;
	v10 =	vadd.f32 v54, v10;
	v2 =	vadd.f32 v3, v2  }
0x96: {  	v57 =	vshll.u32 v50, $0x10;
	v56 =	vadd.f32 v55, v9;
	v4 =	vadd.f32 v4, v11  }
0x97: {  	v58 =	vand.u32 $0xFFFF0000, v50;
	v9 =	vadd.f32 v57, v10;
	v0 =	vadd.f32 v0, v2  }
0x98: {  	v60 =	vshll.u32 v53, $0x10;
	v59 =	vadd.f32 v58, v56;
	v1 =	vadd.f32 v1, v4  }
0x99: {  	v61 =	vand.u32 $0xFFFF0000, v53;
	v3 =	vadd.f32 v60, v9;
	v0 =	vadd.f32 v0, v7  }
0x9a: {  	s18 =	sadd.s32 $0x1, s18;
	v2 =	vadd.f32 v61, v59;
	v1 =	vadd.f32 v1, v8  }
0x9b: {  	s19 =	sshll.u32 s19, $0x6;
	p0 =	sne.s32 s18, $0x40;
	v0 =	vmul.f32 $4.999999890e-03, v0;
	v3 =	vadd.f32 v3, v6  }
.Ltmp2:
0x9c: {  	s19 =	sand.u32 $0x3FFFFFC0, s19;
	v1 =	vmul.f32 $4.999999890e-03, v1;
	v2 =	vadd.f32 v2, v5;
	(pc) =	sbr.rel @p0 .LBB2_2-.Ltmp2, $4  }
0x9d: {  	[tilespmem:s19+$0x9600] =	vst v0;
	v62 =	vmul.f32 $4.999999890e-03, v3  }
0x9e: {  	[tilespmem:s19+$0x9610] =	vst v1;
	v63 =	vmul.f32 $4.999999890e-03, v2  }
0x9f: {  	[tilespmem:s19+$0x9620] =	vst v62  }
0xa0: {  	[tilespmem:s19+$0x9630] =	vst v63  }
0xa1: {  	s17 =	sadd.s32 $0x1, s17  }
0xa2: {  	p0 =	sne.s32 s17, s6  }
.Ltmp3:
0xa3: {  	_ = 	snop;
	(pc) =	sbr.rel @p0 .LBB2_1-.Ltmp3, $4  }
0xa4: {  	[hbm4b:s5+s2] =	stream.linear.scatter [tilespmem:s16], [sflag:$0x3], $0x2000, $0x38;
	[tilespmem:$0xB600] =	vst v63  }
0xa5: {  	_ =	swait.ge [sflag:s7], $0x2000  }
0xa6: {  	[sflag:s7] =	ssyncset.done $0x0  }
0xa7: {  	[sflag:s7] =	ssyncadd.s32 $0xFFFFE000  }
0xa8: {  	_ =	sfence.sel $0x180000  }
0xa9: {  	[bflag:$0x0] =	sbarrier.arrive $0xFFFF  }
0xaa: {  	p0 =	sne.s32 s0, $0x0;
	_ =	strace $0x9000004A  }
0xab: {  	s0 =	sadd.s32 @!p0 $0x100000, s1;
	[bflag:$0x2] =	sbarrier.arrive $0xFFFF  }
0xac: {  	[sflag:s0] =	ssyncadd.tile.s32 @!p0 $0x1;
	_ =	shalt  }
.Lfunc_end2:
_tile_overlayer_lowered:
.L_overlay_start_2:
0xad: {  	(tag) =	ssettag $0x2  }
0xae: {  	s0 =	rddreg [dreg:$0x0];
	s2 =	stileid.u32  }
0xaf: {  	s1 =	rddreg [dreg:$0x1];
	p0 =	sne.s32 s2, $0x0  }
0xb0: {  	s3 =	rddreg [dreg:$0x2];
	[bflag:$0x3] =	sbarrier.arrive $0xFFFF;
	s2 =	simm.s32 @!p0 $0x1C03  }
0xb1: {  	[timem:s3], [sflag:s2] =	dma.local @!p0 [hbm:s0], s1  }
0xb2: {  	s0 =	simm.s32 @!p0 $0x3  }
0xb3: {  	_ =	swait.ge @!p0 [sflag:s0], s1  }
0xb4: {  	s1 =	ssub.s32 @!p0 $0x0, s1;
	[sflag:s0] =	ssyncset.done @!p0 $0x0  }
0xb5: {  	[sflag:s0] =	ssyncadd.s32 @!p0 s1  }
0xb6: {  	[bflag:$0x3] =	sbarrier.arrive $0xFFFF  }
0xb7: {  	_ =	shalt  }

</sc_bundles>
